<compile_context>
chip_gen: v7x
topology: tpu7x:2x2x1
jax: 0.10.2.dev20260603
libtpu: 0.0.44.dev20260713+nightly
codegen_flags: <defaults>
</compile_context>

<pallas_src>
import functools

import jax
import jax.numpy as jnp
from jax import lax
from jax.experimental import pallas as pl
from jax.experimental.pallas import tpu as pltpu
from jax.experimental.pallas import tpu_sc as plsc

N_NODES = 50000
N_REL = 8
N_EDGES = 1600000
EMB = 16

NC = 2
NS = 16
LANES = 16

CHUNK = 2000
UNROLL = 25
EDGES_PER_TILE = N_EDGES // (NC * NS)
N_CHUNKS = EDGES_PER_TILE // CHUNK
N_GROUPS = N_CHUNKS // UNROLL

HP = 3128
NPAD = NS * HP
DP = 3128
DPAD = NS * DP


def _sc_accumulate(w2d, src, dst, rel, zeros_d):
    mesh = plsc.VectorSubcoreMesh(core_axis_name="c", subcore_axis_name="s")

    @functools.partial(
        pl.kernel,
        mesh=mesh,
        compiler_params=pltpu.CompilerParams(use_tc_tiling_on_sc=False),
        out_type=[
            jax.ShapeDtypeStruct((NC * NPAD, EMB), jnp.float32),
            jax.ShapeDtypeStruct((NC * DPAD,), jnp.float32),
        ],
        scratch_types=[
            pltpu.VMEM((CHUNK,), jnp.int32),
            pltpu.VMEM((CHUNK,), jnp.int32),
            pltpu.VMEM((CHUNK,), jnp.int32),
            pltpu.VMEM((CHUNK,), jnp.int32),
            pltpu.VMEM((CHUNK,), jnp.int32),
            pltpu.VMEM((CHUNK, EMB), jnp.float32),
            pltpu.VMEM((CHUNK, EMB), jnp.float32),
            pltpu.VMEM((CHUNK,), jnp.float32),
            pltpu.VMEM_SHARED((NPAD, EMB), jnp.float32),
            pltpu.VMEM_SHARED((DPAD,), jnp.float32),
            pltpu.SemaphoreType.DMA,
            pltpu.SemaphoreType.DMA,
            pltpu.SemaphoreType.DMA,
            pltpu.SemaphoreType.DMA,
            pltpu.SemaphoreType.DMA,
        ],
    )
    def k(w_hbm, src_hbm, dst_hbm, rel_hbm, zd_hbm, h_out, d_out,
          src0, src1, dstc0, dstc1, rel_v, rows0, rows1, ones_v,
          h_sh, d_sh, sem_in, sem_g0, sem_g1, sem_sh, sem_sd):
        c = lax.axis_index("c")
        s = lax.axis_index("s")
        tile = c * NS + s
        srcs = [src0, src1]
        dstc = [dstc0, dstc1]
        rows = [rows0, rows1]
        sem_g = [sem_g0, sem_g1]

        zeros16 = jnp.zeros((LANES,), jnp.float32)
        ones16 = jnp.ones((LANES,), jnp.float32)

        def init_body(i, _):
            rows0[i, :] = zeros16
            return _
        lax.fori_loop(0, CHUNK, init_body, None)

        def init_flat(i, _):
            ones_v[pl.ds(i * LANES, LANES)] = ones16
            return _
        lax.fori_loop(0, CHUNK // LANES, init_flat, None)

        hbase = s * HP
        pltpu.sync_copy(rows0, h_sh.at[pl.ds(hbase, CHUNK)])
        pltpu.sync_copy(rows0.at[pl.ds(0, HP - CHUNK)],
                        h_sh.at[pl.ds(hbase + CHUNK, HP - CHUNK)])
        dbase = s * DP
        pltpu.sync_copy(zd_hbm, d_sh.at[pl.ds(dbase, DP)])

        plsc.subcore_barrier()

        ebase = tile * EDGES_PER_TILE

        def load_inputs(goff, j):
            off = goff + j * CHUNK
            pltpu.sync_copy(src_hbm.at[pl.ds(off, CHUNK)], srcs[j % 2])
            pltpu.sync_copy(dst_hbm.at[pl.ds(off, CHUNK)], dstc[j % 2])
            pltpu.sync_copy(rel_hbm.at[pl.ds(off, CHUNK)], rel_v)

        def compute_col(j):
            b = j % 2

            def col_body(i, _):
                sl = pl.ds(i * LANES, LANES)
                dstc[b][sl] = rel_v[sl] * jnp.int32(N_NODES) + dstc[b][sl]
                return _
            lax.fori_loop(0, CHUNK // LANES, col_body, None)

        def issue_gather(j):
            return pltpu.async_copy(
                w_hbm.at[dstc[j % 2]], rows[j % 2], sem_g[j % 2])

        def issue_scatters(j):
            return [
                pltpu.async_copy(rows[j % 2], h_sh.at[srcs[j % 2]], sem_sh,
                                 add=True),
                pltpu.async_copy(ones_v, d_sh.at[srcs[j % 2]], sem_sd,
                                 add=True),
            ]

        def group_body(g, _):
            goff = ebase + g * (UNROLL * CHUNK)
            load_inputs(goff, 0)
            compute_col(0)
            g_h = issue_gather(0)
            s_h = None
            for j in range(UNROLL):
                if s_h is not None:
                    for h in s_h:
                        h.wait()
                g_h.wait()
                s_h = issue_scatters(j)
                if j + 1 < UNROLL:
                    load_inputs(goff, j + 1)
                    compute_col(j + 1)
                    g_h = issue_gather(j + 1)
            for h in s_h:
                h.wait()
            return _
        lax.fori_loop(0, N_GROUPS, group_body, None)

        plsc.subcore_barrier()

        pltpu.sync_copy(h_sh.at[pl.ds(hbase, HP)],
                        h_out.at[pl.ds(c * NPAD + hbase, HP)])
        pltpu.sync_copy(d_sh.at[pl.ds(dbase, DP)],
                        d_out.at[pl.ds(c * DPAD + dbase, DP)])

    return k(w2d, src, dst, rel, zeros_d)


CQ = 1568
CQ_LAST = N_NODES - 31 * CQ


def _sc_combine(h_part, d_part):
    mesh = plsc.VectorSubcoreMesh(core_axis_name="c", subcore_axis_name="s")

    @functools.partial(
        pl.kernel,
        mesh=mesh,
        compiler_params=pltpu.CompilerParams(use_tc_tiling_on_sc=False),
        out_type=[jax.ShapeDtypeStruct((N_NODES, EMB), jnp.float32)],
        scratch_types=[
            pltpu.VMEM((CQ, EMB), jnp.float32),
            pltpu.VMEM((CQ, EMB), jnp.float32),
            pltpu.VMEM((CQ,), jnp.float32),
            pltpu.VMEM((CQ,), jnp.float32),
        ],
    )
    def k(hp_hbm, dp_hbm, out, h0_v, h1_v, d0_v, d1_v):
        c = lax.axis_index("c")
        s = lax.axis_index("s")
        tile = c * NS + s
        base = tile * CQ
        ones16 = jnp.ones((LANES,), jnp.float32)

        def do(rows):
            pltpu.sync_copy(hp_hbm.at[pl.ds(base, rows)],
                            h0_v.at[pl.ds(0, rows)])
            pltpu.sync_copy(hp_hbm.at[pl.ds(NPAD + base, rows)],
                            h1_v.at[pl.ds(0, rows)])
            pltpu.sync_copy(dp_hbm.at[pl.ds(base, rows)],
                            d0_v.at[pl.ds(0, rows)])
            pltpu.sync_copy(dp_hbm.at[pl.ds(DPAD + base, rows)],
                            d1_v.at[pl.ds(0, rows)])

            def scale_body(i, _):
                sl = pl.ds(i * LANES, LANES)
                deg = d0_v[sl] + d1_v[sl]
                d0_v[sl] = ones16 / jnp.maximum(deg, 1.0)
                return _
            lax.fori_loop(0, rows // LANES, scale_body, None)

            def row_body(g, _):
                s_vec = d0_v[pl.ds(g * LANES, LANES)]
                for j in range(LANES):
                    i = g * LANES + j
                    h0_v[i, :] = (h0_v[i, :] + h1_v[i, :]) * s_vec[j]
                return _
            lax.fori_loop(0, rows // LANES, row_body, None)

            pltpu.sync_copy(h0_v.at[pl.ds(0, rows)],
                            out.at[pl.ds(base, rows)])

        @pl.when(tile < 31)
        def _():
            do(CQ)

        @pl.when(tile == 31)
        def _():
            do(CQ_LAST)

    out, = k(h_part, d_part)
    return out


def kernel(weights, edge_src, edge_dst, edge_rel):
    w2d = weights.reshape(N_REL * N_NODES, EMB)
    src = edge_src.astype(jnp.int32)
    dst = edge_dst.astype(jnp.int32)
    rel = edge_rel.astype(jnp.int32)
    zeros_d = jnp.zeros((DP,), jnp.float32)
    h_part, d_part = _sc_accumulate(w2d, src, dst, rel, zeros_d)
    return _sc_combine(h_part, d_part)

# --- scband reference (transcript-rebuilt; emitter-appended) ---
"""Pipeline reference for scband-gcnfirst-52913997086748 (READ-ONLY COPY).

The authoritative reference and input builder live on the scoring server;
editing this copy changes nothing except your own understanding.
"""

import jax, jax.numpy as jnp
import numpy as np

N = 50000
R = 8
E = 1600000
EMB = 16

def setup_inputs(seed: int = 0) -> dict:
    key = jax.random.key(seed)
    k1, k2, k3, k4 = jax.random.split(key, 4)
    edge_src = jax.random.randint(k1, (E,), 0, N)
    edge_dst = jax.random.randint(k2, (E,), 0, N)
    edge_rel = jax.random.randint(k3, (E,), 0, R)
    # learned parameter: per-relation, per-node embedding weights (xavier-ish scale)
    weights = jax.random.normal(k4, (R, N, EMB), dtype=jnp.float32) * 0.05
    return {"weights": weights, "edge_src": edge_src, "edge_dst": edge_dst, "edge_rel": edge_rel}

def reference(weights, edge_src, edge_dst, edge_rel):
    # GCNFirst.forward: h = A_horizontal @ weights.view(r*n, e)
    # A_horizontal is (n, r*n) sparse with entry 1/rowdeg(src) at [src, rel*n + dst]
    r, n, e = weights.shape
    num_e = edge_src.shape[0]
    ones = jnp.ones((num_e,), dtype=jnp.float32)
    # util.sum_sparse: row-normalize by total out-degree across all relations
    row_sum = jax.ops.segment_sum(ones, edge_src, num_segments=n)
    vals = ones / row_sum[edge_src]
    w = weights.reshape(r * n, e)
    col = edge_rel * n + edge_dst
    msgs = jnp.take(w, col, axis=0) * vals[:, None]
    h = jax.ops.segment_sum(msgs, edge_src, num_segments=n)
    return h

if __name__ == "__main__":
    import jax
    _d = setup_inputs()
    print(jax.jit(kernel)(*tuple(_d.values())))

</pallas_src>

<mosaic_0001>
#map = affine_map<(d0, d1) -> (0, 0)>
#map1 = affine_map<(d0, d1) -> (0)>
module attributes {stable_mosaic.version = 14 : i64} {
  func.func @k(%arg0: i32, %arg1: i32, %arg2: memref<100096x16xf32, #tpu.memory_space<hbm>>, %arg3: memref<100096xf32, #tpu.memory_space<hbm>>, %arg4: memref<50000x16xf32, #tpu.memory_space<hbm>>, %arg5: memref<1568x16xf32, #tpu.memory_space<vmem>>, %arg6: memref<1568x16xf32, #tpu.memory_space<vmem>>, %arg7: memref<1568xf32, #tpu.memory_space<vmem>>, %arg8: memref<1568xf32, #tpu.memory_space<vmem>>) attributes {dimension_semantics = [#tpu.dimension_semantics<core_parallel>, #tpu.dimension_semantics<subcore_parallel>], iteration_bounds = array<i64: 2, 16>, scalar_prefetch = 0 : i64, scratch_operands = 4 : i64, tpu.core_type = #tpu.core_type<sc_vector_subcore>, window_params = [{transform_indices = #map}, {transform_indices = #map1}, {transform_indices = #map}]} {
    %mul3A = arith.constant 16 : i32
    %mul3A_0 = arith.muli %arg0, %mul3A : i32
    %add3A = arith.addi %mul3A_0, %arg1 : i32
    %mul3A_1 = arith.constant 1568 : i32
    %mul3A_2 = arith.muli %add3A, %mul3A_1 : i32
    %broadcast_in_dim3A = arith.constant 1.000000e+00 : f32
    %broadcast_in_dim3A_3 = vector.broadcast %broadcast_in_dim3A : f32 to vector<16xf32>
    %lt3A = arith.constant 31 : i32
    %lt3A_4 = arith.cmpi slt, %add3A, %lt3A : i32
    %convert_element_type3A = arith.extui %lt3A_4 : i1 to i32
    %cond3A = arith.constant 0 : i32
    %cond3A_5 = arith.cmpi ne, %convert_element_type3A, %cond3A : i32
    scf.if %cond3A_5 {
      "tpu.region"() ({
        %run_scoped3A = tpu.sem_alloc : memref<!tpu.dma_semaphore, #tpu.memory_space<semaphore_mem>>
        %dma_start3A = arith.constant 0 : i32
        %dma_start3A_23 = arith.constant 0 : i32
        %dma_start3A_24 = tpu.memref_slice %arg5[%dma_start3A, %dma_start3A_23] : memref<1568x16xf32, #tpu.memory_space<vmem>> -> memref<1568x16xf32, #tpu.memory_space<vmem>>
        %dma_start3A_25 = arith.constant 0 : i32
        %dma_start3A_26 = tpu.memref_slice %arg2[%mul3A_2, %dma_start3A_25] : memref<100096x16xf32, #tpu.memory_space<hbm>> -> memref<1568x16xf32, #tpu.memory_space<hbm>>
        %dma_start3A_27 = arith.constant 0 : i32
        %dma_start3A_28 = arith.constant 0 : i32
        %dma_start3A_29 = tpu.memref_slice %arg5[%dma_start3A_27, %dma_start3A_28] : memref<1568x16xf32, #tpu.memory_space<vmem>> -> memref<1568x16xf32, #tpu.memory_space<vmem>>
        %dma_start3A_30 = arith.constant 0 : i32
        %dma_start3A_31 = tpu.memref_slice %arg2[%mul3A_2, %dma_start3A_30] : memref<100096x16xf32, #tpu.memory_space<hbm>> -> memref<1568x16xf32, #tpu.memory_space<hbm>>
        tpu.enqueue_dma source(%dma_start3A_31 : memref<1568x16xf32, #tpu.memory_space<hbm>>) target(%dma_start3A_29 : memref<1568x16xf32, #tpu.memory_space<vmem>>) target_semaphore(%run_scoped3A : memref<!tpu.dma_semaphore, #tpu.memory_space<semaphore_mem>>)
        %dma_wait3A = arith.constant 0 : i32
        %dma_wait3A_32 = arith.constant 0 : i32
        %dma_wait3A_33 = tpu.memref_slice %arg5[%dma_wait3A, %dma_wait3A_32] : memref<1568x16xf32, #tpu.memory_space<vmem>> -> memref<1568x16xf32, #tpu.memory_space<vmem>>
        %dma_wait3A_34 = arith.constant 0 : i32
        %dma_wait3A_35 = tpu.memref_slice %arg2[%mul3A_2, %dma_wait3A_34] : memref<100096x16xf32, #tpu.memory_space<hbm>> -> memref<1568x16xf32, #tpu.memory_space<hbm>>
        %dma_wait3A_36 = arith.constant 0 : i32
        %dma_wait3A_37 = arith.constant 0 : i32
        %dma_wait3A_38 = tpu.memref_slice %arg5[%dma_wait3A_36, %dma_wait3A_37] : memref<1568x16xf32, #tpu.memory_space<vmem>> -> memref<1568x16xf32, #tpu.memory_space<vmem>>
        %dma_wait3A_39 = arith.constant 0 : i32
        %dma_wait3A_40 = tpu.memref_slice %arg2[%mul3A_2, %dma_wait3A_39] : memref<100096x16xf32, #tpu.memory_space<hbm>> -> memref<1568x16xf32, #tpu.memory_space<hbm>>
        tpu.wait_dma2 semaphore(%run_scoped3A : memref<!tpu.dma_semaphore, #tpu.memory_space<semaphore_mem>>) src(%dma_wait3A_40 : memref<1568x16xf32, #tpu.memory_space<hbm>>) dst(%dma_wait3A_38 : memref<1568x16xf32, #tpu.memory_space<vmem>>)
        tpu.yield
      }) : () -> ()
      %add3A_10 = arith.constant 50048 : i32
      %add3A_11 = arith.addi %add3A_10, %mul3A_2 : i32
      "tpu.region"() ({
        %run_scoped3A = tpu.sem_alloc : memref<!tpu.dma_semaphore, #tpu.memory_space<semaphore_mem>>
        %dma_start3A = arith.constant 0 : i32
        %dma_start3A_23 = arith.constant 0 : i32
        %dma_start3A_24 = tpu.memref_slice %arg6[%dma_start3A, %dma_start3A_23] : memref<1568x16xf32, #tpu.memory_space<vmem>> -> memref<1568x16xf32, #tpu.memory_space<vmem>>
        %dma_start3A_25 = arith.constant 0 : i32
        %dma_start3A_26 = tpu.memref_slice %arg2[%add3A_11, %dma_start3A_25] : memref<100096x16xf32, #tpu.memory_space<hbm>> -> memref<1568x16xf32, #tpu.memory_space<hbm>>
        %dma_start3A_27 = arith.constant 0 : i32
        %dma_start3A_28 = arith.constant 0 : i32
        %dma_start3A_29 = tpu.memref_slice %arg6[%dma_start3A_27, %dma_start3A_28] : memref<1568x16xf32, #tpu.memory_space<vmem>> -> memref<1568x16xf32, #tpu.memory_space<vmem>>
        %dma_start3A_30 = arith.constant 0 : i32
        %dma_start3A_31 = tpu.memref_slice %arg2[%add3A_11, %dma_start3A_30] : memref<100096x16xf32, #tpu.memory_space<hbm>> -> memref<1568x16xf32, #tpu.memory_space<hbm>>
        tpu.enqueue_dma source(%dma_start3A_31 : memref<1568x16xf32, #tpu.memory_space<hbm>>) target(%dma_start3A_29 : memref<1568x16xf32, #tpu.memory_space<vmem>>) target_semaphore(%run_scoped3A : memref<!tpu.dma_semaphore, #tpu.memory_space<semaphore_mem>>)
        %dma_wait3A = arith.constant 0 : i32
        %dma_wait3A_32 = arith.constant 0 : i32
        %dma_wait3A_33 = tpu.memref_slice %arg6[%dma_wait3A, %dma_wait3A_32] : memref<1568x16xf32, #tpu.memory_space<vmem>> -> memref<1568x16xf32, #tpu.memory_space<vmem>>
        %dma_wait3A_34 = arith.constant 0 : i32
        %dma_wait3A_35 = tpu.memref_slice %arg2[%add3A_11, %dma_wait3A_34] : memref<100096x16xf32, #tpu.memory_space<hbm>> -> memref<1568x16xf32, #tpu.memory_space<hbm>>
        %dma_wait3A_36 = arith.constant 0 : i32
        %dma_wait3A_37 = arith.constant 0 : i32
        %dma_wait3A_38 = tpu.memref_slice %arg6[%dma_wait3A_36, %dma_wait3A_37] : memref<1568x16xf32, #tpu.memory_space<vmem>> -> memref<1568x16xf32, #tpu.memory_space<vmem>>
        %dma_wait3A_39 = arith.constant 0 : i32
        %dma_wait3A_40 = tpu.memref_slice %arg2[%add3A_11, %dma_wait3A_39] : memref<100096x16xf32, #tpu.memory_space<hbm>> -> memref<1568x16xf32, #tpu.memory_space<hbm>>
        tpu.wait_dma2 semaphore(%run_scoped3A : memref<!tpu.dma_semaphore, #tpu.memory_space<semaphore_mem>>) src(%dma_wait3A_40 : memref<1568x16xf32, #tpu.memory_space<hbm>>) dst(%dma_wait3A_38 : memref<1568x16xf32, #tpu.memory_space<vmem>>)
        tpu.yield
      }) : () -> ()
      "tpu.region"() ({
        %run_scoped3A = tpu.sem_alloc : memref<!tpu.dma_semaphore, #tpu.memory_space<semaphore_mem>>
        %dma_start3A = arith.constant 0 : i32
        %dma_start3A_23 = tpu.memref_slice %arg7[%dma_start3A] : memref<1568xf32, #tpu.memory_space<vmem>> -> memref<1568xf32, #tpu.memory_space<vmem>>
        %dma_start3A_24 = tpu.memref_slice %arg3[%mul3A_2] : memref<100096xf32, #tpu.memory_space<hbm>> -> memref<1568xf32, #tpu.memory_space<hbm>>
        %dma_start3A_25 = arith.constant 0 : i32
        %dma_start3A_26 = tpu.memref_slice %arg7[%dma_start3A_25] : memref<1568xf32, #tpu.memory_space<vmem>> -> memref<1568xf32, #tpu.memory_space<vmem>>
        %dma_start3A_27 = tpu.memref_slice %arg3[%mul3A_2] : memref<100096xf32, #tpu.memory_space<hbm>> -> memref<1568xf32, #tpu.memory_space<hbm>>
        tpu.enqueue_dma source(%dma_start3A_27 : memref<1568xf32, #tpu.memory_space<hbm>>) target(%dma_start3A_26 : memref<1568xf32, #tpu.memory_space<vmem>>) target_semaphore(%run_scoped3A : memref<!tpu.dma_semaphore, #tpu.memory_space<semaphore_mem>>)
        %dma_wait3A = arith.constant 0 : i32
        %dma_wait3A_28 = tpu.memref_slice %arg7[%dma_wait3A] : memref<1568xf32, #tpu.memory_space<vmem>> -> memref<1568xf32, #tpu.memory_space<vmem>>
        %dma_wait3A_29 = tpu.memref_slice %arg3[%mul3A_2] : memref<100096xf32, #tpu.memory_space<hbm>> -> memref<1568xf32, #tpu.memory_space<hbm>>
        %dma_wait3A_30 = arith.constant 0 : i32
        %dma_wait3A_31 = tpu.memref_slice %arg7[%dma_wait3A_30] : memref<1568xf32, #tpu.memory_space<vmem>> -> memref<1568xf32, #tpu.memory_space<vmem>>
        %dma_wait3A_32 = tpu.memref_slice %arg3[%mul3A_2] : memref<100096xf32, #tpu.memory_space<hbm>> -> memref<1568xf32, #tpu.memory_space<hbm>>
        tpu.wait_dma2 semaphore(%run_scoped3A : memref<!tpu.dma_semaphore, #tpu.memory_space<semaphore_mem>>) src(%dma_wait3A_32 : memref<1568xf32, #tpu.memory_space<hbm>>) dst(%dma_wait3A_31 : memref<1568xf32, #tpu.memory_space<vmem>>)
        tpu.yield
      }) : () -> ()
      %add3A_12 = arith.constant 50048 : i32
      %add3A_13 = arith.addi %add3A_12, %mul3A_2 : i32
      "tpu.region"() ({
        %run_scoped3A = tpu.sem_alloc : memref<!tpu.dma_semaphore, #tpu.memory_space<semaphore_mem>>
        %dma_start3A = arith.constant 0 : i32
        %dma_start3A_23 = tpu.memref_slice %arg8[%dma_start3A] : memref<1568xf32, #tpu.memory_space<vmem>> -> memref<1568xf32, #tpu.memory_space<vmem>>
        %dma_start3A_24 = tpu.memref_slice %arg3[%add3A_13] : memref<100096xf32, #tpu.memory_space<hbm>> -> memref<1568xf32, #tpu.memory_space<hbm>>
        %dma_start3A_25 = arith.constant 0 : i32
        %dma_start3A_26 = tpu.memref_slice %arg8[%dma_start3A_25] : memref<1568xf32, #tpu.memory_space<vmem>> -> memref<1568xf32, #tpu.memory_space<vmem>>
        %dma_start3A_27 = tpu.memref_slice %arg3[%add3A_13] : memref<100096xf32, #tpu.memory_space<hbm>> -> memref<1568xf32, #tpu.memory_space<hbm>>
        tpu.enqueue_dma source(%dma_start3A_27 : memref<1568xf32, #tpu.memory_space<hbm>>) target(%dma_start3A_26 : memref<1568xf32, #tpu.memory_space<vmem>>) target_semaphore(%run_scoped3A : memref<!tpu.dma_semaphore, #tpu.memory_space<semaphore_mem>>)
        %dma_wait3A = arith.constant 0 : i32
        %dma_wait3A_28 = tpu.memref_slice %arg8[%dma_wait3A] : memref<1568xf32, #tpu.memory_space<vmem>> -> memref<1568xf32, #tpu.memory_space<vmem>>
        %dma_wait3A_29 = tpu.memref_slice %arg3[%add3A_13] : memref<100096xf32, #tpu.memory_space<hbm>> -> memref<1568xf32, #tpu.memory_space<hbm>>
        %dma_wait3A_30 = arith.constant 0 : i32
        %dma_wait3A_31 = tpu.memref_slice %arg8[%dma_wait3A_30] : memref<1568xf32, #tpu.memory_space<vmem>> -> memref<1568xf32, #tpu.memory_space<vmem>>
        %dma_wait3A_32 = tpu.memref_slice %arg3[%add3A_13] : memref<100096xf32, #tpu.memory_space<hbm>> -> memref<1568xf32, #tpu.memory_space<hbm>>
        tpu.wait_dma2 semaphore(%run_scoped3A : memref<!tpu.dma_semaphore, #tpu.memory_space<semaphore_mem>>) src(%dma_wait3A_32 : memref<1568xf32, #tpu.memory_space<hbm>>) dst(%dma_wait3A_31 : memref<1568xf32, #tpu.memory_space<vmem>>)
        tpu.yield
      }) : () -> ()
      %scan3A = arith.constant 0 : i32
      %scan3A_14 = arith.constant 98 : i32
      %scan3A_15 = arith.addi %scan3A, %scan3A_14 : i32
      %scan3A_16 = arith.constant 1 : i32
      scf.for %scan3A_23 = %scan3A to %scan3A_15 step %scan3A_16  : i32 {
        %mul3A_24 = arith.constant 16 : i32
        %mul3A_25 = arith.muli %scan3A_23, %mul3A_24 : i32
        %get3A = arith.index_cast %mul3A_25 : i32 to index
        %get3A_26 = tpu.vector_load %arg7[%get3A] {strides = array<i32>} : memref<1568xf32, #tpu.memory_space<vmem>>, vector<16xf32>,
        %get3A_27 = vector.shape_cast %get3A_26 : vector<16xf32> to vector<16xf32>
        %get3A_28 = arith.index_cast %mul3A_25 : i32 to index
        %get3A_29 = tpu.vector_load %arg8[%get3A_28] {strides = array<i32>} : memref<1568xf32, #tpu.memory_space<vmem>>, vector<16xf32>,
        %get3A_30 = vector.shape_cast %get3A_29 : vector<16xf32> to vector<16xf32>
        %add3A_31 = arith.addf %get3A_27, %get3A_30 : vector<16xf32>
        %max3A = arith.constant 1.000000e+00 : f32
        %max3A_32 = vector.broadcast %max3A : f32 to vector<16xf32>
        %max3A_33 = arith.maximumf %add3A_31, %max3A_32 : vector<16xf32>
        %div3A = arith.divf %broadcast_in_dim3A_3, %max3A_33 : vector<16xf32>
        %swap3A = arith.index_cast %mul3A_25 : i32 to index
        %swap3A_34 = tpu.vector_load %arg7[%swap3A] {strides = array<i32>} : memref<1568xf32, #tpu.memory_space<vmem>>, vector<16xf32>,
        %swap3A_35 = vector.shape_cast %swap3A_34 : vector<16xf32> to vector<16xf32>
        %swap3A_36 = vector.shape_cast %div3A : vector<16xf32> to vector<16xf32>
        tpu.vector_store %arg7[%swap3A], %swap3A_36 {strides = array<i32>} : memref<1568xf32, #tpu.memory_space<vmem>>, vector<16xf32>,
      }
      %scan3A_17 = arith.constant 98 : i32
      %scan3A_18 = arith.constant 0 : i32
      %scan3A_19 = arith.constant 98 : i32
      %scan3A_20 = arith.addi %scan3A_18, %scan3A_19 : i32
      %scan3A_21 = arith.constant 1 : i32
      scf.for %scan3A_23 = %scan3A_18 to %scan3A_20 step %scan3A_21  : i32 {
        %mul3A_24 = arith.constant 16 : i32
        %mul3A_25 = arith.muli %scan3A_23, %mul3A_24 : i32
        %get3A = arith.index_cast %mul3A_25 : i32 to index
        %get3A_26 = tpu.vector_load %arg7[%get3A] {strides = array<i32>} : memref<1568xf32, #tpu.memory_space<vmem>>, vector<16xf32>,
        %get3A_27 = vector.shape_cast %get3A_26 : vector<16xf32> to vector<16xf32>
        %mul3A_28 = arith.constant 16 : i32
        %mul3A_29 = arith.muli %scan3A_23, %mul3A_28 : i32
        %add3A_30 = arith.constant 0 : i32
        %add3A_31 = arith.addi %mul3A_29, %add3A_30 : i32
        %get3A_32 = arith.index_cast %add3A_31 : i32 to index
        %get3A_33 = arith.constant 0 : index
        %get3A_34 = tpu.vector_load %arg5[%get3A_32, %get3A_33] {strides = array<i32>} : memref<1568x16xf32, #tpu.memory_space<vmem>>, vector<1x16xf32>,
        %get3A_35 = vector.shape_cast %get3A_34 : vector<1x16xf32> to vector<16xf32>
        %get3A_36 = arith.index_cast %add3A_31 : i32 to index
        %get3A_37 = arith.constant 0 : index
        %get3A_38 = tpu.vector_load %arg6[%get3A_36, %get3A_37] {strides = array<i32>} : memref<1568x16xf32, #tpu.memory_space<vmem>>, vector<1x16xf32>,
        %get3A_39 = vector.shape_cast %get3A_38 : vector<1x16xf32> to vector<16xf32>
        %add3A_40 = arith.addf %get3A_35, %get3A_39 : vector<16xf32>
        %slice3A = vector.extract_strided_slice %get3A_27 {offsets = [0], sizes = [1], strides = [1]} : vector<16xf32> to vector<1xf32>
        %squeeze3A = vector.extract %slice3A[0] : f32 from vector<1xf32>
        %mul3A_41 = vector.broadcast %squeeze3A : f32 to vector<16xf32>
        %mul3A_42 = arith.mulf %add3A_40, %mul3A_41 : vector<16xf32>
        %swap3A = arith.index_cast %add3A_31 : i32 to index
        %swap3A_43 = arith.constant 0 : index
        %swap3A_44 = tpu.vector_load %arg5[%swap3A, %swap3A_43] {strides = array<i32>} : memref<1568x16xf32, #tpu.memory_space<vmem>>, vector<1x16xf32>,
        %swap3A_45 = vector.shape_cast %swap3A_44 : vector<1x16xf32> to vector<16xf32>
        %swap3A_46 = vector.shape_cast %mul3A_42 : vector<16xf32> to vector<1x16xf32>
        tpu.vector_store %arg5[%swap3A, %swap3A_43], %swap3A_46 {strides = array<i32>} : memref<1568x16xf32, #tpu.memory_space<vmem>>, vector<1x16xf32>,
        %mul3A_47 = arith.constant 16 : i32
        %mul3A_48 = arith.muli %scan3A_23, %mul3A_47 : i32
        %add3A_49 = arith.constant 1 : i32
        %add3A_50 = arith.addi %mul3A_48, %add3A_49 : i32
        %get3A_51 = arith.index_cast %add3A_50 : i32 to index
        %get3A_52 = arith.constant 0 : index
        %get3A_53 = tpu.vector_load %arg5[%get3A_51, %get3A_52] {strides = array<i32>} : memref<1568x16xf32, #tpu.memory_space<vmem>>, vector<1x16xf32>,
        %get3A_54 = vector.shape_cast %get3A_53 : vector<1x16xf32> to vector<16xf32>
        %get3A_55 = arith.index_cast %add3A_50 : i32 to index
        %get3A_56 = arith.constant 0 : index
        %get3A_57 = tpu.vector_load %arg6[%get3A_55, %get3A_56] {strides = array<i32>} : memref<1568x16xf32, #tpu.memory_space<vmem>>, vector<1x16xf32>,
        %get3A_58 = vector.shape_cast %get3A_57 : vector<1x16xf32> to vector<16xf32>
        %add3A_59 = arith.addf %get3A_54, %get3A_58 : vector<16xf32>
        %slice3A_60 = vector.extract_strided_slice %get3A_27 {offsets = [1], sizes = [1], strides = [1]} : vector<16xf32> to vector<1xf32>
        %squeeze3A_61 = vector.extract %slice3A_60[0] : f32 from vector<1xf32>
        %mul3A_62 = vector.broadcast %squeeze3A_61 : f32 to vector<16xf32>
        %mul3A_63 = arith.mulf %add3A_59, %mul3A_62 : vector<16xf32>
        %swap3A_64 = arith.index_cast %add3A_50 : i32 to index
        %swap3A_65 = arith.constant 0 : index
        %swap3A_66 = tpu.vector_load %arg5[%swap3A_64, %swap3A_65] {strides = array<i32>} : memref<1568x16xf32, #tpu.memory_space<vmem>>, vector<1x16xf32>,
        %swap3A_67 = vector.shape_cast %swap3A_66 : vector<1x16xf32> to vector<16xf32>
        %swap3A_68 = vector.shape_cast %mul3A_63 : vector<16xf32> to vector<1x16xf32>
        tpu.vector_store %arg5[%swap3A_64, %swap3A_65], %swap3A_68 {strides = array<i32>} : memref<1568x16xf32, #tpu.memory_space<vmem>>, vector<1x16xf32>,
        %mul3A_69 = arith.constant 16 : i32
        %mul3A_70 = arith.muli %scan3A_23, %mul3A_69 : i32
        %add3A_71 = arith.constant 2 : i32
        %add3A_72 = arith.addi %mul3A_70, %add3A_71 : i32
        %get3A_73 = arith.index_cast %add3A_72 : i32 to index
        %get3A_74 = arith.constant 0 : index
        %get3A_75 = tpu.vector_load %arg5[%get3A_73, %get3A_74] {strides = array<i32>} : memref<1568x16xf32, #tpu.memory_space<vmem>>, vector<1x16xf32>,
        %get3A_76 = vector.shape_cast %get3A_75 : vector<1x16xf32> to vector<16xf32>
        %get3A_77 = arith.index_cast %add3A_72 : i32 to index
        %get3A_78 = arith.constant 0 : index
        %get3A_79 = tpu.vector_load %arg6[%get3A_77, %get3A_78] {strides = array<i32>} : memref<1568x16xf32, #tpu.memory_space<vmem>>, vector<1x16xf32>,
        %get3A_80 = vector.shape_cast %get3A_79 : vector<1x16xf32> to vector<16xf32>
        %add3A_81 = arith.addf %get3A_76, %get3A_80 : vector<16xf32>
        %slice3A_82 = vector.extract_strided_slice %get3A_27 {offsets = [2], sizes = [1], strides = [1]} : vector<16xf32> to vector<1xf32>
        %squeeze3A_83 = vector.extract %slice3A_82[0] : f32 from vector<1xf32>
        %mul3A_84 = vector.broadcast %squeeze3A_83 : f32 to vector<16xf32>
        %mul3A_85 = arith.mulf %add3A_81, %mul3A_84 : vector<16xf32>
        %swap3A_86 = arith.index_cast %add3A_72 : i32 to index
        %swap3A_87 = arith.constant 0 : index
        %swap3A_88 = tpu.vector_load %arg5[%swap3A_86, %swap3A_87] {strides = array<i32>} : memref<1568x16xf32, #tpu.memory_space<vmem>>, vector<1x16xf32>,
        %swap3A_89 = vector.shape_cast %swap3A_88 : vector<1x16xf32> to vector<16xf32>
        %swap3A_90 = vector.shape_cast %mul3A_85 : vector<16xf32> to vector<1x16xf32>
        tpu.vector_store %arg5[%swap3A_86, %swap3A_87], %swap3A_90 {strides = array<i32>} : memref<1568x16xf32, #tpu.memory_space<vmem>>, vector<1x16xf32>,
        %mul3A_91 = arith.constant 16 : i32
        %mul3A_92 = arith.muli %scan3A_23, %mul3A_91 : i32
        %add3A_93 = arith.constant 3 : i32
        %add3A_94 = arith.addi %mul3A_92, %add3A_93 : i32
        %get3A_95 = arith.index_cast %add3A_94 : i32 to index
        %get3A_96 = arith.constant 0 : index
        %get3A_97 = tpu.vector_load %arg5[%get3A_95, %get3A_96] {strides = array<i32>} : memref<1568x16xf32, #tpu.memory_space<vmem>>, vector<1x16xf32>,
        %get3A_98 = vector.shape_cast %get3A_97 : vector<1x16xf32> to vector<16xf32>
        %get3A_99 = arith.index_cast %add3A_94 : i32 to index
        %get3A_100 = arith.constant 0 : index
        %get3A_101 = tpu.vector_load %arg6[%get3A_99, %get3A_100] {strides = array<i32>} : memref<1568x16xf32, #tpu.memory_space<vmem>>, vector<1x16xf32>,
        %get3A_102 = vector.shape_cast %get3A_101 : vector<1x16xf32> to vector<16xf32>
        %add3A_103 = arith.addf %get3A_98, %get3A_102 : vector<16xf32>
        %slice3A_104 = vector.extract_strided_slice %get3A_27 {offsets = [3], sizes = [1], strides = [1]} : vector<16xf32> to vector<1xf32>
        %squeeze3A_105 = vector.extract %slice3A_104[0] : f32 from vector<1xf32>
        %mul3A_106 = vector.broadcast %squeeze3A_105 : f32 to vector<16xf32>
        %mul3A_107 = arith.mulf %add3A_103, %mul3A_106 : vector<16xf32>
        %swap3A_108 = arith.index_cast %add3A_94 : i32 to index
        %swap3A_109 = arith.constant 0 : index
        %swap3A_110 = tpu.vector_load %arg5[%swap3A_108, %swap3A_109] {strides = array<i32>} : memref<1568x16xf32, #tpu.memory_space<vmem>>, vector<1x16xf32>,
        %swap3A_111 = vector.shape_cast %swap3A_110 : vector<1x16xf32> to vector<16xf32>
        %swap3A_112 = vector.shape_cast %mul3A_107 : vector<16xf32> to vector<1x16xf32>
        tpu.vector_store %arg5[%swap3A_108, %swap3A_109], %swap3A_112 {strides = array<i32>} : memref<1568x16xf32, #tpu.memory_space<vmem>>, vector<1x16xf32>,
        %mul3A_113 = arith.constant 16 : i32
        %mul3A_114 = arith.muli %scan3A_23, %mul3A_113 : i32
        %add3A_115 = arith.constant 4 : i32
        %add3A_116 = arith.addi %mul3A_114, %add3A_115 : i32
        %get3A_117 = arith.index_cast %add3A_116 : i32 to index
        %get3A_118 = arith.constant 0 : index
        %get3A_119 = tpu.vector_load %arg5[%get3A_117, %get3A_118] {strides = array<i32>} : memref<1568x16xf32, #tpu.memory_space<vmem>>, vector<1x16xf32>,
        %get3A_120 = vector.shape_cast %get3A_119 : vector<1x16xf32> to vector<16xf32>
        %get3A_121 = arith.index_cast %add3A_116 : i32 to index
        %get3A_122 = arith.constant 0 : index
        %get3A_123 = tpu.vector_load %arg6[%get3A_121, %get3A_122] {strides = array<i32>} : memref<1568x16xf32, #tpu.memory_space<vmem>>, vector<1x16xf32>,
        %get3A_124 = vector.shape_cast %get3A_123 : vector<1x16xf32> to vector<16xf32>
        %add3A_125 = arith.addf %get3A_120, %get3A_124 : vector<16xf32>
        %slice3A_126 = vector.extract_strided_slice %get3A_27 {offsets = [4], sizes = [1], strides = [1]} : vector<16xf32> to vector<1xf32>
        %squeeze3A_127 = vector.extract %slice3A_126[0] : f32 from vector<1xf32>
        %mul3A_128 = vector.broadcast %squeeze3A_127 : f32 to vector<16xf32>
        %mul3A_129 = arith.mulf %add3A_125, %mul3A_128 : vector<16xf32>
        %swap3A_130 = arith.index_cast %add3A_116 : i32 to index
        %swap3A_131 = arith.constant 0 : index
        %swap3A_132 = tpu.vector_load %arg5[%swap3A_130, %swap3A_131] {strides = array<i32>} : memref<1568x16xf32, #tpu.memory_space<vmem>>, vector<1x16xf32>,
        %swap3A_133 = vector.shape_cast %swap3A_132 : vector<1x16xf32> to vector<16xf32>
        %swap3A_134 = vector.shape_cast %mul3A_129 : vector<16xf32> to vector<1x16xf32>
        tpu.vector_store %arg5[%swap3A_130, %swap3A_131], %swap3A_134 {strides = array<i32>} : memref<1568x16xf32, #tpu.memory_space<vmem>>, vector<1x16xf32>,
        %mul3A_135 = arith.constant 16 : i32
        %mul3A_136 = arith.muli %scan3A_23, %mul3A_135 : i32
        %add3A_137 = arith.constant 5 : i32
        %add3A_138 = arith.addi %mul3A_136, %add3A_137 : i32
        %get3A_139 = arith.index_cast %add3A_138 : i32 to index
        %get3A_140 = arith.constant 0 : index
        %get3A_141 = tpu.vector_load %arg5[%get3A_139, %get3A_140] {strides = array<i32>} : memref<1568x16xf32, #tpu.memory_space<vmem>>, vector<1x16xf32>,
        %get3A_142 = vector.shape_cast %get3A_141 : vector<1x16xf32> to vector<16xf32>
        %get3A_143 = arith.index_cast %add3A_138 : i32 to index
        %get3A_144 = arith.constant 0 : index
        %get3A_145 = tpu.vector_load %arg6[%get3A_143, %get3A_144] {strides = array<i32>} : memref<1568x16xf32, #tpu.memory_space<vmem>>, vector<1x16xf32>,
        %get3A_146 = vector.shape_cast %get3A_145 : vector<1x16xf32> to vector<16xf32>
        %add3A_147 = arith.addf %get3A_142, %get3A_146 : vector<16xf32>
        %slice3A_148 = vector.extract_strided_slice %get3A_27 {offsets = [5], sizes = [1], strides = [1]} : vector<16xf32> to vector<1xf32>
        %squeeze3A_149 = vector.extract %slice3A_148[0] : f32 from vector<1xf32>
        %mul3A_150 = vector.broadcast %squeeze3A_149 : f32 to vector<16xf32>
        %mul3A_151 = arith.mulf %add3A_147, %mul3A_150 : vector<16xf32>
        %swap3A_152 = arith.index_cast %add3A_138 : i32 to index
        %swap3A_153 = arith.constant 0 : index
        %swap3A_154 = tpu.vector_load %arg5[%swap3A_152, %swap3A_153] {strides = array<i32>} : memref<1568x16xf32, #tpu.memory_space<vmem>>, vector<1x16xf32>,
        %swap3A_155 = vector.shape_cast %swap3A_154 : vector<1x16xf32> to vector<16xf32>
        %swap3A_156 = vector.shape_cast %mul3A_151 : vector<16xf32> to vector<1x16xf32>
        tpu.vector_store %arg5[%swap3A_152, %swap3A_153], %swap3A_156 {strides = array<i32>} : memref<1568x16xf32, #tpu.memory_space<vmem>>, vector<1x16xf32>,
        %mul3A_157 = arith.constant 16 : i32
        %mul3A_158 = arith.muli %scan3A_23, %mul3A_157 : i32
        %add3A_159 = arith.constant 6 : i32
        %add3A_160 = arith.addi %mul3A_158, %add3A_159 : i32
        %get3A_161 = arith.index_cast %add3A_160 : i32 to index
        %get3A_162 = arith.constant 0 : index
        %get3A_163 = tpu.vector_load %arg5[%get3A_161, %get3A_162] {strides = array<i32>} : memref<1568x16xf32, #tpu.memory_space<vmem>>, vector<1x16xf32>,
        %get3A_164 = vector.shape_cast %get3A_163 : vector<1x16xf32> to vector<16xf32>
        %get3A_165 = arith.index_cast %add3A_160 : i32 to index
        %get3A_166 = arith.constant 0 : index
        %get3A_167 = tpu.vector_load %arg6[%get3A_165, %get3A_166] {strides = array<i32>} : memref<1568x16xf32, #tpu.memory_space<vmem>>, vector<1x16xf32>,
        %get3A_168 = vector.shape_cast %get3A_167 : vector<1x16xf32> to vector<16xf32>
        %add3A_169 = arith.addf %get3A_164, %get3A_168 : vector<16xf32>
        %slice3A_170 = vector.extract_strided_slice %get3A_27 {offsets = [6], sizes = [1], strides = [1]} : vector<16xf32> to vector<1xf32>
        %squeeze3A_171 = vector.extract %slice3A_170[0] : f32 from vector<1xf32>
        %mul3A_172 = vector.broadcast %squeeze3A_171 : f32 to vector<16xf32>
        %mul3A_173 = arith.mulf %add3A_169, %mul3A_172 : vector<16xf32>
        %swap3A_174 = arith.index_cast %add3A_160 : i32 to index
        %swap3A_175 = arith.constant 0 : index
        %swap3A_176 = tpu.vector_load %arg5[%swap3A_174, %swap3A_175] {strides = array<i32>} : memref<1568x16xf32, #tpu.memory_space<vmem>>, vector<1x16xf32>,
        %swap3A_177 = vector.shape_cast %swap3A_176 : vector<1x16xf32> to vector<16xf32>
        %swap3A_178 = vector.shape_cast %mul3A_173 : vector<16xf32> to vector<1x16xf32>
        tpu.vector_store %arg5[%swap3A_174, %swap3A_175], %swap3A_178 {strides = array<i32>} : memref<1568x16xf32, #tpu.memory_space<vmem>>, vector<1x16xf32>,
        %mul3A_179 = arith.constant 16 : i32
        %mul3A_180 = arith.muli %scan3A_23, %mul3A_179 : i32
        %add3A_181 = arith.constant 7 : i32
        %add3A_182 = arith.addi %mul3A_180, %add3A_181 : i32
        %get3A_183 = arith.index_cast %add3A_182 : i32 to index
        %get3A_184 = arith.constant 0 : index
        %get3A_185 = tpu.vector_load %arg5[%get3A_183, %get3A_184] {strides = array<i32>} : memref<1568x16xf32, #tpu.memory_space<vmem>>, vector<1x16xf32>,
        %get3A_186 = vector.shape_cast %get3A_185 : vector<1x16xf32> to vector<16xf32>
        %get3A_187 = arith.index_cast %add3A_182 : i32 to index
        %get3A_188 = arith.constant 0 : index
        %get3A_189 = tpu.vector_load %arg6[%get3A_187, %get3A_188] {strides = array<i32>} : memref<1568x16xf32, #tpu.memory_space<vmem>>, vector<1x16xf32>,
        %get3A_190 = vector.shape_cast %get3A_189 : vector<1x16xf32> to vector<16xf32>
        %add3A_191 = arith.addf %get3A_186, %get3A_190 : vector<16xf32>
        %slice3A_192 = vector.extract_strided_slice %get3A_27 {offsets = [7], sizes = [1], strides = [1]} : vector<16xf32> to vector<1xf32>
        %squeeze3A_193 = vector.extract %slice3A_192[0] : f32 from vector<1xf32>
        %mul3A_194 = vector.broadcast %squeeze3A_193 : f32 to vector<16xf32>
        %mul3A_195 = arith.mulf %add3A_191, %mul3A_194 : vector<16xf32>
        %swap3A_196 = arith.index_cast %add3A_182 : i32 to index
        %swap3A_197 = arith.constant 0 : index
        %swap3A_198 = tpu.vector_load %arg5[%swap3A_196, %swap3A_197] {strides = array<i32>} : memref<1568x16xf32, #tpu.memory_space<vmem>>, vector<1x16xf32>,
        %swap3A_199 = vector.shape_cast %swap3A_198 : vector<1x16xf32> to vector<16xf32>
        %swap3A_200 = vector.shape_cast %mul3A_195 : vector<16xf32> to vector<1x16xf32>
        tpu.vector_store %arg5[%swap3A_196, %swap3A_197], %swap3A_200 {strides = array<i32>} : memref<1568x16xf32, #tpu.memory_space<vmem>>, vector<1x16xf32>,
        %mul3A_201 = arith.constant 16 : i32
        %mul3A_202 = arith.muli %scan3A_23, %mul3A_201 : i32
        %add3A_203 = arith.constant 8 : i32
        %add3A_204 = arith.addi %mul3A_202, %add3A_203 : i32
        %get3A_205 = arith.index_cast %add3A_204 : i32 to index
        %get3A_206 = arith.constant 0 : index
        %get3A_207 = tpu.vector_load %arg5[%get3A_205, %get3A_206] {strides = array<i32>} : memref<1568x16xf32, #tpu.memory_space<vmem>>, vector<1x16xf32>,
        %get3A_208 = vector.shape_cast %get3A_207 : vector<1x16xf32> to vector<16xf32>
        %get3A_209 = arith.index_cast %add3A_204 : i32 to index
        %get3A_210 = arith.constant 0 : index
        %get3A_211 = tpu.vector_load %arg6[%get3A_209, %get3A_210] {strides = array<i32>} : memref<1568x16xf32, #tpu.memory_space<vmem>>, vector<1x16xf32>,
        %get3A_212 = vector.shape_cast %get3A_211 : vector<1x16xf32> to vector<16xf32>
        %add3A_213 = arith.addf %get3A_208, %get3A_212 : vector<16xf32>
        %slice3A_214 = vector.extract_strided_slice %get3A_27 {offsets = [8], sizes = [1], strides = [1]} : vector<16xf32> to vector<1xf32>
        %squeeze3A_215 = vector.extract %slice3A_214[0] : f32 from vector<1xf32>
        %mul3A_216 = vector.broadcast %squeeze3A_215 : f32 to vector<16xf32>
        %mul3A_217 = arith.mulf %add3A_213, %mul3A_216 : vector<16xf32>
        %swap3A_218 = arith.index_cast %add3A_204 : i32 to index
        %swap3A_219 = arith.constant 0 : index
        %swap3A_220 = tpu.vector_load %arg5[%swap3A_218, %swap3A_219] {strides = array<i32>} : memref<1568x16xf32, #tpu.memory_space<vmem>>, vector<1x16xf32>,
        %swap3A_221 = vector.shape_cast %swap3A_220 : vector<1x16xf32> to vector<16xf32>
        %swap3A_222 = vector.shape_cast %mul3A_217 : vector<16xf32> to vector<1x16xf32>
        tpu.vector_store %arg5[%swap3A_218, %swap3A_219], %swap3A_222 {strides = array<i32>} : memref<1568x16xf32, #tpu.memory_space<vmem>>, vector<1x16xf32>,
        %mul3A_223 = arith.constant 16 : i32
        %mul3A_224 = arith.muli %scan3A_23, %mul3A_223 : i32
        %add3A_225 = arith.constant 9 : i32
        %add3A_226 = arith.addi %mul3A_224, %add3A_225 : i32
        %get3A_227 = arith.index_cast %add3A_226 : i32 to index
        %get3A_228 = arith.constant 0 : index
        %get3A_229 = tpu.vector_load %arg5[%get3A_227, %get3A_228] {strides = array<i32>} : memref<1568x16xf32, #tpu.memory_space<vmem>>, vector<1x16xf32>,
        %get3A_230 = vector.shape_cast %get3A_229 : vector<1x16xf32> to vector<16xf32>
        %get3A_231 = arith.index_cast %add3A_226 : i32 to index
        %get3A_232 = arith.constant 0 : index
        %get3A_233 = tpu.vector_load %arg6[%get3A_231, %get3A_232] {strides = array<i32>} : memref<1568x16xf32, #tpu.memory_space<vmem>>, vector<1x16xf32>,
        %get3A_234 = vector.shape_cast %get3A_233 : vector<1x16xf32> to vector<16xf32>
        %add3A_235 = arith.addf %get3A_230, %get3A_234 : vector<16xf32>
        %slice3A_236 = vector.extract_strided_slice %get3A_27 {offsets = [9], sizes = [1], strides = [1]} : vector<16xf32> to vector<1xf32>
        %squeeze3A_237 = vector.extract %slice3A_236[0] : f32 from vector<1xf32>
        %mul3A_238 = vector.broadcast %squeeze3A_237 : f32 to vector<16xf32>
        %mul3A_239 = arith.mulf %add3A_235, %mul3A_238 : vector<16xf32>
        %swap3A_240 = arith.index_cast %add3A_226 : i32 to index
        %swap3A_241 = arith.constant 0 : index
        %swap3A_242 = tpu.vector_load %arg5[%swap3A_240, %swap3A_241] {strides = array<i32>} : memref<1568x16xf32, #tpu.memory_space<vmem>>, vector<1x16xf32>,
        %swap3A_243 = vector.shape_cast %swap3A_242 : vector<1x16xf32> to vector<16xf32>
        %swap3A_244 = vector.shape_cast %mul3A_239 : vector<16xf32> to vector<1x16xf32>
        tpu.vector_store %arg5[%swap3A_240, %swap3A_241], %swap3A_244 {strides = array<i32>} : memref<1568x16xf32, #tpu.memory_space<vmem>>, vector<1x16xf32>,
        %mul3A_245 = arith.constant 16 : i32
        %mul3A_246 = arith.muli %scan3A_23, %mul3A_245 : i32
        %add3A_247 = arith.constant 10 : i32
        %add3A_248 = arith.addi %mul3A_246, %add3A_247 : i32
        %get3A_249 = arith.index_cast %add3A_248 : i32 to index
        %get3A_250 = arith.constant 0 : index
        %get3A_251 = tpu.vector_load %arg5[%get3A_249, %get3A_250] {strides = array<i32>} : memref<1568x16xf32, #tpu.memory_space<vmem>>, vector<1x16xf32>,
        %get3A_252 = vector.shape_cast %get3A_251 : vector<1x16xf32> to vector<16xf32>
        %get3A_253 = arith.index_cast %add3A_248 : i32 to index
        %get3A_254 = arith.constant 0 : index
        %get3A_255 = tpu.vector_load %arg6[%get3A_253, %get3A_254] {strides = array<i32>} : memref<1568x16xf32, #tpu.memory_space<vmem>>, vector<1x16xf32>,
        %get3A_256 = vector.shape_cast %get3A_255 : vector<1x16xf32> to vector<16xf32>
        %add3A_257 = arith.addf %get3A_252, %get3A_256 : vector<16xf32>
        %slice3A_258 = vector.extract_strided_slice %get3A_27 {offsets = [10], sizes = [1], strides = [1]} : vector<16xf32> to vector<1xf32>
        %squeeze3A_259 = vector.extract %slice3A_258[0] : f32 from vector<1xf32>
        %mul3A_260 = vector.broadcast %squeeze3A_259 : f32 to vector<16xf32>
        %mul3A_261 = arith.mulf %add3A_257, %mul3A_260 : vector<16xf32>
        %swap3A_262 = arith.index_cast %add3A_248 : i32 to index
        %swap3A_263 = arith.constant 0 : index
        %swap3A_264 = tpu.vector_load %arg5[%swap3A_262, %swap3A_263] {strides = array<i32>} : memref<1568x16xf32, #tpu.memory_space<vmem>>, vector<1x16xf32>,
        %swap3A_265 = vector.shape_cast %swap3A_264 : vector<1x16xf32> to vector<16xf32>
        %swap3A_266 = vector.shape_cast %mul3A_261 : vector<16xf32> to vector<1x16xf32>
        tpu.vector_store %arg5[%swap3A_262, %swap3A_263], %swap3A_266 {strides = array<i32>} : memref<1568x16xf32, #tpu.memory_space<vmem>>, vector<1x16xf32>,
        %mul3A_267 = arith.constant 16 : i32
        %mul3A_268 = arith.muli %scan3A_23, %mul3A_267 : i32
        %add3A_269 = arith.constant 11 : i32
        %add3A_270 = arith.addi %mul3A_268, %add3A_269 : i32
        %get3A_271 = arith.index_cast %add3A_270 : i32 to index
        %get3A_272 = arith.constant 0 : index
        %get3A_273 = tpu.vector_load %arg5[%get3A_271, %get3A_272] {strides = array<i32>} : memref<1568x16xf32, #tpu.memory_space<vmem>>, vector<1x16xf32>,
        %get3A_274 = vector.shape_cast %get3A_273 : vector<1x16xf32> to vector<16xf32>
        %get3A_275 = arith.index_cast %add3A_270 : i32 to index
        %get3A_276 = arith.constant 0 : index
        %get3A_277 = tpu.vector_load %arg6[%get3A_275, %get3A_276] {strides = array<i32>} : memref<1568x16xf32, #tpu.memory_space<vmem>>, vector<1x16xf32>,
        %get3A_278 = vector.shape_cast %get3A_277 : vector<1x16xf32> to vector<16xf32>
        %add3A_279 = arith.addf %get3A_274, %get3A_278 : vector<16xf32>
        %slice3A_280 = vector.extract_strided_slice %get3A_27 {offsets = [11], sizes = [1], strides = [1]} : vector<16xf32> to vector<1xf32>
        %squeeze3A_281 = vector.extract %slice3A_280[0] : f32 from vector<1xf32>
        %mul3A_282 = vector.broadcast %squeeze3A_281 : f32 to vector<16xf32>
        %mul3A_283 = arith.mulf %add3A_279, %mul3A_282 : vector<16xf32>
        %swap3A_284 = arith.index_cast %add3A_270 : i32 to index
        %swap3A_285 = arith.constant 0 : index
        %swap3A_286 = tpu.vector_load %arg5[%swap3A_284, %swap3A_285] {strides = array<i32>} : memref<1568x16xf32, #tpu.memory_space<vmem>>, vector<1x16xf32>,
        %swap3A_287 = vector.shape_cast %swap3A_286 : vector<1x16xf32> to vector<16xf32>
        %swap3A_288 = vector.shape_cast %mul3A_283 : vector<16xf32> to vector<1x16xf32>
        tpu.vector_store %arg5[%swap3A_284, %swap3A_285], %swap3A_288 {strides = array<i32>} : memref<1568x16xf32, #tpu.memory_space<vmem>>, vector<1x16xf32>,
        %mul3A_289 = arith.constant 16 : i32
        %mul3A_290 = arith.muli %scan3A_23, %mul3A_289 : i32
        %add3A_291 = arith.constant 12 : i32
        %add3A_292 = arith.addi %mul3A_290, %add3A_291 : i32
        %get3A_293 = arith.index_cast %add3A_292 : i32 to index
        %get3A_294 = arith.constant 0 : index
        %get3A_295 = tpu.vector_load %arg5[%get3A_293, %get3A_294] {strides = array<i32>} : memref<1568x16xf32, #tpu.memory_space<vmem>>, vector<1x16xf32>,
        %get3A_296 = vector.shape_cast %get3A_295 : vector<1x16xf32> to vector<16xf32>
        %get3A_297 = arith.index_cast %add3A_292 : i32 to index
        %get3A_298 = arith.constant 0 : index
        %get3A_299 = tpu.vector_load %arg6[%get3A_297, %get3A_298] {strides = array<i32>} : memref<1568x16xf32, #tpu.memory_space<vmem>>, vector<1x16xf32>,
        %get3A_300 = vector.shape_cast %get3A_299 : vector<1x16xf32> to vector<16xf32>
        %add3A_301 = arith.addf %get3A_296, %get3A_300 : vector<16xf32>
        %slice3A_302 = vector.extract_strided_slice %get3A_27 {offsets = [12], sizes = [1], strides = [1]} : vector<16xf32> to vector<1xf32>
        %squeeze3A_303 = vector.extract %slice3A_302[0] : f32 from vector<1xf32>
        %mul3A_304 = vector.broadcast %squeeze3A_303 : f32 to vector<16xf32>
        %mul3A_305 = arith.mulf %add3A_301, %mul3A_304 : vector<16xf32>
        %swap3A_306 = arith.index_cast %add3A_292 : i32 to index
        %swap3A_307 = arith.constant 0 : index
        %swap3A_308 = tpu.vector_load %arg5[%swap3A_306, %swap3A_307] {strides = array<i32>} : memref<1568x16xf32, #tpu.memory_space<vmem>>, vector<1x16xf32>,
        %swap3A_309 = vector.shape_cast %swap3A_308 : vector<1x16xf32> to vector<16xf32>
        %swap3A_310 = vector.shape_cast %mul3A_305 : vector<16xf32> to vector<1x16xf32>
        tpu.vector_store %arg5[%swap3A_306, %swap3A_307], %swap3A_310 {strides = array<i32>} : memref<1568x16xf32, #tpu.memory_space<vmem>>, vector<1x16xf32>,
        %mul3A_311 = arith.constant 16 : i32
        %mul3A_312 = arith.muli %scan3A_23, %mul3A_311 : i32
        %add3A_313 = arith.constant 13 : i32
        %add3A_314 = arith.addi %mul3A_312, %add3A_313 : i32
        %get3A_315 = arith.index_cast %add3A_314 : i32 to index
        %get3A_316 = arith.constant 0 : index
        %get3A_317 = tpu.vector_load %arg5[%get3A_315, %get3A_316] {strides = array<i32>} : memref<1568x16xf32, #tpu.memory_space<vmem>>, vector<1x16xf32>,
        %get3A_318 = vector.shape_cast %get3A_317 : vector<1x16xf32> to vector<16xf32>
        %get3A_319 = arith.index_cast %add3A_314 : i32 to index
        %get3A_320 = arith.constant 0 : index
        %get3A_321 = tpu.vector_load %arg6[%get3A_319, %get3A_320] {strides = array<i32>} : memref<1568x16xf32, #tpu.memory_space<vmem>>, vector<1x16xf32>,
        %get3A_322 = vector.shape_cast %get3A_321 : vector<1x16xf32> to vector<16xf32>
        %add3A_323 = arith.addf %get3A_318, %get3A_322 : vector<16xf32>
        %slice3A_324 = vector.extract_strided_slice %get3A_27 {offsets = [13], sizes = [1], strides = [1]} : vector<16xf32> to vector<1xf32>
        %squeeze3A_325 = vector.extract %slice3A_324[0] : f32 from vector<1xf32>
        %mul3A_326 = vector.broadcast %squeeze3A_325 : f32 to vector<16xf32>
        %mul3A_327 = arith.mulf %add3A_323, %mul3A_326 : vector<16xf32>
        %swap3A_328 = arith.index_cast %add3A_314 : i32 to index
        %swap3A_329 = arith.constant 0 : index
        %swap3A_330 = tpu.vector_load %arg5[%swap3A_328, %swap3A_329] {strides = array<i32>} : memref<1568x16xf32, #tpu.memory_space<vmem>>, vector<1x16xf32>,
        %swap3A_331 = vector.shape_cast %swap3A_330 : vector<1x16xf32> to vector<16xf32>
        %swap3A_332 = vector.shape_cast %mul3A_327 : vector<16xf32> to vector<1x16xf32>
        tpu.vector_store %arg5[%swap3A_328, %swap3A_329], %swap3A_332 {strides = array<i32>} : memref<1568x16xf32, #tpu.memory_space<vmem>>, vector<1x16xf32>,
        %mul3A_333 = arith.constant 16 : i32
        %mul3A_334 = arith.muli %scan3A_23, %mul3A_333 : i32
        %add3A_335 = arith.constant 14 : i32
        %add3A_336 = arith.addi %mul3A_334, %add3A_335 : i32
        %get3A_337 = arith.index_cast %add3A_336 : i32 to index
        %get3A_338 = arith.constant 0 : index
        %get3A_339 = tpu.vector_load %arg5[%get3A_337, %get3A_338] {strides = array<i32>} : memref<1568x16xf32, #tpu.memory_space<vmem>>, vector<1x16xf32>,
        %get3A_340 = vector.shape_cast %get3A_339 : vector<1x16xf32> to vector<16xf32>
        %get3A_341 = arith.index_cast %add3A_336 : i32 to index
        %get3A_342 = arith.constant 0 : index
        %get3A_343 = tpu.vector_load %arg6[%get3A_341, %get3A_342] {strides = array<i32>} : memref<1568x16xf32, #tpu.memory_space<vmem>>, vector<1x16xf32>,
        %get3A_344 = vector.shape_cast %get3A_343 : vector<1x16xf32> to vector<16xf32>
        %add3A_345 = arith.addf %get3A_340, %get3A_344 : vector<16xf32>
        %slice3A_346 = vector.extract_strided_slice %get3A_27 {offsets = [14], sizes = [1], strides = [1]} : vector<16xf32> to vector<1xf32>
        %squeeze3A_347 = vector.extract %slice3A_346[0] : f32 from vector<1xf32>
        %mul3A_348 = vector.broadcast %squeeze3A_347 : f32 to vector<16xf32>
        %mul3A_349 = arith.mulf %add3A_345, %mul3A_348 : vector<16xf32>
        %swap3A_350 = arith.index_cast %add3A_336 : i32 to index
        %swap3A_351 = arith.constant 0 : index
        %swap3A_352 = tpu.vector_load %arg5[%swap3A_350, %swap3A_351] {strides = array<i32>} : memref<1568x16xf32, #tpu.memory_space<vmem>>, vector<1x16xf32>,
        %swap3A_353 = vector.shape_cast %swap3A_352 : vector<1x16xf32> to vector<16xf32>
        %swap3A_354 = vector.shape_cast %mul3A_349 : vector<16xf32> to vector<1x16xf32>
        tpu.vector_store %arg5[%swap3A_350, %swap3A_351], %swap3A_354 {strides = array<i32>} : memref<1568x16xf32, #tpu.memory_space<vmem>>, vector<1x16xf32>,
        %mul3A_355 = arith.constant 16 : i32
        %mul3A_356 = arith.muli %scan3A_23, %mul3A_355 : i32
        %add3A_357 = arith.constant 15 : i32
        %add3A_358 = arith.addi %mul3A_356, %add3A_357 : i32
        %get3A_359 = arith.index_cast %add3A_358 : i32 to index
        %get3A_360 = arith.constant 0 : index
        %get3A_361 = tpu.vector_load %arg5[%get3A_359, %get3A_360] {strides = array<i32>} : memref<1568x16xf32, #tpu.memory_space<vmem>>, vector<1x16xf32>,
        %get3A_362 = vector.shape_cast %get3A_361 : vector<1x16xf32> to vector<16xf32>
        %get3A_363 = arith.index_cast %add3A_358 : i32 to index
        %get3A_364 = arith.constant 0 : index
        %get3A_365 = tpu.vector_load %arg6[%get3A_363, %get3A_364] {strides = array<i32>} : memref<1568x16xf32, #tpu.memory_space<vmem>>, vector<1x16xf32>,
        %get3A_366 = vector.shape_cast %get3A_365 : vector<1x16xf32> to vector<16xf32>
        %add3A_367 = arith.addf %get3A_362, %get3A_366 : vector<16xf32>
        %slice3A_368 = vector.extract_strided_slice %get3A_27 {offsets = [15], sizes = [1], strides = [1]} : vector<16xf32> to vector<1xf32>
        %squeeze3A_369 = vector.extract %slice3A_368[0] : f32 from vector<1xf32>
        %mul3A_370 = vector.broadcast %squeeze3A_369 : f32 to vector<16xf32>
        %mul3A_371 = arith.mulf %add3A_367, %mul3A_370 : vector<16xf32>
        %swap3A_372 = arith.index_cast %add3A_358 : i32 to index
        %swap3A_373 = arith.constant 0 : index
        %swap3A_374 = tpu.vector_load %arg5[%swap3A_372, %swap3A_373] {strides = array<i32>} : memref<1568x16xf32, #tpu.memory_space<vmem>>, vector<1x16xf32>,
        %swap3A_375 = vector.shape_cast %swap3A_374 : vector<1x16xf32> to vector<16xf32>
        %swap3A_376 = vector.shape_cast %mul3A_371 : vector<16xf32> to vector<1x16xf32>
        tpu.vector_store %arg5[%swap3A_372, %swap3A_373], %swap3A_376 {strides = array<i32>} : memref<1568x16xf32, #tpu.memory_space<vmem>>, vector<1x16xf32>,
      }
      %scan3A_22 = arith.constant 98 : i32
      "tpu.region"() ({
        %run_scoped3A = tpu.sem_alloc : memref<!tpu.dma_semaphore, #tpu.memory_space<semaphore_mem>>
        %dma_start3A = arith.constant 0 : i32
        %dma_start3A_23 = arith.constant 0 : i32
        %dma_start3A_24 = tpu.memref_slice %arg5[%dma_start3A, %dma_start3A_23] : memref<1568x16xf32, #tpu.memory_space<vmem>> -> memref<1568x16xf32, #tpu.memory_space<vmem>>
        %dma_start3A_25 = arith.constant 0 : i32
        %dma_start3A_26 = tpu.memref_slice %arg4[%mul3A_2, %dma_start3A_25] : memref<50000x16xf32, #tpu.memory_space<hbm>> -> memref<1568x16xf32, #tpu.memory_space<hbm>>
        %dma_start3A_27 = arith.constant 0 : i32
        %dma_start3A_28 = tpu.memref_slice %arg4[%mul3A_2, %dma_start3A_27] : memref<50000x16xf32, #tpu.memory_space<hbm>> -> memref<1568x16xf32, #tpu.memory_space<hbm>>
        %dma_start3A_29 = arith.constant 0 : i32
        %dma_start3A_30 = arith.constant 0 : i32
        %dma_start3A_31 = tpu.memref_slice %arg5[%dma_start3A_29, %dma_start3A_30] : memref<1568x16xf32, #tpu.memory_space<vmem>> -> memref<1568x16xf32, #tpu.memory_space<vmem>>
        tpu.enqueue_dma source(%dma_start3A_31 : memref<1568x16xf32, #tpu.memory_space<vmem>>) target(%dma_start3A_28 : memref<1568x16xf32, #tpu.memory_space<hbm>>) target_semaphore(%run_scoped3A : memref<!tpu.dma_semaphore, #tpu.memory_space<semaphore_mem>>)
        %dma_wait3A = arith.constant 0 : i32
        %dma_wait3A_32 = arith.constant 0 : i32
        %dma_wait3A_33 = tpu.memref_slice %arg5[%dma_wait3A, %dma_wait3A_32] : memref<1568x16xf32, #tpu.memory_space<vmem>> -> memref<1568x16xf32, #tpu.memory_space<vmem>>
        %dma_wait3A_34 = arith.constant 0 : i32
        %dma_wait3A_35 = tpu.memref_slice %arg4[%mul3A_2, %dma_wait3A_34] : memref<50000x16xf32, #tpu.memory_space<hbm>> -> memref<1568x16xf32, #tpu.memory_space<hbm>>
        %dma_wait3A_36 = arith.constant 0 : i32
        %dma_wait3A_37 = tpu.memref_slice %arg4[%mul3A_2, %dma_wait3A_36] : memref<50000x16xf32, #tpu.memory_space<hbm>> -> memref<1568x16xf32, #tpu.memory_space<hbm>>
        %dma_wait3A_38 = arith.constant 0 : i32
        %dma_wait3A_39 = arith.constant 0 : i32
        %dma_wait3A_40 = tpu.memref_slice %arg5[%dma_wait3A_38, %dma_wait3A_39] : memref<1568x16xf32, #tpu.memory_space<vmem>> -> memref<1568x16xf32, #tpu.memory_space<vmem>>
        tpu.wait_dma2 semaphore(%run_scoped3A : memref<!tpu.dma_semaphore, #tpu.memory_space<semaphore_mem>>) src(%dma_wait3A_40 : memref<1568x16xf32, #tpu.memory_space<vmem>>) dst(%dma_wait3A_37 : memref<1568x16xf32, #tpu.memory_space<hbm>>)
        tpu.yield
      }) : () -> ()
    } else {
    }
    %eq3A = arith.constant 31 : i32
    %eq3A_6 = arith.cmpi eq, %add3A, %eq3A : i32
    %convert_element_type3A_7 = arith.extui %eq3A_6 : i1 to i32
    %cond3A_8 = arith.constant 0 : i32
    %cond3A_9 = arith.cmpi ne, %convert_element_type3A_7, %cond3A_8 : i32
    scf.if %cond3A_9 {
      "tpu.region"() ({
        %run_scoped3A = tpu.sem_alloc : memref<!tpu.dma_semaphore, #tpu.memory_space<semaphore_mem>>
        %dma_start3A = arith.constant 0 : i32
        %dma_start3A_23 = arith.constant 0 : i32
        %dma_start3A_24 = tpu.memref_slice %arg5[%dma_start3A, %dma_start3A_23] : memref<1568x16xf32, #tpu.memory_space<vmem>> -> memref<1392x16xf32, #tpu.memory_space<vmem>>
        %dma_start3A_25 = arith.constant 0 : i32
        %dma_start3A_26 = tpu.memref_slice %arg2[%mul3A_2, %dma_start3A_25] : memref<100096x16xf32, #tpu.memory_space<hbm>> -> memref<1392x16xf32, #tpu.memory_space<hbm>>
        %dma_start3A_27 = arith.constant 0 : i32
        %dma_start3A_28 = arith.constant 0 : i32
        %dma_start3A_29 = tpu.memref_slice %arg5[%dma_start3A_27, %dma_start3A_28] : memref<1568x16xf32, #tpu.memory_space<vmem>> -> memref<1392x16xf32, #tpu.memory_space<vmem>>
        %dma_start3A_30 = arith.constant 0 : i32
        %dma_start3A_31 = tpu.memref_slice %arg2[%mul3A_2, %dma_start3A_30] : memref<100096x16xf32, #tpu.memory_space<hbm>> -> memref<1392x16xf32, #tpu.memory_space<hbm>>
        tpu.enqueue_dma source(%dma_start3A_31 : memref<1392x16xf32, #tpu.memory_space<hbm>>) target(%dma_start3A_29 : memref<1392x16xf32, #tpu.memory_space<vmem>>) target_semaphore(%run_scoped3A : memref<!tpu.dma_semaphore, #tpu.memory_space<semaphore_mem>>)
        %dma_wait3A = arith.constant 0 : i32
        %dma_wait3A_32 = arith.constant 0 : i32
        %dma_wait3A_33 = tpu.memref_slice %arg5[%dma_wait3A, %dma_wait3A_32] : memref<1568x16xf32, #tpu.memory_space<vmem>> -> memref<1392x16xf32, #tpu.memory_space<vmem>>
        %dma_wait3A_34 = arith.constant 0 : i32
        %dma_wait3A_35 = tpu.memref_slice %arg2[%mul3A_2, %dma_wait3A_34] : memref<100096x16xf32, #tpu.memory_space<hbm>> -> memref<1392x16xf32, #tpu.memory_space<hbm>>
        %dma_wait3A_36 = arith.constant 0 : i32
        %dma_wait3A_37 = arith.constant 0 : i32
        %dma_wait3A_38 = tpu.memref_slice %arg5[%dma_wait3A_36, %dma_wait3A_37] : memref<1568x16xf32, #tpu.memory_space<vmem>> -> memref<1392x16xf32, #tpu.memory_space<vmem>>
        %dma_wait3A_39 = arith.constant 0 : i32
        %dma_wait3A_40 = tpu.memref_slice %arg2[%mul3A_2, %dma_wait3A_39] : memref<100096x16xf32, #tpu.memory_space<hbm>> -> memref<1392x16xf32, #tpu.memory_space<hbm>>
        tpu.wait_dma2 semaphore(%run_scoped3A : memref<!tpu.dma_semaphore, #tpu.memory_space<semaphore_mem>>) src(%dma_wait3A_40 : memref<1392x16xf32, #tpu.memory_space<hbm>>) dst(%dma_wait3A_38 : memref<1392x16xf32, #tpu.memory_space<vmem>>)
        tpu.yield
      }) : () -> ()
      %add3A_10 = arith.constant 50048 : i32
      %add3A_11 = arith.addi %add3A_10, %mul3A_2 : i32
      "tpu.region"() ({
        %run_scoped3A = tpu.sem_alloc : memref<!tpu.dma_semaphore, #tpu.memory_space<semaphore_mem>>
        %dma_start3A = arith.constant 0 : i32
        %dma_start3A_23 = arith.constant 0 : i32
        %dma_start3A_24 = tpu.memref_slice %arg6[%dma_start3A, %dma_start3A_23] : memref<1568x16xf32, #tpu.memory_space<vmem>> -> memref<1392x16xf32, #tpu.memory_space<vmem>>
        %dma_start3A_25 = arith.constant 0 : i32
        %dma_start3A_26 = tpu.memref_slice %arg2[%add3A_11, %dma_start3A_25] : memref<100096x16xf32, #tpu.memory_space<hbm>> -> memref<1392x16xf32, #tpu.memory_space<hbm>>
        %dma_start3A_27 = arith.constant 0 : i32
        %dma_start3A_28 = arith.constant 0 : i32
        %dma_start3A_29 = tpu.memref_slice %arg6[%dma_start3A_27, %dma_start3A_28] : memref<1568x16xf32, #tpu.memory_space<vmem>> -> memref<1392x16xf32, #tpu.memory_space<vmem>>
        %dma_start3A_30 = arith.constant 0 : i32
        %dma_start3A_31 = tpu.memref_slice %arg2[%add3A_11, %dma_start3A_30] : memref<100096x16xf32, #tpu.memory_space<hbm>> -> memref<1392x16xf32, #tpu.memory_space<hbm>>
        tpu.enqueue_dma source(%dma_start3A_31 : memref<1392x16xf32, #tpu.memory_space<hbm>>) target(%dma_start3A_29 : memref<1392x16xf32, #tpu.memory_space<vmem>>) target_semaphore(%run_scoped3A : memref<!tpu.dma_semaphore, #tpu.memory_space<semaphore_mem>>)
        %dma_wait3A = arith.constant 0 : i32
        %dma_wait3A_32 = arith.constant 0 : i32
        %dma_wait3A_33 = tpu.memref_slice %arg6[%dma_wait3A, %dma_wait3A_32] : memref<1568x16xf32, #tpu.memory_space<vmem>> -> memref<1392x16xf32, #tpu.memory_space<vmem>>
        %dma_wait3A_34 = arith.constant 0 : i32
        %dma_wait3A_35 = tpu.memref_slice %arg2[%add3A_11, %dma_wait3A_34] : memref<100096x16xf32, #tpu.memory_space<hbm>> -> memref<1392x16xf32, #tpu.memory_space<hbm>>
        %dma_wait3A_36 = arith.constant 0 : i32
        %dma_wait3A_37 = arith.constant 0 : i32
        %dma_wait3A_38 = tpu.memref_slice %arg6[%dma_wait3A_36, %dma_wait3A_37] : memref<1568x16xf32, #tpu.memory_space<vmem>> -> memref<1392x16xf32, #tpu.memory_space<vmem>>
        %dma_wait3A_39 = arith.constant 0 : i32
        %dma_wait3A_40 = tpu.memref_slice %arg2[%add3A_11, %dma_wait3A_39] : memref<100096x16xf32, #tpu.memory_space<hbm>> -> memref<1392x16xf32, #tpu.memory_space<hbm>>
        tpu.wait_dma2 semaphore(%run_scoped3A : memref<!tpu.dma_semaphore, #tpu.memory_space<semaphore_mem>>) src(%dma_wait3A_40 : memref<1392x16xf32, #tpu.memory_space<hbm>>) dst(%dma_wait3A_38 : memref<1392x16xf32, #tpu.memory_space<vmem>>)
        tpu.yield
      }) : () -> ()
      "tpu.region"() ({
        %run_scoped3A = tpu.sem_alloc : memref<!tpu.dma_semaphore, #tpu.memory_space<semaphore_mem>>
        %dma_start3A = arith.constant 0 : i32
        %dma_start3A_23 = tpu.memref_slice %arg7[%dma_start3A] : memref<1568xf32, #tpu.memory_space<vmem>> -> memref<1392xf32, #tpu.memory_space<vmem>>
        %dma_start3A_24 = tpu.memref_slice %arg3[%mul3A_2] : memref<100096xf32, #tpu.memory_space<hbm>> -> memref<1392xf32, #tpu.memory_space<hbm>>
        %dma_start3A_25 = arith.constant 0 : i32
        %dma_start3A_26 = tpu.memref_slice %arg7[%dma_start3A_25] : memref<1568xf32, #tpu.memory_space<vmem>> -> memref<1392xf32, #tpu.memory_space<vmem>>
        %dma_start3A_27 = tpu.memref_slice %arg3[%mul3A_2] : memref<100096xf32, #tpu.memory_space<hbm>> -> memref<1392xf32, #tpu.memory_space<hbm>>
        tpu.enqueue_dma source(%dma_start3A_27 : memref<1392xf32, #tpu.memory_space<hbm>>) target(%dma_start3A_26 : memref<1392xf32, #tpu.memory_space<vmem>>) target_semaphore(%run_scoped3A : memref<!tpu.dma_semaphore, #tpu.memory_space<semaphore_mem>>)
        %dma_wait3A = arith.constant 0 : i32
        %dma_wait3A_28 = tpu.memref_slice %arg7[%dma_wait3A] : memref<1568xf32, #tpu.memory_space<vmem>> -> memref<1392xf32, #tpu.memory_space<vmem>>
        %dma_wait3A_29 = tpu.memref_slice %arg3[%mul3A_2] : memref<100096xf32, #tpu.memory_space<hbm>> -> memref<1392xf32, #tpu.memory_space<hbm>>
        %dma_wait3A_30 = arith.constant 0 : i32
        %dma_wait3A_31 = tpu.memref_slice %arg7[%dma_wait3A_30] : memref<1568xf32, #tpu.memory_space<vmem>> -> memref<1392xf32, #tpu.memory_space<vmem>>
        %dma_wait3A_32 = tpu.memref_slice %arg3[%mul3A_2] : memref<100096xf32, #tpu.memory_space<hbm>> -> memref<1392xf32, #tpu.memory_space<hbm>>
        tpu.wait_dma2 semaphore(%run_scoped3A : memref<!tpu.dma_semaphore, #tpu.memory_space<semaphore_mem>>) src(%dma_wait3A_32 : memref<1392xf32, #tpu.memory_space<hbm>>) dst(%dma_wait3A_31 : memref<1392xf32, #tpu.memory_space<vmem>>)
        tpu.yield
      }) : () -> ()
      %add3A_12 = arith.constant 50048 : i32
      %add3A_13 = arith.addi %add3A_12, %mul3A_2 : i32
      "tpu.region"() ({
        %run_scoped3A = tpu.sem_alloc : memref<!tpu.dma_semaphore, #tpu.memory_space<semaphore_mem>>
        %dma_start3A = arith.constant 0 : i32
        %dma_start3A_23 = tpu.memref_slice %arg8[%dma_start3A] : memref<1568xf32, #tpu.memory_space<vmem>> -> memref<1392xf32, #tpu.memory_space<vmem>>
        %dma_start3A_24 = tpu.memref_slice %arg3[%add3A_13] : memref<100096xf32, #tpu.memory_space<hbm>> -> memref<1392xf32, #tpu.memory_space<hbm>>
        %dma_start3A_25 = arith.constant 0 : i32
        %dma_start3A_26 = tpu.memref_slice %arg8[%dma_start3A_25] : memref<1568xf32, #tpu.memory_space<vmem>> -> memref<1392xf32, #tpu.memory_space<vmem>>
        %dma_start3A_27 = tpu.memref_slice %arg3[%add3A_13] : memref<100096xf32, #tpu.memory_space<hbm>> -> memref<1392xf32, #tpu.memory_space<hbm>>
        tpu.enqueue_dma source(%dma_start3A_27 : memref<1392xf32, #tpu.memory_space<hbm>>) target(%dma_start3A_26 : memref<1392xf32, #tpu.memory_space<vmem>>) target_semaphore(%run_scoped3A : memref<!tpu.dma_semaphore, #tpu.memory_space<semaphore_mem>>)
        %dma_wait3A = arith.constant 0 : i32
        %dma_wait3A_28 = tpu.memref_slice %arg8[%dma_wait3A] : memref<1568xf32, #tpu.memory_space<vmem>> -> memref<1392xf32, #tpu.memory_space<vmem>>
        %dma_wait3A_29 = tpu.memref_slice %arg3[%add3A_13] : memref<100096xf32, #tpu.memory_space<hbm>> -> memref<1392xf32, #tpu.memory_space<hbm>>
        %dma_wait3A_30 = arith.constant 0 : i32
        %dma_wait3A_31 = tpu.memref_slice %arg8[%dma_wait3A_30] : memref<1568xf32, #tpu.memory_space<vmem>> -> memref<1392xf32, #tpu.memory_space<vmem>>
        %dma_wait3A_32 = tpu.memref_slice %arg3[%add3A_13] : memref<100096xf32, #tpu.memory_space<hbm>> -> memref<1392xf32, #tpu.memory_space<hbm>>
        tpu.wait_dma2 semaphore(%run_scoped3A : memref<!tpu.dma_semaphore, #tpu.memory_space<semaphore_mem>>) src(%dma_wait3A_32 : memref<1392xf32, #tpu.memory_space<hbm>>) dst(%dma_wait3A_31 : memref<1392xf32, #tpu.memory_space<vmem>>)
        tpu.yield
      }) : () -> ()
      %scan3A = arith.constant 0 : i32
      %scan3A_14 = arith.constant 87 : i32
      %scan3A_15 = arith.addi %scan3A, %scan3A_14 : i32
      %scan3A_16 = arith.constant 1 : i32
      scf.for %scan3A_23 = %scan3A to %scan3A_15 step %scan3A_16  : i32 {
        %mul3A_24 = arith.constant 16 : i32
        %mul3A_25 = arith.muli %scan3A_23, %mul3A_24 : i32
        %get3A = arith.index_cast %mul3A_25 : i32 to index
        %get3A_26 = tpu.vector_load %arg7[%get3A] {strides = array<i32>} : memref<1568xf32, #tpu.memory_space<vmem>>, vector<16xf32>,
        %get3A_27 = vector.shape_cast %get3A_26 : vector<16xf32> to vector<16xf32>
        %get3A_28 = arith.index_cast %mul3A_25 : i32 to index
        %get3A_29 = tpu.vector_load %arg8[%get3A_28] {strides = array<i32>} : memref<1568xf32, #tpu.memory_space<vmem>>, vector<16xf32>,
        %get3A_30 = vector.shape_cast %get3A_29 : vector<16xf32> to vector<16xf32>
        %add3A_31 = arith.addf %get3A_27, %get3A_30 : vector<16xf32>
        %max3A = arith.constant 1.000000e+00 : f32
        %max3A_32 = vector.broadcast %max3A : f32 to vector<16xf32>
        %max3A_33 = arith.maximumf %add3A_31, %max3A_32 : vector<16xf32>
        %div3A = arith.divf %broadcast_in_dim3A_3, %max3A_33 : vector<16xf32>
        %swap3A = arith.index_cast %mul3A_25 : i32 to index
        %swap3A_34 = tpu.vector_load %arg7[%swap3A] {strides = array<i32>} : memref<1568xf32, #tpu.memory_space<vmem>>, vector<16xf32>,
        %swap3A_35 = vector.shape_cast %swap3A_34 : vector<16xf32> to vector<16xf32>
        %swap3A_36 = vector.shape_cast %div3A : vector<16xf32> to vector<16xf32>
        tpu.vector_store %arg7[%swap3A], %swap3A_36 {strides = array<i32>} : memref<1568xf32, #tpu.memory_space<vmem>>, vector<16xf32>,
      }
      %scan3A_17 = arith.constant 87 : i32
      %scan3A_18 = arith.constant 0 : i32
      %scan3A_19 = arith.constant 87 : i32
      %scan3A_20 = arith.addi %scan3A_18, %scan3A_19 : i32
      %scan3A_21 = arith.constant 1 : i32
      scf.for %scan3A_23 = %scan3A_18 to %scan3A_20 step %scan3A_21  : i32 {
        %mul3A_24 = arith.constant 16 : i32
        %mul3A_25 = arith.muli %scan3A_23, %mul3A_24 : i32
        %get3A = arith.index_cast %mul3A_25 : i32 to index
        %get3A_26 = tpu.vector_load %arg7[%get3A] {strides = array<i32>} : memref<1568xf32, #tpu.memory_space<vmem>>, vector<16xf32>,
        %get3A_27 = vector.shape_cast %get3A_26 : vector<16xf32> to vector<16xf32>
        %mul3A_28 = arith.constant 16 : i32
        %mul3A_29 = arith.muli %scan3A_23, %mul3A_28 : i32
        %add3A_30 = arith.constant 0 : i32
        %add3A_31 = arith.addi %mul3A_29, %add3A_30 : i32
        %get3A_32 = arith.index_cast %add3A_31 : i32 to index
        %get3A_33 = arith.constant 0 : index
        %get3A_34 = tpu.vector_load %arg5[%get3A_32, %get3A_33] {strides = array<i32>} : memref<1568x16xf32, #tpu.memory_space<vmem>>, vector<1x16xf32>,
        %get3A_35 = vector.shape_cast %get3A_34 : vector<1x16xf32> to vector<16xf32>
        %get3A_36 = arith.index_cast %add3A_31 : i32 to index
        %get3A_37 = arith.constant 0 : index
        %get3A_38 = tpu.vector_load %arg6[%get3A_36, %get3A_37] {strides = array<i32>} : memref<1568x16xf32, #tpu.memory_space<vmem>>, vector<1x16xf32>,
        %get3A_39 = vector.shape_cast %get3A_38 : vector<1x16xf32> to vector<16xf32>
        %add3A_40 = arith.addf %get3A_35, %get3A_39 : vector<16xf32>
        %slice3A = vector.extract_strided_slice %get3A_27 {offsets = [0], sizes = [1], strides = [1]} : vector<16xf32> to vector<1xf32>
        %squeeze3A = vector.extract %slice3A[0] : f32 from vector<1xf32>
        %mul3A_41 = vector.broadcast %squeeze3A : f32 to vector<16xf32>
        %mul3A_42 = arith.mulf %add3A_40, %mul3A_41 : vector<16xf32>
        %swap3A = arith.index_cast %add3A_31 : i32 to index
        %swap3A_43 = arith.constant 0 : index
        %swap3A_44 = tpu.vector_load %arg5[%swap3A, %swap3A_43] {strides = array<i32>} : memref<1568x16xf32, #tpu.memory_space<vmem>>, vector<1x16xf32>,
        %swap3A_45 = vector.shape_cast %swap3A_44 : vector<1x16xf32> to vector<16xf32>
        %swap3A_46 = vector.shape_cast %mul3A_42 : vector<16xf32> to vector<1x16xf32>
        tpu.vector_store %arg5[%swap3A, %swap3A_43], %swap3A_46 {strides = array<i32>} : memref<1568x16xf32, #tpu.memory_space<vmem>>, vector<1x16xf32>,
        %mul3A_47 = arith.constant 16 : i32
        %mul3A_48 = arith.muli %scan3A_23, %mul3A_47 : i32
        %add3A_49 = arith.constant 1 : i32
        %add3A_50 = arith.addi %mul3A_48, %add3A_49 : i32
        %get3A_51 = arith.index_cast %add3A_50 : i32 to index
        %get3A_52 = arith.constant 0 : index
        %get3A_53 = tpu.vector_load %arg5[%get3A_51, %get3A_52] {strides = array<i32>} : memref<1568x16xf32, #tpu.memory_space<vmem>>, vector<1x16xf32>,
        %get3A_54 = vector.shape_cast %get3A_53 : vector<1x16xf32> to vector<16xf32>
        %get3A_55 = arith.index_cast %add3A_50 : i32 to index
        %get3A_56 = arith.constant 0 : index
        %get3A_57 = tpu.vector_load %arg6[%get3A_55, %get3A_56] {strides = array<i32>} : memref<1568x16xf32, #tpu.memory_space<vmem>>, vector<1x16xf32>,
        %get3A_58 = vector.shape_cast %get3A_57 : vector<1x16xf32> to vector<16xf32>
        %add3A_59 = arith.addf %get3A_54, %get3A_58 : vector<16xf32>
        %slice3A_60 = vector.extract_strided_slice %get3A_27 {offsets = [1], sizes = [1], strides = [1]} : vector<16xf32> to vector<1xf32>
        %squeeze3A_61 = vector.extract %slice3A_60[0] : f32 from vector<1xf32>
        %mul3A_62 = vector.broadcast %squeeze3A_61 : f32 to vector<16xf32>
        %mul3A_63 = arith.mulf %add3A_59, %mul3A_62 : vector<16xf32>
        %swap3A_64 = arith.index_cast %add3A_50 : i32 to index
        %swap3A_65 = arith.constant 0 : index
        %swap3A_66 = tpu.vector_load %arg5[%swap3A_64, %swap3A_65] {strides = array<i32>} : memref<1568x16xf32, #tpu.memory_space<vmem>>, vector<1x16xf32>,
        %swap3A_67 = vector.shape_cast %swap3A_66 : vector<1x16xf32> to vector<16xf32>
        %swap3A_68 = vector.shape_cast %mul3A_63 : vector<16xf32> to vector<1x16xf32>
        tpu.vector_store %arg5[%swap3A_64, %swap3A_65], %swap3A_68 {strides = array<i32>} : memref<1568x16xf32, #tpu.memory_space<vmem>>, vector<1x16xf32>,
        %mul3A_69 = arith.constant 16 : i32
        %mul3A_70 = arith.muli %scan3A_23, %mul3A_69 : i32
        %add3A_71 = arith.constant 2 : i32
        %add3A_72 = arith.addi %mul3A_70, %add3A_71 : i32
        %get3A_73 = arith.index_cast %add3A_72 : i32 to index
        %get3A_74 = arith.constant 0 : index
        %get3A_75 = tpu.vector_load %arg5[%get3A_73, %get3A_74] {strides = array<i32>} : memref<1568x16xf32, #tpu.memory_space<vmem>>, vector<1x16xf32>,
        %get3A_76 = vector.shape_cast %get3A_75 : vector<1x16xf32> to vector<16xf32>
        %get3A_77 = arith.index_cast %add3A_72 : i32 to index
        %get3A_78 = arith.constant 0 : index
        %get3A_79 = tpu.vector_load %arg6[%get3A_77, %get3A_78] {strides = array<i32>} : memref<1568x16xf32, #tpu.memory_space<vmem>>, vector<1x16xf32>,
        %get3A_80 = vector.shape_cast %get3A_79 : vector<1x16xf32> to vector<16xf32>
        %add3A_81 = arith.addf %get3A_76, %get3A_80 : vector<16xf32>
        %slice3A_82 = vector.extract_strided_slice %get3A_27 {offsets = [2], sizes = [1], strides = [1]} : vector<16xf32> to vector<1xf32>
        %squeeze3A_83 = vector.extract %slice3A_82[0] : f32 from vector<1xf32>
        %mul3A_84 = vector.broadcast %squeeze3A_83 : f32 to vector<16xf32>
        %mul3A_85 = arith.mulf %add3A_81, %mul3A_84 : vector<16xf32>
        %swap3A_86 = arith.index_cast %add3A_72 : i32 to index
        %swap3A_87 = arith.constant 0 : index
        %swap3A_88 = tpu.vector_load %arg5[%swap3A_86, %swap3A_87] {strides = array<i32>} : memref<1568x16xf32, #tpu.memory_space<vmem>>, vector<1x16xf32>,
        %swap3A_89 = vector.shape_cast %swap3A_88 : vector<1x16xf32> to vector<16xf32>
        %swap3A_90 = vector.shape_cast %mul3A_85 : vector<16xf32> to vector<1x16xf32>
        tpu.vector_store %arg5[%swap3A_86, %swap3A_87], %swap3A_90 {strides = array<i32>} : memref<1568x16xf32, #tpu.memory_space<vmem>>, vector<1x16xf32>,
        %mul3A_91 = arith.constant 16 : i32
        %mul3A_92 = arith.muli %scan3A_23, %mul3A_91 : i32
        %add3A_93 = arith.constant 3 : i32
        %add3A_94 = arith.addi %mul3A_92, %add3A_93 : i32
        %get3A_95 = arith.index_cast %add3A_94 : i32 to index
        %get3A_96 = arith.constant 0 : index
        %get3A_97 = tpu.vector_load %arg5[%get3A_95, %get3A_96] {strides = array<i32>} : memref<1568x16xf32, #tpu.memory_space<vmem>>, vector<1x16xf32>,
        %get3A_98 = vector.shape_cast %get3A_97 : vector<1x16xf32> to vector<16xf32>
        %get3A_99 = arith.index_cast %add3A_94 : i32 to index
        %get3A_100 = arith.constant 0 : index
        %get3A_101 = tpu.vector_load %arg6[%get3A_99, %get3A_100] {strides = array<i32>} : memref<1568x16xf32, #tpu.memory_space<vmem>>, vector<1x16xf32>,
        %get3A_102 = vector.shape_cast %get3A_101 : vector<1x16xf32> to vector<16xf32>
        %add3A_103 = arith.addf %get3A_98, %get3A_102 : vector<16xf32>
        %slice3A_104 = vector.extract_strided_slice %get3A_27 {offsets = [3], sizes = [1], strides = [1]} : vector<16xf32> to vector<1xf32>
        %squeeze3A_105 = vector.extract %slice3A_104[0] : f32 from vector<1xf32>
        %mul3A_106 = vector.broadcast %squeeze3A_105 : f32 to vector<16xf32>
        %mul3A_107 = arith.mulf %add3A_103, %mul3A_106 : vector<16xf32>
        %swap3A_108 = arith.index_cast %add3A_94 : i32 to index
        %swap3A_109 = arith.constant 0 : index
        %swap3A_110 = tpu.vector_load %arg5[%swap3A_108, %swap3A_109] {strides = array<i32>} : memref<1568x16xf32, #tpu.memory_space<vmem>>, vector<1x16xf32>,
        %swap3A_111 = vector.shape_cast %swap3A_110 : vector<1x16xf32> to vector<16xf32>
        %swap3A_112 = vector.shape_cast %mul3A_107 : vector<16xf32> to vector<1x16xf32>
        tpu.vector_store %arg5[%swap3A_108, %swap3A_109], %swap3A_112 {strides = array<i32>} : memref<1568x16xf32, #tpu.memory_space<vmem>>, vector<1x16xf32>,
        %mul3A_113 = arith.constant 16 : i32
        %mul3A_114 = arith.muli %scan3A_23, %mul3A_113 : i32
        %add3A_115 = arith.constant 4 : i32
        %add3A_116 = arith.addi %mul3A_114, %add3A_115 : i32
        %get3A_117 = arith.index_cast %add3A_116 : i32 to index
        %get3A_118 = arith.constant 0 : index
        %get3A_119 = tpu.vector_load %arg5[%get3A_117, %get3A_118] {strides = array<i32>} : memref<1568x16xf32, #tpu.memory_space<vmem>>, vector<1x16xf32>,
        %get3A_120 = vector.shape_cast %get3A_119 : vector<1x16xf32> to vector<16xf32>
        %get3A_121 = arith.index_cast %add3A_116 : i32 to index
        %get3A_122 = arith.constant 0 : index
        %get3A_123 = tpu.vector_load %arg6[%get3A_121, %get3A_122] {strides = array<i32>} : memref<1568x16xf32, #tpu.memory_space<vmem>>, vector<1x16xf32>,
        %get3A_124 = vector.shape_cast %get3A_123 : vector<1x16xf32> to vector<16xf32>
        %add3A_125 = arith.addf %get3A_120, %get3A_124 : vector<16xf32>
        %slice3A_126 = vector.extract_strided_slice %get3A_27 {offsets = [4], sizes = [1], strides = [1]} : vector<16xf32> to vector<1xf32>
        %squeeze3A_127 = vector.extract %slice3A_126[0] : f32 from vector<1xf32>
        %mul3A_128 = vector.broadcast %squeeze3A_127 : f32 to vector<16xf32>
        %mul3A_129 = arith.mulf %add3A_125, %mul3A_128 : vector<16xf32>
        %swap3A_130 = arith.index_cast %add3A_116 : i32 to index
        %swap3A_131 = arith.constant 0 : index
        %swap3A_132 = tpu.vector_load %arg5[%swap3A_130, %swap3A_131] {strides = array<i32>} : memref<1568x16xf32, #tpu.memory_space<vmem>>, vector<1x16xf32>,
        %swap3A_133 = vector.shape_cast %swap3A_132 : vector<1x16xf32> to vector<16xf32>
        %swap3A_134 = vector.shape_cast %mul3A_129 : vector<16xf32> to vector<1x16xf32>
        tpu.vector_store %arg5[%swap3A_130, %swap3A_131], %swap3A_134 {strides = array<i32>} : memref<1568x16xf32, #tpu.memory_space<vmem>>, vector<1x16xf32>,
        %mul3A_135 = arith.constant 16 : i32
        %mul3A_136 = arith.muli %scan3A_23, %mul3A_135 : i32
        %add3A_137 = arith.constant 5 : i32
        %add3A_138 = arith.addi %mul3A_136, %add3A_137 : i32
        %get3A_139 = arith.index_cast %add3A_138 : i32 to index
        %get3A_140 = arith.constant 0 : index
        %get3A_141 = tpu.vector_load %arg5[%get3A_139, %get3A_140] {strides = array<i32>} : memref<1568x16xf32, #tpu.memory_space<vmem>>, vector<1x16xf32>,
        %get3A_142 = vector.shape_cast %get3A_141 : vector<1x16xf32> to vector<16xf32>
        %get3A_143 = arith.index_cast %add3A_138 : i32 to index
        %get3A_144 = arith.constant 0 : index
        %get3A_145 = tpu.vector_load %arg6[%get3A_143, %get3A_144] {strides = array<i32>} : memref<1568x16xf32, #tpu.memory_space<vmem>>, vector<1x16xf32>,
        %get3A_146 = vector.shape_cast %get3A_145 : vector<1x16xf32> to vector<16xf32>
        %add3A_147 = arith.addf %get3A_142, %get3A_146 : vector<16xf32>
        %slice3A_148 = vector.extract_strided_slice %get3A_27 {offsets = [5], sizes = [1], strides = [1]} : vector<16xf32> to vector<1xf32>
        %squeeze3A_149 = vector.extract %slice3A_148[0] : f32 from vector<1xf32>
        %mul3A_150 = vector.broadcast %squeeze3A_149 : f32 to vector<16xf32>
        %mul3A_151 = arith.mulf %add3A_147, %mul3A_150 : vector<16xf32>
        %swap3A_152 = arith.index_cast %add3A_138 : i32 to index
        %swap3A_153 = arith.constant 0 : index
        %swap3A_154 = tpu.vector_load %arg5[%swap3A_152, %swap3A_153] {strides = array<i32>} : memref<1568x16xf32, #tpu.memory_space<vmem>>, vector<1x16xf32>,
        %swap3A_155 = vector.shape_cast %swap3A_154 : vector<1x16xf32> to vector<16xf32>
        %swap3A_156 = vector.shape_cast %mul3A_151 : vector<16xf32> to vector<1x16xf32>
        tpu.vector_store %arg5[%swap3A_152, %swap3A_153], %swap3A_156 {strides = array<i32>} : memref<1568x16xf32, #tpu.memory_space<vmem>>, vector<1x16xf32>,
        %mul3A_157 = arith.constant 16 : i32
        %mul3A_158 = arith.muli %scan3A_23, %mul3A_157 : i32
        %add3A_159 = arith.constant 6 : i32
        %add3A_160 = arith.addi %mul3A_158, %add3A_159 : i32
        %get3A_161 = arith.index_cast %add3A_160 : i32 to index
        %get3A_162 = arith.constant 0 : index
        %get3A_163 = tpu.vector_load %arg5[%get3A_161, %get3A_162] {strides = array<i32>} : memref<1568x16xf32, #tpu.memory_space<vmem>>, vector<1x16xf32>,
        %get3A_164 = vector.shape_cast %get3A_163 : vector<1x16xf32> to vector<16xf32>
        %get3A_165 = arith.index_cast %add3A_160 : i32 to index
        %get3A_166 = arith.constant 0 : index
        %get3A_167 = tpu.vector_load %arg6[%get3A_165, %get3A_166] {strides = array<i32>} : memref<1568x16xf32, #tpu.memory_space<vmem>>, vector<1x16xf32>,
        %get3A_168 = vector.shape_cast %get3A_167 : vector<1x16xf32> to vector<16xf32>
        %add3A_169 = arith.addf %get3A_164, %get3A_168 : vector<16xf32>
        %slice3A_170 = vector.extract_strided_slice %get3A_27 {offsets = [6], sizes = [1], strides = [1]} : vector<16xf32> to vector<1xf32>
        %squeeze3A_171 = vector.extract %slice3A_170[0] : f32 from vector<1xf32>
        %mul3A_172 = vector.broadcast %squeeze3A_171 : f32 to vector<16xf32>
        %mul3A_173 = arith.mulf %add3A_169, %mul3A_172 : vector<16xf32>
        %swap3A_174 = arith.index_cast %add3A_160 : i32 to index
        %swap3A_175 = arith.constant 0 : index
        %swap3A_176 = tpu.vector_load %arg5[%swap3A_174, %swap3A_175] {strides = array<i32>} : memref<1568x16xf32, #tpu.memory_space<vmem>>, vector<1x16xf32>,
        %swap3A_177 = vector.shape_cast %swap3A_176 : vector<1x16xf32> to vector<16xf32>
        %swap3A_178 = vector.shape_cast %mul3A_173 : vector<16xf32> to vector<1x16xf32>
        tpu.vector_store %arg5[%swap3A_174, %swap3A_175], %swap3A_178 {strides = array<i32>} : memref<1568x16xf32, #tpu.memory_space<vmem>>, vector<1x16xf32>,
        %mul3A_179 = arith.constant 16 : i32
        %mul3A_180 = arith.muli %scan3A_23, %mul3A_179 : i32
        %add3A_181 = arith.constant 7 : i32
        %add3A_182 = arith.addi %mul3A_180, %add3A_181 : i32
        %get3A_183 = arith.index_cast %add3A_182 : i32 to index
        %get3A_184 = arith.constant 0 : index
        %get3A_185 = tpu.vector_load %arg5[%get3A_183, %get3A_184] {strides = array<i32>} : memref<1568x16xf32, #tpu.memory_space<vmem>>, vector<1x16xf32>,
        %get3A_186 = vector.shape_cast %get3A_185 : vector<1x16xf32> to vector<16xf32>
        %get3A_187 = arith.index_cast %add3A_182 : i32 to index
        %get3A_188 = arith.constant 0 : index
        %get3A_189 = tpu.vector_load %arg6[%get3A_187, %get3A_188] {strides = array<i32>} : memref<1568x16xf32, #tpu.memory_space<vmem>>, vector<1x16xf32>,
        %get3A_190 = vector.shape_cast %get3A_189 : vector<1x16xf32> to vector<16xf32>
        %add3A_191 = arith.addf %get3A_186, %get3A_190 : vector<16xf32>
        %slice3A_192 = vector.extract_strided_slice %get3A_27 {offsets = [7], sizes = [1], strides = [1]} : vector<16xf32> to vector<1xf32>
        %squeeze3A_193 = vector.extract %slice3A_192[0] : f32 from vector<1xf32>
        %mul3A_194 = vector.broadcast %squeeze3A_193 : f32 to vector<16xf32>
        %mul3A_195 = arith.mulf %add3A_191, %mul3A_194 : vector<16xf32>
        %swap3A_196 = arith.index_cast %add3A_182 : i32 to index
        %swap3A_197 = arith.constant 0 : index
        %swap3A_198 = tpu.vector_load %arg5[%swap3A_196, %swap3A_197] {strides = array<i32>} : memref<1568x16xf32, #tpu.memory_space<vmem>>, vector<1x16xf32>,
        %swap3A_199 = vector.shape_cast %swap3A_198 : vector<1x16xf32> to vector<16xf32>
        %swap3A_200 = vector.shape_cast %mul3A_195 : vector<16xf32> to vector<1x16xf32>
        tpu.vector_store %arg5[%swap3A_196, %swap3A_197], %swap3A_200 {strides = array<i32>} : memref<1568x16xf32, #tpu.memory_space<vmem>>, vector<1x16xf32>,
        %mul3A_201 = arith.constant 16 : i32
        %mul3A_202 = arith.muli %scan3A_23, %mul3A_201 : i32
        %add3A_203 = arith.constant 8 : i32
        %add3A_204 = arith.addi %mul3A_202, %add3A_203 : i32
        %get3A_205 = arith.index_cast %add3A_204 : i32 to index
        %get3A_206 = arith.constant 0 : index
        %get3A_207 = tpu.vector_load %arg5[%get3A_205, %get3A_206] {strides = array<i32>} : memref<1568x16xf32, #tpu.memory_space<vmem>>, vector<1x16xf32>,
        %get3A_208 = vector.shape_cast %get3A_207 : vector<1x16xf32> to vector<16xf32>
        %get3A_209 = arith.index_cast %add3A_204 : i32 to index
        %get3A_210 = arith.constant 0 : index
        %get3A_211 = tpu.vector_load %arg6[%get3A_209, %get3A_210] {strides = array<i32>} : memref<1568x16xf32, #tpu.memory_space<vmem>>, vector<1x16xf32>,
        %get3A_212 = vector.shape_cast %get3A_211 : vector<1x16xf32> to vector<16xf32>
        %add3A_213 = arith.addf %get3A_208, %get3A_212 : vector<16xf32>
        %slice3A_214 = vector.extract_strided_slice %get3A_27 {offsets = [8], sizes = [1], strides = [1]} : vector<16xf32> to vector<1xf32>
        %squeeze3A_215 = vector.extract %slice3A_214[0] : f32 from vector<1xf32>
        %mul3A_216 = vector.broadcast %squeeze3A_215 : f32 to vector<16xf32>
        %mul3A_217 = arith.mulf %add3A_213, %mul3A_216 : vector<16xf32>
        %swap3A_218 = arith.index_cast %add3A_204 : i32 to index
        %swap3A_219 = arith.constant 0 : index
        %swap3A_220 = tpu.vector_load %arg5[%swap3A_218, %swap3A_219] {strides = array<i32>} : memref<1568x16xf32, #tpu.memory_space<vmem>>, vector<1x16xf32>,
        %swap3A_221 = vector.shape_cast %swap3A_220 : vector<1x16xf32> to vector<16xf32>
        %swap3A_222 = vector.shape_cast %mul3A_217 : vector<16xf32> to vector<1x16xf32>
        tpu.vector_store %arg5[%swap3A_218, %swap3A_219], %swap3A_222 {strides = array<i32>} : memref<1568x16xf32, #tpu.memory_space<vmem>>, vector<1x16xf32>,
        %mul3A_223 = arith.constant 16 : i32
        %mul3A_224 = arith.muli %scan3A_23, %mul3A_223 : i32
        %add3A_225 = arith.constant 9 : i32
        %add3A_226 = arith.addi %mul3A_224, %add3A_225 : i32
        %get3A_227 = arith.index_cast %add3A_226 : i32 to index
        %get3A_228 = arith.constant 0 : index
        %get3A_229 = tpu.vector_load %arg5[%get3A_227, %get3A_228] {strides = array<i32>} : memref<1568x16xf32, #tpu.memory_space<vmem>>, vector<1x16xf32>,
        %get3A_230 = vector.shape_cast %get3A_229 : vector<1x16xf32> to vector<16xf32>
        %get3A_231 = arith.index_cast %add3A_226 : i32 to index
        %get3A_232 = arith.constant 0 : index
        %get3A_233 = tpu.vector_load %arg6[%get3A_231, %get3A_232] {strides = array<i32>} : memref<1568x16xf32, #tpu.memory_space<vmem>>, vector<1x16xf32>,
        %get3A_234 = vector.shape_cast %get3A_233 : vector<1x16xf32> to vector<16xf32>
        %add3A_235 = arith.addf %get3A_230, %get3A_234 : vector<16xf32>
        %slice3A_236 = vector.extract_strided_slice %get3A_27 {offsets = [9], sizes = [1], strides = [1]} : vector<16xf32> to vector<1xf32>
        %squeeze3A_237 = vector.extract %slice3A_236[0] : f32 from vector<1xf32>
        %mul3A_238 = vector.broadcast %squeeze3A_237 : f32 to vector<16xf32>
        %mul3A_239 = arith.mulf %add3A_235, %mul3A_238 : vector<16xf32>
        %swap3A_240 = arith.index_cast %add3A_226 : i32 to index
        %swap3A_241 = arith.constant 0 : index
        %swap3A_242 = tpu.vector_load %arg5[%swap3A_240, %swap3A_241] {strides = array<i32>} : memref<1568x16xf32, #tpu.memory_space<vmem>>, vector<1x16xf32>,
        %swap3A_243 = vector.shape_cast %swap3A_242 : vector<1x16xf32> to vector<16xf32>
        %swap3A_244 = vector.shape_cast %mul3A_239 : vector<16xf32> to vector<1x16xf32>
        tpu.vector_store %arg5[%swap3A_240, %swap3A_241], %swap3A_244 {strides = array<i32>} : memref<1568x16xf32, #tpu.memory_space<vmem>>, vector<1x16xf32>,
        %mul3A_245 = arith.constant 16 : i32
        %mul3A_246 = arith.muli %scan3A_23, %mul3A_245 : i32
        %add3A_247 = arith.constant 10 : i32
        %add3A_248 = arith.addi %mul3A_246, %add3A_247 : i32
        %get3A_249 = arith.index_cast %add3A_248 : i32 to index
        %get3A_250 = arith.constant 0 : index
        %get3A_251 = tpu.vector_load %arg5[%get3A_249, %get3A_250] {strides = array<i32>} : memref<1568x16xf32, #tpu.memory_space<vmem>>, vector<1x16xf32>,
        %get3A_252 = vector.shape_cast %get3A_251 : vector<1x16xf32> to vector<16xf32>
        %get3A_253 = arith.index_cast %add3A_248 : i32 to index
        %get3A_254 = arith.constant 0 : index
        %get3A_255 = tpu.vector_load %arg6[%get3A_253, %get3A_254] {strides = array<i32>} : memref<1568x16xf32, #tpu.memory_space<vmem>>, vector<1x16xf32>,
        %get3A_256 = vector.shape_cast %get3A_255 : vector<1x16xf32> to vector<16xf32>
        %add3A_257 = arith.addf %get3A_252, %get3A_256 : vector<16xf32>
        %slice3A_258 = vector.extract_strided_slice %get3A_27 {offsets = [10], sizes = [1], strides = [1]} : vector<16xf32> to vector<1xf32>
        %squeeze3A_259 = vector.extract %slice3A_258[0] : f32 from vector<1xf32>
        %mul3A_260 = vector.broadcast %squeeze3A_259 : f32 to vector<16xf32>
        %mul3A_261 = arith.mulf %add3A_257, %mul3A_260 : vector<16xf32>
        %swap3A_262 = arith.index_cast %add3A_248 : i32 to index
        %swap3A_263 = arith.constant 0 : index
        %swap3A_264 = tpu.vector_load %arg5[%swap3A_262, %swap3A_263] {strides = array<i32>} : memref<1568x16xf32, #tpu.memory_space<vmem>>, vector<1x16xf32>,
        %swap3A_265 = vector.shape_cast %swap3A_264 : vector<1x16xf32> to vector<16xf32>
        %swap3A_266 = vector.shape_cast %mul3A_261 : vector<16xf32> to vector<1x16xf32>
        tpu.vector_store %arg5[%swap3A_262, %swap3A_263], %swap3A_266 {strides = array<i32>} : memref<1568x16xf32, #tpu.memory_space<vmem>>, vector<1x16xf32>,
        %mul3A_267 = arith.constant 16 : i32
        %mul3A_268 = arith.muli %scan3A_23, %mul3A_267 : i32
        %add3A_269 = arith.constant 11 : i32
        %add3A_270 = arith.addi %mul3A_268, %add3A_269 : i32
        %get3A_271 = arith.index_cast %add3A_270 : i32 to index
        %get3A_272 = arith.constant 0 : index
        %get3A_273 = tpu.vector_load %arg5[%get3A_271, %get3A_272] {strides = array<i32>} : memref<1568x16xf32, #tpu.memory_space<vmem>>, vector<1x16xf32>,
        %get3A_274 = vector.shape_cast %get3A_273 : vector<1x16xf32> to vector<16xf32>
        %get3A_275 = arith.index_cast %add3A_270 : i32 to index
        %get3A_276 = arith.constant 0 : index
        %get3A_277 = tpu.vector_load %arg6[%get3A_275, %get3A_276] {strides = array<i32>} : memref<1568x16xf32, #tpu.memory_space<vmem>>, vector<1x16xf32>,
        %get3A_278 = vector.shape_cast %get3A_277 : vector<1x16xf32> to vector<16xf32>
        %add3A_279 = arith.addf %get3A_274, %get3A_278 : vector<16xf32>
        %slice3A_280 = vector.extract_strided_slice %get3A_27 {offsets = [11], sizes = [1], strides = [1]} : vector<16xf32> to vector<1xf32>
        %squeeze3A_281 = vector.extract %slice3A_280[0] : f32 from vector<1xf32>
        %mul3A_282 = vector.broadcast %squeeze3A_281 : f32 to vector<16xf32>
        %mul3A_283 = arith.mulf %add3A_279, %mul3A_282 : vector<16xf32>
        %swap3A_284 = arith.index_cast %add3A_270 : i32 to index
        %swap3A_285 = arith.constant 0 : index
        %swap3A_286 = tpu.vector_load %arg5[%swap3A_284, %swap3A_285] {strides = array<i32>} : memref<1568x16xf32, #tpu.memory_space<vmem>>, vector<1x16xf32>,
        %swap3A_287 = vector.shape_cast %swap3A_286 : vector<1x16xf32> to vector<16xf32>
        %swap3A_288 = vector.shape_cast %mul3A_283 : vector<16xf32> to vector<1x16xf32>
        tpu.vector_store %arg5[%swap3A_284, %swap3A_285], %swap3A_288 {strides = array<i32>} : memref<1568x16xf32, #tpu.memory_space<vmem>>, vector<1x16xf32>,
        %mul3A_289 = arith.constant 16 : i32
        %mul3A_290 = arith.muli %scan3A_23, %mul3A_289 : i32
        %add3A_291 = arith.constant 12 : i32
        %add3A_292 = arith.addi %mul3A_290, %add3A_291 : i32
        %get3A_293 = arith.index_cast %add3A_292 : i32 to index
        %get3A_294 = arith.constant 0 : index
        %get3A_295 = tpu.vector_load %arg5[%get3A_293, %get3A_294] {strides = array<i32>} : memref<1568x16xf32, #tpu.memory_space<vmem>>, vector<1x16xf32>,
        %get3A_296 = vector.shape_cast %get3A_295 : vector<1x16xf32> to vector<16xf32>
        %get3A_297 = arith.index_cast %add3A_292 : i32 to index
        %get3A_298 = arith.constant 0 : index
        %get3A_299 = tpu.vector_load %arg6[%get3A_297, %get3A_298] {strides = array<i32>} : memref<1568x16xf32, #tpu.memory_space<vmem>>, vector<1x16xf32>,
        %get3A_300 = vector.shape_cast %get3A_299 : vector<1x16xf32> to vector<16xf32>
        %add3A_301 = arith.addf %get3A_296, %get3A_300 : vector<16xf32>
        %slice3A_302 = vector.extract_strided_slice %get3A_27 {offsets = [12], sizes = [1], strides = [1]} : vector<16xf32> to vector<1xf32>
        %squeeze3A_303 = vector.extract %slice3A_302[0] : f32 from vector<1xf32>
        %mul3A_304 = vector.broadcast %squeeze3A_303 : f32 to vector<16xf32>
        %mul3A_305 = arith.mulf %add3A_301, %mul3A_304 : vector<16xf32>
        %swap3A_306 = arith.index_cast %add3A_292 : i32 to index
        %swap3A_307 = arith.constant 0 : index
        %swap3A_308 = tpu.vector_load %arg5[%swap3A_306, %swap3A_307] {strides = array<i32>} : memref<1568x16xf32, #tpu.memory_space<vmem>>, vector<1x16xf32>,
        %swap3A_309 = vector.shape_cast %swap3A_308 : vector<1x16xf32> to vector<16xf32>
        %swap3A_310 = vector.shape_cast %mul3A_305 : vector<16xf32> to vector<1x16xf32>
        tpu.vector_store %arg5[%swap3A_306, %swap3A_307], %swap3A_310 {strides = array<i32>} : memref<1568x16xf32, #tpu.memory_space<vmem>>, vector<1x16xf32>,
        %mul3A_311 = arith.constant 16 : i32
        %mul3A_312 = arith.muli %scan3A_23, %mul3A_311 : i32
        %add3A_313 = arith.constant 13 : i32
        %add3A_314 = arith.addi %mul3A_312, %add3A_313 : i32
        %get3A_315 = arith.index_cast %add3A_314 : i32 to index
        %get3A_316 = arith.constant 0 : index
        %get3A_317 = tpu.vector_load %arg5[%get3A_315, %get3A_316] {strides = array<i32>} : memref<1568x16xf32, #tpu.memory_space<vmem>>, vector<1x16xf32>,
        %get3A_318 = vector.shape_cast %get3A_317 : vector<1x16xf32> to vector<16xf32>
        %get3A_319 = arith.index_cast %add3A_314 : i32 to index
        %get3A_320 = arith.constant 0 : index
        %get3A_321 = tpu.vector_load %arg6[%get3A_319, %get3A_320] {strides = array<i32>} : memref<1568x16xf32, #tpu.memory_space<vmem>>, vector<1x16xf32>,
        %get3A_322 = vector.shape_cast %get3A_321 : vector<1x16xf32> to vector<16xf32>
        %add3A_323 = arith.addf %get3A_318, %get3A_322 : vector<16xf32>
        %slice3A_324 = vector.extract_strided_slice %get3A_27 {offsets = [13], sizes = [1], strides = [1]} : vector<16xf32> to vector<1xf32>
        %squeeze3A_325 = vector.extract %slice3A_324[0] : f32 from vector<1xf32>
        %mul3A_326 = vector.broadcast %squeeze3A_325 : f32 to vector<16xf32>
        %mul3A_327 = arith.mulf %add3A_323, %mul3A_326 : vector<16xf32>
        %swap3A_328 = arith.index_cast %add3A_314 : i32 to index
        %swap3A_329 = arith.constant 0 : index
        %swap3A_330 = tpu.vector_load %arg5[%swap3A_328, %swap3A_329] {strides = array<i32>} : memref<1568x16xf32, #tpu.memory_space<vmem>>, vector<1x16xf32>,
        %swap3A_331 = vector.shape_cast %swap3A_330 : vector<1x16xf32> to vector<16xf32>
        %swap3A_332 = vector.shape_cast %mul3A_327 : vector<16xf32> to vector<1x16xf32>
        tpu.vector_store %arg5[%swap3A_328, %swap3A_329], %swap3A_332 {strides = array<i32>} : memref<1568x16xf32, #tpu.memory_space<vmem>>, vector<1x16xf32>,
        %mul3A_333 = arith.constant 16 : i32
        %mul3A_334 = arith.muli %scan3A_23, %mul3A_333 : i32
        %add3A_335 = arith.constant 14 : i32
        %add3A_336 = arith.addi %mul3A_334, %add3A_335 : i32
        %get3A_337 = arith.index_cast %add3A_336 : i32 to index
        %get3A_338 = arith.constant 0 : index
        %get3A_339 = tpu.vector_load %arg5[%get3A_337, %get3A_338] {strides = array<i32>} : memref<1568x16xf32, #tpu.memory_space<vmem>>, vector<1x16xf32>,
        %get3A_340 = vector.shape_cast %get3A_339 : vector<1x16xf32> to vector<16xf32>
        %get3A_341 = arith.index_cast %add3A_336 : i32 to index
        %get3A_342 = arith.constant 0 : index
        %get3A_343 = tpu.vector_load %arg6[%get3A_341, %get3A_342] {strides = array<i32>} : memref<1568x16xf32, #tpu.memory_space<vmem>>, vector<1x16xf32>,
        %get3A_344 = vector.shape_cast %get3A_343 : vector<1x16xf32> to vector<16xf32>
        %add3A_345 = arith.addf %get3A_340, %get3A_344 : vector<16xf32>
        %slice3A_346 = vector.extract_strided_slice %get3A_27 {offsets = [14], sizes = [1], strides = [1]} : vector<16xf32> to vector<1xf32>
        %squeeze3A_347 = vector.extract %slice3A_346[0] : f32 from vector<1xf32>
        %mul3A_348 = vector.broadcast %squeeze3A_347 : f32 to vector<16xf32>
        %mul3A_349 = arith.mulf %add3A_345, %mul3A_348 : vector<16xf32>
        %swap3A_350 = arith.index_cast %add3A_336 : i32 to index
        %swap3A_351 = arith.constant 0 : index
        %swap3A_352 = tpu.vector_load %arg5[%swap3A_350, %swap3A_351] {strides = array<i32>} : memref<1568x16xf32, #tpu.memory_space<vmem>>, vector<1x16xf32>,
        %swap3A_353 = vector.shape_cast %swap3A_352 : vector<1x16xf32> to vector<16xf32>
        %swap3A_354 = vector.shape_cast %mul3A_349 : vector<16xf32> to vector<1x16xf32>
        tpu.vector_store %arg5[%swap3A_350, %swap3A_351], %swap3A_354 {strides = array<i32>} : memref<1568x16xf32, #tpu.memory_space<vmem>>, vector<1x16xf32>,
        %mul3A_355 = arith.constant 16 : i32
        %mul3A_356 = arith.muli %scan3A_23, %mul3A_355 : i32
        %add3A_357 = arith.constant 15 : i32
        %add3A_358 = arith.addi %mul3A_356, %add3A_357 : i32
        %get3A_359 = arith.index_cast %add3A_358 : i32 to index
        %get3A_360 = arith.constant 0 : index
        %get3A_361 = tpu.vector_load %arg5[%get3A_359, %get3A_360] {strides = array<i32>} : memref<1568x16xf32, #tpu.memory_space<vmem>>, vector<1x16xf32>,
        %get3A_362 = vector.shape_cast %get3A_361 : vector<1x16xf32> to vector<16xf32>
        %get3A_363 = arith.index_cast %add3A_358 : i32 to index
        %get3A_364 = arith.constant 0 : index
        %get3A_365 = tpu.vector_load %arg6[%get3A_363, %get3A_364] {strides = array<i32>} : memref<1568x16xf32, #tpu.memory_space<vmem>>, vector<1x16xf32>,
        %get3A_366 = vector.shape_cast %get3A_365 : vector<1x16xf32> to vector<16xf32>
        %add3A_367 = arith.addf %get3A_362, %get3A_366 : vector<16xf32>
        %slice3A_368 = vector.extract_strided_slice %get3A_27 {offsets = [15], sizes = [1], strides = [1]} : vector<16xf32> to vector<1xf32>
        %squeeze3A_369 = vector.extract %slice3A_368[0] : f32 from vector<1xf32>
        %mul3A_370 = vector.broadcast %squeeze3A_369 : f32 to vector<16xf32>
        %mul3A_371 = arith.mulf %add3A_367, %mul3A_370 : vector<16xf32>
        %swap3A_372 = arith.index_cast %add3A_358 : i32 to index
        %swap3A_373 = arith.constant 0 : index
        %swap3A_374 = tpu.vector_load %arg5[%swap3A_372, %swap3A_373] {strides = array<i32>} : memref<1568x16xf32, #tpu.memory_space<vmem>>, vector<1x16xf32>,
        %swap3A_375 = vector.shape_cast %swap3A_374 : vector<1x16xf32> to vector<16xf32>
        %swap3A_376 = vector.shape_cast %mul3A_371 : vector<16xf32> to vector<1x16xf32>
        tpu.vector_store %arg5[%swap3A_372, %swap3A_373], %swap3A_376 {strides = array<i32>} : memref<1568x16xf32, #tpu.memory_space<vmem>>, vector<1x16xf32>,
      }
      %scan3A_22 = arith.constant 87 : i32
      "tpu.region"() ({
        %run_scoped3A = tpu.sem_alloc : memref<!tpu.dma_semaphore, #tpu.memory_space<semaphore_mem>>
        %dma_start3A = arith.constant 0 : i32
        %dma_start3A_23 = arith.constant 0 : i32
        %dma_start3A_24 = tpu.memref_slice %arg5[%dma_start3A, %dma_start3A_23] : memref<1568x16xf32, #tpu.memory_space<vmem>> -> memref<1392x16xf32, #tpu.memory_space<vmem>>
        %dma_start3A_25 = arith.constant 0 : i32
        %dma_start3A_26 = tpu.memref_slice %arg4[%mul3A_2, %dma_start3A_25] : memref<50000x16xf32, #tpu.memory_space<hbm>> -> memref<1392x16xf32, #tpu.memory_space<hbm>>
        %dma_start3A_27 = arith.constant 0 : i32
        %dma_start3A_28 = tpu.memref_slice %arg4[%mul3A_2, %dma_start3A_27] : memref<50000x16xf32, #tpu.memory_space<hbm>> -> memref<1392x16xf32, #tpu.memory_space<hbm>>
        %dma_start3A_29 = arith.constant 0 : i32
        %dma_start3A_30 = arith.constant 0 : i32
        %dma_start3A_31 = tpu.memref_slice %arg5[%dma_start3A_29, %dma_start3A_30] : memref<1568x16xf32, #tpu.memory_space<vmem>> -> memref<1392x16xf32, #tpu.memory_space<vmem>>
        tpu.enqueue_dma source(%dma_start3A_31 : memref<1392x16xf32, #tpu.memory_space<vmem>>) target(%dma_start3A_28 : memref<1392x16xf32, #tpu.memory_space<hbm>>) target_semaphore(%run_scoped3A : memref<!tpu.dma_semaphore, #tpu.memory_space<semaphore_mem>>)
        %dma_wait3A = arith.constant 0 : i32
        %dma_wait3A_32 = arith.constant 0 : i32
        %dma_wait3A_33 = tpu.memref_slice %arg5[%dma_wait3A, %dma_wait3A_32] : memref<1568x16xf32, #tpu.memory_space<vmem>> -> memref<1392x16xf32, #tpu.memory_space<vmem>>
        %dma_wait3A_34 = arith.constant 0 : i32
        %dma_wait3A_35 = tpu.memref_slice %arg4[%mul3A_2, %dma_wait3A_34] : memref<50000x16xf32, #tpu.memory_space<hbm>> -> memref<1392x16xf32, #tpu.memory_space<hbm>>
        %dma_wait3A_36 = arith.constant 0 : i32
        %dma_wait3A_37 = tpu.memref_slice %arg4[%mul3A_2, %dma_wait3A_36] : memref<50000x16xf32, #tpu.memory_space<hbm>> -> memref<1392x16xf32, #tpu.memory_space<hbm>>
        %dma_wait3A_38 = arith.constant 0 : i32
        %dma_wait3A_39 = arith.constant 0 : i32
        %dma_wait3A_40 = tpu.memref_slice %arg5[%dma_wait3A_38, %dma_wait3A_39] : memref<1568x16xf32, #tpu.memory_space<vmem>> -> memref<1392x16xf32, #tpu.memory_space<vmem>>
        tpu.wait_dma2 semaphore(%run_scoped3A : memref<!tpu.dma_semaphore, #tpu.memory_space<semaphore_mem>>) src(%dma_wait3A_40 : memref<1392x16xf32, #tpu.memory_space<vmem>>) dst(%dma_wait3A_37 : memref<1392x16xf32, #tpu.memory_space<hbm>>)
        tpu.yield
      }) : () -> ()
    } else {
    }
    return
  }
}

#map = affine_map<(d0, d1) -> (0, 0)>
#map1 = affine_map<(d0, d1) -> (0)>
module attributes {stable_mosaic.version = 14 : i64} {
  func.func @k(%arg0: i32, %arg1: i32, %arg2: memref<400000x16xf32, #tpu.memory_space<hbm>>, %arg3: memref<1600000xi32, #tpu.memory_space<hbm>>, %arg4: memref<1600000xi32, #tpu.memory_space<hbm>>, %arg5: memref<1600000xi32, #tpu.memory_space<hbm>>, %arg6: memref<3128xf32, #tpu.memory_space<hbm>>, %arg7: memref<100096x16xf32, #tpu.memory_space<hbm>>, %arg8: memref<100096xf32, #tpu.memory_space<hbm>>, %arg9: memref<2000xi32, #tpu.memory_space<vmem>>, %arg10: memref<2000xi32, #tpu.memory_space<vmem>>, %arg11: memref<2000xi32, #tpu.memory_space<vmem>>, %arg12: memref<2000xi32, #tpu.memory_space<vmem>>, %arg13: memref<2000xi32, #tpu.memory_space<vmem>>, %arg14: memref<2000x16xf32, #tpu.memory_space<vmem>>, %arg15: memref<2000x16xf32, #tpu.memory_space<vmem>>, %arg16: memref<2000xf32, #tpu.memory_space<vmem>>, %arg17: memref<50048x16xf32, #tpu.memory_space<vmem_shared>>, %arg18: memref<50048xf32, #tpu.memory_space<vmem_shared>>, %arg19: memref<!tpu.dma_semaphore, #tpu.memory_space<semaphore_mem>>, %arg20: memref<!tpu.dma_semaphore, #tpu.memory_space<semaphore_mem>>, %arg21: memref<!tpu.dma_semaphore, #tpu.memory_space<semaphore_mem>>, %arg22: memref<!tpu.dma_semaphore, #tpu.memory_space<semaphore_mem>>, %arg23: memref<!tpu.dma_semaphore, #tpu.memory_space<semaphore_mem>>) attributes {dimension_semantics = [#tpu.dimension_semantics<core_parallel>, #tpu.dimension_semantics<subcore_parallel>], iteration_bounds = array<i64: 2, 16>, scalar_prefetch = 0 : i64, scratch_operands = 15 : i64, tpu.core_type = #tpu.core_type<sc_vector_subcore>, window_params = [{transform_indices = #map}, {transform_indices = #map1}, {transform_indices = #map1}, {transform_indices = #map1}, {transform_indices = #map1}, {transform_indices = #map}, {transform_indices = #map1}]} {
    %mul3A = arith.constant 16 : i32
    %mul3A_0 = arith.muli %arg0, %mul3A : i32
    %add3A = arith.addi %mul3A_0, %arg1 : i32
    %broadcast_in_dim3A = arith.constant 0.000000e+00 : f32
    %broadcast_in_dim3A_1 = vector.broadcast %broadcast_in_dim3A : f32 to vector<16xf32>
    %broadcast_in_dim3A_2 = arith.constant 1.000000e+00 : f32
    %broadcast_in_dim3A_3 = vector.broadcast %broadcast_in_dim3A_2 : f32 to vector<16xf32>
    %scan3A = arith.constant 0 : i32
    %scan3A_4 = arith.constant 2000 : i32
    %scan3A_5 = arith.addi %scan3A, %scan3A_4 : i32
    %scan3A_6 = arith.constant 1 : i32
    scf.for %scan3A_606 = %scan3A to %scan3A_5 step %scan3A_6  : i32 {
      %swap3A = arith.index_cast %scan3A_606 : i32 to index
      %swap3A_607 = arith.constant 0 : index
      %swap3A_608 = tpu.vector_load %arg14[%swap3A, %swap3A_607] {strides = array<i32>} : memref<2000x16xf32, #tpu.memory_space<vmem>>, vector<1x16xf32>,
      %swap3A_609 = vector.shape_cast %swap3A_608 : vector<1x16xf32> to vector<16xf32>
      %swap3A_610 = vector.shape_cast %broadcast_in_dim3A_1 : vector<16xf32> to vector<1x16xf32>
      tpu.vector_store %arg14[%swap3A, %swap3A_607], %swap3A_610 {strides = array<i32>} : memref<2000x16xf32, #tpu.memory_space<vmem>>, vector<1x16xf32>,
    }
    %scan3A_7 = arith.constant 2000 : i32
    %scan3A_8 = arith.constant 0 : i32
    %scan3A_9 = arith.constant 125 : i32
    %scan3A_10 = arith.addi %scan3A_8, %scan3A_9 : i32
    %scan3A_11 = arith.constant 1 : i32
    scf.for %scan3A_606 = %scan3A_8 to %scan3A_10 step %scan3A_11  : i32 {
      %mul3A_607 = arith.constant 16 : i32
      %mul3A_608 = arith.muli %scan3A_606, %mul3A_607 : i32
      %swap3A = arith.index_cast %mul3A_608 : i32 to index
      %swap3A_609 = tpu.vector_load %arg16[%swap3A] {strides = array<i32>} : memref<2000xf32, #tpu.memory_space<vmem>>, vector<16xf32>,
      %swap3A_610 = vector.shape_cast %swap3A_609 : vector<16xf32> to vector<16xf32>
      %swap3A_611 = vector.shape_cast %broadcast_in_dim3A_3 : vector<16xf32> to vector<16xf32>
      tpu.vector_store %arg16[%swap3A], %swap3A_611 {strides = array<i32>} : memref<2000xf32, #tpu.memory_space<vmem>>, vector<16xf32>,
    }
    %scan3A_12 = arith.constant 125 : i32
    %mul3A_13 = arith.constant 3128 : i32
    %mul3A_14 = arith.muli %arg1, %mul3A_13 : i32
    "tpu.region"() ({
      %run_scoped3A = tpu.sem_alloc : memref<!tpu.dma_semaphore, #tpu.memory_space<semaphore_mem>>
      %dma_start3A_606 = arith.constant 0 : i32
      %dma_start3A_607 = tpu.memref_slice %arg17[%mul3A_14, %dma_start3A_606] : memref<50048x16xf32, #tpu.memory_space<vmem_shared>> -> memref<2000x16xf32, #tpu.memory_space<vmem_shared>>
      %dma_start3A_608 = arith.constant 0 : i32
      %dma_start3A_609 = tpu.memref_slice %arg17[%mul3A_14, %dma_start3A_608] : memref<50048x16xf32, #tpu.memory_space<vmem_shared>> -> memref<2000x16xf32, #tpu.memory_space<vmem_shared>>
      tpu.enqueue_dma source(%arg14 : memref<2000x16xf32, #tpu.memory_space<vmem>>) target(%dma_start3A_609 : memref<2000x16xf32, #tpu.memory_space<vmem_shared>>) target_semaphore(%run_scoped3A : memref<!tpu.dma_semaphore, #tpu.memory_space<semaphore_mem>>)
      %dma_wait3A_610 = arith.constant 0 : i32
      %dma_wait3A_611 = tpu.memref_slice %arg17[%mul3A_14, %dma_wait3A_610] : memref<50048x16xf32, #tpu.memory_space<vmem_shared>> -> memref<2000x16xf32, #tpu.memory_space<vmem_shared>>
      %dma_wait3A_612 = arith.constant 0 : i32
      %dma_wait3A_613 = tpu.memref_slice %arg17[%mul3A_14, %dma_wait3A_612] : memref<50048x16xf32, #tpu.memory_space<vmem_shared>> -> memref<2000x16xf32, #tpu.memory_space<vmem_shared>>
      tpu.wait_dma2 semaphore(%run_scoped3A : memref<!tpu.dma_semaphore, #tpu.memory_space<semaphore_mem>>) src(%arg14 : memref<2000x16xf32, #tpu.memory_space<vmem>>) dst(%dma_wait3A_613 : memref<2000x16xf32, #tpu.memory_space<vmem_shared>>)
      tpu.yield
    }) : () -> ()
    %add3A_15 = arith.constant 2000 : i32
    %add3A_16 = arith.addi %mul3A_14, %add3A_15 : i32
    "tpu.region"() ({
      %run_scoped3A = tpu.sem_alloc : memref<!tpu.dma_semaphore, #tpu.memory_space<semaphore_mem>>
      %dma_start3A_606 = arith.constant 0 : i32
      %dma_start3A_607 = arith.constant 0 : i32
      %dma_start3A_608 = tpu.memref_slice %arg14[%dma_start3A_606, %dma_start3A_607] : memref<2000x16xf32, #tpu.memory_space<vmem>> -> memref<1128x16xf32, #tpu.memory_space<vmem>>
      %dma_start3A_609 = arith.constant 0 : i32
      %dma_start3A_610 = tpu.memref_slice %arg17[%add3A_16, %dma_start3A_609] : memref<50048x16xf32, #tpu.memory_space<vmem_shared>> -> memref<1128x16xf32, #tpu.memory_space<vmem_shared>>
      %dma_start3A_611 = arith.constant 0 : i32
      %dma_start3A_612 = tpu.memref_slice %arg17[%add3A_16, %dma_start3A_611] : memref<50048x16xf32, #tpu.memory_space<vmem_shared>> -> memref<1128x16xf32, #tpu.memory_space<vmem_shared>>
      %dma_start3A_613 = arith.constant 0 : i32
      %dma_start3A_614 = arith.constant 0 : i32
      %dma_start3A_615 = tpu.memref_slice %arg14[%dma_start3A_613, %dma_start3A_614] : memref<2000x16xf32, #tpu.memory_space<vmem>> -> memref<1128x16xf32, #tpu.memory_space<vmem>>
      tpu.enqueue_dma source(%dma_start3A_615 : memref<1128x16xf32, #tpu.memory_space<vmem>>) target(%dma_start3A_612 : memref<1128x16xf32, #tpu.memory_space<vmem_shared>>) target_semaphore(%run_scoped3A : memref<!tpu.dma_semaphore, #tpu.memory_space<semaphore_mem>>)
      %dma_wait3A_616 = arith.constant 0 : i32
      %dma_wait3A_617 = arith.constant 0 : i32
      %dma_wait3A_618 = tpu.memref_slice %arg14[%dma_wait3A_616, %dma_wait3A_617] : memref<2000x16xf32, #tpu.memory_space<vmem>> -> memref<1128x16xf32, #tpu.memory_space<vmem>>
      %dma_wait3A_619 = arith.constant 0 : i32
      %dma_wait3A_620 = tpu.memref_slice %arg17[%add3A_16, %dma_wait3A_619] : memref<50048x16xf32, #tpu.memory_space<vmem_shared>> -> memref<1128x16xf32, #tpu.memory_space<vmem_shared>>
      %dma_wait3A_621 = arith.constant 0 : i32
      %dma_wait3A_622 = tpu.memref_slice %arg17[%add3A_16, %dma_wait3A_621] : memref<50048x16xf32, #tpu.memory_space<vmem_shared>> -> memref<1128x16xf32, #tpu.memory_space<vmem_shared>>
      %dma_wait3A_623 = arith.constant 0 : i32
      %dma_wait3A_624 = arith.constant 0 : i32
      %dma_wait3A_625 = tpu.memref_slice %arg14[%dma_wait3A_623, %dma_wait3A_624] : memref<2000x16xf32, #tpu.memory_space<vmem>> -> memref<1128x16xf32, #tpu.memory_space<vmem>>
      tpu.wait_dma2 semaphore(%run_scoped3A : memref<!tpu.dma_semaphore, #tpu.memory_space<semaphore_mem>>) src(%dma_wait3A_625 : memref<1128x16xf32, #tpu.memory_space<vmem>>) dst(%dma_wait3A_622 : memref<1128x16xf32, #tpu.memory_space<vmem_shared>>)
      tpu.yield
    }) : () -> ()
    %mul3A_17 = arith.constant 3128 : i32
    %mul3A_18 = arith.muli %arg1, %mul3A_17 : i32
    "tpu.region"() ({
      %run_scoped3A = tpu.sem_alloc : memref<!tpu.dma_semaphore, #tpu.memory_space<semaphore_mem>>
      %dma_start3A_606 = tpu.memref_slice %arg18[%mul3A_18] : memref<50048xf32, #tpu.memory_space<vmem_shared>> -> memref<3128xf32, #tpu.memory_space<vmem_shared>>
      tpu.enqueue_dma source(%arg6 : memref<3128xf32, #tpu.memory_space<hbm>>) target(%dma_start3A_606 : memref<3128xf32, #tpu.memory_space<vmem_shared>>) target_semaphore(%run_scoped3A : memref<!tpu.dma_semaphore, #tpu.memory_space<semaphore_mem>>)
      %dma_wait3A_607 = tpu.memref_slice %arg18[%mul3A_18] : memref<50048xf32, #tpu.memory_space<vmem_shared>> -> memref<3128xf32, #tpu.memory_space<vmem_shared>>
      tpu.wait_dma2 semaphore(%run_scoped3A : memref<!tpu.dma_semaphore, #tpu.memory_space<semaphore_mem>>) src(%arg6 : memref<3128xf32, #tpu.memory_space<hbm>>) dst(%dma_wait3A_607 : memref<3128xf32, #tpu.memory_space<vmem_shared>>)
      tpu.yield
    }) : () -> ()
    %barrier3A = arith.constant 0 : index
    tpu.barrier barrier_id(%barrier3A)
    %mul3A_19 = arith.constant 50000 : i32
    %mul3A_20 = arith.muli %add3A, %mul3A_19 : i32
    %scan3A_21 = arith.constant 0 : i32
    %mul3A_22 = arith.constant 50000 : i32
    %mul3A_23 = arith.muli %scan3A_21, %mul3A_22 : i32
    %add3A_24 = arith.addi %mul3A_20, %mul3A_23 : i32
    %add3A_25 = arith.constant 0 : i32
    %add3A_26 = arith.addi %add3A_24, %add3A_25 : i32
    "tpu.region"() ({
      %run_scoped3A = tpu.sem_alloc : memref<!tpu.dma_semaphore, #tpu.memory_space<semaphore_mem>>
      %dma_start3A_606 = tpu.memref_slice %arg3[%add3A_26] : memref<1600000xi32, #tpu.memory_space<hbm>> -> memref<2000xi32, #tpu.memory_space<hbm>>
      %dma_start3A_607 = tpu.memref_slice %arg3[%add3A_26] : memref<1600000xi32, #tpu.memory_space<hbm>> -> memref<2000xi32, #tpu.memory_space<hbm>>
      tpu.enqueue_dma source(%dma_start3A_607 : memref<2000xi32, #tpu.memory_space<hbm>>) target(%arg9 : memref<2000xi32, #tpu.memory_space<vmem>>) target_semaphore(%run_scoped3A : memref<!tpu.dma_semaphore, #tpu.memory_space<semaphore_mem>>)
      %dma_wait3A_608 = tpu.memref_slice %arg3[%add3A_26] : memref<1600000xi32, #tpu.memory_space<hbm>> -> memref<2000xi32, #tpu.memory_space<hbm>>
      %dma_wait3A_609 = tpu.memref_slice %arg3[%add3A_26] : memref<1600000xi32, #tpu.memory_space<hbm>> -> memref<2000xi32, #tpu.memory_space<hbm>>
      tpu.wait_dma2 semaphore(%run_scoped3A : memref<!tpu.dma_semaphore, #tpu.memory_space<semaphore_mem>>) src(%dma_wait3A_609 : memref<2000xi32, #tpu.memory_space<hbm>>) dst(%arg9 : memref<2000xi32, #tpu.memory_space<vmem>>)
      tpu.yield
    }) : () -> ()
    "tpu.region"() ({
      %run_scoped3A = tpu.sem_alloc : memref<!tpu.dma_semaphore, #tpu.memory_space<semaphore_mem>>
      %dma_start3A_606 = tpu.memref_slice %arg4[%add3A_26] : memref<1600000xi32, #tpu.memory_space<hbm>> -> memref<2000xi32, #tpu.memory_space<hbm>>
      %dma_start3A_607 = tpu.memref_slice %arg4[%add3A_26] : memref<1600000xi32, #tpu.memory_space<hbm>> -> memref<2000xi32, #tpu.memory_space<hbm>>
      tpu.enqueue_dma source(%dma_start3A_607 : memref<2000xi32, #tpu.memory_space<hbm>>) target(%arg11 : memref<2000xi32, #tpu.memory_space<vmem>>) target_semaphore(%run_scoped3A : memref<!tpu.dma_semaphore, #tpu.memory_space<semaphore_mem>>)
      %dma_wait3A_608 = tpu.memref_slice %arg4[%add3A_26] : memref<1600000xi32, #tpu.memory_space<hbm>> -> memref<2000xi32, #tpu.memory_space<hbm>>
      %dma_wait3A_609 = tpu.memref_slice %arg4[%add3A_26] : memref<1600000xi32, #tpu.memory_space<hbm>> -> memref<2000xi32, #tpu.memory_space<hbm>>
      tpu.wait_dma2 semaphore(%run_scoped3A : memref<!tpu.dma_semaphore, #tpu.memory_space<semaphore_mem>>) src(%dma_wait3A_609 : memref<2000xi32, #tpu.memory_space<hbm>>) dst(%arg11 : memref<2000xi32, #tpu.memory_space<vmem>>)
      tpu.yield
    }) : () -> ()
    "tpu.region"() ({
      %run_scoped3A = tpu.sem_alloc : memref<!tpu.dma_semaphore, #tpu.memory_space<semaphore_mem>>
      %dma_start3A_606 = tpu.memref_slice %arg5[%add3A_26] : memref<1600000xi32, #tpu.memory_space<hbm>> -> memref<2000xi32, #tpu.memory_space<hbm>>
      %dma_start3A_607 = tpu.memref_slice %arg5[%add3A_26] : memref<1600000xi32, #tpu.memory_space<hbm>> -> memref<2000xi32, #tpu.memory_space<hbm>>
      tpu.enqueue_dma source(%dma_start3A_607 : memref<2000xi32, #tpu.memory_space<hbm>>) target(%arg13 : memref<2000xi32, #tpu.memory_space<vmem>>) target_semaphore(%run_scoped3A : memref<!tpu.dma_semaphore, #tpu.memory_space<semaphore_mem>>)
      %dma_wait3A_608 = tpu.memref_slice %arg5[%add3A_26] : memref<1600000xi32, #tpu.memory_space<hbm>> -> memref<2000xi32, #tpu.memory_space<hbm>>
      %dma_wait3A_609 = tpu.memref_slice %arg5[%add3A_26] : memref<1600000xi32, #tpu.memory_space<hbm>> -> memref<2000xi32, #tpu.memory_space<hbm>>
      tpu.wait_dma2 semaphore(%run_scoped3A : memref<!tpu.dma_semaphore, #tpu.memory_space<semaphore_mem>>) src(%dma_wait3A_609 : memref<2000xi32, #tpu.memory_space<hbm>>) dst(%arg13 : memref<2000xi32, #tpu.memory_space<vmem>>)
      tpu.yield
    }) : () -> ()
    %scan3A_27 = arith.constant 0 : i32
    %scan3A_28 = arith.constant 125 : i32
    %scan3A_29 = arith.addi %scan3A_27, %scan3A_28 : i32
    %scan3A_30 = arith.constant 1 : i32
    scf.for %scan3A_606 = %scan3A_27 to %scan3A_29 step %scan3A_30  : i32 {
      %mul3A_607 = arith.constant 16 : i32
      %mul3A_608 = arith.muli %scan3A_606, %mul3A_607 : i32
      %get3A = arith.index_cast %mul3A_608 : i32 to index
      %get3A_609 = tpu.vector_load %arg13[%get3A] {strides = array<i32>} : memref<2000xi32, #tpu.memory_space<vmem>>, vector<16xi32>,
      %get3A_610 = vector.shape_cast %get3A_609 : vector<16xi32> to vector<16xi32>
      %mul3A_611 = arith.constant 50000 : i32
      %mul3A_612 = vector.broadcast %mul3A_611 : i32 to vector<16xi32>
      %mul3A_613 = arith.muli %get3A_610, %mul3A_612 : vector<16xi32>
      %get3A_614 = arith.index_cast %mul3A_608 : i32 to index
      %get3A_615 = tpu.vector_load %arg11[%get3A_614] {strides = array<i32>} : memref<2000xi32, #tpu.memory_space<vmem>>, vector<16xi32>,
      %get3A_616 = vector.shape_cast %get3A_615 : vector<16xi32> to vector<16xi32>
      %add3A_617 = arith.addi %mul3A_613, %get3A_616 : vector<16xi32>
      %swap3A = arith.index_cast %mul3A_608 : i32 to index
      %swap3A_618 = tpu.vector_load %arg11[%swap3A] {strides = array<i32>} : memref<2000xi32, #tpu.memory_space<vmem>>, vector<16xi32>,
      %swap3A_619 = vector.shape_cast %swap3A_618 : vector<16xi32> to vector<16xi32>
      %swap3A_620 = vector.shape_cast %add3A_617 : vector<16xi32> to vector<16xi32>
      tpu.vector_store %arg11[%swap3A], %swap3A_620 {strides = array<i32>} : memref<2000xi32, #tpu.memory_space<vmem>>, vector<16xi32>,
    }
    %scan3A_31 = arith.constant 125 : i32
    %dma_start3A = arith.constant 0 : i32
    %dma_start3A_32 = arith.constant 0 : i32
    %dma_start3A_33 = tpu.memref_slice %arg2[%dma_start3A, %dma_start3A_32] : memref<400000x16xf32, #tpu.memory_space<hbm>> -> memref<400000x16xf32, #tpu.memory_space<hbm>>
    tpu.enqueue_indirect_dma source(%dma_start3A_33 : memref<400000x16xf32, #tpu.memory_space<hbm>>) target(%arg14 : memref<2000x16xf32, #tpu.memory_space<vmem>>) offsets(%arg11 : memref<2000xi32, #tpu.memory_space<vmem>>) semaphore(%arg20 : memref<!tpu.dma_semaphore, #tpu.memory_space<semaphore_mem>>)
    %dma_wait3A = arith.constant 0 : i32
    %dma_wait3A_34 = arith.constant 0 : i32
    %dma_wait3A_35 = tpu.memref_slice %arg2[%dma_wait3A, %dma_wait3A_34] : memref<400000x16xf32, #tpu.memory_space<hbm>> -> memref<400000x16xf32, #tpu.memory_space<hbm>>
    tpu.wait_indirect_dma semaphore(%arg20 : memref<!tpu.dma_semaphore, #tpu.memory_space<semaphore_mem>>) src(%dma_wait3A_35 : memref<400000x16xf32, #tpu.memory_space<hbm>>) dst(%arg14 : memref<2000x16xf32, #tpu.memory_space<vmem>>)
    %dma_start3A_36 = arith.constant 0 : i32
    %dma_start3A_37 = arith.constant 0 : i32
    %dma_start3A_38 = tpu.memref_slice %arg17[%dma_start3A_36, %dma_start3A_37] : memref<50048x16xf32, #tpu.memory_space<vmem_shared>> -> memref<50048x16xf32, #tpu.memory_space<vmem_shared>>
    tpu.enqueue_indirect_dma source(%arg14 : memref<2000x16xf32, #tpu.memory_space<vmem>>) target(%dma_start3A_38 : memref<50048x16xf32, #tpu.memory_space<vmem_shared>>) offsets(%arg9 : memref<2000xi32, #tpu.memory_space<vmem>>) semaphore(%arg22 : memref<!tpu.dma_semaphore, #tpu.memory_space<semaphore_mem>>) {add = true}
    %dma_start3A_39 = arith.constant 0 : i32
    %dma_start3A_40 = tpu.memref_slice %arg18[%dma_start3A_39] : memref<50048xf32, #tpu.memory_space<vmem_shared>> -> memref<50048xf32, #tpu.memory_space<vmem_shared>>
    tpu.enqueue_indirect_dma source(%arg16 : memref<2000xf32, #tpu.memory_space<vmem>>) target(%dma_start3A_40 : memref<50048xf32, #tpu.memory_space<vmem_shared>>) offsets(%arg9 : memref<2000xi32, #tpu.memory_space<vmem>>) semaphore(%arg23 : memref<!tpu.dma_semaphore, #tpu.memory_space<semaphore_mem>>) {add = true}
    %add3A_41 = arith.constant 2000 : i32
    %add3A_42 = arith.addi %add3A_24, %add3A_41 : i32
    "tpu.region"() ({
      %run_scoped3A = tpu.sem_alloc : memref<!tpu.dma_semaphore, #tpu.memory_space<semaphore_mem>>
      %dma_start3A_606 = tpu.memref_slice %arg3[%add3A_42] : memref<1600000xi32, #tpu.memory_space<hbm>> -> memref<2000xi32, #tpu.memory_space<hbm>>
      %dma_start3A_607 = tpu.memref_slice %arg3[%add3A_42] : memref<1600000xi32, #tpu.memory_space<hbm>> -> memref<2000xi32, #tpu.memory_space<hbm>>
      tpu.enqueue_dma source(%dma_start3A_607 : memref<2000xi32, #tpu.memory_space<hbm>>) target(%arg10 : memref<2000xi32, #tpu.memory_space<vmem>>) target_semaphore(%run_scoped3A : memref<!tpu.dma_semaphore, #tpu.memory_space<semaphore_mem>>)
      %dma_wait3A_608 = tpu.memref_slice %arg3[%add3A_42] : memref<1600000xi32, #tpu.memory_space<hbm>> -> memref<2000xi32, #tpu.memory_space<hbm>>
      %dma_wait3A_609 = tpu.memref_slice %arg3[%add3A_42] : memref<1600000xi32, #tpu.memory_space<hbm>> -> memref<2000xi32, #tpu.memory_space<hbm>>
      tpu.wait_dma2 semaphore(%run_scoped3A : memref<!tpu.dma_semaphore, #tpu.memory_space<semaphore_mem>>) src(%dma_wait3A_609 : memref<2000xi32, #tpu.memory_space<hbm>>) dst(%arg10 : memref<2000xi32, #tpu.memory_space<vmem>>)
      tpu.yield
    }) : () -> ()
    "tpu.region"() ({
      %run_scoped3A = tpu.sem_alloc : memref<!tpu.dma_semaphore, #tpu.memory_space<semaphore_mem>>
      %dma_start3A_606 = tpu.memref_slice %arg4[%add3A_42] : memref<1600000xi32, #tpu.memory_space<hbm>> -> memref<2000xi32, #tpu.memory_space<hbm>>
      %dma_start3A_607 = tpu.memref_slice %arg4[%add3A_42] : memref<1600000xi32, #tpu.memory_space<hbm>> -> memref<2000xi32, #tpu.memory_space<hbm>>
      tpu.enqueue_dma source(%dma_start3A_607 : memref<2000xi32, #tpu.memory_space<hbm>>) target(%arg12 : memref<2000xi32, #tpu.memory_space<vmem>>) target_semaphore(%run_scoped3A : memref<!tpu.dma_semaphore, #tpu.memory_space<semaphore_mem>>)
      %dma_wait3A_608 = tpu.memref_slice %arg4[%add3A_42] : memref<1600000xi32, #tpu.memory_space<hbm>> -> memref<2000xi32, #tpu.memory_space<hbm>>
      %dma_wait3A_609 = tpu.memref_slice %arg4[%add3A_42] : memref<1600000xi32, #tpu.memory_space<hbm>> -> memref<2000xi32, #tpu.memory_space<hbm>>
      tpu.wait_dma2 semaphore(%run_scoped3A : memref<!tpu.dma_semaphore, #tpu.memory_space<semaphore_mem>>) src(%dma_wait3A_609 : memref<2000xi32, #tpu.memory_space<hbm>>) dst(%arg12 : memref<2000xi32, #tpu.memory_space<vmem>>)
      tpu.yield
    }) : () -> ()
    "tpu.region"() ({
      %run_scoped3A = tpu.sem_alloc : memref<!tpu.dma_semaphore, #tpu.memory_space<semaphore_mem>>
      %dma_start3A_606 = tpu.memref_slice %arg5[%add3A_42] : memref<1600000xi32, #tpu.memory_space<hbm>> -> memref<2000xi32, #tpu.memory_space<hbm>>
      %dma_start3A_607 = tpu.memref_slice %arg5[%add3A_42] : memref<1600000xi32, #tpu.memory_space<hbm>> -> memref<2000xi32, #tpu.memory_space<hbm>>
      tpu.enqueue_dma source(%dma_start3A_607 : memref<2000xi32, #tpu.memory_space<hbm>>) target(%arg13 : memref<2000xi32, #tpu.memory_space<vmem>>) target_semaphore(%run_scoped3A : memref<!tpu.dma_semaphore, #tpu.memory_space<semaphore_mem>>)
      %dma_wait3A_608 = tpu.memref_slice %arg5[%add3A_42] : memref<1600000xi32, #tpu.memory_space<hbm>> -> memref<2000xi32, #tpu.memory_space<hbm>>
      %dma_wait3A_609 = tpu.memref_slice %arg5[%add3A_42] : memref<1600000xi32, #tpu.memory_space<hbm>> -> memref<2000xi32, #tpu.memory_space<hbm>>
      tpu.wait_dma2 semaphore(%run_scoped3A : memref<!tpu.dma_semaphore, #tpu.memory_space<semaphore_mem>>) src(%dma_wait3A_609 : memref<2000xi32, #tpu.memory_space<hbm>>) dst(%arg13 : memref<2000xi32, #tpu.memory_space<vmem>>)
      tpu.yield
    }) : () -> ()
    %scan3A_43 = arith.constant 0 : i32
    %scan3A_44 = arith.constant 125 : i32
    %scan3A_45 = arith.addi %scan3A_43, %scan3A_44 : i32
    %scan3A_46 = arith.constant 1 : i32
    scf.for %scan3A_606 = %scan3A_43 to %scan3A_45 step %scan3A_46  : i32 {
      %mul3A_607 = arith.constant 16 : i32
      %mul3A_608 = arith.muli %scan3A_606, %mul3A_607 : i32
      %get3A = arith.index_cast %mul3A_608 : i32 to index
      %get3A_609 = tpu.vector_load %arg13[%get3A] {strides = array<i32>} : memref<2000xi32, #tpu.memory_space<vmem>>, vector<16xi32>,
      %get3A_610 = vector.shape_cast %get3A_609 : vector<16xi32> to vector<16xi32>
      %mul3A_611 = arith.constant 50000 : i32
      %mul3A_612 = vector.broadcast %mul3A_611 : i32 to vector<16xi32>
      %mul3A_613 = arith.muli %get3A_610, %mul3A_612 : vector<16xi32>
      %get3A_614 = arith.index_cast %mul3A_608 : i32 to index
      %get3A_615 = tpu.vector_load %arg12[%get3A_614] {strides = array<i32>} : memref<2000xi32, #tpu.memory_space<vmem>>, vector<16xi32>,
      %get3A_616 = vector.shape_cast %get3A_615 : vector<16xi32> to vector<16xi32>
      %add3A_617 = arith.addi %mul3A_613, %get3A_616 : vector<16xi32>
      %swap3A = arith.index_cast %mul3A_608 : i32 to index
      %swap3A_618 = tpu.vector_load %arg12[%swap3A] {strides = array<i32>} : memref<2000xi32, #tpu.memory_space<vmem>>, vector<16xi32>,
      %swap3A_619 = vector.shape_cast %swap3A_618 : vector<16xi32> to vector<16xi32>
      %swap3A_620 = vector.shape_cast %add3A_617 : vector<16xi32> to vector<16xi32>
      tpu.vector_store %arg12[%swap3A], %swap3A_620 {strides = array<i32>} : memref<2000xi32, #tpu.memory_space<vmem>>, vector<16xi32>,
    }
    %scan3A_47 = arith.constant 125 : i32
    %dma_start3A_48 = arith.constant 0 : i32
    %dma_start3A_49 = arith.constant 0 : i32
    %dma_start3A_50 = tpu.memref_slice %arg2[%dma_start3A_48, %dma_start3A_49] : memref<400000x16xf32, #tpu.memory_space<hbm>> -> memref<400000x16xf32, #tpu.memory_space<hbm>>
    tpu.enqueue_indirect_dma source(%dma_start3A_50 : memref<400000x16xf32, #tpu.memory_space<hbm>>) target(%arg15 : memref<2000x16xf32, #tpu.memory_space<vmem>>) offsets(%arg12 : memref<2000xi32, #tpu.memory_space<vmem>>) semaphore(%arg21 : memref<!tpu.dma_semaphore, #tpu.memory_space<semaphore_mem>>)
    %dma_wait3A_51 = arith.constant 0 : i32
    %dma_wait3A_52 = arith.constant 0 : i32
    %dma_wait3A_53 = tpu.memref_slice %arg17[%dma_wait3A_51, %dma_wait3A_52] : memref<50048x16xf32, #tpu.memory_space<vmem_shared>> -> memref<50048x16xf32, #tpu.memory_space<vmem_shared>>
    tpu.wait_indirect_dma semaphore(%arg22 : memref<!tpu.dma_semaphore, #tpu.memory_space<semaphore_mem>>) src(%arg14 : memref<2000x16xf32, #tpu.memory_space<vmem>>) dst(%dma_wait3A_53 : memref<50048x16xf32, #tpu.memory_space<vmem_shared>>)
    %dma_wait3A_54 = arith.constant 0 : i32
    %dma_wait3A_55 = tpu.memref_slice %arg18[%dma_wait3A_54] : memref<50048xf32, #tpu.memory_space<vmem_shared>> -> memref<50048xf32, #tpu.memory_space<vmem_shared>>
    tpu.wait_indirect_dma semaphore(%arg23 : memref<!tpu.dma_semaphore, #tpu.memory_space<semaphore_mem>>) src(%arg16 : memref<2000xf32, #tpu.memory_space<vmem>>) dst(%dma_wait3A_55 : memref<50048xf32, #tpu.memory_space<vmem_shared>>)
    %dma_wait3A_56 = arith.constant 0 : i32
    %dma_wait3A_57 = arith.constant 0 : i32
    %dma_wait3A_58 = tpu.memref_slice %arg2[%dma_wait3A_56, %dma_wait3A_57] : memref<400000x16xf32, #tpu.memory_space<hbm>> -> memref<400000x16xf32, #tpu.memory_space<hbm>>
    tpu.wait_indirect_dma semaphore(%arg21 : memref<!tpu.dma_semaphore, #tpu.memory_space<semaphore_mem>>) src(%dma_wait3A_58 : memref<400000x16xf32, #tpu.memory_space<hbm>>) dst(%arg15 : memref<2000x16xf32, #tpu.memory_space<vmem>>)
    %dma_start3A_59 = arith.constant 0 : i32
    %dma_start3A_60 = arith.constant 0 : i32
    %dma_start3A_61 = tpu.memref_slice %arg17[%dma_start3A_59, %dma_start3A_60] : memref<50048x16xf32, #tpu.memory_space<vmem_shared>> -> memref<50048x16xf32, #tpu.memory_space<vmem_shared>>
    tpu.enqueue_indirect_dma source(%arg15 : memref<2000x16xf32, #tpu.memory_space<vmem>>) target(%dma_start3A_61 : memref<50048x16xf32, #tpu.memory_space<vmem_shared>>) offsets(%arg10 : memref<2000xi32, #tpu.memory_space<vmem>>) semaphore(%arg22 : memref<!tpu.dma_semaphore, #tpu.memory_space<semaphore_mem>>) {add = true}
    %dma_start3A_62 = arith.constant 0 : i32
    %dma_start3A_63 = tpu.memref_slice %arg18[%dma_start3A_62] : memref<50048xf32, #tpu.memory_space<vmem_shared>> -> memref<50048xf32, #tpu.memory_space<vmem_shared>>
    tpu.enqueue_indirect_dma source(%arg16 : memref<2000xf32, #tpu.memory_space<vmem>>) target(%dma_start3A_63 : memref<50048xf32, #tpu.memory_space<vmem_shared>>) offsets(%arg10 : memref<2000xi32, #tpu.memory_space<vmem>>) semaphore(%arg23 : memref<!tpu.dma_semaphore, #tpu.memory_space<semaphore_mem>>) {add = true}
    %add3A_64 = arith.constant 4000 : i32
    %add3A_65 = arith.addi %add3A_24, %add3A_64 : i32
    "tpu.region"() ({
      %run_scoped3A = tpu.sem_alloc : memref<!tpu.dma_semaphore, #tpu.memory_space<semaphore_mem>>
      %dma_start3A_606 = tpu.memref_slice %arg3[%add3A_65] : memref<1600000xi32, #tpu.memory_space<hbm>> -> memref<2000xi32, #tpu.memory_space<hbm>>
      %dma_start3A_607 = tpu.memref_slice %arg3[%add3A_65] : memref<1600000xi32, #tpu.memory_space<hbm>> -> memref<2000xi32, #tpu.memory_space<hbm>>
      tpu.enqueue_dma source(%dma_start3A_607 : memref<2000xi32, #tpu.memory_space<hbm>>) target(%arg9 : memref<2000xi32, #tpu.memory_space<vmem>>) target_semaphore(%run_scoped3A : memref<!tpu.dma_semaphore, #tpu.memory_space<semaphore_mem>>)
      %dma_wait3A_608 = tpu.memref_slice %arg3[%add3A_65] : memref<1600000xi32, #tpu.memory_space<hbm>> -> memref<2000xi32, #tpu.memory_space<hbm>>
      %dma_wait3A_609 = tpu.memref_slice %arg3[%add3A_65] : memref<1600000xi32, #tpu.memory_space<hbm>> -> memref<2000xi32, #tpu.memory_space<hbm>>
      tpu.wait_dma2 semaphore(%run_scoped3A : memref<!tpu.dma_semaphore, #tpu.memory_space<semaphore_mem>>) src(%dma_wait3A_609 : memref<2000xi32, #tpu.memory_space<hbm>>) dst(%arg9 : memref<2000xi32, #tpu.memory_space<vmem>>)
      tpu.yield
    }) : () -> ()
    "tpu.region"() ({
      %run_scoped3A = tpu.sem_alloc : memref<!tpu.dma_semaphore, #tpu.memory_space<semaphore_mem>>
      %dma_start3A_606 = tpu.memref_slice %arg4[%add3A_65] : memref<1600000xi32, #tpu.memory_space<hbm>> -> memref<2000xi32, #tpu.memory_space<hbm>>
      %dma_start3A_607 = tpu.memref_slice %arg4[%add3A_65] : memref<1600000xi32, #tpu.memory_space<hbm>> -> memref<2000xi32, #tpu.memory_space<hbm>>
      tpu.enqueue_dma source(%dma_start3A_607 : memref<2000xi32, #tpu.memory_space<hbm>>) target(%arg11 : memref<2000xi32, #tpu.memory_space<vmem>>) target_semaphore(%run_scoped3A : memref<!tpu.dma_semaphore, #tpu.memory_space<semaphore_mem>>)
      %dma_wait3A_608 = tpu.memref_slice %arg4[%add3A_65] : memref<1600000xi32, #tpu.memory_space<hbm>> -> memref<2000xi32, #tpu.memory_space<hbm>>
      %dma_wait3A_609 = tpu.memref_slice %arg4[%add3A_65] : memref<1600000xi32, #tpu.memory_space<hbm>> -> memref<2000xi32, #tpu.memory_space<hbm>>
      tpu.wait_dma2 semaphore(%run_scoped3A : memref<!tpu.dma_semaphore, #tpu.memory_space<semaphore_mem>>) src(%dma_wait3A_609 : memref<2000xi32, #tpu.memory_space<hbm>>) dst(%arg11 : memref<2000xi32, #tpu.memory_space<vmem>>)
      tpu.yield
    }) : () -> ()
    "tpu.region"() ({
      %run_scoped3A = tpu.sem_alloc : memref<!tpu.dma_semaphore, #tpu.memory_space<semaphore_mem>>
      %dma_start3A_606 = tpu.memref_slice %arg5[%add3A_65] : memref<1600000xi32, #tpu.memory_space<hbm>> -> memref<2000xi32, #tpu.memory_space<hbm>>
      %dma_start3A_607 = tpu.memref_slice %arg5[%add3A_65] : memref<1600000xi32, #tpu.memory_space<hbm>> -> memref<2000xi32, #tpu.memory_space<hbm>>
      tpu.enqueue_dma source(%dma_start3A_607 : memref<2000xi32, #tpu.memory_space<hbm>>) target(%arg13 : memref<2000xi32, #tpu.memory_space<vmem>>) target_semaphore(%run_scoped3A : memref<!tpu.dma_semaphore, #tpu.memory_space<semaphore_mem>>)
      %dma_wait3A_608 = tpu.memref_slice %arg5[%add3A_65] : memref<1600000xi32, #tpu.memory_space<hbm>> -> memref<2000xi32, #tpu.memory_space<hbm>>
      %dma_wait3A_609 = tpu.memref_slice %arg5[%add3A_65] : memref<1600000xi32, #tpu.memory_space<hbm>> -> memref<2000xi32, #tpu.memory_space<hbm>>
      tpu.wait_dma2 semaphore(%run_scoped3A : memref<!tpu.dma_semaphore, #tpu.memory_space<semaphore_mem>>) src(%dma_wait3A_609 : memref<2000xi32, #tpu.memory_space<hbm>>) dst(%arg13 : memref<2000xi32, #tpu.memory_space<vmem>>)
      tpu.yield
    }) : () -> ()
    %scan3A_66 = arith.constant 0 : i32
    %scan3A_67 = arith.constant 125 : i32
    %scan3A_68 = arith.addi %scan3A_66, %scan3A_67 : i32
    %scan3A_69 = arith.constant 1 : i32
    scf.for %scan3A_606 = %scan3A_66 to %scan3A_68 step %scan3A_69  : i32 {
      %mul3A_607 = arith.constant 16 : i32
      %mul3A_608 = arith.muli %scan3A_606, %mul3A_607 : i32
      %get3A = arith.index_cast %mul3A_608 : i32 to index
      %get3A_609 = tpu.vector_load %arg13[%get3A] {strides = array<i32>} : memref<2000xi32, #tpu.memory_space<vmem>>, vector<16xi32>,
      %get3A_610 = vector.shape_cast %get3A_609 : vector<16xi32> to vector<16xi32>
      %mul3A_611 = arith.constant 50000 : i32
      %mul3A_612 = vector.broadcast %mul3A_611 : i32 to vector<16xi32>
      %mul3A_613 = arith.muli %get3A_610, %mul3A_612 : vector<16xi32>
      %get3A_614 = arith.index_cast %mul3A_608 : i32 to index
      %get3A_615 = tpu.vector_load %arg11[%get3A_614] {strides = array<i32>} : memref<2000xi32, #tpu.memory_space<vmem>>, vector<16xi32>,
      %get3A_616 = vector.shape_cast %get3A_615 : vector<16xi32> to vector<16xi32>
      %add3A_617 = arith.addi %mul3A_613, %get3A_616 : vector<16xi32>
      %swap3A = arith.index_cast %mul3A_608 : i32 to index
      %swap3A_618 = tpu.vector_load %arg11[%swap3A] {strides = array<i32>} : memref<2000xi32, #tpu.memory_space<vmem>>, vector<16xi32>,
      %swap3A_619 = vector.shape_cast %swap3A_618 : vector<16xi32> to vector<16xi32>
      %swap3A_620 = vector.shape_cast %add3A_617 : vector<16xi32> to vector<16xi32>
      tpu.vector_store %arg11[%swap3A], %swap3A_620 {strides = array<i32>} : memref<2000xi32, #tpu.memory_space<vmem>>, vector<16xi32>,
    }
    %scan3A_70 = arith.constant 125 : i32
    %dma_start3A_71 = arith.constant 0 : i32
    %dma_start3A_72 = arith.constant 0 : i32
    %dma_start3A_73 = tpu.memref_slice %arg2[%dma_start3A_71, %dma_start3A_72] : memref<400000x16xf32, #tpu.memory_space<hbm>> -> memref<400000x16xf32, #tpu.memory_space<hbm>>
    tpu.enqueue_indirect_dma source(%dma_start3A_73 : memref<400000x16xf32, #tpu.memory_space<hbm>>) target(%arg14 : memref<2000x16xf32, #tpu.memory_space<vmem>>) offsets(%arg11 : memref<2000xi32, #tpu.memory_space<vmem>>) semaphore(%arg20 : memref<!tpu.dma_semaphore, #tpu.memory_space<semaphore_mem>>)
    %dma_wait3A_74 = arith.constant 0 : i32
    %dma_wait3A_75 = arith.constant 0 : i32
    %dma_wait3A_76 = tpu.memref_slice %arg17[%dma_wait3A_74, %dma_wait3A_75] : memref<50048x16xf32, #tpu.memory_space<vmem_shared>> -> memref<50048x16xf32, #tpu.memory_space<vmem_shared>>
    tpu.wait_indirect_dma semaphore(%arg22 : memref<!tpu.dma_semaphore, #tpu.memory_space<semaphore_mem>>) src(%arg15 : memref<2000x16xf32, #tpu.memory_space<vmem>>) dst(%dma_wait3A_76 : memref<50048x16xf32, #tpu.memory_space<vmem_shared>>)
    %dma_wait3A_77 = arith.constant 0 : i32
    %dma_wait3A_78 = tpu.memref_slice %arg18[%dma_wait3A_77] : memref<50048xf32, #tpu.memory_space<vmem_shared>> -> memref<50048xf32, #tpu.memory_space<vmem_shared>>
    tpu.wait_indirect_dma semaphore(%arg23 : memref<!tpu.dma_semaphore, #tpu.memory_space<semaphore_mem>>) src(%arg16 : memref<2000xf32, #tpu.memory_space<vmem>>) dst(%dma_wait3A_78 : memref<50048xf32, #tpu.memory_space<vmem_shared>>)
    %dma_wait3A_79 = arith.constant 0 : i32
    %dma_wait3A_80 = arith.constant 0 : i32
    %dma_wait3A_81 = tpu.memref_slice %arg2[%dma_wait3A_79, %dma_wait3A_80] : memref<400000x16xf32, #tpu.memory_space<hbm>> -> memref<400000x16xf32, #tpu.memory_space<hbm>>
    tpu.wait_indirect_dma semaphore(%arg20 : memref<!tpu.dma_semaphore, #tpu.memory_space<semaphore_mem>>) src(%dma_wait3A_81 : memref<400000x16xf32, #tpu.memory_space<hbm>>) dst(%arg14 : memref<2000x16xf32, #tpu.memory_space<vmem>>)
    %dma_start3A_82 = arith.constant 0 : i32
    %dma_start3A_83 = arith.constant 0 : i32
    %dma_start3A_84 = tpu.memref_slice %arg17[%dma_start3A_82, %dma_start3A_83] : memref<50048x16xf32, #tpu.memory_space<vmem_shared>> -> memref<50048x16xf32, #tpu.memory_space<vmem_shared>>
    tpu.enqueue_indirect_dma source(%arg14 : memref<2000x16xf32, #tpu.memory_space<vmem>>) target(%dma_start3A_84 : memref<50048x16xf32, #tpu.memory_space<vmem_shared>>) offsets(%arg9 : memref<2000xi32, #tpu.memory_space<vmem>>) semaphore(%arg22 : memref<!tpu.dma_semaphore, #tpu.memory_space<semaphore_mem>>) {add = true}
    %dma_start3A_85 = arith.constant 0 : i32
    %dma_start3A_86 = tpu.memref_slice %arg18[%dma_start3A_85] : memref<50048xf32, #tpu.memory_space<vmem_shared>> -> memref<50048xf32, #tpu.memory_space<vmem_shared>>
    tpu.enqueue_indirect_dma source(%arg16 : memref<2000xf32, #tpu.memory_space<vmem>>) target(%dma_start3A_86 : memref<50048xf32, #tpu.memory_space<vmem_shared>>) offsets(%arg9 : memref<2000xi32, #tpu.memory_space<vmem>>) semaphore(%arg23 : memref<!tpu.dma_semaphore, #tpu.memory_space<semaphore_mem>>) {add = true}
    %add3A_87 = arith.constant 6000 : i32
    %add3A_88 = arith.addi %add3A_24, %add3A_87 : i32
    "tpu.region"() ({
      %run_scoped3A = tpu.sem_alloc : memref<!tpu.dma_semaphore, #tpu.memory_space<semaphore_mem>>
      %dma_start3A_606 = tpu.memref_slice %arg3[%add3A_88] : memref<1600000xi32, #tpu.memory_space<hbm>> -> memref<2000xi32, #tpu.memory_space<hbm>>
      %dma_start3A_607 = tpu.memref_slice %arg3[%add3A_88] : memref<1600000xi32, #tpu.memory_space<hbm>> -> memref<2000xi32, #tpu.memory_space<hbm>>
      tpu.enqueue_dma source(%dma_start3A_607 : memref<2000xi32, #tpu.memory_space<hbm>>) target(%arg10 : memref<2000xi32, #tpu.memory_space<vmem>>) target_semaphore(%run_scoped3A : memref<!tpu.dma_semaphore, #tpu.memory_space<semaphore_mem>>)
      %dma_wait3A_608 = tpu.memref_slice %arg3[%add3A_88] : memref<1600000xi32, #tpu.memory_space<hbm>> -> memref<2000xi32, #tpu.memory_space<hbm>>
      %dma_wait3A_609 = tpu.memref_slice %arg3[%add3A_88] : memref<1600000xi32, #tpu.memory_space<hbm>> -> memref<2000xi32, #tpu.memory_space<hbm>>
      tpu.wait_dma2 semaphore(%run_scoped3A : memref<!tpu.dma_semaphore, #tpu.memory_space<semaphore_mem>>) src(%dma_wait3A_609 : memref<2000xi32, #tpu.memory_space<hbm>>) dst(%arg10 : memref<2000xi32, #tpu.memory_space<vmem>>)
      tpu.yield
    }) : () -> ()
    "tpu.region"() ({
      %run_scoped3A = tpu.sem_alloc : memref<!tpu.dma_semaphore, #tpu.memory_space<semaphore_mem>>
      %dma_start3A_606 = tpu.memref_slice %arg4[%add3A_88] : memref<1600000xi32, #tpu.memory_space<hbm>> -> memref<2000xi32, #tpu.memory_space<hbm>>
      %dma_start3A_607 = tpu.memref_slice %arg4[%add3A_88] : memref<1600000xi32, #tpu.memory_space<hbm>> -> memref<2000xi32, #tpu.memory_space<hbm>>
      tpu.enqueue_dma source(%dma_start3A_607 : memref<2000xi32, #tpu.memory_space<hbm>>) target(%arg12 : memref<2000xi32, #tpu.memory_space<vmem>>) target_semaphore(%run_scoped3A : memref<!tpu.dma_semaphore, #tpu.memory_space<semaphore_mem>>)
      %dma_wait3A_608 = tpu.memref_slice %arg4[%add3A_88] : memref<1600000xi32, #tpu.memory_space<hbm>> -> memref<2000xi32, #tpu.memory_space<hbm>>
      %dma_wait3A_609 = tpu.memref_slice %arg4[%add3A_88] : memref<1600000xi32, #tpu.memory_space<hbm>> -> memref<2000xi32, #tpu.memory_space<hbm>>
      tpu.wait_dma2 semaphore(%run_scoped3A : memref<!tpu.dma_semaphore, #tpu.memory_space<semaphore_mem>>) src(%dma_wait3A_609 : memref<2000xi32, #tpu.memory_space<hbm>>) dst(%arg12 : memref<2000xi32, #tpu.memory_space<vmem>>)
      tpu.yield
    }) : () -> ()
    "tpu.region"() ({
      %run_scoped3A = tpu.sem_alloc : memref<!tpu.dma_semaphore, #tpu.memory_space<semaphore_mem>>
      %dma_start3A_606 = tpu.memref_slice %arg5[%add3A_88] : memref<1600000xi32, #tpu.memory_space<hbm>> -> memref<2000xi32, #tpu.memory_space<hbm>>
      %dma_start3A_607 = tpu.memref_slice %arg5[%add3A_88] : memref<1600000xi32, #tpu.memory_space<hbm>> -> memref<2000xi32, #tpu.memory_space<hbm>>
      tpu.enqueue_dma source(%dma_start3A_607 : memref<2000xi32, #tpu.memory_space<hbm>>) target(%arg13 : memref<2000xi32, #tpu.memory_space<vmem>>) target_semaphore(%run_scoped3A : memref<!tpu.dma_semaphore, #tpu.memory_space<semaphore_mem>>)
      %dma_wait3A_608 = tpu.memref_slice %arg5[%add3A_88] : memref<1600000xi32, #tpu.memory_space<hbm>> -> memref<2000xi32, #tpu.memory_space<hbm>>
      %dma_wait3A_609 = tpu.memref_slice %arg5[%add3A_88] : memref<1600000xi32, #tpu.memory_space<hbm>> -> memref<2000xi32, #tpu.memory_space<hbm>>
      tpu.wait_dma2 semaphore(%run_scoped3A : memref<!tpu.dma_semaphore, #tpu.memory_space<semaphore_mem>>) src(%dma_wait3A_609 : memref<2000xi32, #tpu.memory_space<hbm>>) dst(%arg13 : memref<2000xi32, #tpu.memory_space<vmem>>)
      tpu.yield
    }) : () -> ()
    %scan3A_89 = arith.constant 0 : i32
    %scan3A_90 = arith.constant 125 : i32
    %scan3A_91 = arith.addi %scan3A_89, %scan3A_90 : i32
    %scan3A_92 = arith.constant 1 : i32
    scf.for %scan3A_606 = %scan3A_89 to %scan3A_91 step %scan3A_92  : i32 {
      %mul3A_607 = arith.constant 16 : i32
      %mul3A_608 = arith.muli %scan3A_606, %mul3A_607 : i32
      %get3A = arith.index_cast %mul3A_608 : i32 to index
      %get3A_609 = tpu.vector_load %arg13[%get3A] {strides = array<i32>} : memref<2000xi32, #tpu.memory_space<vmem>>, vector<16xi32>,
      %get3A_610 = vector.shape_cast %get3A_609 : vector<16xi32> to vector<16xi32>
      %mul3A_611 = arith.constant 50000 : i32
      %mul3A_612 = vector.broadcast %mul3A_611 : i32 to vector<16xi32>
      %mul3A_613 = arith.muli %get3A_610, %mul3A_612 : vector<16xi32>
      %get3A_614 = arith.index_cast %mul3A_608 : i32 to index
      %get3A_615 = tpu.vector_load %arg12[%get3A_614] {strides = array<i32>} : memref<2000xi32, #tpu.memory_space<vmem>>, vector<16xi32>,
      %get3A_616 = vector.shape_cast %get3A_615 : vector<16xi32> to vector<16xi32>
      %add3A_617 = arith.addi %mul3A_613, %get3A_616 : vector<16xi32>
      %swap3A = arith.index_cast %mul3A_608 : i32 to index
      %swap3A_618 = tpu.vector_load %arg12[%swap3A] {strides = array<i32>} : memref<2000xi32, #tpu.memory_space<vmem>>, vector<16xi32>,
      %swap3A_619 = vector.shape_cast %swap3A_618 : vector<16xi32> to vector<16xi32>
      %swap3A_620 = vector.shape_cast %add3A_617 : vector<16xi32> to vector<16xi32>
      tpu.vector_store %arg12[%swap3A], %swap3A_620 {strides = array<i32>} : memref<2000xi32, #tpu.memory_space<vmem>>, vector<16xi32>,
    }
    %scan3A_93 = arith.constant 125 : i32
    %dma_start3A_94 = arith.constant 0 : i32
    %dma_start3A_95 = arith.constant 0 : i32
    %dma_start3A_96 = tpu.memref_slice %arg2[%dma_start3A_94, %dma_start3A_95] : memref<400000x16xf32, #tpu.memory_space<hbm>> -> memref<400000x16xf32, #tpu.memory_space<hbm>>
    tpu.enqueue_indirect_dma source(%dma_start3A_96 : memref<400000x16xf32, #tpu.memory_space<hbm>>) target(%arg15 : memref<2000x16xf32, #tpu.memory_space<vmem>>) offsets(%arg12 : memref<2000xi32, #tpu.memory_space<vmem>>) semaphore(%arg21 : memref<!tpu.dma_semaphore, #tpu.memory_space<semaphore_mem>>)
    %dma_wait3A_97 = arith.constant 0 : i32
    %dma_wait3A_98 = arith.constant 0 : i32
    %dma_wait3A_99 = tpu.memref_slice %arg17[%dma_wait3A_97, %dma_wait3A_98] : memref<50048x16xf32, #tpu.memory_space<vmem_shared>> -> memref<50048x16xf32, #tpu.memory_space<vmem_shared>>
    tpu.wait_indirect_dma semaphore(%arg22 : memref<!tpu.dma_semaphore, #tpu.memory_space<semaphore_mem>>) src(%arg14 : memref<2000x16xf32, #tpu.memory_space<vmem>>) dst(%dma_wait3A_99 : memref<50048x16xf32, #tpu.memory_space<vmem_shared>>)
    %dma_wait3A_100 = arith.constant 0 : i32
    %dma_wait3A_101 = tpu.memref_slice %arg18[%dma_wait3A_100] : memref<50048xf32, #tpu.memory_space<vmem_shared>> -> memref<50048xf32, #tpu.memory_space<vmem_shared>>
    tpu.wait_indirect_dma semaphore(%arg23 : memref<!tpu.dma_semaphore, #tpu.memory_space<semaphore_mem>>) src(%arg16 : memref<2000xf32, #tpu.memory_space<vmem>>) dst(%dma_wait3A_101 : memref<50048xf32, #tpu.memory_space<vmem_shared>>)
    %dma_wait3A_102 = arith.constant 0 : i32
    %dma_wait3A_103 = arith.constant 0 : i32
    %dma_wait3A_104 = tpu.memref_slice %arg2[%dma_wait3A_102, %dma_wait3A_103] : memref<400000x16xf32, #tpu.memory_space<hbm>> -> memref<400000x16xf32, #tpu.memory_space<hbm>>
    tpu.wait_indirect_dma semaphore(%arg21 : memref<!tpu.dma_semaphore, #tpu.memory_space<semaphore_mem>>) src(%dma_wait3A_104 : memref<400000x16xf32, #tpu.memory_space<hbm>>) dst(%arg15 : memref<2000x16xf32, #tpu.memory_space<vmem>>)
    %dma_start3A_105 = arith.constant 0 : i32
    %dma_start3A_106 = arith.constant 0 : i32
    %dma_start3A_107 = tpu.memref_slice %arg17[%dma_start3A_105, %dma_start3A_106] : memref<50048x16xf32, #tpu.memory_space<vmem_shared>> -> memref<50048x16xf32, #tpu.memory_space<vmem_shared>>
    tpu.enqueue_indirect_dma source(%arg15 : memref<2000x16xf32, #tpu.memory_space<vmem>>) target(%dma_start3A_107 : memref<50048x16xf32, #tpu.memory_space<vmem_shared>>) offsets(%arg10 : memref<2000xi32, #tpu.memory_space<vmem>>) semaphore(%arg22 : memref<!tpu.dma_semaphore, #tpu.memory_space<semaphore_mem>>) {add = true}
    %dma_start3A_108 = arith.constant 0 : i32
    %dma_start3A_109 = tpu.memref_slice %arg18[%dma_start3A_108] : memref<50048xf32, #tpu.memory_space<vmem_shared>> -> memref<50048xf32, #tpu.memory_space<vmem_shared>>
    tpu.enqueue_indirect_dma source(%arg16 : memref<2000xf32, #tpu.memory_space<vmem>>) target(%dma_start3A_109 : memref<50048xf32, #tpu.memory_space<vmem_shared>>) offsets(%arg10 : memref<2000xi32, #tpu.memory_space<vmem>>) semaphore(%arg23 : memref<!tpu.dma_semaphore, #tpu.memory_space<semaphore_mem>>) {add = true}
    %add3A_110 = arith.constant 8000 : i32
    %add3A_111 = arith.addi %add3A_24, %add3A_110 : i32
    "tpu.region"() ({
      %run_scoped3A = tpu.sem_alloc : memref<!tpu.dma_semaphore, #tpu.memory_space<semaphore_mem>>
      %dma_start3A_606 = tpu.memref_slice %arg3[%add3A_111] : memref<1600000xi32, #tpu.memory_space<hbm>> -> memref<2000xi32, #tpu.memory_space<hbm>>
      %dma_start3A_607 = tpu.memref_slice %arg3[%add3A_111] : memref<1600000xi32, #tpu.memory_space<hbm>> -> memref<2000xi32, #tpu.memory_space<hbm>>
      tpu.enqueue_dma source(%dma_start3A_607 : memref<2000xi32, #tpu.memory_space<hbm>>) target(%arg9 : memref<2000xi32, #tpu.memory_space<vmem>>) target_semaphore(%run_scoped3A : memref<!tpu.dma_semaphore, #tpu.memory_space<semaphore_mem>>)
      %dma_wait3A_608 = tpu.memref_slice %arg3[%add3A_111] : memref<1600000xi32, #tpu.memory_space<hbm>> -> memref<2000xi32, #tpu.memory_space<hbm>>
      %dma_wait3A_609 = tpu.memref_slice %arg3[%add3A_111] : memref<1600000xi32, #tpu.memory_space<hbm>> -> memref<2000xi32, #tpu.memory_space<hbm>>
      tpu.wait_dma2 semaphore(%run_scoped3A : memref<!tpu.dma_semaphore, #tpu.memory_space<semaphore_mem>>) src(%dma_wait3A_609 : memref<2000xi32, #tpu.memory_space<hbm>>) dst(%arg9 : memref<2000xi32, #tpu.memory_space<vmem>>)
      tpu.yield
    }) : () -> ()
    "tpu.region"() ({
      %run_scoped3A = tpu.sem_alloc : memref<!tpu.dma_semaphore, #tpu.memory_space<semaphore_mem>>
      %dma_start3A_606 = tpu.memref_slice %arg4[%add3A_111] : memref<1600000xi32, #tpu.memory_space<hbm>> -> memref<2000xi32, #tpu.memory_space<hbm>>
      %dma_start3A_607 = tpu.memref_slice %arg4[%add3A_111] : memref<1600000xi32, #tpu.memory_space<hbm>> -> memref<2000xi32, #tpu.memory_space<hbm>>
      tpu.enqueue_dma source(%dma_start3A_607 : memref<2000xi32, #tpu.memory_space<hbm>>) target(%arg11 : memref<2000xi32, #tpu.memory_space<vmem>>) target_semaphore(%run_scoped3A : memref<!tpu.dma_semaphore, #tpu.memory_space<semaphore_mem>>)
      %dma_wait3A_608 = tpu.memref_slice %arg4[%add3A_111] : memref<1600000xi32, #tpu.memory_space<hbm>> -> memref<2000xi32, #tpu.memory_space<hbm>>
      %dma_wait3A_609 = tpu.memref_slice %arg4[%add3A_111] : memref<1600000xi32, #tpu.memory_space<hbm>> -> memref<2000xi32, #tpu.memory_space<hbm>>
      tpu.wait_dma2 semaphore(%run_scoped3A : memref<!tpu.dma_semaphore, #tpu.memory_space<semaphore_mem>>) src(%dma_wait3A_609 : memref<2000xi32, #tpu.memory_space<hbm>>) dst(%arg11 : memref<2000xi32, #tpu.memory_space<vmem>>)
      tpu.yield
    }) : () -> ()
    "tpu.region"() ({
      %run_scoped3A = tpu.sem_alloc : memref<!tpu.dma_semaphore, #tpu.memory_space<semaphore_mem>>
      %dma_start3A_606 = tpu.memref_slice %arg5[%add3A_111] : memref<1600000xi32, #tpu.memory_space<hbm>> -> memref<2000xi32, #tpu.memory_space<hbm>>
      %dma_start3A_607 = tpu.memref_slice %arg5[%add3A_111] : memref<1600000xi32, #tpu.memory_space<hbm>> -> memref<2000xi32, #tpu.memory_space<hbm>>
      tpu.enqueue_dma source(%dma_start3A_607 : memref<2000xi32, #tpu.memory_space<hbm>>) target(%arg13 : memref<2000xi32, #tpu.memory_space<vmem>>) target_semaphore(%run_scoped3A : memref<!tpu.dma_semaphore, #tpu.memory_space<semaphore_mem>>)
      %dma_wait3A_608 = tpu.memref_slice %arg5[%add3A_111] : memref<1600000xi32, #tpu.memory_space<hbm>> -> memref<2000xi32, #tpu.memory_space<hbm>>
      %dma_wait3A_609 = tpu.memref_slice %arg5[%add3A_111] : memref<1600000xi32, #tpu.memory_space<hbm>> -> memref<2000xi32, #tpu.memory_space<hbm>>
      tpu.wait_dma2 semaphore(%run_scoped3A : memref<!tpu.dma_semaphore, #tpu.memory_space<semaphore_mem>>) src(%dma_wait3A_609 : memref<2000xi32, #tpu.memory_space<hbm>>) dst(%arg13 : memref<2000xi32, #tpu.memory_space<vmem>>)
      tpu.yield
    }) : () -> ()
    %scan3A_112 = arith.constant 0 : i32
    %scan3A_113 = arith.constant 125 : i32
    %scan3A_114 = arith.addi %scan3A_112, %scan3A_113 : i32
    %scan3A_115 = arith.constant 1 : i32
    scf.for %scan3A_606 = %scan3A_112 to %scan3A_114 step %scan3A_115  : i32 {
      %mul3A_607 = arith.constant 16 : i32
      %mul3A_608 = arith.muli %scan3A_606, %mul3A_607 : i32
      %get3A = arith.index_cast %mul3A_608 : i32 to index
      %get3A_609 = tpu.vector_load %arg13[%get3A] {strides = array<i32>} : memref<2000xi32, #tpu.memory_space<vmem>>, vector<16xi32>,
      %get3A_610 = vector.shape_cast %get3A_609 : vector<16xi32> to vector<16xi32>
      %mul3A_611 = arith.constant 50000 : i32
      %mul3A_612 = vector.broadcast %mul3A_611 : i32 to vector<16xi32>
      %mul3A_613 = arith.muli %get3A_610, %mul3A_612 : vector<16xi32>
      %get3A_614 = arith.index_cast %mul3A_608 : i32 to index
      %get3A_615 = tpu.vector_load %arg11[%get3A_614] {strides = array<i32>} : memref<2000xi32, #tpu.memory_space<vmem>>, vector<16xi32>,
      %get3A_616 = vector.shape_cast %get3A_615 : vector<16xi32> to vector<16xi32>
      %add3A_617 = arith.addi %mul3A_613, %get3A_616 : vector<16xi32>
      %swap3A = arith.index_cast %mul3A_608 : i32 to index
      %swap3A_618 = tpu.vector_load %arg11[%swap3A] {strides = array<i32>} : memref<2000xi32, #tpu.memory_space<vmem>>, vector<16xi32>,
      %swap3A_619 = vector.shape_cast %swap3A_618 : vector<16xi32> to vector<16xi32>
      %swap3A_620 = vector.shape_cast %add3A_617 : vector<16xi32> to vector<16xi32>
      tpu.vector_store %arg11[%swap3A], %swap3A_620 {strides = array<i32>} : memref<2000xi32, #tpu.memory_space<vmem>>, vector<16xi32>,
    }
    %scan3A_116 = arith.constant 125 : i32
    %dma_start3A_117 = arith.constant 0 : i32
    %dma_start3A_118 = arith.constant 0 : i32
    %dma_start3A_119 = tpu.memref_slice %arg2[%dma_start3A_117, %dma_start3A_118] : memref<400000x16xf32, #tpu.memory_space<hbm>> -> memref<400000x16xf32, #tpu.memory_space<hbm>>
    tpu.enqueue_indirect_dma source(%dma_start3A_119 : memref<400000x16xf32, #tpu.memory_space<hbm>>) target(%arg14 : memref<2000x16xf32, #tpu.memory_space<vmem>>) offsets(%arg11 : memref<2000xi32, #tpu.memory_space<vmem>>) semaphore(%arg20 : memref<!tpu.dma_semaphore, #tpu.memory_space<semaphore_mem>>)
    %dma_wait3A_120 = arith.constant 0 : i32
    %dma_wait3A_121 = arith.constant 0 : i32
    %dma_wait3A_122 = tpu.memref_slice %arg17[%dma_wait3A_120, %dma_wait3A_121] : memref<50048x16xf32, #tpu.memory_space<vmem_shared>> -> memref<50048x16xf32, #tpu.memory_space<vmem_shared>>
    tpu.wait_indirect_dma semaphore(%arg22 : memref<!tpu.dma_semaphore, #tpu.memory_space<semaphore_mem>>) src(%arg15 : memref<2000x16xf32, #tpu.memory_space<vmem>>) dst(%dma_wait3A_122 : memref<50048x16xf32, #tpu.memory_space<vmem_shared>>)
    %dma_wait3A_123 = arith.constant 0 : i32
    %dma_wait3A_124 = tpu.memref_slice %arg18[%dma_wait3A_123] : memref<50048xf32, #tpu.memory_space<vmem_shared>> -> memref<50048xf32, #tpu.memory_space<vmem_shared>>
    tpu.wait_indirect_dma semaphore(%arg23 : memref<!tpu.dma_semaphore, #tpu.memory_space<semaphore_mem>>) src(%arg16 : memref<2000xf32, #tpu.memory_space<vmem>>) dst(%dma_wait3A_124 : memref<50048xf32, #tpu.memory_space<vmem_shared>>)
    %dma_wait3A_125 = arith.constant 0 : i32
    %dma_wait3A_126 = arith.constant 0 : i32
    %dma_wait3A_127 = tpu.memref_slice %arg2[%dma_wait3A_125, %dma_wait3A_126] : memref<400000x16xf32, #tpu.memory_space<hbm>> -> memref<400000x16xf32, #tpu.memory_space<hbm>>
    tpu.wait_indirect_dma semaphore(%arg20 : memref<!tpu.dma_semaphore, #tpu.memory_space<semaphore_mem>>) src(%dma_wait3A_127 : memref<400000x16xf32, #tpu.memory_space<hbm>>) dst(%arg14 : memref<2000x16xf32, #tpu.memory_space<vmem>>)
    %dma_start3A_128 = arith.constant 0 : i32
    %dma_start3A_129 = arith.constant 0 : i32
    %dma_start3A_130 = tpu.memref_slice %arg17[%dma_start3A_128, %dma_start3A_129] : memref<50048x16xf32, #tpu.memory_space<vmem_shared>> -> memref<50048x16xf32, #tpu.memory_space<vmem_shared>>
    tpu.enqueue_indirect_dma source(%arg14 : memref<2000x16xf32, #tpu.memory_space<vmem>>) target(%dma_start3A_130 : memref<50048x16xf32, #tpu.memory_space<vmem_shared>>) offsets(%arg9 : memref<2000xi32, #tpu.memory_space<vmem>>) semaphore(%arg22 : memref<!tpu.dma_semaphore, #tpu.memory_space<semaphore_mem>>) {add = true}
    %dma_start3A_131 = arith.constant 0 : i32
    %dma_start3A_132 = tpu.memref_slice %arg18[%dma_start3A_131] : memref<50048xf32, #tpu.memory_space<vmem_shared>> -> memref<50048xf32, #tpu.memory_space<vmem_shared>>
    tpu.enqueue_indirect_dma source(%arg16 : memref<2000xf32, #tpu.memory_space<vmem>>) target(%dma_start3A_132 : memref<50048xf32, #tpu.memory_space<vmem_shared>>) offsets(%arg9 : memref<2000xi32, #tpu.memory_space<vmem>>) semaphore(%arg23 : memref<!tpu.dma_semaphore, #tpu.memory_space<semaphore_mem>>) {add = true}
    %add3A_133 = arith.constant 10000 : i32
    %add3A_134 = arith.addi %add3A_24, %add3A_133 : i32
    "tpu.region"() ({
      %run_scoped3A = tpu.sem_alloc : memref<!tpu.dma_semaphore, #tpu.memory_space<semaphore_mem>>
      %dma_start3A_606 = tpu.memref_slice %arg3[%add3A_134] : memref<1600000xi32, #tpu.memory_space<hbm>> -> memref<2000xi32, #tpu.memory_space<hbm>>
      %dma_start3A_607 = tpu.memref_slice %arg3[%add3A_134] : memref<1600000xi32, #tpu.memory_space<hbm>> -> memref<2000xi32, #tpu.memory_space<hbm>>
      tpu.enqueue_dma source(%dma_start3A_607 : memref<2000xi32, #tpu.memory_space<hbm>>) target(%arg10 : memref<2000xi32, #tpu.memory_space<vmem>>) target_semaphore(%run_scoped3A : memref<!tpu.dma_semaphore, #tpu.memory_space<semaphore_mem>>)
      %dma_wait3A_608 = tpu.memref_slice %arg3[%add3A_134] : memref<1600000xi32, #tpu.memory_space<hbm>> -> memref<2000xi32, #tpu.memory_space<hbm>>
      %dma_wait3A_609 = tpu.memref_slice %arg3[%add3A_134] : memref<1600000xi32, #tpu.memory_space<hbm>> -> memref<2000xi32, #tpu.memory_space<hbm>>
      tpu.wait_dma2 semaphore(%run_scoped3A : memref<!tpu.dma_semaphore, #tpu.memory_space<semaphore_mem>>) src(%dma_wait3A_609 : memref<2000xi32, #tpu.memory_space<hbm>>) dst(%arg10 : memref<2000xi32, #tpu.memory_space<vmem>>)
      tpu.yield
    }) : () -> ()
    "tpu.region"() ({
      %run_scoped3A = tpu.sem_alloc : memref<!tpu.dma_semaphore, #tpu.memory_space<semaphore_mem>>
      %dma_start3A_606 = tpu.memref_slice %arg4[%add3A_134] : memref<1600000xi32, #tpu.memory_space<hbm>> -> memref<2000xi32, #tpu.memory_space<hbm>>
      %dma_start3A_607 = tpu.memref_slice %arg4[%add3A_134] : memref<1600000xi32, #tpu.memory_space<hbm>> -> memref<2000xi32, #tpu.memory_space<hbm>>
      tpu.enqueue_dma source(%dma_start3A_607 : memref<2000xi32, #tpu.memory_space<hbm>>) target(%arg12 : memref<2000xi32, #tpu.memory_space<vmem>>) target_semaphore(%run_scoped3A : memref<!tpu.dma_semaphore, #tpu.memory_space<semaphore_mem>>)
      %dma_wait3A_608 = tpu.memref_slice %arg4[%add3A_134] : memref<1600000xi32, #tpu.memory_space<hbm>> -> memref<2000xi32, #tpu.memory_space<hbm>>
      %dma_wait3A_609 = tpu.memref_slice %arg4[%add3A_134] : memref<1600000xi32, #tpu.memory_space<hbm>> -> memref<2000xi32, #tpu.memory_space<hbm>>
      tpu.wait_dma2 semaphore(%run_scoped3A : memref<!tpu.dma_semaphore, #tpu.memory_space<semaphore_mem>>) src(%dma_wait3A_609 : memref<2000xi32, #tpu.memory_space<hbm>>) dst(%arg12 : memref<2000xi32, #tpu.memory_space<vmem>>)
      tpu.yield
    }) : () -> ()
    "tpu.region"() ({
      %run_scoped3A = tpu.sem_alloc : memref<!tpu.dma_semaphore, #tpu.memory_space<semaphore_mem>>
      %dma_start3A_606 = tpu.memref_slice %arg5[%add3A_134] : memref<1600000xi32, #tpu.memory_space<hbm>> -> memref<2000xi32, #tpu.memory_space<hbm>>
      %dma_start3A_607 = tpu.memref_slice %arg5[%add3A_134] : memref<1600000xi32, #tpu.memory_space<hbm>> -> memref<2000xi32, #tpu.memory_space<hbm>>
      tpu.enqueue_dma source(%dma_start3A_607 : memref<2000xi32, #tpu.memory_space<hbm>>) target(%arg13 : memref<2000xi32, #tpu.memory_space<vmem>>) target_semaphore(%run_scoped3A : memref<!tpu.dma_semaphore, #tpu.memory_space<semaphore_mem>>)
      %dma_wait3A_608 = tpu.memref_slice %arg5[%add3A_134] : memref<1600000xi32, #tpu.memory_space<hbm>> -> memref<2000xi32, #tpu.memory_space<hbm>>
      %dma_wait3A_609 = tpu.memref_slice %arg5[%add3A_134] : memref<1600000xi32, #tpu.memory_space<hbm>> -> memref<2000xi32, #tpu.memory_space<hbm>>
      tpu.wait_dma2 semaphore(%run_scoped3A : memref<!tpu.dma_semaphore, #tpu.memory_space<semaphore_mem>>) src(%dma_wait3A_609 : memref<2000xi32, #tpu.memory_space<hbm>>) dst(%arg13 : memref<2000xi32, #tpu.memory_space<vmem>>)
      tpu.yield
    }) : () -> ()
    %scan3A_135 = arith.constant 0 : i32
    %scan3A_136 = arith.constant 125 : i32
    %scan3A_137 = arith.addi %scan3A_135, %scan3A_136 : i32
    %scan3A_138 = arith.constant 1 : i32
    scf.for %scan3A_606 = %scan3A_135 to %scan3A_137 step %scan3A_138  : i32 {
      %mul3A_607 = arith.constant 16 : i32
      %mul3A_608 = arith.muli %scan3A_606, %mul3A_607 : i32
      %get3A = arith.index_cast %mul3A_608 : i32 to index
      %get3A_609 = tpu.vector_load %arg13[%get3A] {strides = array<i32>} : memref<2000xi32, #tpu.memory_space<vmem>>, vector<16xi32>,
      %get3A_610 = vector.shape_cast %get3A_609 : vector<16xi32> to vector<16xi32>
      %mul3A_611 = arith.constant 50000 : i32
      %mul3A_612 = vector.broadcast %mul3A_611 : i32 to vector<16xi32>
      %mul3A_613 = arith.muli %get3A_610, %mul3A_612 : vector<16xi32>
      %get3A_614 = arith.index_cast %mul3A_608 : i32 to index
      %get3A_615 = tpu.vector_load %arg12[%get3A_614] {strides = array<i32>} : memref<2000xi32, #tpu.memory_space<vmem>>, vector<16xi32>,
      %get3A_616 = vector.shape_cast %get3A_615 : vector<16xi32> to vector<16xi32>
      %add3A_617 = arith.addi %mul3A_613, %get3A_616 : vector<16xi32>
      %swap3A = arith.index_cast %mul3A_608 : i32 to index
      %swap3A_618 = tpu.vector_load %arg12[%swap3A] {strides = array<i32>} : memref<2000xi32, #tpu.memory_space<vmem>>, vector<16xi32>,
      %swap3A_619 = vector.shape_cast %swap3A_618 : vector<16xi32> to vector<16xi32>
      %swap3A_620 = vector.shape_cast %add3A_617 : vector<16xi32> to vector<16xi32>
      tpu.vector_store %arg12[%swap3A], %swap3A_620 {strides = array<i32>} : memref<2000xi32, #tpu.memory_space<vmem>>, vector<16xi32>,
    }
    %scan3A_139 = arith.constant 125 : i32
    %dma_start3A_140 = arith.constant 0 : i32
    %dma_start3A_141 = arith.constant 0 : i32
    %dma_start3A_142 = tpu.memref_slice %arg2[%dma_start3A_140, %dma_start3A_141] : memref<400000x16xf32, #tpu.memory_space<hbm>> -> memref<400000x16xf32, #tpu.memory_space<hbm>>
    tpu.enqueue_indirect_dma source(%dma_start3A_142 : memref<400000x16xf32, #tpu.memory_space<hbm>>) target(%arg15 : memref<2000x16xf32, #tpu.memory_space<vmem>>) offsets(%arg12 : memref<2000xi32, #tpu.memory_space<vmem>>) semaphore(%arg21 : memref<!tpu.dma_semaphore, #tpu.memory_space<semaphore_mem>>)
    %dma_wait3A_143 = arith.constant 0 : i32
    %dma_wait3A_144 = arith.constant 0 : i32
    %dma_wait3A_145 = tpu.memref_slice %arg17[%dma_wait3A_143, %dma_wait3A_144] : memref<50048x16xf32, #tpu.memory_space<vmem_shared>> -> memref<50048x16xf32, #tpu.memory_space<vmem_shared>>
    tpu.wait_indirect_dma semaphore(%arg22 : memref<!tpu.dma_semaphore, #tpu.memory_space<semaphore_mem>>) src(%arg14 : memref<2000x16xf32, #tpu.memory_space<vmem>>) dst(%dma_wait3A_145 : memref<50048x16xf32, #tpu.memory_space<vmem_shared>>)
    %dma_wait3A_146 = arith.constant 0 : i32
    %dma_wait3A_147 = tpu.memref_slice %arg18[%dma_wait3A_146] : memref<50048xf32, #tpu.memory_space<vmem_shared>> -> memref<50048xf32, #tpu.memory_space<vmem_shared>>
    tpu.wait_indirect_dma semaphore(%arg23 : memref<!tpu.dma_semaphore, #tpu.memory_space<semaphore_mem>>) src(%arg16 : memref<2000xf32, #tpu.memory_space<vmem>>) dst(%dma_wait3A_147 : memref<50048xf32, #tpu.memory_space<vmem_shared>>)
    %dma_wait3A_148 = arith.constant 0 : i32
    %dma_wait3A_149 = arith.constant 0 : i32
    %dma_wait3A_150 = tpu.memref_slice %arg2[%dma_wait3A_148, %dma_wait3A_149] : memref<400000x16xf32, #tpu.memory_space<hbm>> -> memref<400000x16xf32, #tpu.memory_space<hbm>>
    tpu.wait_indirect_dma semaphore(%arg21 : memref<!tpu.dma_semaphore, #tpu.memory_space<semaphore_mem>>) src(%dma_wait3A_150 : memref<400000x16xf32, #tpu.memory_space<hbm>>) dst(%arg15 : memref<2000x16xf32, #tpu.memory_space<vmem>>)
    %dma_start3A_151 = arith.constant 0 : i32
    %dma_start3A_152 = arith.constant 0 : i32
    %dma_start3A_153 = tpu.memref_slice %arg17[%dma_start3A_151, %dma_start3A_152] : memref<50048x16xf32, #tpu.memory_space<vmem_shared>> -> memref<50048x16xf32, #tpu.memory_space<vmem_shared>>
    tpu.enqueue_indirect_dma source(%arg15 : memref<2000x16xf32, #tpu.memory_space<vmem>>) target(%dma_start3A_153 : memref<50048x16xf32, #tpu.memory_space<vmem_shared>>) offsets(%arg10 : memref<2000xi32, #tpu.memory_space<vmem>>) semaphore(%arg22 : memref<!tpu.dma_semaphore, #tpu.memory_space<semaphore_mem>>) {add = true}
    %dma_start3A_154 = arith.constant 0 : i32
    %dma_start3A_155 = tpu.memref_slice %arg18[%dma_start3A_154] : memref<50048xf32, #tpu.memory_space<vmem_shared>> -> memref<50048xf32, #tpu.memory_space<vmem_shared>>
    tpu.enqueue_indirect_dma source(%arg16 : memref<2000xf32, #tpu.memory_space<vmem>>) target(%dma_start3A_155 : memref<50048xf32, #tpu.memory_space<vmem_shared>>) offsets(%arg10 : memref<2000xi32, #tpu.memory_space<vmem>>) semaphore(%arg23 : memref<!tpu.dma_semaphore, #tpu.memory_space<semaphore_mem>>) {add = true}
    %add3A_156 = arith.constant 12000 : i32
    %add3A_157 = arith.addi %add3A_24, %add3A_156 : i32
    "tpu.region"() ({
      %run_scoped3A = tpu.sem_alloc : memref<!tpu.dma_semaphore, #tpu.memory_space<semaphore_mem>>
      %dma_start3A_606 = tpu.memref_slice %arg3[%add3A_157] : memref<1600000xi32, #tpu.memory_space<hbm>> -> memref<2000xi32, #tpu.memory_space<hbm>>
      %dma_start3A_607 = tpu.memref_slice %arg3[%add3A_157] : memref<1600000xi32, #tpu.memory_space<hbm>> -> memref<2000xi32, #tpu.memory_space<hbm>>
      tpu.enqueue_dma source(%dma_start3A_607 : memref<2000xi32, #tpu.memory_space<hbm>>) target(%arg9 : memref<2000xi32, #tpu.memory_space<vmem>>) target_semaphore(%run_scoped3A : memref<!tpu.dma_semaphore, #tpu.memory_space<semaphore_mem>>)
      %dma_wait3A_608 = tpu.memref_slice %arg3[%add3A_157] : memref<1600000xi32, #tpu.memory_space<hbm>> -> memref<2000xi32, #tpu.memory_space<hbm>>
      %dma_wait3A_609 = tpu.memref_slice %arg3[%add3A_157] : memref<1600000xi32, #tpu.memory_space<hbm>> -> memref<2000xi32, #tpu.memory_space<hbm>>
      tpu.wait_dma2 semaphore(%run_scoped3A : memref<!tpu.dma_semaphore, #tpu.memory_space<semaphore_mem>>) src(%dma_wait3A_609 : memref<2000xi32, #tpu.memory_space<hbm>>) dst(%arg9 : memref<2000xi32, #tpu.memory_space<vmem>>)
      tpu.yield
    }) : () -> ()
    "tpu.region"() ({
      %run_scoped3A = tpu.sem_alloc : memref<!tpu.dma_semaphore, #tpu.memory_space<semaphore_mem>>
      %dma_start3A_606 = tpu.memref_slice %arg4[%add3A_157] : memref<1600000xi32, #tpu.memory_space<hbm>> -> memref<2000xi32, #tpu.memory_space<hbm>>
      %dma_start3A_607 = tpu.memref_slice %arg4[%add3A_157] : memref<1600000xi32, #tpu.memory_space<hbm>> -> memref<2000xi32, #tpu.memory_space<hbm>>
      tpu.enqueue_dma source(%dma_start3A_607 : memref<2000xi32, #tpu.memory_space<hbm>>) target(%arg11 : memref<2000xi32, #tpu.memory_space<vmem>>) target_semaphore(%run_scoped3A : memref<!tpu.dma_semaphore, #tpu.memory_space<semaphore_mem>>)
      %dma_wait3A_608 = tpu.memref_slice %arg4[%add3A_157] : memref<1600000xi32, #tpu.memory_space<hbm>> -> memref<2000xi32, #tpu.memory_space<hbm>>
      %dma_wait3A_609 = tpu.memref_slice %arg4[%add3A_157] : memref<1600000xi32, #tpu.memory_space<hbm>> -> memref<2000xi32, #tpu.memory_space<hbm>>
      tpu.wait_dma2 semaphore(%run_scoped3A : memref<!tpu.dma_semaphore, #tpu.memory_space<semaphore_mem>>) src(%dma_wait3A_609 : memref<2000xi32, #tpu.memory_space<hbm>>) dst(%arg11 : memref<2000xi32, #tpu.memory_space<vmem>>)
      tpu.yield
    }) : () -> ()
    "tpu.region"() ({
      %run_scoped3A = tpu.sem_alloc : memref<!tpu.dma_semaphore, #tpu.memory_space<semaphore_mem>>
      %dma_start3A_606 = tpu.memref_slice %arg5[%add3A_157] : memref<1600000xi32, #tpu.memory_space<hbm>> -> memref<2000xi32, #tpu.memory_space<hbm>>
      %dma_start3A_607 = tpu.memref_slice %arg5[%add3A_157] : memref<1600000xi32, #tpu.memory_space<hbm>> -> memref<2000xi32, #tpu.memory_space<hbm>>
      tpu.enqueue_dma source(%dma_start3A_607 : memref<2000xi32, #tpu.memory_space<hbm>>) target(%arg13 : memref<2000xi32, #tpu.memory_space<vmem>>) target_semaphore(%run_scoped3A : memref<!tpu.dma_semaphore, #tpu.memory_space<semaphore_mem>>)
      %dma_wait3A_608 = tpu.memref_slice %arg5[%add3A_157] : memref<1600000xi32, #tpu.memory_space<hbm>> -> memref<2000xi32, #tpu.memory_space<hbm>>
      %dma_wait3A_609 = tpu.memref_slice %arg5[%add3A_157] : memref<1600000xi32, #tpu.memory_space<hbm>> -> memref<2000xi32, #tpu.memory_space<hbm>>
      tpu.wait_dma2 semaphore(%run_scoped3A : memref<!tpu.dma_semaphore, #tpu.memory_space<semaphore_mem>>) src(%dma_wait3A_609 : memref<2000xi32, #tpu.memory_space<hbm>>) dst(%arg13 : memref<2000xi32, #tpu.memory_space<vmem>>)
      tpu.yield
    }) : () -> ()
    %scan3A_158 = arith.constant 0 : i32
    %scan3A_159 = arith.constant 125 : i32
    %scan3A_160 = arith.addi %scan3A_158, %scan3A_159 : i32
    %scan3A_161 = arith.constant 1 : i32
    scf.for %scan3A_606 = %scan3A_158 to %scan3A_160 step %scan3A_161  : i32 {
      %mul3A_607 = arith.constant 16 : i32
      %mul3A_608 = arith.muli %scan3A_606, %mul3A_607 : i32
      %get3A = arith.index_cast %mul3A_608 : i32 to index
      %get3A_609 = tpu.vector_load %arg13[%get3A] {strides = array<i32>} : memref<2000xi32, #tpu.memory_space<vmem>>, vector<16xi32>,
      %get3A_610 = vector.shape_cast %get3A_609 : vector<16xi32> to vector<16xi32>
      %mul3A_611 = arith.constant 50000 : i32
      %mul3A_612 = vector.broadcast %mul3A_611 : i32 to vector<16xi32>
      %mul3A_613 = arith.muli %get3A_610, %mul3A_612 : vector<16xi32>
      %get3A_614 = arith.index_cast %mul3A_608 : i32 to index
      %get3A_615 = tpu.vector_load %arg11[%get3A_614] {strides = array<i32>} : memref<2000xi32, #tpu.memory_space<vmem>>, vector<16xi32>,
      %get3A_616 = vector.shape_cast %get3A_615 : vector<16xi32> to vector<16xi32>
      %add3A_617 = arith.addi %mul3A_613, %get3A_616 : vector<16xi32>
      %swap3A = arith.index_cast %mul3A_608 : i32 to index
      %swap3A_618 = tpu.vector_load %arg11[%swap3A] {strides = array<i32>} : memref<2000xi32, #tpu.memory_space<vmem>>, vector<16xi32>,
      %swap3A_619 = vector.shape_cast %swap3A_618 : vector<16xi32> to vector<16xi32>
      %swap3A_620 = vector.shape_cast %add3A_617 : vector<16xi32> to vector<16xi32>
      tpu.vector_store %arg11[%swap3A], %swap3A_620 {strides = array<i32>} : memref<2000xi32, #tpu.memory_space<vmem>>, vector<16xi32>,
    }
    %scan3A_162 = arith.constant 125 : i32
    %dma_start3A_163 = arith.constant 0 : i32
    %dma_start3A_164 = arith.constant 0 : i32
    %dma_start3A_165 = tpu.memref_slice %arg2[%dma_start3A_163, %dma_start3A_164] : memref<400000x16xf32, #tpu.memory_space<hbm>> -> memref<400000x16xf32, #tpu.memory_space<hbm>>
    tpu.enqueue_indirect_dma source(%dma_start3A_165 : memref<400000x16xf32, #tpu.memory_space<hbm>>) target(%arg14 : memref<2000x16xf32, #tpu.memory_space<vmem>>) offsets(%arg11 : memref<2000xi32, #tpu.memory_space<vmem>>) semaphore(%arg20 : memref<!tpu.dma_semaphore, #tpu.memory_space<semaphore_mem>>)
    %dma_wait3A_166 = arith.constant 0 : i32
    %dma_wait3A_167 = arith.constant 0 : i32
    %dma_wait3A_168 = tpu.memref_slice %arg17[%dma_wait3A_166, %dma_wait3A_167] : memref<50048x16xf32, #tpu.memory_space<vmem_shared>> -> memref<50048x16xf32, #tpu.memory_space<vmem_shared>>
    tpu.wait_indirect_dma semaphore(%arg22 : memref<!tpu.dma_semaphore, #tpu.memory_space<semaphore_mem>>) src(%arg15 : memref<2000x16xf32, #tpu.memory_space<vmem>>) dst(%dma_wait3A_168 : memref<50048x16xf32, #tpu.memory_space<vmem_shared>>)
    %dma_wait3A_169 = arith.constant 0 : i32
    %dma_wait3A_170 = tpu.memref_slice %arg18[%dma_wait3A_169] : memref<50048xf32, #tpu.memory_space<vmem_shared>> -> memref<50048xf32, #tpu.memory_space<vmem_shared>>
    tpu.wait_indirect_dma semaphore(%arg23 : memref<!tpu.dma_semaphore, #tpu.memory_space<semaphore_mem>>) src(%arg16 : memref<2000xf32, #tpu.memory_space<vmem>>) dst(%dma_wait3A_170 : memref<50048xf32, #tpu.memory_space<vmem_shared>>)
    %dma_wait3A_171 = arith.constant 0 : i32
    %dma_wait3A_172 = arith.constant 0 : i32
    %dma_wait3A_173 = tpu.memref_slice %arg2[%dma_wait3A_171, %dma_wait3A_172] : memref<400000x16xf32, #tpu.memory_space<hbm>> -> memref<400000x16xf32, #tpu.memory_space<hbm>>
    tpu.wait_indirect_dma semaphore(%arg20 : memref<!tpu.dma_semaphore, #tpu.memory_space<semaphore_mem>>) src(%dma_wait3A_173 : memref<400000x16xf32, #tpu.memory_space<hbm>>) dst(%arg14 : memref<2000x16xf32, #tpu.memory_space<vmem>>)
    %dma_start3A_174 = arith.constant 0 : i32
    %dma_start3A_175 = arith.constant 0 : i32
    %dma_start3A_176 = tpu.memref_slice %arg17[%dma_start3A_174, %dma_start3A_175] : memref<50048x16xf32, #tpu.memory_space<vmem_shared>> -> memref<50048x16xf32, #tpu.memory_space<vmem_shared>>
    tpu.enqueue_indirect_dma source(%arg14 : memref<2000x16xf32, #tpu.memory_space<vmem>>) target(%dma_start3A_176 : memref<50048x16xf32, #tpu.memory_space<vmem_shared>>) offsets(%arg9 : memref<2000xi32, #tpu.memory_space<vmem>>) semaphore(%arg22 : memref<!tpu.dma_semaphore, #tpu.memory_space<semaphore_mem>>) {add = true}
    %dma_start3A_177 = arith.constant 0 : i32
    %dma_start3A_178 = tpu.memref_slice %arg18[%dma_start3A_177] : memref<50048xf32, #tpu.memory_space<vmem_shared>> -> memref<50048xf32, #tpu.memory_space<vmem_shared>>
    tpu.enqueue_indirect_dma source(%arg16 : memref<2000xf32, #tpu.memory_space<vmem>>) target(%dma_start3A_178 : memref<50048xf32, #tpu.memory_space<vmem_shared>>) offsets(%arg9 : memref<2000xi32, #tpu.memory_space<vmem>>) semaphore(%arg23 : memref<!tpu.dma_semaphore, #tpu.memory_space<semaphore_mem>>) {add = true}
    %add3A_179 = arith.constant 14000 : i32
    %add3A_180 = arith.addi %add3A_24, %add3A_179 : i32
    "tpu.region"() ({
      %run_scoped3A = tpu.sem_alloc : memref<!tpu.dma_semaphore, #tpu.memory_space<semaphore_mem>>
      %dma_start3A_606 = tpu.memref_slice %arg3[%add3A_180] : memref<1600000xi32, #tpu.memory_space<hbm>> -> memref<2000xi32, #tpu.memory_space<hbm>>
      %dma_start3A_607 = tpu.memref_slice %arg3[%add3A_180] : memref<1600000xi32, #tpu.memory_space<hbm>> -> memref<2000xi32, #tpu.memory_space<hbm>>
      tpu.enqueue_dma source(%dma_start3A_607 : memref<2000xi32, #tpu.memory_space<hbm>>) target(%arg10 : memref<2000xi32, #tpu.memory_space<vmem>>) target_semaphore(%run_scoped3A : memref<!tpu.dma_semaphore, #tpu.memory_space<semaphore_mem>>)
      %dma_wait3A_608 = tpu.memref_slice %arg3[%add3A_180] : memref<1600000xi32, #tpu.memory_space<hbm>> -> memref<2000xi32, #tpu.memory_space<hbm>>
      %dma_wait3A_609 = tpu.memref_slice %arg3[%add3A_180] : memref<1600000xi32, #tpu.memory_space<hbm>> -> memref<2000xi32, #tpu.memory_space<hbm>>
      tpu.wait_dma2 semaphore(%run_scoped3A : memref<!tpu.dma_semaphore, #tpu.memory_space<semaphore_mem>>) src(%dma_wait3A_609 : memref<2000xi32, #tpu.memory_space<hbm>>) dst(%arg10 : memref<2000xi32, #tpu.memory_space<vmem>>)
      tpu.yield
    }) : () -> ()
    "tpu.region"() ({
      %run_scoped3A = tpu.sem_alloc : memref<!tpu.dma_semaphore, #tpu.memory_space<semaphore_mem>>
      %dma_start3A_606 = tpu.memref_slice %arg4[%add3A_180] : memref<1600000xi32, #tpu.memory_space<hbm>> -> memref<2000xi32, #tpu.memory_space<hbm>>
      %dma_start3A_607 = tpu.memref_slice %arg4[%add3A_180] : memref<1600000xi32, #tpu.memory_space<hbm>> -> memref<2000xi32, #tpu.memory_space<hbm>>
      tpu.enqueue_dma source(%dma_start3A_607 : memref<2000xi32, #tpu.memory_space<hbm>>) target(%arg12 : memref<2000xi32, #tpu.memory_space<vmem>>) target_semaphore(%run_scoped3A : memref<!tpu.dma_semaphore, #tpu.memory_space<semaphore_mem>>)
      %dma_wait3A_608 = tpu.memref_slice %arg4[%add3A_180] : memref<1600000xi32, #tpu.memory_space<hbm>> -> memref<2000xi32, #tpu.memory_space<hbm>>
      %dma_wait3A_609 = tpu.memref_slice %arg4[%add3A_180] : memref<1600000xi32, #tpu.memory_space<hbm>> -> memref<2000xi32, #tpu.memory_space<hbm>>
      tpu.wait_dma2 semaphore(%run_scoped3A : memref<!tpu.dma_semaphore, #tpu.memory_space<semaphore_mem>>) src(%dma_wait3A_609 : memref<2000xi32, #tpu.memory_space<hbm>>) dst(%arg12 : memref<2000xi32, #tpu.memory_space<vmem>>)
      tpu.yield
    }) : () -> ()
    "tpu.region"() ({
      %run_scoped3A = tpu.sem_alloc : memref<!tpu.dma_semaphore, #tpu.memory_space<semaphore_mem>>
      %dma_start3A_606 = tpu.memref_slice %arg5[%add3A_180] : memref<1600000xi32, #tpu.memory_space<hbm>> -> memref<2000xi32, #tpu.memory_space<hbm>>
      %dma_start3A_607 = tpu.memref_slice %arg5[%add3A_180] : memref<1600000xi32, #tpu.memory_space<hbm>> -> memref<2000xi32, #tpu.memory_space<hbm>>
      tpu.enqueue_dma source(%dma_start3A_607 : memref<2000xi32, #tpu.memory_space<hbm>>) target(%arg13 : memref<2000xi32, #tpu.memory_space<vmem>>) target_semaphore(%run_scoped3A : memref<!tpu.dma_semaphore, #tpu.memory_space<semaphore_mem>>)
      %dma_wait3A_608 = tpu.memref_slice %arg5[%add3A_180] : memref<1600000xi32, #tpu.memory_space<hbm>> -> memref<2000xi32, #tpu.memory_space<hbm>>
      %dma_wait3A_609 = tpu.memref_slice %arg5[%add3A_180] : memref<1600000xi32, #tpu.memory_space<hbm>> -> memref<2000xi32, #tpu.memory_space<hbm>>
      tpu.wait_dma2 semaphore(%run_scoped3A : memref<!tpu.dma_semaphore, #tpu.memory_space<semaphore_mem>>) src(%dma_wait3A_609 : memref<2000xi32, #tpu.memory_space<hbm>>) dst(%arg13 : memref<2000xi32, #tpu.memory_space<vmem>>)
      tpu.yield
    }) : () -> ()
    %scan3A_181 = arith.constant 0 : i32
    %scan3A_182 = arith.constant 125 : i32
    %scan3A_183 = arith.addi %scan3A_181, %scan3A_182 : i32
    %scan3A_184 = arith.constant 1 : i32
    scf.for %scan3A_606 = %scan3A_181 to %scan3A_183 step %scan3A_184  : i32 {
      %mul3A_607 = arith.constant 16 : i32
      %mul3A_608 = arith.muli %scan3A_606, %mul3A_607 : i32
      %get3A = arith.index_cast %mul3A_608 : i32 to index
      %get3A_609 = tpu.vector_load %arg13[%get3A] {strides = array<i32>} : memref<2000xi32, #tpu.memory_space<vmem>>, vector<16xi32>,
      %get3A_610 = vector.shape_cast %get3A_609 : vector<16xi32> to vector<16xi32>
      %mul3A_611 = arith.constant 50000 : i32
      %mul3A_612 = vector.broadcast %mul3A_611 : i32 to vector<16xi32>
      %mul3A_613 = arith.muli %get3A_610, %mul3A_612 : vector<16xi32>
      %get3A_614 = arith.index_cast %mul3A_608 : i32 to index
      %get3A_615 = tpu.vector_load %arg12[%get3A_614] {strides = array<i32>} : memref<2000xi32, #tpu.memory_space<vmem>>, vector<16xi32>,
      %get3A_616 = vector.shape_cast %get3A_615 : vector<16xi32> to vector<16xi32>
      %add3A_617 = arith.addi %mul3A_613, %get3A_616 : vector<16xi32>
      %swap3A = arith.index_cast %mul3A_608 : i32 to index
      %swap3A_618 = tpu.vector_load %arg12[%swap3A] {strides = array<i32>} : memref<2000xi32, #tpu.memory_space<vmem>>, vector<16xi32>,
      %swap3A_619 = vector.shape_cast %swap3A_618 : vector<16xi32> to vector<16xi32>
      %swap3A_620 = vector.shape_cast %add3A_617 : vector<16xi32> to vector<16xi32>
      tpu.vector_store %arg12[%swap3A], %swap3A_620 {strides = array<i32>} : memref<2000xi32, #tpu.memory_space<vmem>>, vector<16xi32>,
    }
    %scan3A_185 = arith.constant 125 : i32
    %dma_start3A_186 = arith.constant 0 : i32
    %dma_start3A_187 = arith.constant 0 : i32
    %dma_start3A_188 = tpu.memref_slice %arg2[%dma_start3A_186, %dma_start3A_187] : memref<400000x16xf32, #tpu.memory_space<hbm>> -> memref<400000x16xf32, #tpu.memory_space<hbm>>
    tpu.enqueue_indirect_dma source(%dma_start3A_188 : memref<400000x16xf32, #tpu.memory_space<hbm>>) target(%arg15 : memref<2000x16xf32, #tpu.memory_space<vmem>>) offsets(%arg12 : memref<2000xi32, #tpu.memory_space<vmem>>) semaphore(%arg21 : memref<!tpu.dma_semaphore, #tpu.memory_space<semaphore_mem>>)
    %dma_wait3A_189 = arith.constant 0 : i32
    %dma_wait3A_190 = arith.constant 0 : i32
    %dma_wait3A_191 = tpu.memref_slice %arg17[%dma_wait3A_189, %dma_wait3A_190] : memref<50048x16xf32, #tpu.memory_space<vmem_shared>> -> memref<50048x16xf32, #tpu.memory_space<vmem_shared>>
    tpu.wait_indirect_dma semaphore(%arg22 : memref<!tpu.dma_semaphore, #tpu.memory_space<semaphore_mem>>) src(%arg14 : memref<2000x16xf32, #tpu.memory_space<vmem>>) dst(%dma_wait3A_191 : memref<50048x16xf32, #tpu.memory_space<vmem_shared>>)
    %dma_wait3A_192 = arith.constant 0 : i32
    %dma_wait3A_193 = tpu.memref_slice %arg18[%dma_wait3A_192] : memref<50048xf32, #tpu.memory_space<vmem_shared>> -> memref<50048xf32, #tpu.memory_space<vmem_shared>>
    tpu.wait_indirect_dma semaphore(%arg23 : memref<!tpu.dma_semaphore, #tpu.memory_space<semaphore_mem>>) src(%arg16 : memref<2000xf32, #tpu.memory_space<vmem>>) dst(%dma_wait3A_193 : memref<50048xf32, #tpu.memory_space<vmem_shared>>)
    %dma_wait3A_194 = arith.constant 0 : i32
    %dma_wait3A_195 = arith.constant 0 : i32
    %dma_wait3A_196 = tpu.memref_slice %arg2[%dma_wait3A_194, %dma_wait3A_195] : memref<400000x16xf32, #tpu.memory_space<hbm>> -> memref<400000x16xf32, #tpu.memory_space<hbm>>
    tpu.wait_indirect_dma semaphore(%arg21 : memref<!tpu.dma_semaphore, #tpu.memory_space<semaphore_mem>>) src(%dma_wait3A_196 : memref<400000x16xf32, #tpu.memory_space<hbm>>) dst(%arg15 : memref<2000x16xf32, #tpu.memory_space<vmem>>)
    %dma_start3A_197 = arith.constant 0 : i32
    %dma_start3A_198 = arith.constant 0 : i32
    %dma_start3A_199 = tpu.memref_slice %arg17[%dma_start3A_197, %dma_start3A_198] : memref<50048x16xf32, #tpu.memory_space<vmem_shared>> -> memref<50048x16xf32, #tpu.memory_space<vmem_shared>>
    tpu.enqueue_indirect_dma source(%arg15 : memref<2000x16xf32, #tpu.memory_space<vmem>>) target(%dma_start3A_199 : memref<50048x16xf32, #tpu.memory_space<vmem_shared>>) offsets(%arg10 : memref<2000xi32, #tpu.memory_space<vmem>>) semaphore(%arg22 : memref<!tpu.dma_semaphore, #tpu.memory_space<semaphore_mem>>) {add = true}
    %dma_start3A_200 = arith.constant 0 : i32
    %dma_start3A_201 = tpu.memref_slice %arg18[%dma_start3A_200] : memref<50048xf32, #tpu.memory_space<vmem_shared>> -> memref<50048xf32, #tpu.memory_space<vmem_shared>>
    tpu.enqueue_indirect_dma source(%arg16 : memref<2000xf32, #tpu.memory_space<vmem>>) target(%dma_start3A_201 : memref<50048xf32, #tpu.memory_space<vmem_shared>>) offsets(%arg10 : memref<2000xi32, #tpu.memory_space<vmem>>) semaphore(%arg23 : memref<!tpu.dma_semaphore, #tpu.memory_space<semaphore_mem>>) {add = true}
    %add3A_202 = arith.constant 16000 : i32
    %add3A_203 = arith.addi %add3A_24, %add3A_202 : i32
    "tpu.region"() ({
      %run_scoped3A = tpu.sem_alloc : memref<!tpu.dma_semaphore, #tpu.memory_space<semaphore_mem>>
      %dma_start3A_606 = tpu.memref_slice %arg3[%add3A_203] : memref<1600000xi32, #tpu.memory_space<hbm>> -> memref<2000xi32, #tpu.memory_space<hbm>>
      %dma_start3A_607 = tpu.memref_slice %arg3[%add3A_203] : memref<1600000xi32, #tpu.memory_space<hbm>> -> memref<2000xi32, #tpu.memory_space<hbm>>
      tpu.enqueue_dma source(%dma_start3A_607 : memref<2000xi32, #tpu.memory_space<hbm>>) target(%arg9 : memref<2000xi32, #tpu.memory_space<vmem>>) target_semaphore(%run_scoped3A : memref<!tpu.dma_semaphore, #tpu.memory_space<semaphore_mem>>)
      %dma_wait3A_608 = tpu.memref_slice %arg3[%add3A_203] : memref<1600000xi32, #tpu.memory_space<hbm>> -> memref<2000xi32, #tpu.memory_space<hbm>>
      %dma_wait3A_609 = tpu.memref_slice %arg3[%add3A_203] : memref<1600000xi32, #tpu.memory_space<hbm>> -> memref<2000xi32, #tpu.memory_space<hbm>>
      tpu.wait_dma2 semaphore(%run_scoped3A : memref<!tpu.dma_semaphore, #tpu.memory_space<semaphore_mem>>) src(%dma_wait3A_609 : memref<2000xi32, #tpu.memory_space<hbm>>) dst(%arg9 : memref<2000xi32, #tpu.memory_space<vmem>>)
      tpu.yield
    }) : () -> ()
    "tpu.region"() ({
      %run_scoped3A = tpu.sem_alloc : memref<!tpu.dma_semaphore, #tpu.memory_space<semaphore_mem>>
      %dma_start3A_606 = tpu.memref_slice %arg4[%add3A_203] : memref<1600000xi32, #tpu.memory_space<hbm>> -> memref<2000xi32, #tpu.memory_space<hbm>>
      %dma_start3A_607 = tpu.memref_slice %arg4[%add3A_203] : memref<1600000xi32, #tpu.memory_space<hbm>> -> memref<2000xi32, #tpu.memory_space<hbm>>
      tpu.enqueue_dma source(%dma_start3A_607 : memref<2000xi32, #tpu.memory_space<hbm>>) target(%arg11 : memref<2000xi32, #tpu.memory_space<vmem>>) target_semaphore(%run_scoped3A : memref<!tpu.dma_semaphore, #tpu.memory_space<semaphore_mem>>)
      %dma_wait3A_608 = tpu.memref_slice %arg4[%add3A_203] : memref<1600000xi32, #tpu.memory_space<hbm>> -> memref<2000xi32, #tpu.memory_space<hbm>>
      %dma_wait3A_609 = tpu.memref_slice %arg4[%add3A_203] : memref<1600000xi32, #tpu.memory_space<hbm>> -> memref<2000xi32, #tpu.memory_space<hbm>>
      tpu.wait_dma2 semaphore(%run_scoped3A : memref<!tpu.dma_semaphore, #tpu.memory_space<semaphore_mem>>) src(%dma_wait3A_609 : memref<2000xi32, #tpu.memory_space<hbm>>) dst(%arg11 : memref<2000xi32, #tpu.memory_space<vmem>>)
      tpu.yield
    }) : () -> ()
    "tpu.region"() ({
      %run_scoped3A = tpu.sem_alloc : memref<!tpu.dma_semaphore, #tpu.memory_space<semaphore_mem>>
      %dma_start3A_606 = tpu.memref_slice %arg5[%add3A_203] : memref<1600000xi32, #tpu.memory_space<hbm>> -> memref<2000xi32, #tpu.memory_space<hbm>>
      %dma_start3A_607 = tpu.memref_slice %arg5[%add3A_203] : memref<1600000xi32, #tpu.memory_space<hbm>> -> memref<2000xi32, #tpu.memory_space<hbm>>
      tpu.enqueue_dma source(%dma_start3A_607 : memref<2000xi32, #tpu.memory_space<hbm>>) target(%arg13 : memref<2000xi32, #tpu.memory_space<vmem>>) target_semaphore(%run_scoped3A : memref<!tpu.dma_semaphore, #tpu.memory_space<semaphore_mem>>)
      %dma_wait3A_608 = tpu.memref_slice %arg5[%add3A_203] : memref<1600000xi32, #tpu.memory_space<hbm>> -> memref<2000xi32, #tpu.memory_space<hbm>>
      %dma_wait3A_609 = tpu.memref_slice %arg5[%add3A_203] : memref<1600000xi32, #tpu.memory_space<hbm>> -> memref<2000xi32, #tpu.memory_space<hbm>>
      tpu.wait_dma2 semaphore(%run_scoped3A : memref<!tpu.dma_semaphore, #tpu.memory_space<semaphore_mem>>) src(%dma_wait3A_609 : memref<2000xi32, #tpu.memory_space<hbm>>) dst(%arg13 : memref<2000xi32, #tpu.memory_space<vmem>>)
      tpu.yield
    }) : () -> ()
    %scan3A_204 = arith.constant 0 : i32
    %scan3A_205 = arith.constant 125 : i32
    %scan3A_206 = arith.addi %scan3A_204, %scan3A_205 : i32
    %scan3A_207 = arith.constant 1 : i32
    scf.for %scan3A_606 = %scan3A_204 to %scan3A_206 step %scan3A_207  : i32 {
      %mul3A_607 = arith.constant 16 : i32
      %mul3A_608 = arith.muli %scan3A_606, %mul3A_607 : i32
      %get3A = arith.index_cast %mul3A_608 : i32 to index
      %get3A_609 = tpu.vector_load %arg13[%get3A] {strides = array<i32>} : memref<2000xi32, #tpu.memory_space<vmem>>, vector<16xi32>,
      %get3A_610 = vector.shape_cast %get3A_609 : vector<16xi32> to vector<16xi32>
      %mul3A_611 = arith.constant 50000 : i32
      %mul3A_612 = vector.broadcast %mul3A_611 : i32 to vector<16xi32>
      %mul3A_613 = arith.muli %get3A_610, %mul3A_612 : vector<16xi32>
      %get3A_614 = arith.index_cast %mul3A_608 : i32 to index
      %get3A_615 = tpu.vector_load %arg11[%get3A_614] {strides = array<i32>} : memref<2000xi32, #tpu.memory_space<vmem>>, vector<16xi32>,
      %get3A_616 = vector.shape_cast %get3A_615 : vector<16xi32> to vector<16xi32>
      %add3A_617 = arith.addi %mul3A_613, %get3A_616 : vector<16xi32>
      %swap3A = arith.index_cast %mul3A_608 : i32 to index
      %swap3A_618 = tpu.vector_load %arg11[%swap3A] {strides = array<i32>} : memref<2000xi32, #tpu.memory_space<vmem>>, vector<16xi32>,
      %swap3A_619 = vector.shape_cast %swap3A_618 : vector<16xi32> to vector<16xi32>
      %swap3A_620 = vector.shape_cast %add3A_617 : vector<16xi32> to vector<16xi32>
      tpu.vector_store %arg11[%swap3A], %swap3A_620 {strides = array<i32>} : memref<2000xi32, #tpu.memory_space<vmem>>, vector<16xi32>,
    }
    %scan3A_208 = arith.constant 125 : i32
    %dma_start3A_209 = arith.constant 0 : i32
    %dma_start3A_210 = arith.constant 0 : i32
    %dma_start3A_211 = tpu.memref_slice %arg2[%dma_start3A_209, %dma_start3A_210] : memref<400000x16xf32, #tpu.memory_space<hbm>> -> memref<400000x16xf32, #tpu.memory_space<hbm>>
    tpu.enqueue_indirect_dma source(%dma_start3A_211 : memref<400000x16xf32, #tpu.memory_space<hbm>>) target(%arg14 : memref<2000x16xf32, #tpu.memory_space<vmem>>) offsets(%arg11 : memref<2000xi32, #tpu.memory_space<vmem>>) semaphore(%arg20 : memref<!tpu.dma_semaphore, #tpu.memory_space<semaphore_mem>>)
    %dma_wait3A_212 = arith.constant 0 : i32
    %dma_wait3A_213 = arith.constant 0 : i32
    %dma_wait3A_214 = tpu.memref_slice %arg17[%dma_wait3A_212, %dma_wait3A_213] : memref<50048x16xf32, #tpu.memory_space<vmem_shared>> -> memref<50048x16xf32, #tpu.memory_space<vmem_shared>>
    tpu.wait_indirect_dma semaphore(%arg22 : memref<!tpu.dma_semaphore, #tpu.memory_space<semaphore_mem>>) src(%arg15 : memref<2000x16xf32, #tpu.memory_space<vmem>>) dst(%dma_wait3A_214 : memref<50048x16xf32, #tpu.memory_space<vmem_shared>>)
    %dma_wait3A_215 = arith.constant 0 : i32
    %dma_wait3A_216 = tpu.memref_slice %arg18[%dma_wait3A_215] : memref<50048xf32, #tpu.memory_space<vmem_shared>> -> memref<50048xf32, #tpu.memory_space<vmem_shared>>
    tpu.wait_indirect_dma semaphore(%arg23 : memref<!tpu.dma_semaphore, #tpu.memory_space<semaphore_mem>>) src(%arg16 : memref<2000xf32, #tpu.memory_space<vmem>>) dst(%dma_wait3A_216 : memref<50048xf32, #tpu.memory_space<vmem_shared>>)
    %dma_wait3A_217 = arith.constant 0 : i32
    %dma_wait3A_218 = arith.constant 0 : i32
    %dma_wait3A_219 = tpu.memref_slice %arg2[%dma_wait3A_217, %dma_wait3A_218] : memref<400000x16xf32, #tpu.memory_space<hbm>> -> memref<400000x16xf32, #tpu.memory_space<hbm>>
    tpu.wait_indirect_dma semaphore(%arg20 : memref<!tpu.dma_semaphore, #tpu.memory_space<semaphore_mem>>) src(%dma_wait3A_219 : memref<400000x16xf32, #tpu.memory_space<hbm>>) dst(%arg14 : memref<2000x16xf32, #tpu.memory_space<vmem>>)
    %dma_start3A_220 = arith.constant 0 : i32
    %dma_start3A_221 = arith.constant 0 : i32
    %dma_start3A_222 = tpu.memref_slice %arg17[%dma_start3A_220, %dma_start3A_221] : memref<50048x16xf32, #tpu.memory_space<vmem_shared>> -> memref<50048x16xf32, #tpu.memory_space<vmem_shared>>
    tpu.enqueue_indirect_dma source(%arg14 : memref<2000x16xf32, #tpu.memory_space<vmem>>) target(%dma_start3A_222 : memref<50048x16xf32, #tpu.memory_space<vmem_shared>>) offsets(%arg9 : memref<2000xi32, #tpu.memory_space<vmem>>) semaphore(%arg22 : memref<!tpu.dma_semaphore, #tpu.memory_space<semaphore_mem>>) {add = true}
    %dma_start3A_223 = arith.constant 0 : i32
    %dma_start3A_224 = tpu.memref_slice %arg18[%dma_start3A_223] : memref<50048xf32, #tpu.memory_space<vmem_shared>> -> memref<50048xf32, #tpu.memory_space<vmem_shared>>
    tpu.enqueue_indirect_dma source(%arg16 : memref<2000xf32, #tpu.memory_space<vmem>>) target(%dma_start3A_224 : memref<50048xf32, #tpu.memory_space<vmem_shared>>) offsets(%arg9 : memref<2000xi32, #tpu.memory_space<vmem>>) semaphore(%arg23 : memref<!tpu.dma_semaphore, #tpu.memory_space<semaphore_mem>>) {add = true}
    %add3A_225 = arith.constant 18000 : i32
    %add3A_226 = arith.addi %add3A_24, %add3A_225 : i32
    "tpu.region"() ({
      %run_scoped3A = tpu.sem_alloc : memref<!tpu.dma_semaphore, #tpu.memory_space<semaphore_mem>>
      %dma_start3A_606 = tpu.memref_slice %arg3[%add3A_226] : memref<1600000xi32, #tpu.memory_space<hbm>> -> memref<2000xi32, #tpu.memory_space<hbm>>
      %dma_start3A_607 = tpu.memref_slice %arg3[%add3A_226] : memref<1600000xi32, #tpu.memory_space<hbm>> -> memref<2000xi32, #tpu.memory_space<hbm>>
      tpu.enqueue_dma source(%dma_start3A_607 : memref<2000xi32, #tpu.memory_space<hbm>>) target(%arg10 : memref<2000xi32, #tpu.memory_space<vmem>>) target_semaphore(%run_scoped3A : memref<!tpu.dma_semaphore, #tpu.memory_space<semaphore_mem>>)
      %dma_wait3A_608 = tpu.memref_slice %arg3[%add3A_226] : memref<1600000xi32, #tpu.memory_space<hbm>> -> memref<2000xi32, #tpu.memory_space<hbm>>
      %dma_wait3A_609 = tpu.memref_slice %arg3[%add3A_226] : memref<1600000xi32, #tpu.memory_space<hbm>> -> memref<2000xi32, #tpu.memory_space<hbm>>
      tpu.wait_dma2 semaphore(%run_scoped3A : memref<!tpu.dma_semaphore, #tpu.memory_space<semaphore_mem>>) src(%dma_wait3A_609 : memref<2000xi32, #tpu.memory_space<hbm>>) dst(%arg10 : memref<2000xi32, #tpu.memory_space<vmem>>)
      tpu.yield
    }) : () -> ()
    "tpu.region"() ({
      %run_scoped3A = tpu.sem_alloc : memref<!tpu.dma_semaphore, #tpu.memory_space<semaphore_mem>>
      %dma_start3A_606 = tpu.memref_slice %arg4[%add3A_226] : memref<1600000xi32, #tpu.memory_space<hbm>> -> memref<2000xi32, #tpu.memory_space<hbm>>
      %dma_start3A_607 = tpu.memref_slice %arg4[%add3A_226] : memref<1600000xi32, #tpu.memory_space<hbm>> -> memref<2000xi32, #tpu.memory_space<hbm>>
      tpu.enqueue_dma source(%dma_start3A_607 : memref<2000xi32, #tpu.memory_space<hbm>>) target(%arg12 : memref<2000xi32, #tpu.memory_space<vmem>>) target_semaphore(%run_scoped3A : memref<!tpu.dma_semaphore, #tpu.memory_space<semaphore_mem>>)
      %dma_wait3A_608 = tpu.memref_slice %arg4[%add3A_226] : memref<1600000xi32, #tpu.memory_space<hbm>> -> memref<2000xi32, #tpu.memory_space<hbm>>
      %dma_wait3A_609 = tpu.memref_slice %arg4[%add3A_226] : memref<1600000xi32, #tpu.memory_space<hbm>> -> memref<2000xi32, #tpu.memory_space<hbm>>
      tpu.wait_dma2 semaphore(%run_scoped3A : memref<!tpu.dma_semaphore, #tpu.memory_space<semaphore_mem>>) src(%dma_wait3A_609 : memref<2000xi32, #tpu.memory_space<hbm>>) dst(%arg12 : memref<2000xi32, #tpu.memory_space<vmem>>)
      tpu.yield
    }) : () -> ()
    "tpu.region"() ({
      %run_scoped3A = tpu.sem_alloc : memref<!tpu.dma_semaphore, #tpu.memory_space<semaphore_mem>>
      %dma_start3A_606 = tpu.memref_slice %arg5[%add3A_226] : memref<1600000xi32, #tpu.memory_space<hbm>> -> memref<2000xi32, #tpu.memory_space<hbm>>
      %dma_start3A_607 = tpu.memref_slice %arg5[%add3A_226] : memref<1600000xi32, #tpu.memory_space<hbm>> -> memref<2000xi32, #tpu.memory_space<hbm>>
      tpu.enqueue_dma source(%dma_start3A_607 : memref<2000xi32, #tpu.memory_space<hbm>>) target(%arg13 : memref<2000xi32, #tpu.memory_space<vmem>>) target_semaphore(%run_scoped3A : memref<!tpu.dma_semaphore, #tpu.memory_space<semaphore_mem>>)
      %dma_wait3A_608 = tpu.memref_slice %arg5[%add3A_226] : memref<1600000xi32, #tpu.memory_space<hbm>> -> memref<2000xi32, #tpu.memory_space<hbm>>
      %dma_wait3A_609 = tpu.memref_slice %arg5[%add3A_226] : memref<1600000xi32, #tpu.memory_space<hbm>> -> memref<2000xi32, #tpu.memory_space<hbm>>
      tpu.wait_dma2 semaphore(%run_scoped3A : memref<!tpu.dma_semaphore, #tpu.memory_space<semaphore_mem>>) src(%dma_wait3A_609 : memref<2000xi32, #tpu.memory_space<hbm>>) dst(%arg13 : memref<2000xi32, #tpu.memory_space<vmem>>)
      tpu.yield
    }) : () -> ()
    %scan3A_227 = arith.constant 0 : i32
    %scan3A_228 = arith.constant 125 : i32
    %scan3A_229 = arith.addi %scan3A_227, %scan3A_228 : i32
    %scan3A_230 = arith.constant 1 : i32
    scf.for %scan3A_606 = %scan3A_227 to %scan3A_229 step %scan3A_230  : i32 {
      %mul3A_607 = arith.constant 16 : i32
      %mul3A_608 = arith.muli %scan3A_606, %mul3A_607 : i32
      %get3A = arith.index_cast %mul3A_608 : i32 to index
      %get3A_609 = tpu.vector_load %arg13[%get3A] {strides = array<i32>} : memref<2000xi32, #tpu.memory_space<vmem>>, vector<16xi32>,
      %get3A_610 = vector.shape_cast %get3A_609 : vector<16xi32> to vector<16xi32>
      %mul3A_611 = arith.constant 50000 : i32
      %mul3A_612 = vector.broadcast %mul3A_611 : i32 to vector<16xi32>
      %mul3A_613 = arith.muli %get3A_610, %mul3A_612 : vector<16xi32>
      %get3A_614 = arith.index_cast %mul3A_608 : i32 to index
      %get3A_615 = tpu.vector_load %arg12[%get3A_614] {strides = array<i32>} : memref<2000xi32, #tpu.memory_space<vmem>>, vector<16xi32>,
      %get3A_616 = vector.shape_cast %get3A_615 : vector<16xi32> to vector<16xi32>
      %add3A_617 = arith.addi %mul3A_613, %get3A_616 : vector<16xi32>
      %swap3A = arith.index_cast %mul3A_608 : i32 to index
      %swap3A_618 = tpu.vector_load %arg12[%swap3A] {strides = array<i32>} : memref<2000xi32, #tpu.memory_space<vmem>>, vector<16xi32>,
      %swap3A_619 = vector.shape_cast %swap3A_618 : vector<16xi32> to vector<16xi32>
      %swap3A_620 = vector.shape_cast %add3A_617 : vector<16xi32> to vector<16xi32>
      tpu.vector_store %arg12[%swap3A], %swap3A_620 {strides = array<i32>} : memref<2000xi32, #tpu.memory_space<vmem>>, vector<16xi32>,
    }
    %scan3A_231 = arith.constant 125 : i32
    %dma_start3A_232 = arith.constant 0 : i32
    %dma_start3A_233 = arith.constant 0 : i32
    %dma_start3A_234 = tpu.memref_slice %arg2[%dma_start3A_232, %dma_start3A_233] : memref<400000x16xf32, #tpu.memory_space<hbm>> -> memref<400000x16xf32, #tpu.memory_space<hbm>>
    tpu.enqueue_indirect_dma source(%dma_start3A_234 : memref<400000x16xf32, #tpu.memory_space<hbm>>) target(%arg15 : memref<2000x16xf32, #tpu.memory_space<vmem>>) offsets(%arg12 : memref<2000xi32, #tpu.memory_space<vmem>>) semaphore(%arg21 : memref<!tpu.dma_semaphore, #tpu.memory_space<semaphore_mem>>)
    %dma_wait3A_235 = arith.constant 0 : i32
    %dma_wait3A_236 = arith.constant 0 : i32
    %dma_wait3A_237 = tpu.memref_slice %arg17[%dma_wait3A_235, %dma_wait3A_236] : memref<50048x16xf32, #tpu.memory_space<vmem_shared>> -> memref<50048x16xf32, #tpu.memory_space<vmem_shared>>
    tpu.wait_indirect_dma semaphore(%arg22 : memref<!tpu.dma_semaphore, #tpu.memory_space<semaphore_mem>>) src(%arg14 : memref<2000x16xf32, #tpu.memory_space<vmem>>) dst(%dma_wait3A_237 : memref<50048x16xf32, #tpu.memory_space<vmem_shared>>)
    %dma_wait3A_238 = arith.constant 0 : i32
    %dma_wait3A_239 = tpu.memref_slice %arg18[%dma_wait3A_238] : memref<50048xf32, #tpu.memory_space<vmem_shared>> -> memref<50048xf32, #tpu.memory_space<vmem_shared>>
    tpu.wait_indirect_dma semaphore(%arg23 : memref<!tpu.dma_semaphore, #tpu.memory_space<semaphore_mem>>) src(%arg16 : memref<2000xf32, #tpu.memory_space<vmem>>) dst(%dma_wait3A_239 : memref<50048xf32, #tpu.memory_space<vmem_shared>>)
    %dma_wait3A_240 = arith.constant 0 : i32
    %dma_wait3A_241 = arith.constant 0 : i32
    %dma_wait3A_242 = tpu.memref_slice %arg2[%dma_wait3A_240, %dma_wait3A_241] : memref<400000x16xf32, #tpu.memory_space<hbm>> -> memref<400000x16xf32, #tpu.memory_space<hbm>>
    tpu.wait_indirect_dma semaphore(%arg21 : memref<!tpu.dma_semaphore, #tpu.memory_space<semaphore_mem>>) src(%dma_wait3A_242 : memref<400000x16xf32, #tpu.memory_space<hbm>>) dst(%arg15 : memref<2000x16xf32, #tpu.memory_space<vmem>>)
    %dma_start3A_243 = arith.constant 0 : i32
    %dma_start3A_244 = arith.constant 0 : i32
    %dma_start3A_245 = tpu.memref_slice %arg17[%dma_start3A_243, %dma_start3A_244] : memref<50048x16xf32, #tpu.memory_space<vmem_shared>> -> memref<50048x16xf32, #tpu.memory_space<vmem_shared>>
    tpu.enqueue_indirect_dma source(%arg15 : memref<2000x16xf32, #tpu.memory_space<vmem>>) target(%dma_start3A_245 : memref<50048x16xf32, #tpu.memory_space<vmem_shared>>) offsets(%arg10 : memref<2000xi32, #tpu.memory_space<vmem>>) semaphore(%arg22 : memref<!tpu.dma_semaphore, #tpu.memory_space<semaphore_mem>>) {add = true}
    %dma_start3A_246 = arith.constant 0 : i32
    %dma_start3A_247 = tpu.memref_slice %arg18[%dma_start3A_246] : memref<50048xf32, #tpu.memory_space<vmem_shared>> -> memref<50048xf32, #tpu.memory_space<vmem_shared>>
    tpu.enqueue_indirect_dma source(%arg16 : memref<2000xf32, #tpu.memory_space<vmem>>) target(%dma_start3A_247 : memref<50048xf32, #tpu.memory_space<vmem_shared>>) offsets(%arg10 : memref<2000xi32, #tpu.memory_space<vmem>>) semaphore(%arg23 : memref<!tpu.dma_semaphore, #tpu.memory_space<semaphore_mem>>) {add = true}
    %add3A_248 = arith.constant 20000 : i32
    %add3A_249 = arith.addi %add3A_24, %add3A_248 : i32
    "tpu.region"() ({
      %run_scoped3A = tpu.sem_alloc : memref<!tpu.dma_semaphore, #tpu.memory_space<semaphore_mem>>
      %dma_start3A_606 = tpu.memref_slice %arg3[%add3A_249] : memref<1600000xi32, #tpu.memory_space<hbm>> -> memref<2000xi32, #tpu.memory_space<hbm>>
      %dma_start3A_607 = tpu.memref_slice %arg3[%add3A_249] : memref<1600000xi32, #tpu.memory_space<hbm>> -> memref<2000xi32, #tpu.memory_space<hbm>>
      tpu.enqueue_dma source(%dma_start3A_607 : memref<2000xi32, #tpu.memory_space<hbm>>) target(%arg9 : memref<2000xi32, #tpu.memory_space<vmem>>) target_semaphore(%run_scoped3A : memref<!tpu.dma_semaphore, #tpu.memory_space<semaphore_mem>>)
      %dma_wait3A_608 = tpu.memref_slice %arg3[%add3A_249] : memref<1600000xi32, #tpu.memory_space<hbm>> -> memref<2000xi32, #tpu.memory_space<hbm>>
      %dma_wait3A_609 = tpu.memref_slice %arg3[%add3A_249] : memref<1600000xi32, #tpu.memory_space<hbm>> -> memref<2000xi32, #tpu.memory_space<hbm>>
      tpu.wait_dma2 semaphore(%run_scoped3A : memref<!tpu.dma_semaphore, #tpu.memory_space<semaphore_mem>>) src(%dma_wait3A_609 : memref<2000xi32, #tpu.memory_space<hbm>>) dst(%arg9 : memref<2000xi32, #tpu.memory_space<vmem>>)
      tpu.yield
    }) : () -> ()
    "tpu.region"() ({
      %run_scoped3A = tpu.sem_alloc : memref<!tpu.dma_semaphore, #tpu.memory_space<semaphore_mem>>
      %dma_start3A_606 = tpu.memref_slice %arg4[%add3A_249] : memref<1600000xi32, #tpu.memory_space<hbm>> -> memref<2000xi32, #tpu.memory_space<hbm>>
      %dma_start3A_607 = tpu.memref_slice %arg4[%add3A_249] : memref<1600000xi32, #tpu.memory_space<hbm>> -> memref<2000xi32, #tpu.memory_space<hbm>>
      tpu.enqueue_dma source(%dma_start3A_607 : memref<2000xi32, #tpu.memory_space<hbm>>) target(%arg11 : memref<2000xi32, #tpu.memory_space<vmem>>) target_semaphore(%run_scoped3A : memref<!tpu.dma_semaphore, #tpu.memory_space<semaphore_mem>>)
      %dma_wait3A_608 = tpu.memref_slice %arg4[%add3A_249] : memref<1600000xi32, #tpu.memory_space<hbm>> -> memref<2000xi32, #tpu.memory_space<hbm>>
      %dma_wait3A_609 = tpu.memref_slice %arg4[%add3A_249] : memref<1600000xi32, #tpu.memory_space<hbm>> -> memref<2000xi32, #tpu.memory_space<hbm>>
      tpu.wait_dma2 semaphore(%run_scoped3A : memref<!tpu.dma_semaphore, #tpu.memory_space<semaphore_mem>>) src(%dma_wait3A_609 : memref<2000xi32, #tpu.memory_space<hbm>>) dst(%arg11 : memref<2000xi32, #tpu.memory_space<vmem>>)
      tpu.yield
    }) : () -> ()
    "tpu.region"() ({
      %run_scoped3A = tpu.sem_alloc : memref<!tpu.dma_semaphore, #tpu.memory_space<semaphore_mem>>
      %dma_start3A_606 = tpu.memref_slice %arg5[%add3A_249] : memref<1600000xi32, #tpu.memory_space<hbm>> -> memref<2000xi32, #tpu.memory_space<hbm>>
      %dma_start3A_607 = tpu.memref_slice %arg5[%add3A_249] : memref<1600000xi32, #tpu.memory_space<hbm>> -> memref<2000xi32, #tpu.memory_space<hbm>>
      tpu.enqueue_dma source(%dma_start3A_607 : memref<2000xi32, #tpu.memory_space<hbm>>) target(%arg13 : memref<2000xi32, #tpu.memory_space<vmem>>) target_semaphore(%run_scoped3A : memref<!tpu.dma_semaphore, #tpu.memory_space<semaphore_mem>>)
      %dma_wait3A_608 = tpu.memref_slice %arg5[%add3A_249] : memref<1600000xi32, #tpu.memory_space<hbm>> -> memref<2000xi32, #tpu.memory_space<hbm>>
      %dma_wait3A_609 = tpu.memref_slice %arg5[%add3A_249] : memref<1600000xi32, #tpu.memory_space<hbm>> -> memref<2000xi32, #tpu.memory_space<hbm>>
      tpu.wait_dma2 semaphore(%run_scoped3A : memref<!tpu.dma_semaphore, #tpu.memory_space<semaphore_mem>>) src(%dma_wait3A_609 : memref<2000xi32, #tpu.memory_space<hbm>>) dst(%arg13 : memref<2000xi32, #tpu.memory_space<vmem>>)
      tpu.yield
    }) : () -> ()
    %scan3A_250 = arith.constant 0 : i32
    %scan3A_251 = arith.constant 125 : i32
    %scan3A_252 = arith.addi %scan3A_250, %scan3A_251 : i32
    %scan3A_253 = arith.constant 1 : i32
    scf.for %scan3A_606 = %scan3A_250 to %scan3A_252 step %scan3A_253  : i32 {
      %mul3A_607 = arith.constant 16 : i32
      %mul3A_608 = arith.muli %scan3A_606, %mul3A_607 : i32
      %get3A = arith.index_cast %mul3A_608 : i32 to index
      %get3A_609 = tpu.vector_load %arg13[%get3A] {strides = array<i32>} : memref<2000xi32, #tpu.memory_space<vmem>>, vector<16xi32>,
      %get3A_610 = vector.shape_cast %get3A_609 : vector<16xi32> to vector<16xi32>
      %mul3A_611 = arith.constant 50000 : i32
      %mul3A_612 = vector.broadcast %mul3A_611 : i32 to vector<16xi32>
      %mul3A_613 = arith.muli %get3A_610, %mul3A_612 : vector<16xi32>
      %get3A_614 = arith.index_cast %mul3A_608 : i32 to index
      %get3A_615 = tpu.vector_load %arg11[%get3A_614] {strides = array<i32>} : memref<2000xi32, #tpu.memory_space<vmem>>, vector<16xi32>,
      %get3A_616 = vector.shape_cast %get3A_615 : vector<16xi32> to vector<16xi32>
      %add3A_617 = arith.addi %mul3A_613, %get3A_616 : vector<16xi32>
      %swap3A = arith.index_cast %mul3A_608 : i32 to index
      %swap3A_618 = tpu.vector_load %arg11[%swap3A] {strides = array<i32>} : memref<2000xi32, #tpu.memory_space<vmem>>, vector<16xi32>,
      %swap3A_619 = vector.shape_cast %swap3A_618 : vector<16xi32> to vector<16xi32>
      %swap3A_620 = vector.shape_cast %add3A_617 : vector<16xi32> to vector<16xi32>
      tpu.vector_store %arg11[%swap3A], %swap3A_620 {strides = array<i32>} : memref<2000xi32, #tpu.memory_space<vmem>>, vector<16xi32>,
    }
    %scan3A_254 = arith.constant 125 : i32
    %dma_start3A_255 = arith.constant 0 : i32
    %dma_start3A_256 = arith.constant 0 : i32
    %dma_start3A_257 = tpu.memref_slice %arg2[%dma_start3A_255, %dma_start3A_256] : memref<400000x16xf32, #tpu.memory_space<hbm>> -> memref<400000x16xf32, #tpu.memory_space<hbm>>
    tpu.enqueue_indirect_dma source(%dma_start3A_257 : memref<400000x16xf32, #tpu.memory_space<hbm>>) target(%arg14 : memref<2000x16xf32, #tpu.memory_space<vmem>>) offsets(%arg11 : memref<2000xi32, #tpu.memory_space<vmem>>) semaphore(%arg20 : memref<!tpu.dma_semaphore, #tpu.memory_space<semaphore_mem>>)
    %dma_wait3A_258 = arith.constant 0 : i32
    %dma_wait3A_259 = arith.constant 0 : i32
    %dma_wait3A_260 = tpu.memref_slice %arg17[%dma_wait3A_258, %dma_wait3A_259] : memref<50048x16xf32, #tpu.memory_space<vmem_shared>> -> memref<50048x16xf32, #tpu.memory_space<vmem_shared>>
    tpu.wait_indirect_dma semaphore(%arg22 : memref<!tpu.dma_semaphore, #tpu.memory_space<semaphore_mem>>) src(%arg15 : memref<2000x16xf32, #tpu.memory_space<vmem>>) dst(%dma_wait3A_260 : memref<50048x16xf32, #tpu.memory_space<vmem_shared>>)
    %dma_wait3A_261 = arith.constant 0 : i32
    %dma_wait3A_262 = tpu.memref_slice %arg18[%dma_wait3A_261] : memref<50048xf32, #tpu.memory_space<vmem_shared>> -> memref<50048xf32, #tpu.memory_space<vmem_shared>>
    tpu.wait_indirect_dma semaphore(%arg23 : memref<!tpu.dma_semaphore, #tpu.memory_space<semaphore_mem>>) src(%arg16 : memref<2000xf32, #tpu.memory_space<vmem>>) dst(%dma_wait3A_262 : memref<50048xf32, #tpu.memory_space<vmem_shared>>)
    %dma_wait3A_263 = arith.constant 0 : i32
    %dma_wait3A_264 = arith.constant 0 : i32
    %dma_wait3A_265 = tpu.memref_slice %arg2[%dma_wait3A_263, %dma_wait3A_264] : memref<400000x16xf32, #tpu.memory_space<hbm>> -> memref<400000x16xf32, #tpu.memory_space<hbm>>
    tpu.wait_indirect_dma semaphore(%arg20 : memref<!tpu.dma_semaphore, #tpu.memory_space<semaphore_mem>>) src(%dma_wait3A_265 : memref<400000x16xf32, #tpu.memory_space<hbm>>) dst(%arg14 : memref<2000x16xf32, #tpu.memory_space<vmem>>)
    %dma_start3A_266 = arith.constant 0 : i32
    %dma_start3A_267 = arith.constant 0 : i32
    %dma_start3A_268 = tpu.memref_slice %arg17[%dma_start3A_266, %dma_start3A_267] : memref<50048x16xf32, #tpu.memory_space<vmem_shared>> -> memref<50048x16xf32, #tpu.memory_space<vmem_shared>>
    tpu.enqueue_indirect_dma source(%arg14 : memref<2000x16xf32, #tpu.memory_space<vmem>>) target(%dma_start3A_268 : memref<50048x16xf32, #tpu.memory_space<vmem_shared>>) offsets(%arg9 : memref<2000xi32, #tpu.memory_space<vmem>>) semaphore(%arg22 : memref<!tpu.dma_semaphore, #tpu.memory_space<semaphore_mem>>) {add = true}
    %dma_start3A_269 = arith.constant 0 : i32
    %dma_start3A_270 = tpu.memref_slice %arg18[%dma_start3A_269] : memref<50048xf32, #tpu.memory_space<vmem_shared>> -> memref<50048xf32, #tpu.memory_space<vmem_shared>>
    tpu.enqueue_indirect_dma source(%arg16 : memref<2000xf32, #tpu.memory_space<vmem>>) target(%dma_start3A_270 : memref<50048xf32, #tpu.memory_space<vmem_shared>>) offsets(%arg9 : memref<2000xi32, #tpu.memory_space<vmem>>) semaphore(%arg23 : memref<!tpu.dma_semaphore, #tpu.memory_space<semaphore_mem>>) {add = true}
    %add3A_271 = arith.constant 22000 : i32
    %add3A_272 = arith.addi %add3A_24, %add3A_271 : i32
    "tpu.region"() ({
      %run_scoped3A = tpu.sem_alloc : memref<!tpu.dma_semaphore, #tpu.memory_space<semaphore_mem>>
      %dma_start3A_606 = tpu.memref_slice %arg3[%add3A_272] : memref<1600000xi32, #tpu.memory_space<hbm>> -> memref<2000xi32, #tpu.memory_space<hbm>>
      %dma_start3A_607 = tpu.memref_slice %arg3[%add3A_272] : memref<1600000xi32, #tpu.memory_space<hbm>> -> memref<2000xi32, #tpu.memory_space<hbm>>
      tpu.enqueue_dma source(%dma_start3A_607 : memref<2000xi32, #tpu.memory_space<hbm>>) target(%arg10 : memref<2000xi32, #tpu.memory_space<vmem>>) target_semaphore(%run_scoped3A : memref<!tpu.dma_semaphore, #tpu.memory_space<semaphore_mem>>)
      %dma_wait3A_608 = tpu.memref_slice %arg3[%add3A_272] : memref<1600000xi32, #tpu.memory_space<hbm>> -> memref<2000xi32, #tpu.memory_space<hbm>>
      %dma_wait3A_609 = tpu.memref_slice %arg3[%add3A_272] : memref<1600000xi32, #tpu.memory_space<hbm>> -> memref<2000xi32, #tpu.memory_space<hbm>>
      tpu.wait_dma2 semaphore(%run_scoped3A : memref<!tpu.dma_semaphore, #tpu.memory_space<semaphore_mem>>) src(%dma_wait3A_609 : memref<2000xi32, #tpu.memory_space<hbm>>) dst(%arg10 : memref<2000xi32, #tpu.memory_space<vmem>>)
      tpu.yield
    }) : () -> ()
    "tpu.region"() ({
      %run_scoped3A = tpu.sem_alloc : memref<!tpu.dma_semaphore, #tpu.memory_space<semaphore_mem>>
      %dma_start3A_606 = tpu.memref_slice %arg4[%add3A_272] : memref<1600000xi32, #tpu.memory_space<hbm>> -> memref<2000xi32, #tpu.memory_space<hbm>>
      %dma_start3A_607 = tpu.memref_slice %arg4[%add3A_272] : memref<1600000xi32, #tpu.memory_space<hbm>> -> memref<2000xi32, #tpu.memory_space<hbm>>
      tpu.enqueue_dma source(%dma_start3A_607 : memref<2000xi32, #tpu.memory_space<hbm>>) target(%arg12 : memref<2000xi32, #tpu.memory_space<vmem>>) target_semaphore(%run_scoped3A : memref<!tpu.dma_semaphore, #tpu.memory_space<semaphore_mem>>)
      %dma_wait3A_608 = tpu.memref_slice %arg4[%add3A_272] : memref<1600000xi32, #tpu.memory_space<hbm>> -> memref<2000xi32, #tpu.memory_space<hbm>>
      %dma_wait3A_609 = tpu.memref_slice %arg4[%add3A_272] : memref<1600000xi32, #tpu.memory_space<hbm>> -> memref<2000xi32, #tpu.memory_space<hbm>>
      tpu.wait_dma2 semaphore(%run_scoped3A : memref<!tpu.dma_semaphore, #tpu.memory_space<semaphore_mem>>) src(%dma_wait3A_609 : memref<2000xi32, #tpu.memory_space<hbm>>) dst(%arg12 : memref<2000xi32, #tpu.memory_space<vmem>>)
      tpu.yield
    }) : () -> ()
    "tpu.region"() ({
      %run_scoped3A = tpu.sem_alloc : memref<!tpu.dma_semaphore, #tpu.memory_space<semaphore_mem>>
      %dma_start3A_606 = tpu.memref_slice %arg5[%add3A_272] : memref<1600000xi32, #tpu.memory_space<hbm>> -> memref<2000xi32, #tpu.memory_space<hbm>>
      %dma_start3A_607 = tpu.memref_slice %arg5[%add3A_272] : memref<1600000xi32, #tpu.memory_space<hbm>> -> memref<2000xi32, #tpu.memory_space<hbm>>
      tpu.enqueue_dma source(%dma_start3A_607 : memref<2000xi32, #tpu.memory_space<hbm>>) target(%arg13 : memref<2000xi32, #tpu.memory_space<vmem>>) target_semaphore(%run_scoped3A : memref<!tpu.dma_semaphore, #tpu.memory_space<semaphore_mem>>)
      %dma_wait3A_608 = tpu.memref_slice %arg5[%add3A_272] : memref<1600000xi32, #tpu.memory_space<hbm>> -> memref<2000xi32, #tpu.memory_space<hbm>>
      %dma_wait3A_609 = tpu.memref_slice %arg5[%add3A_272] : memref<1600000xi32, #tpu.memory_space<hbm>> -> memref<2000xi32, #tpu.memory_space<hbm>>
      tpu.wait_dma2 semaphore(%run_scoped3A : memref<!tpu.dma_semaphore, #tpu.memory_space<semaphore_mem>>) src(%dma_wait3A_609 : memref<2000xi32, #tpu.memory_space<hbm>>) dst(%arg13 : memref<2000xi32, #tpu.memory_space<vmem>>)
      tpu.yield
    }) : () -> ()
    %scan3A_273 = arith.constant 0 : i32
    %scan3A_274 = arith.constant 125 : i32
    %scan3A_275 = arith.addi %scan3A_273, %scan3A_274 : i32
    %scan3A_276 = arith.constant 1 : i32
    scf.for %scan3A_606 = %scan3A_273 to %scan3A_275 step %scan3A_276  : i32 {
      %mul3A_607 = arith.constant 16 : i32
      %mul3A_608 = arith.muli %scan3A_606, %mul3A_607 : i32
      %get3A = arith.index_cast %mul3A_608 : i32 to index
      %get3A_609 = tpu.vector_load %arg13[%get3A] {strides = array<i32>} : memref<2000xi32, #tpu.memory_space<vmem>>, vector<16xi32>,
      %get3A_610 = vector.shape_cast %get3A_609 : vector<16xi32> to vector<16xi32>
      %mul3A_611 = arith.constant 50000 : i32
      %mul3A_612 = vector.broadcast %mul3A_611 : i32 to vector<16xi32>
      %mul3A_613 = arith.muli %get3A_610, %mul3A_612 : vector<16xi32>
      %get3A_614 = arith.index_cast %mul3A_608 : i32 to index
      %get3A_615 = tpu.vector_load %arg12[%get3A_614] {strides = array<i32>} : memref<2000xi32, #tpu.memory_space<vmem>>, vector<16xi32>,
      %get3A_616 = vector.shape_cast %get3A_615 : vector<16xi32> to vector<16xi32>
      %add3A_617 = arith.addi %mul3A_613, %get3A_616 : vector<16xi32>
      %swap3A = arith.index_cast %mul3A_608 : i32 to index
      %swap3A_618 = tpu.vector_load %arg12[%swap3A] {strides = array<i32>} : memref<2000xi32, #tpu.memory_space<vmem>>, vector<16xi32>,
      %swap3A_619 = vector.shape_cast %swap3A_618 : vector<16xi32> to vector<16xi32>
      %swap3A_620 = vector.shape_cast %add3A_617 : vector<16xi32> to vector<16xi32>
      tpu.vector_store %arg12[%swap3A], %swap3A_620 {strides = array<i32>} : memref<2000xi32, #tpu.memory_space<vmem>>, vector<16xi32>,
    }
    %scan3A_277 = arith.constant 125 : i32
    %dma_start3A_278 = arith.constant 0 : i32
    %dma_start3A_279 = arith.constant 0 : i32
    %dma_start3A_280 = tpu.memref_slice %arg2[%dma_start3A_278, %dma_start3A_279] : memref<400000x16xf32, #tpu.memory_space<hbm>> -> memref<400000x16xf32, #tpu.memory_space<hbm>>
    tpu.enqueue_indirect_dma source(%dma_start3A_280 : memref<400000x16xf32, #tpu.memory_space<hbm>>) target(%arg15 : memref<2000x16xf32, #tpu.memory_space<vmem>>) offsets(%arg12 : memref<2000xi32, #tpu.memory_space<vmem>>) semaphore(%arg21 : memref<!tpu.dma_semaphore, #tpu.memory_space<semaphore_mem>>)
    %dma_wait3A_281 = arith.constant 0 : i32
    %dma_wait3A_282 = arith.constant 0 : i32
    %dma_wait3A_283 = tpu.memref_slice %arg17[%dma_wait3A_281, %dma_wait3A_282] : memref<50048x16xf32, #tpu.memory_space<vmem_shared>> -> memref<50048x16xf32, #tpu.memory_space<vmem_shared>>
    tpu.wait_indirect_dma semaphore(%arg22 : memref<!tpu.dma_semaphore, #tpu.memory_space<semaphore_mem>>) src(%arg14 : memref<2000x16xf32, #tpu.memory_space<vmem>>) dst(%dma_wait3A_283 : memref<50048x16xf32, #tpu.memory_space<vmem_shared>>)
    %dma_wait3A_284 = arith.constant 0 : i32
    %dma_wait3A_285 = tpu.memref_slice %arg18[%dma_wait3A_284] : memref<50048xf32, #tpu.memory_space<vmem_shared>> -> memref<50048xf32, #tpu.memory_space<vmem_shared>>
    tpu.wait_indirect_dma semaphore(%arg23 : memref<!tpu.dma_semaphore, #tpu.memory_space<semaphore_mem>>) src(%arg16 : memref<2000xf32, #tpu.memory_space<vmem>>) dst(%dma_wait3A_285 : memref<50048xf32, #tpu.memory_space<vmem_shared>>)
    %dma_wait3A_286 = arith.constant 0 : i32
    %dma_wait3A_287 = arith.constant 0 : i32
    %dma_wait3A_288 = tpu.memref_slice %arg2[%dma_wait3A_286, %dma_wait3A_287] : memref<400000x16xf32, #tpu.memory_space<hbm>> -> memref<400000x16xf32, #tpu.memory_space<hbm>>
    tpu.wait_indirect_dma semaphore(%arg21 : memref<!tpu.dma_semaphore, #tpu.memory_space<semaphore_mem>>) src(%dma_wait3A_288 : memref<400000x16xf32, #tpu.memory_space<hbm>>) dst(%arg15 : memref<2000x16xf32, #tpu.memory_space<vmem>>)
    %dma_start3A_289 = arith.constant 0 : i32
    %dma_start3A_290 = arith.constant 0 : i32
    %dma_start3A_291 = tpu.memref_slice %arg17[%dma_start3A_289, %dma_start3A_290] : memref<50048x16xf32, #tpu.memory_space<vmem_shared>> -> memref<50048x16xf32, #tpu.memory_space<vmem_shared>>
    tpu.enqueue_indirect_dma source(%arg15 : memref<2000x16xf32, #tpu.memory_space<vmem>>) target(%dma_start3A_291 : memref<50048x16xf32, #tpu.memory_space<vmem_shared>>) offsets(%arg10 : memref<2000xi32, #tpu.memory_space<vmem>>) semaphore(%arg22 : memref<!tpu.dma_semaphore, #tpu.memory_space<semaphore_mem>>) {add = true}
    %dma_start3A_292 = arith.constant 0 : i32
    %dma_start3A_293 = tpu.memref_slice %arg18[%dma_start3A_292] : memref<50048xf32, #tpu.memory_space<vmem_shared>> -> memref<50048xf32, #tpu.memory_space<vmem_shared>>
    tpu.enqueue_indirect_dma source(%arg16 : memref<2000xf32, #tpu.memory_space<vmem>>) target(%dma_start3A_293 : memref<50048xf32, #tpu.memory_space<vmem_shared>>) offsets(%arg10 : memref<2000xi32, #tpu.memory_space<vmem>>) semaphore(%arg23 : memref<!tpu.dma_semaphore, #tpu.memory_space<semaphore_mem>>) {add = true}
    %add3A_294 = arith.constant 24000 : i32
    %add3A_295 = arith.addi %add3A_24, %add3A_294 : i32
    "tpu.region"() ({
      %run_scoped3A = tpu.sem_alloc : memref<!tpu.dma_semaphore, #tpu.memory_space<semaphore_mem>>
      %dma_start3A_606 = tpu.memref_slice %arg3[%add3A_295] : memref<1600000xi32, #tpu.memory_space<hbm>> -> memref<2000xi32, #tpu.memory_space<hbm>>
      %dma_start3A_607 = tpu.memref_slice %arg3[%add3A_295] : memref<1600000xi32, #tpu.memory_space<hbm>> -> memref<2000xi32, #tpu.memory_space<hbm>>
      tpu.enqueue_dma source(%dma_start3A_607 : memref<2000xi32, #tpu.memory_space<hbm>>) target(%arg9 : memref<2000xi32, #tpu.memory_space<vmem>>) target_semaphore(%run_scoped3A : memref<!tpu.dma_semaphore, #tpu.memory_space<semaphore_mem>>)
      %dma_wait3A_608 = tpu.memref_slice %arg3[%add3A_295] : memref<1600000xi32, #tpu.memory_space<hbm>> -> memref<2000xi32, #tpu.memory_space<hbm>>
      %dma_wait3A_609 = tpu.memref_slice %arg3[%add3A_295] : memref<1600000xi32, #tpu.memory_space<hbm>> -> memref<2000xi32, #tpu.memory_space<hbm>>
      tpu.wait_dma2 semaphore(%run_scoped3A : memref<!tpu.dma_semaphore, #tpu.memory_space<semaphore_mem>>) src(%dma_wait3A_609 : memref<2000xi32, #tpu.memory_space<hbm>>) dst(%arg9 : memref<2000xi32, #tpu.memory_space<vmem>>)
      tpu.yield
    }) : () -> ()
    "tpu.region"() ({
      %run_scoped3A = tpu.sem_alloc : memref<!tpu.dma_semaphore, #tpu.memory_space<semaphore_mem>>
      %dma_start3A_606 = tpu.memref_slice %arg4[%add3A_295] : memref<1600000xi32, #tpu.memory_space<hbm>> -> memref<2000xi32, #tpu.memory_space<hbm>>
      %dma_start3A_607 = tpu.memref_slice %arg4[%add3A_295] : memref<1600000xi32, #tpu.memory_space<hbm>> -> memref<2000xi32, #tpu.memory_space<hbm>>
      tpu.enqueue_dma source(%dma_start3A_607 : memref<2000xi32, #tpu.memory_space<hbm>>) target(%arg11 : memref<2000xi32, #tpu.memory_space<vmem>>) target_semaphore(%run_scoped3A : memref<!tpu.dma_semaphore, #tpu.memory_space<semaphore_mem>>)
      %dma_wait3A_608 = tpu.memref_slice %arg4[%add3A_295] : memref<1600000xi32, #tpu.memory_space<hbm>> -> memref<2000xi32, #tpu.memory_space<hbm>>
      %dma_wait3A_609 = tpu.memref_slice %arg4[%add3A_295] : memref<1600000xi32, #tpu.memory_space<hbm>> -> memref<2000xi32, #tpu.memory_space<hbm>>
      tpu.wait_dma2 semaphore(%run_scoped3A : memref<!tpu.dma_semaphore, #tpu.memory_space<semaphore_mem>>) src(%dma_wait3A_609 : memref<2000xi32, #tpu.memory_space<hbm>>) dst(%arg11 : memref<2000xi32, #tpu.memory_space<vmem>>)
      tpu.yield
    }) : () -> ()
    "tpu.region"() ({
      %run_scoped3A = tpu.sem_alloc : memref<!tpu.dma_semaphore, #tpu.memory_space<semaphore_mem>>
      %dma_start3A_606 = tpu.memref_slice %arg5[%add3A_295] : memref<1600000xi32, #tpu.memory_space<hbm>> -> memref<2000xi32, #tpu.memory_space<hbm>>
      %dma_start3A_607 = tpu.memref_slice %arg5[%add3A_295] : memref<1600000xi32, #tpu.memory_space<hbm>> -> memref<2000xi32, #tpu.memory_space<hbm>>
      tpu.enqueue_dma source(%dma_start3A_607 : memref<2000xi32, #tpu.memory_space<hbm>>) target(%arg13 : memref<2000xi32, #tpu.memory_space<vmem>>) target_semaphore(%run_scoped3A : memref<!tpu.dma_semaphore, #tpu.memory_space<semaphore_mem>>)
      %dma_wait3A_608 = tpu.memref_slice %arg5[%add3A_295] : memref<1600000xi32, #tpu.memory_space<hbm>> -> memref<2000xi32, #tpu.memory_space<hbm>>
      %dma_wait3A_609 = tpu.memref_slice %arg5[%add3A_295] : memref<1600000xi32, #tpu.memory_space<hbm>> -> memref<2000xi32, #tpu.memory_space<hbm>>
      tpu.wait_dma2 semaphore(%run_scoped3A : memref<!tpu.dma_semaphore, #tpu.memory_space<semaphore_mem>>) src(%dma_wait3A_609 : memref<2000xi32, #tpu.memory_space<hbm>>) dst(%arg13 : memref<2000xi32, #tpu.memory_space<vmem>>)
      tpu.yield
    }) : () -> ()
    %scan3A_296 = arith.constant 0 : i32
    %scan3A_297 = arith.constant 125 : i32
    %scan3A_298 = arith.addi %scan3A_296, %scan3A_297 : i32
    %scan3A_299 = arith.constant 1 : i32
    scf.for %scan3A_606 = %scan3A_296 to %scan3A_298 step %scan3A_299  : i32 {
      %mul3A_607 = arith.constant 16 : i32
      %mul3A_608 = arith.muli %scan3A_606, %mul3A_607 : i32
      %get3A = arith.index_cast %mul3A_608 : i32 to index
      %get3A_609 = tpu.vector_load %arg13[%get3A] {strides = array<i32>} : memref<2000xi32, #tpu.memory_space<vmem>>, vector<16xi32>,
      %get3A_610 = vector.shape_cast %get3A_609 : vector<16xi32> to vector<16xi32>
      %mul3A_611 = arith.constant 50000 : i32
      %mul3A_612 = vector.broadcast %mul3A_611 : i32 to vector<16xi32>
      %mul3A_613 = arith.muli %get3A_610, %mul3A_612 : vector<16xi32>
      %get3A_614 = arith.index_cast %mul3A_608 : i32 to index
      %get3A_615 = tpu.vector_load %arg11[%get3A_614] {strides = array<i32>} : memref<2000xi32, #tpu.memory_space<vmem>>, vector<16xi32>,
      %get3A_616 = vector.shape_cast %get3A_615 : vector<16xi32> to vector<16xi32>
      %add3A_617 = arith.addi %mul3A_613, %get3A_616 : vector<16xi32>
      %swap3A = arith.index_cast %mul3A_608 : i32 to index
      %swap3A_618 = tpu.vector_load %arg11[%swap3A] {strides = array<i32>} : memref<2000xi32, #tpu.memory_space<vmem>>, vector<16xi32>,
      %swap3A_619 = vector.shape_cast %swap3A_618 : vector<16xi32> to vector<16xi32>
      %swap3A_620 = vector.shape_cast %add3A_617 : vector<16xi32> to vector<16xi32>
      tpu.vector_store %arg11[%swap3A], %swap3A_620 {strides = array<i32>} : memref<2000xi32, #tpu.memory_space<vmem>>, vector<16xi32>,
    }
    %scan3A_300 = arith.constant 125 : i32
    %dma_start3A_301 = arith.constant 0 : i32
    %dma_start3A_302 = arith.constant 0 : i32
    %dma_start3A_303 = tpu.memref_slice %arg2[%dma_start3A_301, %dma_start3A_302] : memref<400000x16xf32, #tpu.memory_space<hbm>> -> memref<400000x16xf32, #tpu.memory_space<hbm>>
    tpu.enqueue_indirect_dma source(%dma_start3A_303 : memref<400000x16xf32, #tpu.memory_space<hbm>>) target(%arg14 : memref<2000x16xf32, #tpu.memory_space<vmem>>) offsets(%arg11 : memref<2000xi32, #tpu.memory_space<vmem>>) semaphore(%arg20 : memref<!tpu.dma_semaphore, #tpu.memory_space<semaphore_mem>>)
    %dma_wait3A_304 = arith.constant 0 : i32
    %dma_wait3A_305 = arith.constant 0 : i32
    %dma_wait3A_306 = tpu.memref_slice %arg17[%dma_wait3A_304, %dma_wait3A_305] : memref<50048x16xf32, #tpu.memory_space<vmem_shared>> -> memref<50048x16xf32, #tpu.memory_space<vmem_shared>>
    tpu.wait_indirect_dma semaphore(%arg22 : memref<!tpu.dma_semaphore, #tpu.memory_space<semaphore_mem>>) src(%arg15 : memref<2000x16xf32, #tpu.memory_space<vmem>>) dst(%dma_wait3A_306 : memref<50048x16xf32, #tpu.memory_space<vmem_shared>>)
    %dma_wait3A_307 = arith.constant 0 : i32
    %dma_wait3A_308 = tpu.memref_slice %arg18[%dma_wait3A_307] : memref<50048xf32, #tpu.memory_space<vmem_shared>> -> memref<50048xf32, #tpu.memory_space<vmem_shared>>
    tpu.wait_indirect_dma semaphore(%arg23 : memref<!tpu.dma_semaphore, #tpu.memory_space<semaphore_mem>>) src(%arg16 : memref<2000xf32, #tpu.memory_space<vmem>>) dst(%dma_wait3A_308 : memref<50048xf32, #tpu.memory_space<vmem_shared>>)
    %dma_wait3A_309 = arith.constant 0 : i32
    %dma_wait3A_310 = arith.constant 0 : i32
    %dma_wait3A_311 = tpu.memref_slice %arg2[%dma_wait3A_309, %dma_wait3A_310] : memref<400000x16xf32, #tpu.memory_space<hbm>> -> memref<400000x16xf32, #tpu.memory_space<hbm>>
    tpu.wait_indirect_dma semaphore(%arg20 : memref<!tpu.dma_semaphore, #tpu.memory_space<semaphore_mem>>) src(%dma_wait3A_311 : memref<400000x16xf32, #tpu.memory_space<hbm>>) dst(%arg14 : memref<2000x16xf32, #tpu.memory_space<vmem>>)
    %dma_start3A_312 = arith.constant 0 : i32
    %dma_start3A_313 = arith.constant 0 : i32
    %dma_start3A_314 = tpu.memref_slice %arg17[%dma_start3A_312, %dma_start3A_313] : memref<50048x16xf32, #tpu.memory_space<vmem_shared>> -> memref<50048x16xf32, #tpu.memory_space<vmem_shared>>
    tpu.enqueue_indirect_dma source(%arg14 : memref<2000x16xf32, #tpu.memory_space<vmem>>) target(%dma_start3A_314 : memref<50048x16xf32, #tpu.memory_space<vmem_shared>>) offsets(%arg9 : memref<2000xi32, #tpu.memory_space<vmem>>) semaphore(%arg22 : memref<!tpu.dma_semaphore, #tpu.memory_space<semaphore_mem>>) {add = true}
    %dma_start3A_315 = arith.constant 0 : i32
    %dma_start3A_316 = tpu.memref_slice %arg18[%dma_start3A_315] : memref<50048xf32, #tpu.memory_space<vmem_shared>> -> memref<50048xf32, #tpu.memory_space<vmem_shared>>
    tpu.enqueue_indirect_dma source(%arg16 : memref<2000xf32, #tpu.memory_space<vmem>>) target(%dma_start3A_316 : memref<50048xf32, #tpu.memory_space<vmem_shared>>) offsets(%arg9 : memref<2000xi32, #tpu.memory_space<vmem>>) semaphore(%arg23 : memref<!tpu.dma_semaphore, #tpu.memory_space<semaphore_mem>>) {add = true}
    %add3A_317 = arith.constant 26000 : i32
    %add3A_318 = arith.addi %add3A_24, %add3A_317 : i32
    "tpu.region"() ({
      %run_scoped3A = tpu.sem_alloc : memref<!tpu.dma_semaphore, #tpu.memory_space<semaphore_mem>>
      %dma_start3A_606 = tpu.memref_slice %arg3[%add3A_318] : memref<1600000xi32, #tpu.memory_space<hbm>> -> memref<2000xi32, #tpu.memory_space<hbm>>
      %dma_start3A_607 = tpu.memref_slice %arg3[%add3A_318] : memref<1600000xi32, #tpu.memory_space<hbm>> -> memref<2000xi32, #tpu.memory_space<hbm>>
      tpu.enqueue_dma source(%dma_start3A_607 : memref<2000xi32, #tpu.memory_space<hbm>>) target(%arg10 : memref<2000xi32, #tpu.memory_space<vmem>>) target_semaphore(%run_scoped3A : memref<!tpu.dma_semaphore, #tpu.memory_space<semaphore_mem>>)
      %dma_wait3A_608 = tpu.memref_slice %arg3[%add3A_318] : memref<1600000xi32, #tpu.memory_space<hbm>> -> memref<2000xi32, #tpu.memory_space<hbm>>
      %dma_wait3A_609 = tpu.memref_slice %arg3[%add3A_318] : memref<1600000xi32, #tpu.memory_space<hbm>> -> memref<2000xi32, #tpu.memory_space<hbm>>
      tpu.wait_dma2 semaphore(%run_scoped3A : memref<!tpu.dma_semaphore, #tpu.memory_space<semaphore_mem>>) src(%dma_wait3A_609 : memref<2000xi32, #tpu.memory_space<hbm>>) dst(%arg10 : memref<2000xi32, #tpu.memory_space<vmem>>)
      tpu.yield
    }) : () -> ()
    "tpu.region"() ({
      %run_scoped3A = tpu.sem_alloc : memref<!tpu.dma_semaphore, #tpu.memory_space<semaphore_mem>>
      %dma_start3A_606 = tpu.memref_slice %arg4[%add3A_318] : memref<1600000xi32, #tpu.memory_space<hbm>> -> memref<2000xi32, #tpu.memory_space<hbm>>
      %dma_start3A_607 = tpu.memref_slice %arg4[%add3A_318] : memref<1600000xi32, #tpu.memory_space<hbm>> -> memref<2000xi32, #tpu.memory_space<hbm>>
      tpu.enqueue_dma source(%dma_start3A_607 : memref<2000xi32, #tpu.memory_space<hbm>>) target(%arg12 : memref<2000xi32, #tpu.memory_space<vmem>>) target_semaphore(%run_scoped3A : memref<!tpu.dma_semaphore, #tpu.memory_space<semaphore_mem>>)
      %dma_wait3A_608 = tpu.memref_slice %arg4[%add3A_318] : memref<1600000xi32, #tpu.memory_space<hbm>> -> memref<2000xi32, #tpu.memory_space<hbm>>
      %dma_wait3A_609 = tpu.memref_slice %arg4[%add3A_318] : memref<1600000xi32, #tpu.memory_space<hbm>> -> memref<2000xi32, #tpu.memory_space<hbm>>
      tpu.wait_dma2 semaphore(%run_scoped3A : memref<!tpu.dma_semaphore, #tpu.memory_space<semaphore_mem>>) src(%dma_wait3A_609 : memref<2000xi32, #tpu.memory_space<hbm>>) dst(%arg12 : memref<2000xi32, #tpu.memory_space<vmem>>)
      tpu.yield
    }) : () -> ()
    "tpu.region"() ({
      %run_scoped3A = tpu.sem_alloc : memref<!tpu.dma_semaphore, #tpu.memory_space<semaphore_mem>>
      %dma_start3A_606 = tpu.memref_slice %arg5[%add3A_318] : memref<1600000xi32, #tpu.memory_space<hbm>> -> memref<2000xi32, #tpu.memory_space<hbm>>
      %dma_start3A_607 = tpu.memref_slice %arg5[%add3A_318] : memref<1600000xi32, #tpu.memory_space<hbm>> -> memref<2000xi32, #tpu.memory_space<hbm>>
      tpu.enqueue_dma source(%dma_start3A_607 : memref<2000xi32, #tpu.memory_space<hbm>>) target(%arg13 : memref<2000xi32, #tpu.memory_space<vmem>>) target_semaphore(%run_scoped3A : memref<!tpu.dma_semaphore, #tpu.memory_space<semaphore_mem>>)
      %dma_wait3A_608 = tpu.memref_slice %arg5[%add3A_318] : memref<1600000xi32, #tpu.memory_space<hbm>> -> memref<2000xi32, #tpu.memory_space<hbm>>
      %dma_wait3A_609 = tpu.memref_slice %arg5[%add3A_318] : memref<1600000xi32, #tpu.memory_space<hbm>> -> memref<2000xi32, #tpu.memory_space<hbm>>
      tpu.wait_dma2 semaphore(%run_scoped3A : memref<!tpu.dma_semaphore, #tpu.memory_space<semaphore_mem>>) src(%dma_wait3A_609 : memref<2000xi32, #tpu.memory_space<hbm>>) dst(%arg13 : memref<2000xi32, #tpu.memory_space<vmem>>)
      tpu.yield
    }) : () -> ()
    %scan3A_319 = arith.constant 0 : i32
    %scan3A_320 = arith.constant 125 : i32
    %scan3A_321 = arith.addi %scan3A_319, %scan3A_320 : i32
    %scan3A_322 = arith.constant 1 : i32
    scf.for %scan3A_606 = %scan3A_319 to %scan3A_321 step %scan3A_322  : i32 {
      %mul3A_607 = arith.constant 16 : i32
      %mul3A_608 = arith.muli %scan3A_606, %mul3A_607 : i32
      %get3A = arith.index_cast %mul3A_608 : i32 to index
      %get3A_609 = tpu.vector_load %arg13[%get3A] {strides = array<i32>} : memref<2000xi32, #tpu.memory_space<vmem>>, vector<16xi32>,
      %get3A_610 = vector.shape_cast %get3A_609 : vector<16xi32> to vector<16xi32>
      %mul3A_611 = arith.constant 50000 : i32
      %mul3A_612 = vector.broadcast %mul3A_611 : i32 to vector<16xi32>
      %mul3A_613 = arith.muli %get3A_610, %mul3A_612 : vector<16xi32>
      %get3A_614 = arith.index_cast %mul3A_608 : i32 to index
      %get3A_615 = tpu.vector_load %arg12[%get3A_614] {strides = array<i32>} : memref<2000xi32, #tpu.memory_space<vmem>>, vector<16xi32>,
      %get3A_616 = vector.shape_cast %get3A_615 : vector<16xi32> to vector<16xi32>
      %add3A_617 = arith.addi %mul3A_613, %get3A_616 : vector<16xi32>
      %swap3A = arith.index_cast %mul3A_608 : i32 to index
      %swap3A_618 = tpu.vector_load %arg12[%swap3A] {strides = array<i32>} : memref<2000xi32, #tpu.memory_space<vmem>>, vector<16xi32>,
      %swap3A_619 = vector.shape_cast %swap3A_618 : vector<16xi32> to vector<16xi32>
      %swap3A_620 = vector.shape_cast %add3A_617 : vector<16xi32> to vector<16xi32>
      tpu.vector_store %arg12[%swap3A], %swap3A_620 {strides = array<i32>} : memref<2000xi32, #tpu.memory_space<vmem>>, vector<16xi32>,
    }
    %scan3A_323 = arith.constant 125 : i32
    %dma_start3A_324 = arith.constant 0 : i32
    %dma_start3A_325 = arith.constant 0 : i32
    %dma_start3A_326 = tpu.memref_slice %arg2[%dma_start3A_324, %dma_start3A_325] : memref<400000x16xf32, #tpu.memory_space<hbm>> -> memref<400000x16xf32, #tpu.memory_space<hbm>>
    tpu.enqueue_indirect_dma source(%dma_start3A_326 : memref<400000x16xf32, #tpu.memory_space<hbm>>) target(%arg15 : memref<2000x16xf32, #tpu.memory_space<vmem>>) offsets(%arg12 : memref<2000xi32, #tpu.memory_space<vmem>>) semaphore(%arg21 : memref<!tpu.dma_semaphore, #tpu.memory_space<semaphore_mem>>)
    %dma_wait3A_327 = arith.constant 0 : i32
    %dma_wait3A_328 = arith.constant 0 : i32
    %dma_wait3A_329 = tpu.memref_slice %arg17[%dma_wait3A_327, %dma_wait3A_328] : memref<50048x16xf32, #tpu.memory_space<vmem_shared>> -> memref<50048x16xf32, #tpu.memory_space<vmem_shared>>
    tpu.wait_indirect_dma semaphore(%arg22 : memref<!tpu.dma_semaphore, #tpu.memory_space<semaphore_mem>>) src(%arg14 : memref<2000x16xf32, #tpu.memory_space<vmem>>) dst(%dma_wait3A_329 : memref<50048x16xf32, #tpu.memory_space<vmem_shared>>)
    %dma_wait3A_330 = arith.constant 0 : i32
    %dma_wait3A_331 = tpu.memref_slice %arg18[%dma_wait3A_330] : memref<50048xf32, #tpu.memory_space<vmem_shared>> -> memref<50048xf32, #tpu.memory_space<vmem_shared>>
    tpu.wait_indirect_dma semaphore(%arg23 : memref<!tpu.dma_semaphore, #tpu.memory_space<semaphore_mem>>) src(%arg16 : memref<2000xf32, #tpu.memory_space<vmem>>) dst(%dma_wait3A_331 : memref<50048xf32, #tpu.memory_space<vmem_shared>>)
    %dma_wait3A_332 = arith.constant 0 : i32
    %dma_wait3A_333 = arith.constant 0 : i32
    %dma_wait3A_334 = tpu.memref_slice %arg2[%dma_wait3A_332, %dma_wait3A_333] : memref<400000x16xf32, #tpu.memory_space<hbm>> -> memref<400000x16xf32, #tpu.memory_space<hbm>>
    tpu.wait_indirect_dma semaphore(%arg21 : memref<!tpu.dma_semaphore, #tpu.memory_space<semaphore_mem>>) src(%dma_wait3A_334 : memref<400000x16xf32, #tpu.memory_space<hbm>>) dst(%arg15 : memref<2000x16xf32, #tpu.memory_space<vmem>>)
    %dma_start3A_335 = arith.constant 0 : i32
    %dma_start3A_336 = arith.constant 0 : i32
    %dma_start3A_337 = tpu.memref_slice %arg17[%dma_start3A_335, %dma_start3A_336] : memref<50048x16xf32, #tpu.memory_space<vmem_shared>> -> memref<50048x16xf32, #tpu.memory_space<vmem_shared>>
    tpu.enqueue_indirect_dma source(%arg15 : memref<2000x16xf32, #tpu.memory_space<vmem>>) target(%dma_start3A_337 : memref<50048x16xf32, #tpu.memory_space<vmem_shared>>) offsets(%arg10 : memref<2000xi32, #tpu.memory_space<vmem>>) semaphore(%arg22 : memref<!tpu.dma_semaphore, #tpu.memory_space<semaphore_mem>>) {add = true}
    %dma_start3A_338 = arith.constant 0 : i32
    %dma_start3A_339 = tpu.memref_slice %arg18[%dma_start3A_338] : memref<50048xf32, #tpu.memory_space<vmem_shared>> -> memref<50048xf32, #tpu.memory_space<vmem_shared>>
    tpu.enqueue_indirect_dma source(%arg16 : memref<2000xf32, #tpu.memory_space<vmem>>) target(%dma_start3A_339 : memref<50048xf32, #tpu.memory_space<vmem_shared>>) offsets(%arg10 : memref<2000xi32, #tpu.memory_space<vmem>>) semaphore(%arg23 : memref<!tpu.dma_semaphore, #tpu.memory_space<semaphore_mem>>) {add = true}
    %add3A_340 = arith.constant 28000 : i32
    %add3A_341 = arith.addi %add3A_24, %add3A_340 : i32
    "tpu.region"() ({
      %run_scoped3A = tpu.sem_alloc : memref<!tpu.dma_semaphore, #tpu.memory_space<semaphore_mem>>
      %dma_start3A_606 = tpu.memref_slice %arg3[%add3A_341] : memref<1600000xi32, #tpu.memory_space<hbm>> -> memref<2000xi32, #tpu.memory_space<hbm>>
      %dma_start3A_607 = tpu.memref_slice %arg3[%add3A_341] : memref<1600000xi32, #tpu.memory_space<hbm>> -> memref<2000xi32, #tpu.memory_space<hbm>>
      tpu.enqueue_dma source(%dma_start3A_607 : memref<2000xi32, #tpu.memory_space<hbm>>) target(%arg9 : memref<2000xi32, #tpu.memory_space<vmem>>) target_semaphore(%run_scoped3A : memref<!tpu.dma_semaphore, #tpu.memory_space<semaphore_mem>>)
      %dma_wait3A_608 = tpu.memref_slice %arg3[%add3A_341] : memref<1600000xi32, #tpu.memory_space<hbm>> -> memref<2000xi32, #tpu.memory_space<hbm>>
      %dma_wait3A_609 = tpu.memref_slice %arg3[%add3A_341] : memref<1600000xi32, #tpu.memory_space<hbm>> -> memref<2000xi32, #tpu.memory_space<hbm>>
      tpu.wait_dma2 semaphore(%run_scoped3A : memref<!tpu.dma_semaphore, #tpu.memory_space<semaphore_mem>>) src(%dma_wait3A_609 : memref<2000xi32, #tpu.memory_space<hbm>>) dst(%arg9 : memref<2000xi32, #tpu.memory_space<vmem>>)
      tpu.yield
    }) : () -> ()
    "tpu.region"() ({
      %run_scoped3A = tpu.sem_alloc : memref<!tpu.dma_semaphore, #tpu.memory_space<semaphore_mem>>
      %dma_start3A_606 = tpu.memref_slice %arg4[%add3A_341] : memref<1600000xi32, #tpu.memory_space<hbm>> -> memref<2000xi32, #tpu.memory_space<hbm>>
      %dma_start3A_607 = tpu.memref_slice %arg4[%add3A_341] : memref<1600000xi32, #tpu.memory_space<hbm>> -> memref<2000xi32, #tpu.memory_space<hbm>>
      tpu.enqueue_dma source(%dma_start3A_607 : memref<2000xi32, #tpu.memory_space<hbm>>) target(%arg11 : memref<2000xi32, #tpu.memory_space<vmem>>) target_semaphore(%run_scoped3A : memref<!tpu.dma_semaphore, #tpu.memory_space<semaphore_mem>>)
      %dma_wait3A_608 = tpu.memref_slice %arg4[%add3A_341] : memref<1600000xi32, #tpu.memory_space<hbm>> -> memref<2000xi32, #tpu.memory_space<hbm>>
      %dma_wait3A_609 = tpu.memref_slice %arg4[%add3A_341] : memref<1600000xi32, #tpu.memory_space<hbm>> -> memref<2000xi32, #tpu.memory_space<hbm>>
      tpu.wait_dma2 semaphore(%run_scoped3A : memref<!tpu.dma_semaphore, #tpu.memory_space<semaphore_mem>>) src(%dma_wait3A_609 : memref<2000xi32, #tpu.memory_space<hbm>>) dst(%arg11 : memref<2000xi32, #tpu.memory_space<vmem>>)
      tpu.yield
    }) : () -> ()
    "tpu.region"() ({
      %run_scoped3A = tpu.sem_alloc : memref<!tpu.dma_semaphore, #tpu.memory_space<semaphore_mem>>
      %dma_start3A_606 = tpu.memref_slice %arg5[%add3A_341] : memref<1600000xi32, #tpu.memory_space<hbm>> -> memref<2000xi32, #tpu.memory_space<hbm>>
      %dma_start3A_607 = tpu.memref_slice %arg5[%add3A_341] : memref<1600000xi32, #tpu.memory_space<hbm>> -> memref<2000xi32, #tpu.memory_space<hbm>>
      tpu.enqueue_dma source(%dma_start3A_607 : memref<2000xi32, #tpu.memory_space<hbm>>) target(%arg13 : memref<2000xi32, #tpu.memory_space<vmem>>) target_semaphore(%run_scoped3A : memref<!tpu.dma_semaphore, #tpu.memory_space<semaphore_mem>>)
      %dma_wait3A_608 = tpu.memref_slice %arg5[%add3A_341] : memref<1600000xi32, #tpu.memory_space<hbm>> -> memref<2000xi32, #tpu.memory_space<hbm>>
      %dma_wait3A_609 = tpu.memref_slice %arg5[%add3A_341] : memref<1600000xi32, #tpu.memory_space<hbm>> -> memref<2000xi32, #tpu.memory_space<hbm>>
      tpu.wait_dma2 semaphore(%run_scoped3A : memref<!tpu.dma_semaphore, #tpu.memory_space<semaphore_mem>>) src(%dma_wait3A_609 : memref<2000xi32, #tpu.memory_space<hbm>>) dst(%arg13 : memref<2000xi32, #tpu.memory_space<vmem>>)
      tpu.yield
    }) : () -> ()
    %scan3A_342 = arith.constant 0 : i32
    %scan3A_343 = arith.constant 125 : i32
    %scan3A_344 = arith.addi %scan3A_342, %scan3A_343 : i32
    %scan3A_345 = arith.constant 1 : i32
    scf.for %scan3A_606 = %scan3A_342 to %scan3A_344 step %scan3A_345  : i32 {
      %mul3A_607 = arith.constant 16 : i32
      %mul3A_608 = arith.muli %scan3A_606, %mul3A_607 : i32
      %get3A = arith.index_cast %mul3A_608 : i32 to index
      %get3A_609 = tpu.vector_load %arg13[%get3A] {strides = array<i32>} : memref<2000xi32, #tpu.memory_space<vmem>>, vector<16xi32>,
      %get3A_610 = vector.shape_cast %get3A_609 : vector<16xi32> to vector<16xi32>
      %mul3A_611 = arith.constant 50000 : i32
      %mul3A_612 = vector.broadcast %mul3A_611 : i32 to vector<16xi32>
      %mul3A_613 = arith.muli %get3A_610, %mul3A_612 : vector<16xi32>
      %get3A_614 = arith.index_cast %mul3A_608 : i32 to index
      %get3A_615 = tpu.vector_load %arg11[%get3A_614] {strides = array<i32>} : memref<2000xi32, #tpu.memory_space<vmem>>, vector<16xi32>,
      %get3A_616 = vector.shape_cast %get3A_615 : vector<16xi32> to vector<16xi32>
      %add3A_617 = arith.addi %mul3A_613, %get3A_616 : vector<16xi32>
      %swap3A = arith.index_cast %mul3A_608 : i32 to index
      %swap3A_618 = tpu.vector_load %arg11[%swap3A] {strides = array<i32>} : memref<2000xi32, #tpu.memory_space<vmem>>, vector<16xi32>,
      %swap3A_619 = vector.shape_cast %swap3A_618 : vector<16xi32> to vector<16xi32>
      %swap3A_620 = vector.shape_cast %add3A_617 : vector<16xi32> to vector<16xi32>
      tpu.vector_store %arg11[%swap3A], %swap3A_620 {strides = array<i32>} : memref<2000xi32, #tpu.memory_space<vmem>>, vector<16xi32>,
    }
    %scan3A_346 = arith.constant 125 : i32
    %dma_start3A_347 = arith.constant 0 : i32
    %dma_start3A_348 = arith.constant 0 : i32
    %dma_start3A_349 = tpu.memref_slice %arg2[%dma_start3A_347, %dma_start3A_348] : memref<400000x16xf32, #tpu.memory_space<hbm>> -> memref<400000x16xf32, #tpu.memory_space<hbm>>
    tpu.enqueue_indirect_dma source(%dma_start3A_349 : memref<400000x16xf32, #tpu.memory_space<hbm>>) target(%arg14 : memref<2000x16xf32, #tpu.memory_space<vmem>>) offsets(%arg11 : memref<2000xi32, #tpu.memory_space<vmem>>) semaphore(%arg20 : memref<!tpu.dma_semaphore, #tpu.memory_space<semaphore_mem>>)
    %dma_wait3A_350 = arith.constant 0 : i32
    %dma_wait3A_351 = arith.constant 0 : i32
    %dma_wait3A_352 = tpu.memref_slice %arg17[%dma_wait3A_350, %dma_wait3A_351] : memref<50048x16xf32, #tpu.memory_space<vmem_shared>> -> memref<50048x16xf32, #tpu.memory_space<vmem_shared>>
    tpu.wait_indirect_dma semaphore(%arg22 : memref<!tpu.dma_semaphore, #tpu.memory_space<semaphore_mem>>) src(%arg15 : memref<2000x16xf32, #tpu.memory_space<vmem>>) dst(%dma_wait3A_352 : memref<50048x16xf32, #tpu.memory_space<vmem_shared>>)
    %dma_wait3A_353 = arith.constant 0 : i32
    %dma_wait3A_354 = tpu.memref_slice %arg18[%dma_wait3A_353] : memref<50048xf32, #tpu.memory_space<vmem_shared>> -> memref<50048xf32, #tpu.memory_space<vmem_shared>>
    tpu.wait_indirect_dma semaphore(%arg23 : memref<!tpu.dma_semaphore, #tpu.memory_space<semaphore_mem>>) src(%arg16 : memref<2000xf32, #tpu.memory_space<vmem>>) dst(%dma_wait3A_354 : memref<50048xf32, #tpu.memory_space<vmem_shared>>)
    %dma_wait3A_355 = arith.constant 0 : i32
    %dma_wait3A_356 = arith.constant 0 : i32
    %dma_wait3A_357 = tpu.memref_slice %arg2[%dma_wait3A_355, %dma_wait3A_356] : memref<400000x16xf32, #tpu.memory_space<hbm>> -> memref<400000x16xf32, #tpu.memory_space<hbm>>
    tpu.wait_indirect_dma semaphore(%arg20 : memref<!tpu.dma_semaphore, #tpu.memory_space<semaphore_mem>>) src(%dma_wait3A_357 : memref<400000x16xf32, #tpu.memory_space<hbm>>) dst(%arg14 : memref<2000x16xf32, #tpu.memory_space<vmem>>)
    %dma_start3A_358 = arith.constant 0 : i32
    %dma_start3A_359 = arith.constant 0 : i32
    %dma_start3A_360 = tpu.memref_slice %arg17[%dma_start3A_358, %dma_start3A_359] : memref<50048x16xf32, #tpu.memory_space<vmem_shared>> -> memref<50048x16xf32, #tpu.memory_space<vmem_shared>>
    tpu.enqueue_indirect_dma source(%arg14 : memref<2000x16xf32, #tpu.memory_space<vmem>>) target(%dma_start3A_360 : memref<50048x16xf32, #tpu.memory_space<vmem_shared>>) offsets(%arg9 : memref<2000xi32, #tpu.memory_space<vmem>>) semaphore(%arg22 : memref<!tpu.dma_semaphore, #tpu.memory_space<semaphore_mem>>) {add = true}
    %dma_start3A_361 = arith.constant 0 : i32
    %dma_start3A_362 = tpu.memref_slice %arg18[%dma_start3A_361] : memref<50048xf32, #tpu.memory_space<vmem_shared>> -> memref<50048xf32, #tpu.memory_space<vmem_shared>>
    tpu.enqueue_indirect_dma source(%arg16 : memref<2000xf32, #tpu.memory_space<vmem>>) target(%dma_start3A_362 : memref<50048xf32, #tpu.memory_space<vmem_shared>>) offsets(%arg9 : memref<2000xi32, #tpu.memory_space<vmem>>) semaphore(%arg23 : memref<!tpu.dma_semaphore, #tpu.memory_space<semaphore_mem>>) {add = true}
    %add3A_363 = arith.constant 30000 : i32
    %add3A_364 = arith.addi %add3A_24, %add3A_363 : i32
    "tpu.region"() ({
      %run_scoped3A = tpu.sem_alloc : memref<!tpu.dma_semaphore, #tpu.memory_space<semaphore_mem>>
      %dma_start3A_606 = tpu.memref_slice %arg3[%add3A_364] : memref<1600000xi32, #tpu.memory_space<hbm>> -> memref<2000xi32, #tpu.memory_space<hbm>>
      %dma_start3A_607 = tpu.memref_slice %arg3[%add3A_364] : memref<1600000xi32, #tpu.memory_space<hbm>> -> memref<2000xi32, #tpu.memory_space<hbm>>
      tpu.enqueue_dma source(%dma_start3A_607 : memref<2000xi32, #tpu.memory_space<hbm>>) target(%arg10 : memref<2000xi32, #tpu.memory_space<vmem>>) target_semaphore(%run_scoped3A : memref<!tpu.dma_semaphore, #tpu.memory_space<semaphore_mem>>)
      %dma_wait3A_608 = tpu.memref_slice %arg3[%add3A_364] : memref<1600000xi32, #tpu.memory_space<hbm>> -> memref<2000xi32, #tpu.memory_space<hbm>>
      %dma_wait3A_609 = tpu.memref_slice %arg3[%add3A_364] : memref<1600000xi32, #tpu.memory_space<hbm>> -> memref<2000xi32, #tpu.memory_space<hbm>>
      tpu.wait_dma2 semaphore(%run_scoped3A : memref<!tpu.dma_semaphore, #tpu.memory_space<semaphore_mem>>) src(%dma_wait3A_609 : memref<2000xi32, #tpu.memory_space<hbm>>) dst(%arg10 : memref<2000xi32, #tpu.memory_space<vmem>>)
      tpu.yield
    }) : () -> ()
    "tpu.region"() ({
      %run_scoped3A = tpu.sem_alloc : memref<!tpu.dma_semaphore, #tpu.memory_space<semaphore_mem>>
      %dma_start3A_606 = tpu.memref_slice %arg4[%add3A_364] : memref<1600000xi32, #tpu.memory_space<hbm>> -> memref<2000xi32, #tpu.memory_space<hbm>>
      %dma_start3A_607 = tpu.memref_slice %arg4[%add3A_364] : memref<1600000xi32, #tpu.memory_space<hbm>> -> memref<2000xi32, #tpu.memory_space<hbm>>
      tpu.enqueue_dma source(%dma_start3A_607 : memref<2000xi32, #tpu.memory_space<hbm>>) target(%arg12 : memref<2000xi32, #tpu.memory_space<vmem>>) target_semaphore(%run_scoped3A : memref<!tpu.dma_semaphore, #tpu.memory_space<semaphore_mem>>)
      %dma_wait3A_608 = tpu.memref_slice %arg4[%add3A_364] : memref<1600000xi32, #tpu.memory_space<hbm>> -> memref<2000xi32, #tpu.memory_space<hbm>>
      %dma_wait3A_609 = tpu.memref_slice %arg4[%add3A_364] : memref<1600000xi32, #tpu.memory_space<hbm>> -> memref<2000xi32, #tpu.memory_space<hbm>>
      tpu.wait_dma2 semaphore(%run_scoped3A : memref<!tpu.dma_semaphore, #tpu.memory_space<semaphore_mem>>) src(%dma_wait3A_609 : memref<2000xi32, #tpu.memory_space<hbm>>) dst(%arg12 : memref<2000xi32, #tpu.memory_space<vmem>>)
      tpu.yield
    }) : () -> ()
    "tpu.region"() ({
      %run_scoped3A = tpu.sem_alloc : memref<!tpu.dma_semaphore, #tpu.memory_space<semaphore_mem>>
      %dma_start3A_606 = tpu.memref_slice %arg5[%add3A_364] : memref<1600000xi32, #tpu.memory_space<hbm>> -> memref<2000xi32, #tpu.memory_space<hbm>>
      %dma_start3A_607 = tpu.memref_slice %arg5[%add3A_364] : memref<1600000xi32, #tpu.memory_space<hbm>> -> memref<2000xi32, #tpu.memory_space<hbm>>
      tpu.enqueue_dma source(%dma_start3A_607 : memref<2000xi32, #tpu.memory_space<hbm>>) target(%arg13 : memref<2000xi32, #tpu.memory_space<vmem>>) target_semaphore(%run_scoped3A : memref<!tpu.dma_semaphore, #tpu.memory_space<semaphore_mem>>)
      %dma_wait3A_608 = tpu.memref_slice %arg5[%add3A_364] : memref<1600000xi32, #tpu.memory_space<hbm>> -> memref<2000xi32, #tpu.memory_space<hbm>>
      %dma_wait3A_609 = tpu.memref_slice %arg5[%add3A_364] : memref<1600000xi32, #tpu.memory_space<hbm>> -> memref<2000xi32, #tpu.memory_space<hbm>>
      tpu.wait_dma2 semaphore(%run_scoped3A : memref<!tpu.dma_semaphore, #tpu.memory_space<semaphore_mem>>) src(%dma_wait3A_609 : memref<2000xi32, #tpu.memory_space<hbm>>) dst(%arg13 : memref<2000xi32, #tpu.memory_space<vmem>>)
      tpu.yield
    }) : () -> ()
    %scan3A_365 = arith.constant 0 : i32
    %scan3A_366 = arith.constant 125 : i32
    %scan3A_367 = arith.addi %scan3A_365, %scan3A_366 : i32
    %scan3A_368 = arith.constant 1 : i32
    scf.for %scan3A_606 = %scan3A_365 to %scan3A_367 step %scan3A_368  : i32 {
      %mul3A_607 = arith.constant 16 : i32
      %mul3A_608 = arith.muli %scan3A_606, %mul3A_607 : i32
      %get3A = arith.index_cast %mul3A_608 : i32 to index
      %get3A_609 = tpu.vector_load %arg13[%get3A] {strides = array<i32>} : memref<2000xi32, #tpu.memory_space<vmem>>, vector<16xi32>,
      %get3A_610 = vector.shape_cast %get3A_609 : vector<16xi32> to vector<16xi32>
      %mul3A_611 = arith.constant 50000 : i32
      %mul3A_612 = vector.broadcast %mul3A_611 : i32 to vector<16xi32>
      %mul3A_613 = arith.muli %get3A_610, %mul3A_612 : vector<16xi32>
      %get3A_614 = arith.index_cast %mul3A_608 : i32 to index
      %get3A_615 = tpu.vector_load %arg12[%get3A_614] {strides = array<i32>} : memref<2000xi32, #tpu.memory_space<vmem>>, vector<16xi32>,
      %get3A_616 = vector.shape_cast %get3A_615 : vector<16xi32> to vector<16xi32>
      %add3A_617 = arith.addi %mul3A_613, %get3A_616 : vector<16xi32>
      %swap3A = arith.index_cast %mul3A_608 : i32 to index
      %swap3A_618 = tpu.vector_load %arg12[%swap3A] {strides = array<i32>} : memref<2000xi32, #tpu.memory_space<vmem>>, vector<16xi32>,
      %swap3A_619 = vector.shape_cast %swap3A_618 : vector<16xi32> to vector<16xi32>
      %swap3A_620 = vector.shape_cast %add3A_617 : vector<16xi32> to vector<16xi32>
      tpu.vector_store %arg12[%swap3A], %swap3A_620 {strides = array<i32>} : memref<2000xi32, #tpu.memory_space<vmem>>, vector<16xi32>,
    }
    %scan3A_369 = arith.constant 125 : i32
    %dma_start3A_370 = arith.constant 0 : i32
    %dma_start3A_371 = arith.constant 0 : i32
    %dma_start3A_372 = tpu.memref_slice %arg2[%dma_start3A_370, %dma_start3A_371] : memref<400000x16xf32, #tpu.memory_space<hbm>> -> memref<400000x16xf32, #tpu.memory_space<hbm>>
    tpu.enqueue_indirect_dma source(%dma_start3A_372 : memref<400000x16xf32, #tpu.memory_space<hbm>>) target(%arg15 : memref<2000x16xf32, #tpu.memory_space<vmem>>) offsets(%arg12 : memref<2000xi32, #tpu.memory_space<vmem>>) semaphore(%arg21 : memref<!tpu.dma_semaphore, #tpu.memory_space<semaphore_mem>>)
    %dma_wait3A_373 = arith.constant 0 : i32
    %dma_wait3A_374 = arith.constant 0 : i32
    %dma_wait3A_375 = tpu.memref_slice %arg17[%dma_wait3A_373, %dma_wait3A_374] : memref<50048x16xf32, #tpu.memory_space<vmem_shared>> -> memref<50048x16xf32, #tpu.memory_space<vmem_shared>>
    tpu.wait_indirect_dma semaphore(%arg22 : memref<!tpu.dma_semaphore, #tpu.memory_space<semaphore_mem>>) src(%arg14 : memref<2000x16xf32, #tpu.memory_space<vmem>>) dst(%dma_wait3A_375 : memref<50048x16xf32, #tpu.memory_space<vmem_shared>>)
    %dma_wait3A_376 = arith.constant 0 : i32
    %dma_wait3A_377 = tpu.memref_slice %arg18[%dma_wait3A_376] : memref<50048xf32, #tpu.memory_space<vmem_shared>> -> memref<50048xf32, #tpu.memory_space<vmem_shared>>
    tpu.wait_indirect_dma semaphore(%arg23 : memref<!tpu.dma_semaphore, #tpu.memory_space<semaphore_mem>>) src(%arg16 : memref<2000xf32, #tpu.memory_space<vmem>>) dst(%dma_wait3A_377 : memref<50048xf32, #tpu.memory_space<vmem_shared>>)
    %dma_wait3A_378 = arith.constant 0 : i32
    %dma_wait3A_379 = arith.constant 0 : i32
    %dma_wait3A_380 = tpu.memref_slice %arg2[%dma_wait3A_378, %dma_wait3A_379] : memref<400000x16xf32, #tpu.memory_space<hbm>> -> memref<400000x16xf32, #tpu.memory_space<hbm>>
    tpu.wait_indirect_dma semaphore(%arg21 : memref<!tpu.dma_semaphore, #tpu.memory_space<semaphore_mem>>) src(%dma_wait3A_380 : memref<400000x16xf32, #tpu.memory_space<hbm>>) dst(%arg15 : memref<2000x16xf32, #tpu.memory_space<vmem>>)
    %dma_start3A_381 = arith.constant 0 : i32
    %dma_start3A_382 = arith.constant 0 : i32
    %dma_start3A_383 = tpu.memref_slice %arg17[%dma_start3A_381, %dma_start3A_382] : memref<50048x16xf32, #tpu.memory_space<vmem_shared>> -> memref<50048x16xf32, #tpu.memory_space<vmem_shared>>
    tpu.enqueue_indirect_dma source(%arg15 : memref<2000x16xf32, #tpu.memory_space<vmem>>) target(%dma_start3A_383 : memref<50048x16xf32, #tpu.memory_space<vmem_shared>>) offsets(%arg10 : memref<2000xi32, #tpu.memory_space<vmem>>) semaphore(%arg22 : memref<!tpu.dma_semaphore, #tpu.memory_space<semaphore_mem>>) {add = true}
    %dma_start3A_384 = arith.constant 0 : i32
    %dma_start3A_385 = tpu.memref_slice %arg18[%dma_start3A_384] : memref<50048xf32, #tpu.memory_space<vmem_shared>> -> memref<50048xf32, #tpu.memory_space<vmem_shared>>
    tpu.enqueue_indirect_dma source(%arg16 : memref<2000xf32, #tpu.memory_space<vmem>>) target(%dma_start3A_385 : memref<50048xf32, #tpu.memory_space<vmem_shared>>) offsets(%arg10 : memref<2000xi32, #tpu.memory_space<vmem>>) semaphore(%arg23 : memref<!tpu.dma_semaphore, #tpu.memory_space<semaphore_mem>>) {add = true}
    %add3A_386 = arith.constant 32000 : i32
    %add3A_387 = arith.addi %add3A_24, %add3A_386 : i32
    "tpu.region"() ({
      %run_scoped3A = tpu.sem_alloc : memref<!tpu.dma_semaphore, #tpu.memory_space<semaphore_mem>>
      %dma_start3A_606 = tpu.memref_slice %arg3[%add3A_387] : memref<1600000xi32, #tpu.memory_space<hbm>> -> memref<2000xi32, #tpu.memory_space<hbm>>
      %dma_start3A_607 = tpu.memref_slice %arg3[%add3A_387] : memref<1600000xi32, #tpu.memory_space<hbm>> -> memref<2000xi32, #tpu.memory_space<hbm>>
      tpu.enqueue_dma source(%dma_start3A_607 : memref<2000xi32, #tpu.memory_space<hbm>>) target(%arg9 : memref<2000xi32, #tpu.memory_space<vmem>>) target_semaphore(%run_scoped3A : memref<!tpu.dma_semaphore, #tpu.memory_space<semaphore_mem>>)
      %dma_wait3A_608 = tpu.memref_slice %arg3[%add3A_387] : memref<1600000xi32, #tpu.memory_space<hbm>> -> memref<2000xi32, #tpu.memory_space<hbm>>
      %dma_wait3A_609 = tpu.memref_slice %arg3[%add3A_387] : memref<1600000xi32, #tpu.memory_space<hbm>> -> memref<2000xi32, #tpu.memory_space<hbm>>
      tpu.wait_dma2 semaphore(%run_scoped3A : memref<!tpu.dma_semaphore, #tpu.memory_space<semaphore_mem>>) src(%dma_wait3A_609 : memref<2000xi32, #tpu.memory_space<hbm>>) dst(%arg9 : memref<2000xi32, #tpu.memory_space<vmem>>)
      tpu.yield
    }) : () -> ()
    "tpu.region"() ({
      %run_scoped3A = tpu.sem_alloc : memref<!tpu.dma_semaphore, #tpu.memory_space<semaphore_mem>>
      %dma_start3A_606 = tpu.memref_slice %arg4[%add3A_387] : memref<1600000xi32, #tpu.memory_space<hbm>> -> memref<2000xi32, #tpu.memory_space<hbm>>
      %dma_start3A_607 = tpu.memref_slice %arg4[%add3A_387] : memref<1600000xi32, #tpu.memory_space<hbm>> -> memref<2000xi32, #tpu.memory_space<hbm>>
      tpu.enqueue_dma source(%dma_start3A_607 : memref<2000xi32, #tpu.memory_space<hbm>>) target(%arg11 : memref<2000xi32, #tpu.memory_space<vmem>>) target_semaphore(%run_scoped3A : memref<!tpu.dma_semaphore, #tpu.memory_space<semaphore_mem>>)
      %dma_wait3A_608 = tpu.memref_slice %arg4[%add3A_387] : memref<1600000xi32, #tpu.memory_space<hbm>> -> memref<2000xi32, #tpu.memory_space<hbm>>
      %dma_wait3A_609 = tpu.memref_slice %arg4[%add3A_387] : memref<1600000xi32, #tpu.memory_space<hbm>> -> memref<2000xi32, #tpu.memory_space<hbm>>
      tpu.wait_dma2 semaphore(%run_scoped3A : memref<!tpu.dma_semaphore, #tpu.memory_space<semaphore_mem>>) src(%dma_wait3A_609 : memref<2000xi32, #tpu.memory_space<hbm>>) dst(%arg11 : memref<2000xi32, #tpu.memory_space<vmem>>)
      tpu.yield
    }) : () -> ()
    "tpu.region"() ({
      %run_scoped3A = tpu.sem_alloc : memref<!tpu.dma_semaphore, #tpu.memory_space<semaphore_mem>>
      %dma_start3A_606 = tpu.memref_slice %arg5[%add3A_387] : memref<1600000xi32, #tpu.memory_space<hbm>> -> memref<2000xi32, #tpu.memory_space<hbm>>
      %dma_start3A_607 = tpu.memref_slice %arg5[%add3A_387] : memref<1600000xi32, #tpu.memory_space<hbm>> -> memref<2000xi32, #tpu.memory_space<hbm>>
      tpu.enqueue_dma source(%dma_start3A_607 : memref<2000xi32, #tpu.memory_space<hbm>>) target(%arg13 : memref<2000xi32, #tpu.memory_space<vmem>>) target_semaphore(%run_scoped3A : memref<!tpu.dma_semaphore, #tpu.memory_space<semaphore_mem>>)
      %dma_wait3A_608 = tpu.memref_slice %arg5[%add3A_387] : memref<1600000xi32, #tpu.memory_space<hbm>> -> memref<2000xi32, #tpu.memory_space<hbm>>
      %dma_wait3A_609 = tpu.memref_slice %arg5[%add3A_387] : memref<1600000xi32, #tpu.memory_space<hbm>> -> memref<2000xi32, #tpu.memory_space<hbm>>
      tpu.wait_dma2 semaphore(%run_scoped3A : memref<!tpu.dma_semaphore, #tpu.memory_space<semaphore_mem>>) src(%dma_wait3A_609 : memref<2000xi32, #tpu.memory_space<hbm>>) dst(%arg13 : memref<2000xi32, #tpu.memory_space<vmem>>)
      tpu.yield
    }) : () -> ()
    %scan3A_388 = arith.constant 0 : i32
    %scan3A_389 = arith.constant 125 : i32
    %scan3A_390 = arith.addi %scan3A_388, %scan3A_389 : i32
    %scan3A_391 = arith.constant 1 : i32
    scf.for %scan3A_606 = %scan3A_388 to %scan3A_390 step %scan3A_391  : i32 {
      %mul3A_607 = arith.constant 16 : i32
      %mul3A_608 = arith.muli %scan3A_606, %mul3A_607 : i32
      %get3A = arith.index_cast %mul3A_608 : i32 to index
      %get3A_609 = tpu.vector_load %arg13[%get3A] {strides = array<i32>} : memref<2000xi32, #tpu.memory_space<vmem>>, vector<16xi32>,
      %get3A_610 = vector.shape_cast %get3A_609 : vector<16xi32> to vector<16xi32>
      %mul3A_611 = arith.constant 50000 : i32
      %mul3A_612 = vector.broadcast %mul3A_611 : i32 to vector<16xi32>
      %mul3A_613 = arith.muli %get3A_610, %mul3A_612 : vector<16xi32>
      %get3A_614 = arith.index_cast %mul3A_608 : i32 to index
      %get3A_615 = tpu.vector_load %arg11[%get3A_614] {strides = array<i32>} : memref<2000xi32, #tpu.memory_space<vmem>>, vector<16xi32>,
      %get3A_616 = vector.shape_cast %get3A_615 : vector<16xi32> to vector<16xi32>
      %add3A_617 = arith.addi %mul3A_613, %get3A_616 : vector<16xi32>
      %swap3A = arith.index_cast %mul3A_608 : i32 to index
      %swap3A_618 = tpu.vector_load %arg11[%swap3A] {strides = array<i32>} : memref<2000xi32, #tpu.memory_space<vmem>>, vector<16xi32>,
      %swap3A_619 = vector.shape_cast %swap3A_618 : vector<16xi32> to vector<16xi32>
      %swap3A_620 = vector.shape_cast %add3A_617 : vector<16xi32> to vector<16xi32>
      tpu.vector_store %arg11[%swap3A], %swap3A_620 {strides = array<i32>} : memref<2000xi32, #tpu.memory_space<vmem>>, vector<16xi32>,
    }
    %scan3A_392 = arith.constant 125 : i32
    %dma_start3A_393 = arith.constant 0 : i32
    %dma_start3A_394 = arith.constant 0 : i32
    %dma_start3A_395 = tpu.memref_slice %arg2[%dma_start3A_393, %dma_start3A_394] : memref<400000x16xf32, #tpu.memory_space<hbm>> -> memref<400000x16xf32, #tpu.memory_space<hbm>>
    tpu.enqueue_indirect_dma source(%dma_start3A_395 : memref<400000x16xf32, #tpu.memory_space<hbm>>) target(%arg14 : memref<2000x16xf32, #tpu.memory_space<vmem>>) offsets(%arg11 : memref<2000xi32, #tpu.memory_space<vmem>>) semaphore(%arg20 : memref<!tpu.dma_semaphore, #tpu.memory_space<semaphore_mem>>)
    %dma_wait3A_396 = arith.constant 0 : i32
    %dma_wait3A_397 = arith.constant 0 : i32
    %dma_wait3A_398 = tpu.memref_slice %arg17[%dma_wait3A_396, %dma_wait3A_397] : memref<50048x16xf32, #tpu.memory_space<vmem_shared>> -> memref<50048x16xf32, #tpu.memory_space<vmem_shared>>
    tpu.wait_indirect_dma semaphore(%arg22 : memref<!tpu.dma_semaphore, #tpu.memory_space<semaphore_mem>>) src(%arg15 : memref<2000x16xf32, #tpu.memory_space<vmem>>) dst(%dma_wait3A_398 : memref<50048x16xf32, #tpu.memory_space<vmem_shared>>)
    %dma_wait3A_399 = arith.constant 0 : i32
    %dma_wait3A_400 = tpu.memref_slice %arg18[%dma_wait3A_399] : memref<50048xf32, #tpu.memory_space<vmem_shared>> -> memref<50048xf32, #tpu.memory_space<vmem_shared>>
    tpu.wait_indirect_dma semaphore(%arg23 : memref<!tpu.dma_semaphore, #tpu.memory_space<semaphore_mem>>) src(%arg16 : memref<2000xf32, #tpu.memory_space<vmem>>) dst(%dma_wait3A_400 : memref<50048xf32, #tpu.memory_space<vmem_shared>>)
    %dma_wait3A_401 = arith.constant 0 : i32
    %dma_wait3A_402 = arith.constant 0 : i32
    %dma_wait3A_403 = tpu.memref_slice %arg2[%dma_wait3A_401, %dma_wait3A_402] : memref<400000x16xf32, #tpu.memory_space<hbm>> -> memref<400000x16xf32, #tpu.memory_space<hbm>>
    tpu.wait_indirect_dma semaphore(%arg20 : memref<!tpu.dma_semaphore, #tpu.memory_space<semaphore_mem>>) src(%dma_wait3A_403 : memref<400000x16xf32, #tpu.memory_space<hbm>>) dst(%arg14 : memref<2000x16xf32, #tpu.memory_space<vmem>>)
    %dma_start3A_404 = arith.constant 0 : i32
    %dma_start3A_405 = arith.constant 0 : i32
    %dma_start3A_406 = tpu.memref_slice %arg17[%dma_start3A_404, %dma_start3A_405] : memref<50048x16xf32, #tpu.memory_space<vmem_shared>> -> memref<50048x16xf32, #tpu.memory_space<vmem_shared>>
    tpu.enqueue_indirect_dma source(%arg14 : memref<2000x16xf32, #tpu.memory_space<vmem>>) target(%dma_start3A_406 : memref<50048x16xf32, #tpu.memory_space<vmem_shared>>) offsets(%arg9 : memref<2000xi32, #tpu.memory_space<vmem>>) semaphore(%arg22 : memref<!tpu.dma_semaphore, #tpu.memory_space<semaphore_mem>>) {add = true}
    %dma_start3A_407 = arith.constant 0 : i32
    %dma_start3A_408 = tpu.memref_slice %arg18[%dma_start3A_407] : memref<50048xf32, #tpu.memory_space<vmem_shared>> -> memref<50048xf32, #tpu.memory_space<vmem_shared>>
    tpu.enqueue_indirect_dma source(%arg16 : memref<2000xf32, #tpu.memory_space<vmem>>) target(%dma_start3A_408 : memref<50048xf32, #tpu.memory_space<vmem_shared>>) offsets(%arg9 : memref<2000xi32, #tpu.memory_space<vmem>>) semaphore(%arg23 : memref<!tpu.dma_semaphore, #tpu.memory_space<semaphore_mem>>) {add = true}
    %add3A_409 = arith.constant 34000 : i32
    %add3A_410 = arith.addi %add3A_24, %add3A_409 : i32
    "tpu.region"() ({
      %run_scoped3A = tpu.sem_alloc : memref<!tpu.dma_semaphore, #tpu.memory_space<semaphore_mem>>
      %dma_start3A_606 = tpu.memref_slice %arg3[%add3A_410] : memref<1600000xi32, #tpu.memory_space<hbm>> -> memref<2000xi32, #tpu.memory_space<hbm>>
      %dma_start3A_607 = tpu.memref_slice %arg3[%add3A_410] : memref<1600000xi32, #tpu.memory_space<hbm>> -> memref<2000xi32, #tpu.memory_space<hbm>>
      tpu.enqueue_dma source(%dma_start3A_607 : memref<2000xi32, #tpu.memory_space<hbm>>) target(%arg10 : memref<2000xi32, #tpu.memory_space<vmem>>) target_semaphore(%run_scoped3A : memref<!tpu.dma_semaphore, #tpu.memory_space<semaphore_mem>>)
      %dma_wait3A_608 = tpu.memref_slice %arg3[%add3A_410] : memref<1600000xi32, #tpu.memory_space<hbm>> -> memref<2000xi32, #tpu.memory_space<hbm>>
      %dma_wait3A_609 = tpu.memref_slice %arg3[%add3A_410] : memref<1600000xi32, #tpu.memory_space<hbm>> -> memref<2000xi32, #tpu.memory_space<hbm>>
      tpu.wait_dma2 semaphore(%run_scoped3A : memref<!tpu.dma_semaphore, #tpu.memory_space<semaphore_mem>>) src(%dma_wait3A_609 : memref<2000xi32, #tpu.memory_space<hbm>>) dst(%arg10 : memref<2000xi32, #tpu.memory_space<vmem>>)
      tpu.yield
    }) : () -> ()
    "tpu.region"() ({
      %run_scoped3A = tpu.sem_alloc : memref<!tpu.dma_semaphore, #tpu.memory_space<semaphore_mem>>
      %dma_start3A_606 = tpu.memref_slice %arg4[%add3A_410] : memref<1600000xi32, #tpu.memory_space<hbm>> -> memref<2000xi32, #tpu.memory_space<hbm>>
      %dma_start3A_607 = tpu.memref_slice %arg4[%add3A_410] : memref<1600000xi32, #tpu.memory_space<hbm>> -> memref<2000xi32, #tpu.memory_space<hbm>>
      tpu.enqueue_dma source(%dma_start3A_607 : memref<2000xi32, #tpu.memory_space<hbm>>) target(%arg12 : memref<2000xi32, #tpu.memory_space<vmem>>) target_semaphore(%run_scoped3A : memref<!tpu.dma_semaphore, #tpu.memory_space<semaphore_mem>>)
      %dma_wait3A_608 = tpu.memref_slice %arg4[%add3A_410] : memref<1600000xi32, #tpu.memory_space<hbm>> -> memref<2000xi32, #tpu.memory_space<hbm>>
      %dma_wait3A_609 = tpu.memref_slice %arg4[%add3A_410] : memref<1600000xi32, #tpu.memory_space<hbm>> -> memref<2000xi32, #tpu.memory_space<hbm>>
      tpu.wait_dma2 semaphore(%run_scoped3A : memref<!tpu.dma_semaphore, #tpu.memory_space<semaphore_mem>>) src(%dma_wait3A_609 : memref<2000xi32, #tpu.memory_space<hbm>>) dst(%arg12 : memref<2000xi32, #tpu.memory_space<vmem>>)
      tpu.yield
    }) : () -> ()
    "tpu.region"() ({
      %run_scoped3A = tpu.sem_alloc : memref<!tpu.dma_semaphore, #tpu.memory_space<semaphore_mem>>
      %dma_start3A_606 = tpu.memref_slice %arg5[%add3A_410] : memref<1600000xi32, #tpu.memory_space<hbm>> -> memref<2000xi32, #tpu.memory_space<hbm>>
      %dma_start3A_607 = tpu.memref_slice %arg5[%add3A_410] : memref<1600000xi32, #tpu.memory_space<hbm>> -> memref<2000xi32, #tpu.memory_space<hbm>>
      tpu.enqueue_dma source(%dma_start3A_607 : memref<2000xi32, #tpu.memory_space<hbm>>) target(%arg13 : memref<2000xi32, #tpu.memory_space<vmem>>) target_semaphore(%run_scoped3A : memref<!tpu.dma_semaphore, #tpu.memory_space<semaphore_mem>>)
      %dma_wait3A_608 = tpu.memref_slice %arg5[%add3A_410] : memref<1600000xi32, #tpu.memory_space<hbm>> -> memref<2000xi32, #tpu.memory_space<hbm>>
      %dma_wait3A_609 = tpu.memref_slice %arg5[%add3A_410] : memref<1600000xi32, #tpu.memory_space<hbm>> -> memref<2000xi32, #tpu.memory_space<hbm>>
      tpu.wait_dma2 semaphore(%run_scoped3A : memref<!tpu.dma_semaphore, #tpu.memory_space<semaphore_mem>>) src(%dma_wait3A_609 : memref<2000xi32, #tpu.memory_space<hbm>>) dst(%arg13 : memref<2000xi32, #tpu.memory_space<vmem>>)
      tpu.yield
    }) : () -> ()
    %scan3A_411 = arith.constant 0 : i32
    %scan3A_412 = arith.constant 125 : i32
    %scan3A_413 = arith.addi %scan3A_411, %scan3A_412 : i32
    %scan3A_414 = arith.constant 1 : i32
    scf.for %scan3A_606 = %scan3A_411 to %scan3A_413 step %scan3A_414  : i32 {
      %mul3A_607 = arith.constant 16 : i32
      %mul3A_608 = arith.muli %scan3A_606, %mul3A_607 : i32
      %get3A = arith.index_cast %mul3A_608 : i32 to index
      %get3A_609 = tpu.vector_load %arg13[%get3A] {strides = array<i32>} : memref<2000xi32, #tpu.memory_space<vmem>>, vector<16xi32>,
      %get3A_610 = vector.shape_cast %get3A_609 : vector<16xi32> to vector<16xi32>
      %mul3A_611 = arith.constant 50000 : i32
      %mul3A_612 = vector.broadcast %mul3A_611 : i32 to vector<16xi32>
      %mul3A_613 = arith.muli %get3A_610, %mul3A_612 : vector<16xi32>
      %get3A_614 = arith.index_cast %mul3A_608 : i32 to index
      %get3A_615 = tpu.vector_load %arg12[%get3A_614] {strides = array<i32>} : memref<2000xi32, #tpu.memory_space<vmem>>, vector<16xi32>,
      %get3A_616 = vector.shape_cast %get3A_615 : vector<16xi32> to vector<16xi32>
      %add3A_617 = arith.addi %mul3A_613, %get3A_616 : vector<16xi32>
      %swap3A = arith.index_cast %mul3A_608 : i32 to index
      %swap3A_618 = tpu.vector_load %arg12[%swap3A] {strides = array<i32>} : memref<2000xi32, #tpu.memory_space<vmem>>, vector<16xi32>,
      %swap3A_619 = vector.shape_cast %swap3A_618 : vector<16xi32> to vector<16xi32>
      %swap3A_620 = vector.shape_cast %add3A_617 : vector<16xi32> to vector<16xi32>
      tpu.vector_store %arg12[%swap3A], %swap3A_620 {strides = array<i32>} : memref<2000xi32, #tpu.memory_space<vmem>>, vector<16xi32>,
    }
    %scan3A_415 = arith.constant 125 : i32
    %dma_start3A_416 = arith.constant 0 : i32
    %dma_start3A_417 = arith.constant 0 : i32
    %dma_start3A_418 = tpu.memref_slice %arg2[%dma_start3A_416, %dma_start3A_417] : memref<400000x16xf32, #tpu.memory_space<hbm>> -> memref<400000x16xf32, #tpu.memory_space<hbm>>
    tpu.enqueue_indirect_dma source(%dma_start3A_418 : memref<400000x16xf32, #tpu.memory_space<hbm>>) target(%arg15 : memref<2000x16xf32, #tpu.memory_space<vmem>>) offsets(%arg12 : memref<2000xi32, #tpu.memory_space<vmem>>) semaphore(%arg21 : memref<!tpu.dma_semaphore, #tpu.memory_space<semaphore_mem>>)
    %dma_wait3A_419 = arith.constant 0 : i32
    %dma_wait3A_420 = arith.constant 0 : i32
    %dma_wait3A_421 = tpu.memref_slice %arg17[%dma_wait3A_419, %dma_wait3A_420] : memref<50048x16xf32, #tpu.memory_space<vmem_shared>> -> memref<50048x16xf32, #tpu.memory_space<vmem_shared>>
    tpu.wait_indirect_dma semaphore(%arg22 : memref<!tpu.dma_semaphore, #tpu.memory_space<semaphore_mem>>) src(%arg14 : memref<2000x16xf32, #tpu.memory_space<vmem>>) dst(%dma_wait3A_421 : memref<50048x16xf32, #tpu.memory_space<vmem_shared>>)
    %dma_wait3A_422 = arith.constant 0 : i32
    %dma_wait3A_423 = tpu.memref_slice %arg18[%dma_wait3A_422] : memref<50048xf32, #tpu.memory_space<vmem_shared>> -> memref<50048xf32, #tpu.memory_space<vmem_shared>>
    tpu.wait_indirect_dma semaphore(%arg23 : memref<!tpu.dma_semaphore, #tpu.memory_space<semaphore_mem>>) src(%arg16 : memref<2000xf32, #tpu.memory_space<vmem>>) dst(%dma_wait3A_423 : memref<50048xf32, #tpu.memory_space<vmem_shared>>)
    %dma_wait3A_424 = arith.constant 0 : i32
    %dma_wait3A_425 = arith.constant 0 : i32
    %dma_wait3A_426 = tpu.memref_slice %arg2[%dma_wait3A_424, %dma_wait3A_425] : memref<400000x16xf32, #tpu.memory_space<hbm>> -> memref<400000x16xf32, #tpu.memory_space<hbm>>
    tpu.wait_indirect_dma semaphore(%arg21 : memref<!tpu.dma_semaphore, #tpu.memory_space<semaphore_mem>>) src(%dma_wait3A_426 : memref<400000x16xf32, #tpu.memory_space<hbm>>) dst(%arg15 : memref<2000x16xf32, #tpu.memory_space<vmem>>)
    %dma_start3A_427 = arith.constant 0 : i32
    %dma_start3A_428 = arith.constant 0 : i32
    %dma_start3A_429 = tpu.memref_slice %arg17[%dma_start3A_427, %dma_start3A_428] : memref<50048x16xf32, #tpu.memory_space<vmem_shared>> -> memref<50048x16xf32, #tpu.memory_space<vmem_shared>>
    tpu.enqueue_indirect_dma source(%arg15 : memref<2000x16xf32, #tpu.memory_space<vmem>>) target(%dma_start3A_429 : memref<50048x16xf32, #tpu.memory_space<vmem_shared>>) offsets(%arg10 : memref<2000xi32, #tpu.memory_space<vmem>>) semaphore(%arg22 : memref<!tpu.dma_semaphore, #tpu.memory_space<semaphore_mem>>) {add = true}
    %dma_start3A_430 = arith.constant 0 : i32
    %dma_start3A_431 = tpu.memref_slice %arg18[%dma_start3A_430] : memref<50048xf32, #tpu.memory_space<vmem_shared>> -> memref<50048xf32, #tpu.memory_space<vmem_shared>>
    tpu.enqueue_indirect_dma source(%arg16 : memref<2000xf32, #tpu.memory_space<vmem>>) target(%dma_start3A_431 : memref<50048xf32, #tpu.memory_space<vmem_shared>>) offsets(%arg10 : memref<2000xi32, #tpu.memory_space<vmem>>) semaphore(%arg23 : memref<!tpu.dma_semaphore, #tpu.memory_space<semaphore_mem>>) {add = true}
    %add3A_432 = arith.constant 36000 : i32
    %add3A_433 = arith.addi %add3A_24, %add3A_432 : i32
    "tpu.region"() ({
      %run_scoped3A = tpu.sem_alloc : memref<!tpu.dma_semaphore, #tpu.memory_space<semaphore_mem>>
      %dma_start3A_606 = tpu.memref_slice %arg3[%add3A_433] : memref<1600000xi32, #tpu.memory_space<hbm>> -> memref<2000xi32, #tpu.memory_space<hbm>>
      %dma_start3A_607 = tpu.memref_slice %arg3[%add3A_433] : memref<1600000xi32, #tpu.memory_space<hbm>> -> memref<2000xi32, #tpu.memory_space<hbm>>
      tpu.enqueue_dma source(%dma_start3A_607 : memref<2000xi32, #tpu.memory_space<hbm>>) target(%arg9 : memref<2000xi32, #tpu.memory_space<vmem>>) target_semaphore(%run_scoped3A : memref<!tpu.dma_semaphore, #tpu.memory_space<semaphore_mem>>)
      %dma_wait3A_608 = tpu.memref_slice %arg3[%add3A_433] : memref<1600000xi32, #tpu.memory_space<hbm>> -> memref<2000xi32, #tpu.memory_space<hbm>>
      %dma_wait3A_609 = tpu.memref_slice %arg3[%add3A_433] : memref<1600000xi32, #tpu.memory_space<hbm>> -> memref<2000xi32, #tpu.memory_space<hbm>>
      tpu.wait_dma2 semaphore(%run_scoped3A : memref<!tpu.dma_semaphore, #tpu.memory_space<semaphore_mem>>) src(%dma_wait3A_609 : memref<2000xi32, #tpu.memory_space<hbm>>) dst(%arg9 : memref<2000xi32, #tpu.memory_space<vmem>>)
      tpu.yield
    }) : () -> ()
    "tpu.region"() ({
      %run_scoped3A = tpu.sem_alloc : memref<!tpu.dma_semaphore, #tpu.memory_space<semaphore_mem>>
      %dma_start3A_606 = tpu.memref_slice %arg4[%add3A_433] : memref<1600000xi32, #tpu.memory_space<hbm>> -> memref<2000xi32, #tpu.memory_space<hbm>>
      %dma_start3A_607 = tpu.memref_slice %arg4[%add3A_433] : memref<1600000xi32, #tpu.memory_space<hbm>> -> memref<2000xi32, #tpu.memory_space<hbm>>
      tpu.enqueue_dma source(%dma_start3A_607 : memref<2000xi32, #tpu.memory_space<hbm>>) target(%arg11 : memref<2000xi32, #tpu.memory_space<vmem>>) target_semaphore(%run_scoped3A : memref<!tpu.dma_semaphore, #tpu.memory_space<semaphore_mem>>)
      %dma_wait3A_608 = tpu.memref_slice %arg4[%add3A_433] : memref<1600000xi32, #tpu.memory_space<hbm>> -> memref<2000xi32, #tpu.memory_space<hbm>>
      %dma_wait3A_609 = tpu.memref_slice %arg4[%add3A_433] : memref<1600000xi32, #tpu.memory_space<hbm>> -> memref<2000xi32, #tpu.memory_space<hbm>>
      tpu.wait_dma2 semaphore(%run_scoped3A : memref<!tpu.dma_semaphore, #tpu.memory_space<semaphore_mem>>) src(%dma_wait3A_609 : memref<2000xi32, #tpu.memory_space<hbm>>) dst(%arg11 : memref<2000xi32, #tpu.memory_space<vmem>>)
      tpu.yield
    }) : () -> ()
    "tpu.region"() ({
      %run_scoped3A = tpu.sem_alloc : memref<!tpu.dma_semaphore, #tpu.memory_space<semaphore_mem>>
      %dma_start3A_606 = tpu.memref_slice %arg5[%add3A_433] : memref<1600000xi32, #tpu.memory_space<hbm>> -> memref<2000xi32, #tpu.memory_space<hbm>>
      %dma_start3A_607 = tpu.memref_slice %arg5[%add3A_433] : memref<1600000xi32, #tpu.memory_space<hbm>> -> memref<2000xi32, #tpu.memory_space<hbm>>
      tpu.enqueue_dma source(%dma_start3A_607 : memref<2000xi32, #tpu.memory_space<hbm>>) target(%arg13 : memref<2000xi32, #tpu.memory_space<vmem>>) target_semaphore(%run_scoped3A : memref<!tpu.dma_semaphore, #tpu.memory_space<semaphore_mem>>)
      %dma_wait3A_608 = tpu.memref_slice %arg5[%add3A_433] : memref<1600000xi32, #tpu.memory_space<hbm>> -> memref<2000xi32, #tpu.memory_space<hbm>>
      %dma_wait3A_609 = tpu.memref_slice %arg5[%add3A_433] : memref<1600000xi32, #tpu.memory_space<hbm>> -> memref<2000xi32, #tpu.memory_space<hbm>>
      tpu.wait_dma2 semaphore(%run_scoped3A : memref<!tpu.dma_semaphore, #tpu.memory_space<semaphore_mem>>) src(%dma_wait3A_609 : memref<2000xi32, #tpu.memory_space<hbm>>) dst(%arg13 : memref<2000xi32, #tpu.memory_space<vmem>>)
      tpu.yield
    }) : () -> ()
    %scan3A_434 = arith.constant 0 : i32
    %scan3A_435 = arith.constant 125 : i32
    %scan3A_436 = arith.addi %scan3A_434, %scan3A_435 : i32
    %scan3A_437 = arith.constant 1 : i32
    scf.for %scan3A_606 = %scan3A_434 to %scan3A_436 step %scan3A_437  : i32 {
      %mul3A_607 = arith.constant 16 : i32
      %mul3A_608 = arith.muli %scan3A_606, %mul3A_607 : i32
      %get3A = arith.index_cast %mul3A_608 : i32 to index
      %get3A_609 = tpu.vector_load %arg13[%get3A] {strides = array<i32>} : memref<2000xi32, #tpu.memory_space<vmem>>, vector<16xi32>,
      %get3A_610 = vector.shape_cast %get3A_609 : vector<16xi32> to vector<16xi32>
      %mul3A_611 = arith.constant 50000 : i32
      %mul3A_612 = vector.broadcast %mul3A_611 : i32 to vector<16xi32>
      %mul3A_613 = arith.muli %get3A_610, %mul3A_612 : vector<16xi32>
      %get3A_614 = arith.index_cast %mul3A_608 : i32 to index
      %get3A_615 = tpu.vector_load %arg11[%get3A_614] {strides = array<i32>} : memref<2000xi32, #tpu.memory_space<vmem>>, vector<16xi32>,
      %get3A_616 = vector.shape_cast %get3A_615 : vector<16xi32> to vector<16xi32>
      %add3A_617 = arith.addi %mul3A_613, %get3A_616 : vector<16xi32>
      %swap3A = arith.index_cast %mul3A_608 : i32 to index
      %swap3A_618 = tpu.vector_load %arg11[%swap3A] {strides = array<i32>} : memref<2000xi32, #tpu.memory_space<vmem>>, vector<16xi32>,
      %swap3A_619 = vector.shape_cast %swap3A_618 : vector<16xi32> to vector<16xi32>
      %swap3A_620 = vector.shape_cast %add3A_617 : vector<16xi32> to vector<16xi32>
      tpu.vector_store %arg11[%swap3A], %swap3A_620 {strides = array<i32>} : memref<2000xi32, #tpu.memory_space<vmem>>, vector<16xi32>,
    }
    %scan3A_438 = arith.constant 125 : i32
    %dma_start3A_439 = arith.constant 0 : i32
    %dma_start3A_440 = arith.constant 0 : i32
    %dma_start3A_441 = tpu.memref_slice %arg2[%dma_start3A_439, %dma_start3A_440] : memref<400000x16xf32, #tpu.memory_space<hbm>> -> memref<400000x16xf32, #tpu.memory_space<hbm>>
    tpu.enqueue_indirect_dma source(%dma_start3A_441 : memref<400000x16xf32, #tpu.memory_space<hbm>>) target(%arg14 : memref<2000x16xf32, #tpu.memory_space<vmem>>) offsets(%arg11 : memref<2000xi32, #tpu.memory_space<vmem>>) semaphore(%arg20 : memref<!tpu.dma_semaphore, #tpu.memory_space<semaphore_mem>>)
    %dma_wait3A_442 = arith.constant 0 : i32
    %dma_wait3A_443 = arith.constant 0 : i32
    %dma_wait3A_444 = tpu.memref_slice %arg17[%dma_wait3A_442, %dma_wait3A_443] : memref<50048x16xf32, #tpu.memory_space<vmem_shared>> -> memref<50048x16xf32, #tpu.memory_space<vmem_shared>>
    tpu.wait_indirect_dma semaphore(%arg22 : memref<!tpu.dma_semaphore, #tpu.memory_space<semaphore_mem>>) src(%arg15 : memref<2000x16xf32, #tpu.memory_space<vmem>>) dst(%dma_wait3A_444 : memref<50048x16xf32, #tpu.memory_space<vmem_shared>>)
    %dma_wait3A_445 = arith.constant 0 : i32
    %dma_wait3A_446 = tpu.memref_slice %arg18[%dma_wait3A_445] : memref<50048xf32, #tpu.memory_space<vmem_shared>> -> memref<50048xf32, #tpu.memory_space<vmem_shared>>
    tpu.wait_indirect_dma semaphore(%arg23 : memref<!tpu.dma_semaphore, #tpu.memory_space<semaphore_mem>>) src(%arg16 : memref<2000xf32, #tpu.memory_space<vmem>>) dst(%dma_wait3A_446 : memref<50048xf32, #tpu.memory_space<vmem_shared>>)
    %dma_wait3A_447 = arith.constant 0 : i32
    %dma_wait3A_448 = arith.constant 0 : i32
    %dma_wait3A_449 = tpu.memref_slice %arg2[%dma_wait3A_447, %dma_wait3A_448] : memref<400000x16xf32, #tpu.memory_space<hbm>> -> memref<400000x16xf32, #tpu.memory_space<hbm>>
    tpu.wait_indirect_dma semaphore(%arg20 : memref<!tpu.dma_semaphore, #tpu.memory_space<semaphore_mem>>) src(%dma_wait3A_449 : memref<400000x16xf32, #tpu.memory_space<hbm>>) dst(%arg14 : memref<2000x16xf32, #tpu.memory_space<vmem>>)
    %dma_start3A_450 = arith.constant 0 : i32
    %dma_start3A_451 = arith.constant 0 : i32
    %dma_start3A_452 = tpu.memref_slice %arg17[%dma_start3A_450, %dma_start3A_451] : memref<50048x16xf32, #tpu.memory_space<vmem_shared>> -> memref<50048x16xf32, #tpu.memory_space<vmem_shared>>
    tpu.enqueue_indirect_dma source(%arg14 : memref<2000x16xf32, #tpu.memory_space<vmem>>) target(%dma_start3A_452 : memref<50048x16xf32, #tpu.memory_space<vmem_shared>>) offsets(%arg9 : memref<2000xi32, #tpu.memory_space<vmem>>) semaphore(%arg22 : memref<!tpu.dma_semaphore, #tpu.memory_space<semaphore_mem>>) {add = true}
    %dma_start3A_453 = arith.constant 0 : i32
    %dma_start3A_454 = tpu.memref_slice %arg18[%dma_start3A_453] : memref<50048xf32, #tpu.memory_space<vmem_shared>> -> memref<50048xf32, #tpu.memory_space<vmem_shared>>
    tpu.enqueue_indirect_dma source(%arg16 : memref<2000xf32, #tpu.memory_space<vmem>>) target(%dma_start3A_454 : memref<50048xf32, #tpu.memory_space<vmem_shared>>) offsets(%arg9 : memref<2000xi32, #tpu.memory_space<vmem>>) semaphore(%arg23 : memref<!tpu.dma_semaphore, #tpu.memory_space<semaphore_mem>>) {add = true}
    %add3A_455 = arith.constant 38000 : i32
    %add3A_456 = arith.addi %add3A_24, %add3A_455 : i32
    "tpu.region"() ({
      %run_scoped3A = tpu.sem_alloc : memref<!tpu.dma_semaphore, #tpu.memory_space<semaphore_mem>>
      %dma_start3A_606 = tpu.memref_slice %arg3[%add3A_456] : memref<1600000xi32, #tpu.memory_space<hbm>> -> memref<2000xi32, #tpu.memory_space<hbm>>
      %dma_start3A_607 = tpu.memref_slice %arg3[%add3A_456] : memref<1600000xi32, #tpu.memory_space<hbm>> -> memref<2000xi32, #tpu.memory_space<hbm>>
      tpu.enqueue_dma source(%dma_start3A_607 : memref<2000xi32, #tpu.memory_space<hbm>>) target(%arg10 : memref<2000xi32, #tpu.memory_space<vmem>>) target_semaphore(%run_scoped3A : memref<!tpu.dma_semaphore, #tpu.memory_space<semaphore_mem>>)
      %dma_wait3A_608 = tpu.memref_slice %arg3[%add3A_456] : memref<1600000xi32, #tpu.memory_space<hbm>> -> memref<2000xi32, #tpu.memory_space<hbm>>
      %dma_wait3A_609 = tpu.memref_slice %arg3[%add3A_456] : memref<1600000xi32, #tpu.memory_space<hbm>> -> memref<2000xi32, #tpu.memory_space<hbm>>
      tpu.wait_dma2 semaphore(%run_scoped3A : memref<!tpu.dma_semaphore, #tpu.memory_space<semaphore_mem>>) src(%dma_wait3A_609 : memref<2000xi32, #tpu.memory_space<hbm>>) dst(%arg10 : memref<2000xi32, #tpu.memory_space<vmem>>)
      tpu.yield
    }) : () -> ()
    "tpu.region"() ({
      %run_scoped3A = tpu.sem_alloc : memref<!tpu.dma_semaphore, #tpu.memory_space<semaphore_mem>>
      %dma_start3A_606 = tpu.memref_slice %arg4[%add3A_456] : memref<1600000xi32, #tpu.memory_space<hbm>> -> memref<2000xi32, #tpu.memory_space<hbm>>
      %dma_start3A_607 = tpu.memref_slice %arg4[%add3A_456] : memref<1600000xi32, #tpu.memory_space<hbm>> -> memref<2000xi32, #tpu.memory_space<hbm>>
      tpu.enqueue_dma source(%dma_start3A_607 : memref<2000xi32, #tpu.memory_space<hbm>>) target(%arg12 : memref<2000xi32, #tpu.memory_space<vmem>>) target_semaphore(%run_scoped3A : memref<!tpu.dma_semaphore, #tpu.memory_space<semaphore_mem>>)
      %dma_wait3A_608 = tpu.memref_slice %arg4[%add3A_456] : memref<1600000xi32, #tpu.memory_space<hbm>> -> memref<2000xi32, #tpu.memory_space<hbm>>
      %dma_wait3A_609 = tpu.memref_slice %arg4[%add3A_456] : memref<1600000xi32, #tpu.memory_space<hbm>> -> memref<2000xi32, #tpu.memory_space<hbm>>
      tpu.wait_dma2 semaphore(%run_scoped3A : memref<!tpu.dma_semaphore, #tpu.memory_space<semaphore_mem>>) src(%dma_wait3A_609 : memref<2000xi32, #tpu.memory_space<hbm>>) dst(%arg12 : memref<2000xi32, #tpu.memory_space<vmem>>)
      tpu.yield
    }) : () -> ()
    "tpu.region"() ({
      %run_scoped3A = tpu.sem_alloc : memref<!tpu.dma_semaphore, #tpu.memory_space<semaphore_mem>>
      %dma_start3A_606 = tpu.memref_slice %arg5[%add3A_456] : memref<1600000xi32, #tpu.memory_space<hbm>> -> memref<2000xi32, #tpu.memory_space<hbm>>
      %dma_start3A_607 = tpu.memref_slice %arg5[%add3A_456] : memref<1600000xi32, #tpu.memory_space<hbm>> -> memref<2000xi32, #tpu.memory_space<hbm>>
      tpu.enqueue_dma source(%dma_start3A_607 : memref<2000xi32, #tpu.memory_space<hbm>>) target(%arg13 : memref<2000xi32, #tpu.memory_space<vmem>>) target_semaphore(%run_scoped3A : memref<!tpu.dma_semaphore, #tpu.memory_space<semaphore_mem>>)
      %dma_wait3A_608 = tpu.memref_slice %arg5[%add3A_456] : memref<1600000xi32, #tpu.memory_space<hbm>> -> memref<2000xi32, #tpu.memory_space<hbm>>
      %dma_wait3A_609 = tpu.memref_slice %arg5[%add3A_456] : memref<1600000xi32, #tpu.memory_space<hbm>> -> memref<2000xi32, #tpu.memory_space<hbm>>
      tpu.wait_dma2 semaphore(%run_scoped3A : memref<!tpu.dma_semaphore, #tpu.memory_space<semaphore_mem>>) src(%dma_wait3A_609 : memref<2000xi32, #tpu.memory_space<hbm>>) dst(%arg13 : memref<2000xi32, #tpu.memory_space<vmem>>)
      tpu.yield
    }) : () -> ()
    %scan3A_457 = arith.constant 0 : i32
    %scan3A_458 = arith.constant 125 : i32
    %scan3A_459 = arith.addi %scan3A_457, %scan3A_458 : i32
    %scan3A_460 = arith.constant 1 : i32
    scf.for %scan3A_606 = %scan3A_457 to %scan3A_459 step %scan3A_460  : i32 {
      %mul3A_607 = arith.constant 16 : i32
      %mul3A_608 = arith.muli %scan3A_606, %mul3A_607 : i32
      %get3A = arith.index_cast %mul3A_608 : i32 to index
      %get3A_609 = tpu.vector_load %arg13[%get3A] {strides = array<i32>} : memref<2000xi32, #tpu.memory_space<vmem>>, vector<16xi32>,
      %get3A_610 = vector.shape_cast %get3A_609 : vector<16xi32> to vector<16xi32>
      %mul3A_611 = arith.constant 50000 : i32
      %mul3A_612 = vector.broadcast %mul3A_611 : i32 to vector<16xi32>
      %mul3A_613 = arith.muli %get3A_610, %mul3A_612 : vector<16xi32>
      %get3A_614 = arith.index_cast %mul3A_608 : i32 to index
      %get3A_615 = tpu.vector_load %arg12[%get3A_614] {strides = array<i32>} : memref<2000xi32, #tpu.memory_space<vmem>>, vector<16xi32>,
      %get3A_616 = vector.shape_cast %get3A_615 : vector<16xi32> to vector<16xi32>
      %add3A_617 = arith.addi %mul3A_613, %get3A_616 : vector<16xi32>
      %swap3A = arith.index_cast %mul3A_608 : i32 to index
      %swap3A_618 = tpu.vector_load %arg12[%swap3A] {strides = array<i32>} : memref<2000xi32, #tpu.memory_space<vmem>>, vector<16xi32>,
      %swap3A_619 = vector.shape_cast %swap3A_618 : vector<16xi32> to vector<16xi32>
      %swap3A_620 = vector.shape_cast %add3A_617 : vector<16xi32> to vector<16xi32>
      tpu.vector_store %arg12[%swap3A], %swap3A_620 {strides = array<i32>} : memref<2000xi32, #tpu.memory_space<vmem>>, vector<16xi32>,
    }
    %scan3A_461 = arith.constant 125 : i32
    %dma_start3A_462 = arith.constant 0 : i32
    %dma_start3A_463 = arith.constant 0 : i32
    %dma_start3A_464 = tpu.memref_slice %arg2[%dma_start3A_462, %dma_start3A_463] : memref<400000x16xf32, #tpu.memory_space<hbm>> -> memref<400000x16xf32, #tpu.memory_space<hbm>>
    tpu.enqueue_indirect_dma source(%dma_start3A_464 : memref<400000x16xf32, #tpu.memory_space<hbm>>) target(%arg15 : memref<2000x16xf32, #tpu.memory_space<vmem>>) offsets(%arg12 : memref<2000xi32, #tpu.memory_space<vmem>>) semaphore(%arg21 : memref<!tpu.dma_semaphore, #tpu.memory_space<semaphore_mem>>)
    %dma_wait3A_465 = arith.constant 0 : i32
    %dma_wait3A_466 = arith.constant 0 : i32
    %dma_wait3A_467 = tpu.memref_slice %arg17[%dma_wait3A_465, %dma_wait3A_466] : memref<50048x16xf32, #tpu.memory_space<vmem_shared>> -> memref<50048x16xf32, #tpu.memory_space<vmem_shared>>
    tpu.wait_indirect_dma semaphore(%arg22 : memref<!tpu.dma_semaphore, #tpu.memory_space<semaphore_mem>>) src(%arg14 : memref<2000x16xf32, #tpu.memory_space<vmem>>) dst(%dma_wait3A_467 : memref<50048x16xf32, #tpu.memory_space<vmem_shared>>)
    %dma_wait3A_468 = arith.constant 0 : i32
    %dma_wait3A_469 = tpu.memref_slice %arg18[%dma_wait3A_468] : memref<50048xf32, #tpu.memory_space<vmem_shared>> -> memref<50048xf32, #tpu.memory_space<vmem_shared>>
    tpu.wait_indirect_dma semaphore(%arg23 : memref<!tpu.dma_semaphore, #tpu.memory_space<semaphore_mem>>) src(%arg16 : memref<2000xf32, #tpu.memory_space<vmem>>) dst(%dma_wait3A_469 : memref<50048xf32, #tpu.memory_space<vmem_shared>>)
    %dma_wait3A_470 = arith.constant 0 : i32
    %dma_wait3A_471 = arith.constant 0 : i32
    %dma_wait3A_472 = tpu.memref_slice %arg2[%dma_wait3A_470, %dma_wait3A_471] : memref<400000x16xf32, #tpu.memory_space<hbm>> -> memref<400000x16xf32, #tpu.memory_space<hbm>>
    tpu.wait_indirect_dma semaphore(%arg21 : memref<!tpu.dma_semaphore, #tpu.memory_space<semaphore_mem>>) src(%dma_wait3A_472 : memref<400000x16xf32, #tpu.memory_space<hbm>>) dst(%arg15 : memref<2000x16xf32, #tpu.memory_space<vmem>>)
    %dma_start3A_473 = arith.constant 0 : i32
    %dma_start3A_474 = arith.constant 0 : i32
    %dma_start3A_475 = tpu.memref_slice %arg17[%dma_start3A_473, %dma_start3A_474] : memref<50048x16xf32, #tpu.memory_space<vmem_shared>> -> memref<50048x16xf32, #tpu.memory_space<vmem_shared>>
    tpu.enqueue_indirect_dma source(%arg15 : memref<2000x16xf32, #tpu.memory_space<vmem>>) target(%dma_start3A_475 : memref<50048x16xf32, #tpu.memory_space<vmem_shared>>) offsets(%arg10 : memref<2000xi32, #tpu.memory_space<vmem>>) semaphore(%arg22 : memref<!tpu.dma_semaphore, #tpu.memory_space<semaphore_mem>>) {add = true}
    %dma_start3A_476 = arith.constant 0 : i32
    %dma_start3A_477 = tpu.memref_slice %arg18[%dma_start3A_476] : memref<50048xf32, #tpu.memory_space<vmem_shared>> -> memref<50048xf32, #tpu.memory_space<vmem_shared>>
    tpu.enqueue_indirect_dma source(%arg16 : memref<2000xf32, #tpu.memory_space<vmem>>) target(%dma_start3A_477 : memref<50048xf32, #tpu.memory_space<vmem_shared>>) offsets(%arg10 : memref<2000xi32, #tpu.memory_space<vmem>>) semaphore(%arg23 : memref<!tpu.dma_semaphore, #tpu.memory_space<semaphore_mem>>) {add = true}
    %add3A_478 = arith.constant 40000 : i32
    %add3A_479 = arith.addi %add3A_24, %add3A_478 : i32
    "tpu.region"() ({
      %run_scoped3A = tpu.sem_alloc : memref<!tpu.dma_semaphore, #tpu.memory_space<semaphore_mem>>
      %dma_start3A_606 = tpu.memref_slice %arg3[%add3A_479] : memref<1600000xi32, #tpu.memory_space<hbm>> -> memref<2000xi32, #tpu.memory_space<hbm>>
      %dma_start3A_607 = tpu.memref_slice %arg3[%add3A_479] : memref<1600000xi32, #tpu.memory_space<hbm>> -> memref<2000xi32, #tpu.memory_space<hbm>>
      tpu.enqueue_dma source(%dma_start3A_607 : memref<2000xi32, #tpu.memory_space<hbm>>) target(%arg9 : memref<2000xi32, #tpu.memory_space<vmem>>) target_semaphore(%run_scoped3A : memref<!tpu.dma_semaphore, #tpu.memory_space<semaphore_mem>>)
      %dma_wait3A_608 = tpu.memref_slice %arg3[%add3A_479] : memref<1600000xi32, #tpu.memory_space<hbm>> -> memref<2000xi32, #tpu.memory_space<hbm>>
      %dma_wait3A_609 = tpu.memref_slice %arg3[%add3A_479] : memref<1600000xi32, #tpu.memory_space<hbm>> -> memref<2000xi32, #tpu.memory_space<hbm>>
      tpu.wait_dma2 semaphore(%run_scoped3A : memref<!tpu.dma_semaphore, #tpu.memory_space<semaphore_mem>>) src(%dma_wait3A_609 : memref<2000xi32, #tpu.memory_space<hbm>>) dst(%arg9 : memref<2000xi32, #tpu.memory_space<vmem>>)
      tpu.yield
    }) : () -> ()
    "tpu.region"() ({
      %run_scoped3A = tpu.sem_alloc : memref<!tpu.dma_semaphore, #tpu.memory_space<semaphore_mem>>
      %dma_start3A_606 = tpu.memref_slice %arg4[%add3A_479] : memref<1600000xi32, #tpu.memory_space<hbm>> -> memref<2000xi32, #tpu.memory_space<hbm>>
      %dma_start3A_607 = tpu.memref_slice %arg4[%add3A_479] : memref<1600000xi32, #tpu.memory_space<hbm>> -> memref<2000xi32, #tpu.memory_space<hbm>>
      tpu.enqueue_dma source(%dma_start3A_607 : memref<2000xi32, #tpu.memory_space<hbm>>) target(%arg11 : memref<2000xi32, #tpu.memory_space<vmem>>) target_semaphore(%run_scoped3A : memref<!tpu.dma_semaphore, #tpu.memory_space<semaphore_mem>>)
      %dma_wait3A_608 = tpu.memref_slice %arg4[%add3A_479] : memref<1600000xi32, #tpu.memory_space<hbm>> -> memref<2000xi32, #tpu.memory_space<hbm>>
      %dma_wait3A_609 = tpu.memref_slice %arg4[%add3A_479] : memref<1600000xi32, #tpu.memory_space<hbm>> -> memref<2000xi32, #tpu.memory_space<hbm>>
      tpu.wait_dma2 semaphore(%run_scoped3A : memref<!tpu.dma_semaphore, #tpu.memory_space<semaphore_mem>>) src(%dma_wait3A_609 : memref<2000xi32, #tpu.memory_space<hbm>>) dst(%arg11 : memref<2000xi32, #tpu.memory_space<vmem>>)
      tpu.yield
    }) : () -> ()
    "tpu.region"() ({
      %run_scoped3A = tpu.sem_alloc : memref<!tpu.dma_semaphore, #tpu.memory_space<semaphore_mem>>
      %dma_start3A_606 = tpu.memref_slice %arg5[%add3A_479] : memref<1600000xi32, #tpu.memory_space<hbm>> -> memref<2000xi32, #tpu.memory_space<hbm>>
      %dma_start3A_607 = tpu.memref_slice %arg5[%add3A_479] : memref<1600000xi32, #tpu.memory_space<hbm>> -> memref<2000xi32, #tpu.memory_space<hbm>>
      tpu.enqueue_dma source(%dma_start3A_607 : memref<2000xi32, #tpu.memory_space<hbm>>) target(%arg13 : memref<2000xi32, #tpu.memory_space<vmem>>) target_semaphore(%run_scoped3A : memref<!tpu.dma_semaphore, #tpu.memory_space<semaphore_mem>>)
      %dma_wait3A_608 = tpu.memref_slice %arg5[%add3A_479] : memref<1600000xi32, #tpu.memory_space<hbm>> -> memref<2000xi32, #tpu.memory_space<hbm>>
      %dma_wait3A_609 = tpu.memref_slice %arg5[%add3A_479] : memref<1600000xi32, #tpu.memory_space<hbm>> -> memref<2000xi32, #tpu.memory_space<hbm>>
      tpu.wait_dma2 semaphore(%run_scoped3A : memref<!tpu.dma_semaphore, #tpu.memory_space<semaphore_mem>>) src(%dma_wait3A_609 : memref<2000xi32, #tpu.memory_space<hbm>>) dst(%arg13 : memref<2000xi32, #tpu.memory_space<vmem>>)
      tpu.yield
    }) : () -> ()
    %scan3A_480 = arith.constant 0 : i32
    %scan3A_481 = arith.constant 125 : i32
    %scan3A_482 = arith.addi %scan3A_480, %scan3A_481 : i32
    %scan3A_483 = arith.constant 1 : i32
    scf.for %scan3A_606 = %scan3A_480 to %scan3A_482 step %scan3A_483  : i32 {
      %mul3A_607 = arith.constant 16 : i32
      %mul3A_608 = arith.muli %scan3A_606, %mul3A_607 : i32
      %get3A = arith.index_cast %mul3A_608 : i32 to index
      %get3A_609 = tpu.vector_load %arg13[%get3A] {strides = array<i32>} : memref<2000xi32, #tpu.memory_space<vmem>>, vector<16xi32>,
      %get3A_610 = vector.shape_cast %get3A_609 : vector<16xi32> to vector<16xi32>
      %mul3A_611 = arith.constant 50000 : i32
      %mul3A_612 = vector.broadcast %mul3A_611 : i32 to vector<16xi32>
      %mul3A_613 = arith.muli %get3A_610, %mul3A_612 : vector<16xi32>
      %get3A_614 = arith.index_cast %mul3A_608 : i32 to index
      %get3A_615 = tpu.vector_load %arg11[%get3A_614] {strides = array<i32>} : memref<2000xi32, #tpu.memory_space<vmem>>, vector<16xi32>,
      %get3A_616 = vector.shape_cast %get3A_615 : vector<16xi32> to vector<16xi32>
      %add3A_617 = arith.addi %mul3A_613, %get3A_616 : vector<16xi32>
      %swap3A = arith.index_cast %mul3A_608 : i32 to index
      %swap3A_618 = tpu.vector_load %arg11[%swap3A] {strides = array<i32>} : memref<2000xi32, #tpu.memory_space<vmem>>, vector<16xi32>,
      %swap3A_619 = vector.shape_cast %swap3A_618 : vector<16xi32> to vector<16xi32>
      %swap3A_620 = vector.shape_cast %add3A_617 : vector<16xi32> to vector<16xi32>
      tpu.vector_store %arg11[%swap3A], %swap3A_620 {strides = array<i32>} : memref<2000xi32, #tpu.memory_space<vmem>>, vector<16xi32>,
    }
    %scan3A_484 = arith.constant 125 : i32
    %dma_start3A_485 = arith.constant 0 : i32
    %dma_start3A_486 = arith.constant 0 : i32
    %dma_start3A_487 = tpu.memref_slice %arg2[%dma_start3A_485, %dma_start3A_486] : memref<400000x16xf32, #tpu.memory_space<hbm>> -> memref<400000x16xf32, #tpu.memory_space<hbm>>
    tpu.enqueue_indirect_dma source(%dma_start3A_487 : memref<400000x16xf32, #tpu.memory_space<hbm>>) target(%arg14 : memref<2000x16xf32, #tpu.memory_space<vmem>>) offsets(%arg11 : memref<2000xi32, #tpu.memory_space<vmem>>) semaphore(%arg20 : memref<!tpu.dma_semaphore, #tpu.memory_space<semaphore_mem>>)
    %dma_wait3A_488 = arith.constant 0 : i32
    %dma_wait3A_489 = arith.constant 0 : i32
    %dma_wait3A_490 = tpu.memref_slice %arg17[%dma_wait3A_488, %dma_wait3A_489] : memref<50048x16xf32, #tpu.memory_space<vmem_shared>> -> memref<50048x16xf32, #tpu.memory_space<vmem_shared>>
    tpu.wait_indirect_dma semaphore(%arg22 : memref<!tpu.dma_semaphore, #tpu.memory_space<semaphore_mem>>) src(%arg15 : memref<2000x16xf32, #tpu.memory_space<vmem>>) dst(%dma_wait3A_490 : memref<50048x16xf32, #tpu.memory_space<vmem_shared>>)
    %dma_wait3A_491 = arith.constant 0 : i32
    %dma_wait3A_492 = tpu.memref_slice %arg18[%dma_wait3A_491] : memref<50048xf32, #tpu.memory_space<vmem_shared>> -> memref<50048xf32, #tpu.memory_space<vmem_shared>>
    tpu.wait_indirect_dma semaphore(%arg23 : memref<!tpu.dma_semaphore, #tpu.memory_space<semaphore_mem>>) src(%arg16 : memref<2000xf32, #tpu.memory_space<vmem>>) dst(%dma_wait3A_492 : memref<50048xf32, #tpu.memory_space<vmem_shared>>)
    %dma_wait3A_493 = arith.constant 0 : i32
    %dma_wait3A_494 = arith.constant 0 : i32
    %dma_wait3A_495 = tpu.memref_slice %arg2[%dma_wait3A_493, %dma_wait3A_494] : memref<400000x16xf32, #tpu.memory_space<hbm>> -> memref<400000x16xf32, #tpu.memory_space<hbm>>
    tpu.wait_indirect_dma semaphore(%arg20 : memref<!tpu.dma_semaphore, #tpu.memory_space<semaphore_mem>>) src(%dma_wait3A_495 : memref<400000x16xf32, #tpu.memory_space<hbm>>) dst(%arg14 : memref<2000x16xf32, #tpu.memory_space<vmem>>)
    %dma_start3A_496 = arith.constant 0 : i32
    %dma_start3A_497 = arith.constant 0 : i32
    %dma_start3A_498 = tpu.memref_slice %arg17[%dma_start3A_496, %dma_start3A_497] : memref<50048x16xf32, #tpu.memory_space<vmem_shared>> -> memref<50048x16xf32, #tpu.memory_space<vmem_shared>>
    tpu.enqueue_indirect_dma source(%arg14 : memref<2000x16xf32, #tpu.memory_space<vmem>>) target(%dma_start3A_498 : memref<50048x16xf32, #tpu.memory_space<vmem_shared>>) offsets(%arg9 : memref<2000xi32, #tpu.memory_space<vmem>>) semaphore(%arg22 : memref<!tpu.dma_semaphore, #tpu.memory_space<semaphore_mem>>) {add = true}
    %dma_start3A_499 = arith.constant 0 : i32
    %dma_start3A_500 = tpu.memref_slice %arg18[%dma_start3A_499] : memref<50048xf32, #tpu.memory_space<vmem_shared>> -> memref<50048xf32, #tpu.memory_space<vmem_shared>>
    tpu.enqueue_indirect_dma source(%arg16 : memref<2000xf32, #tpu.memory_space<vmem>>) target(%dma_start3A_500 : memref<50048xf32, #tpu.memory_space<vmem_shared>>) offsets(%arg9 : memref<2000xi32, #tpu.memory_space<vmem>>) semaphore(%arg23 : memref<!tpu.dma_semaphore, #tpu.memory_space<semaphore_mem>>) {add = true}
    %add3A_501 = arith.constant 42000 : i32
    %add3A_502 = arith.addi %add3A_24, %add3A_501 : i32
    "tpu.region"() ({
      %run_scoped3A = tpu.sem_alloc : memref<!tpu.dma_semaphore, #tpu.memory_space<semaphore_mem>>
      %dma_start3A_606 = tpu.memref_slice %arg3[%add3A_502] : memref<1600000xi32, #tpu.memory_space<hbm>> -> memref<2000xi32, #tpu.memory_space<hbm>>
      %dma_start3A_607 = tpu.memref_slice %arg3[%add3A_502] : memref<1600000xi32, #tpu.memory_space<hbm>> -> memref<2000xi32, #tpu.memory_space<hbm>>
      tpu.enqueue_dma source(%dma_start3A_607 : memref<2000xi32, #tpu.memory_space<hbm>>) target(%arg10 : memref<2000xi32, #tpu.memory_space<vmem>>) target_semaphore(%run_scoped3A : memref<!tpu.dma_semaphore, #tpu.memory_space<semaphore_mem>>)
      %dma_wait3A_608 = tpu.memref_slice %arg3[%add3A_502] : memref<1600000xi32, #tpu.memory_space<hbm>> -> memref<2000xi32, #tpu.memory_space<hbm>>
      %dma_wait3A_609 = tpu.memref_slice %arg3[%add3A_502] : memref<1600000xi32, #tpu.memory_space<hbm>> -> memref<2000xi32, #tpu.memory_space<hbm>>
      tpu.wait_dma2 semaphore(%run_scoped3A : memref<!tpu.dma_semaphore, #tpu.memory_space<semaphore_mem>>) src(%dma_wait3A_609 : memref<2000xi32, #tpu.memory_space<hbm>>) dst(%arg10 : memref<2000xi32, #tpu.memory_space<vmem>>)
      tpu.yield
    }) : () -> ()
    "tpu.region"() ({
      %run_scoped3A = tpu.sem_alloc : memref<!tpu.dma_semaphore, #tpu.memory_space<semaphore_mem>>
      %dma_start3A_606 = tpu.memref_slice %arg4[%add3A_502] : memref<1600000xi32, #tpu.memory_space<hbm>> -> memref<2000xi32, #tpu.memory_space<hbm>>
      %dma_start3A_607 = tpu.memref_slice %arg4[%add3A_502] : memref<1600000xi32, #tpu.memory_space<hbm>> -> memref<2000xi32, #tpu.memory_space<hbm>>
      tpu.enqueue_dma source(%dma_start3A_607 : memref<2000xi32, #tpu.memory_space<hbm>>) target(%arg12 : memref<2000xi32, #tpu.memory_space<vmem>>) target_semaphore(%run_scoped3A : memref<!tpu.dma_semaphore, #tpu.memory_space<semaphore_mem>>)
      %dma_wait3A_608 = tpu.memref_slice %arg4[%add3A_502] : memref<1600000xi32, #tpu.memory_space<hbm>> -> memref<2000xi32, #tpu.memory_space<hbm>>
      %dma_wait3A_609 = tpu.memref_slice %arg4[%add3A_502] : memref<1600000xi32, #tpu.memory_space<hbm>> -> memref<2000xi32, #tpu.memory_space<hbm>>
      tpu.wait_dma2 semaphore(%run_scoped3A : memref<!tpu.dma_semaphore, #tpu.memory_space<semaphore_mem>>) src(%dma_wait3A_609 : memref<2000xi32, #tpu.memory_space<hbm>>) dst(%arg12 : memref<2000xi32, #tpu.memory_space<vmem>>)
      tpu.yield
    }) : () -> ()
    "tpu.region"() ({
      %run_scoped3A = tpu.sem_alloc : memref<!tpu.dma_semaphore, #tpu.memory_space<semaphore_mem>>
      %dma_start3A_606 = tpu.memref_slice %arg5[%add3A_502] : memref<1600000xi32, #tpu.memory_space<hbm>> -> memref<2000xi32, #tpu.memory_space<hbm>>
      %dma_start3A_607 = tpu.memref_slice %arg5[%add3A_502] : memref<1600000xi32, #tpu.memory_space<hbm>> -> memref<2000xi32, #tpu.memory_space<hbm>>
      tpu.enqueue_dma source(%dma_start3A_607 : memref<2000xi32, #tpu.memory_space<hbm>>) target(%arg13 : memref<2000xi32, #tpu.memory_space<vmem>>) target_semaphore(%run_scoped3A : memref<!tpu.dma_semaphore, #tpu.memory_space<semaphore_mem>>)
      %dma_wait3A_608 = tpu.memref_slice %arg5[%add3A_502] : memref<1600000xi32, #tpu.memory_space<hbm>> -> memref<2000xi32, #tpu.memory_space<hbm>>
      %dma_wait3A_609 = tpu.memref_slice %arg5[%add3A_502] : memref<1600000xi32, #tpu.memory_space<hbm>> -> memref<2000xi32, #tpu.memory_space<hbm>>
      tpu.wait_dma2 semaphore(%run_scoped3A : memref<!tpu.dma_semaphore, #tpu.memory_space<semaphore_mem>>) src(%dma_wait3A_609 : memref<2000xi32, #tpu.memory_space<hbm>>) dst(%arg13 : memref<2000xi32, #tpu.memory_space<vmem>>)
      tpu.yield
    }) : () -> ()
    %scan3A_503 = arith.constant 0 : i32
    %scan3A_504 = arith.constant 125 : i32
    %scan3A_505 = arith.addi %scan3A_503, %scan3A_504 : i32
    %scan3A_506 = arith.constant 1 : i32
    scf.for %scan3A_606 = %scan3A_503 to %scan3A_505 step %scan3A_506  : i32 {
      %mul3A_607 = arith.constant 16 : i32
      %mul3A_608 = arith.muli %scan3A_606, %mul3A_607 : i32
      %get3A = arith.index_cast %mul3A_608 : i32 to index
      %get3A_609 = tpu.vector_load %arg13[%get3A] {strides = array<i32>} : memref<2000xi32, #tpu.memory_space<vmem>>, vector<16xi32>,
      %get3A_610 = vector.shape_cast %get3A_609 : vector<16xi32> to vector<16xi32>
      %mul3A_611 = arith.constant 50000 : i32
      %mul3A_612 = vector.broadcast %mul3A_611 : i32 to vector<16xi32>
      %mul3A_613 = arith.muli %get3A_610, %mul3A_612 : vector<16xi32>
      %get3A_614 = arith.index_cast %mul3A_608 : i32 to index
      %get3A_615 = tpu.vector_load %arg12[%get3A_614] {strides = array<i32>} : memref<2000xi32, #tpu.memory_space<vmem>>, vector<16xi32>,
      %get3A_616 = vector.shape_cast %get3A_615 : vector<16xi32> to vector<16xi32>
      %add3A_617 = arith.addi %mul3A_613, %get3A_616 : vector<16xi32>
      %swap3A = arith.index_cast %mul3A_608 : i32 to index
      %swap3A_618 = tpu.vector_load %arg12[%swap3A] {strides = array<i32>} : memref<2000xi32, #tpu.memory_space<vmem>>, vector<16xi32>,
      %swap3A_619 = vector.shape_cast %swap3A_618 : vector<16xi32> to vector<16xi32>
      %swap3A_620 = vector.shape_cast %add3A_617 : vector<16xi32> to vector<16xi32>
      tpu.vector_store %arg12[%swap3A], %swap3A_620 {strides = array<i32>} : memref<2000xi32, #tpu.memory_space<vmem>>, vector<16xi32>,
    }
    %scan3A_507 = arith.constant 125 : i32
    %dma_start3A_508 = arith.constant 0 : i32
    %dma_start3A_509 = arith.constant 0 : i32
    %dma_start3A_510 = tpu.memref_slice %arg2[%dma_start3A_508, %dma_start3A_509] : memref<400000x16xf32, #tpu.memory_space<hbm>> -> memref<400000x16xf32, #tpu.memory_space<hbm>>
    tpu.enqueue_indirect_dma source(%dma_start3A_510 : memref<400000x16xf32, #tpu.memory_space<hbm>>) target(%arg15 : memref<2000x16xf32, #tpu.memory_space<vmem>>) offsets(%arg12 : memref<2000xi32, #tpu.memory_space<vmem>>) semaphore(%arg21 : memref<!tpu.dma_semaphore, #tpu.memory_space<semaphore_mem>>)
    %dma_wait3A_511 = arith.constant 0 : i32
    %dma_wait3A_512 = arith.constant 0 : i32
    %dma_wait3A_513 = tpu.memref_slice %arg17[%dma_wait3A_511, %dma_wait3A_512] : memref<50048x16xf32, #tpu.memory_space<vmem_shared>> -> memref<50048x16xf32, #tpu.memory_space<vmem_shared>>
    tpu.wait_indirect_dma semaphore(%arg22 : memref<!tpu.dma_semaphore, #tpu.memory_space<semaphore_mem>>) src(%arg14 : memref<2000x16xf32, #tpu.memory_space<vmem>>) dst(%dma_wait3A_513 : memref<50048x16xf32, #tpu.memory_space<vmem_shared>>)
    %dma_wait3A_514 = arith.constant 0 : i32
    %dma_wait3A_515 = tpu.memref_slice %arg18[%dma_wait3A_514] : memref<50048xf32, #tpu.memory_space<vmem_shared>> -> memref<50048xf32, #tpu.memory_space<vmem_shared>>
    tpu.wait_indirect_dma semaphore(%arg23 : memref<!tpu.dma_semaphore, #tpu.memory_space<semaphore_mem>>) src(%arg16 : memref<2000xf32, #tpu.memory_space<vmem>>) dst(%dma_wait3A_515 : memref<50048xf32, #tpu.memory_space<vmem_shared>>)
    %dma_wait3A_516 = arith.constant 0 : i32
    %dma_wait3A_517 = arith.constant 0 : i32
    %dma_wait3A_518 = tpu.memref_slice %arg2[%dma_wait3A_516, %dma_wait3A_517] : memref<400000x16xf32, #tpu.memory_space<hbm>> -> memref<400000x16xf32, #tpu.memory_space<hbm>>
    tpu.wait_indirect_dma semaphore(%arg21 : memref<!tpu.dma_semaphore, #tpu.memory_space<semaphore_mem>>) src(%dma_wait3A_518 : memref<400000x16xf32, #tpu.memory_space<hbm>>) dst(%arg15 : memref<2000x16xf32, #tpu.memory_space<vmem>>)
    %dma_start3A_519 = arith.constant 0 : i32
    %dma_start3A_520 = arith.constant 0 : i32
    %dma_start3A_521 = tpu.memref_slice %arg17[%dma_start3A_519, %dma_start3A_520] : memref<50048x16xf32, #tpu.memory_space<vmem_shared>> -> memref<50048x16xf32, #tpu.memory_space<vmem_shared>>
    tpu.enqueue_indirect_dma source(%arg15 : memref<2000x16xf32, #tpu.memory_space<vmem>>) target(%dma_start3A_521 : memref<50048x16xf32, #tpu.memory_space<vmem_shared>>) offsets(%arg10 : memref<2000xi32, #tpu.memory_space<vmem>>) semaphore(%arg22 : memref<!tpu.dma_semaphore, #tpu.memory_space<semaphore_mem>>) {add = true}
    %dma_start3A_522 = arith.constant 0 : i32
    %dma_start3A_523 = tpu.memref_slice %arg18[%dma_start3A_522] : memref<50048xf32, #tpu.memory_space<vmem_shared>> -> memref<50048xf32, #tpu.memory_space<vmem_shared>>
    tpu.enqueue_indirect_dma source(%arg16 : memref<2000xf32, #tpu.memory_space<vmem>>) target(%dma_start3A_523 : memref<50048xf32, #tpu.memory_space<vmem_shared>>) offsets(%arg10 : memref<2000xi32, #tpu.memory_space<vmem>>) semaphore(%arg23 : memref<!tpu.dma_semaphore, #tpu.memory_space<semaphore_mem>>) {add = true}
    %add3A_524 = arith.constant 44000 : i32
    %add3A_525 = arith.addi %add3A_24, %add3A_524 : i32
    "tpu.region"() ({
      %run_scoped3A = tpu.sem_alloc : memref<!tpu.dma_semaphore, #tpu.memory_space<semaphore_mem>>
      %dma_start3A_606 = tpu.memref_slice %arg3[%add3A_525] : memref<1600000xi32, #tpu.memory_space<hbm>> -> memref<2000xi32, #tpu.memory_space<hbm>>
      %dma_start3A_607 = tpu.memref_slice %arg3[%add3A_525] : memref<1600000xi32, #tpu.memory_space<hbm>> -> memref<2000xi32, #tpu.memory_space<hbm>>
      tpu.enqueue_dma source(%dma_start3A_607 : memref<2000xi32, #tpu.memory_space<hbm>>) target(%arg9 : memref<2000xi32, #tpu.memory_space<vmem>>) target_semaphore(%run_scoped3A : memref<!tpu.dma_semaphore, #tpu.memory_space<semaphore_mem>>)
      %dma_wait3A_608 = tpu.memref_slice %arg3[%add3A_525] : memref<1600000xi32, #tpu.memory_space<hbm>> -> memref<2000xi32, #tpu.memory_space<hbm>>
      %dma_wait3A_609 = tpu.memref_slice %arg3[%add3A_525] : memref<1600000xi32, #tpu.memory_space<hbm>> -> memref<2000xi32, #tpu.memory_space<hbm>>
      tpu.wait_dma2 semaphore(%run_scoped3A : memref<!tpu.dma_semaphore, #tpu.memory_space<semaphore_mem>>) src(%dma_wait3A_609 : memref<2000xi32, #tpu.memory_space<hbm>>) dst(%arg9 : memref<2000xi32, #tpu.memory_space<vmem>>)
      tpu.yield
    }) : () -> ()
    "tpu.region"() ({
      %run_scoped3A = tpu.sem_alloc : memref<!tpu.dma_semaphore, #tpu.memory_space<semaphore_mem>>
      %dma_start3A_606 = tpu.memref_slice %arg4[%add3A_525] : memref<1600000xi32, #tpu.memory_space<hbm>> -> memref<2000xi32, #tpu.memory_space<hbm>>
      %dma_start3A_607 = tpu.memref_slice %arg4[%add3A_525] : memref<1600000xi32, #tpu.memory_space<hbm>> -> memref<2000xi32, #tpu.memory_space<hbm>>
      tpu.enqueue_dma source(%dma_start3A_607 : memref<2000xi32, #tpu.memory_space<hbm>>) target(%arg11 : memref<2000xi32, #tpu.memory_space<vmem>>) target_semaphore(%run_scoped3A : memref<!tpu.dma_semaphore, #tpu.memory_space<semaphore_mem>>)
      %dma_wait3A_608 = tpu.memref_slice %arg4[%add3A_525] : memref<1600000xi32, #tpu.memory_space<hbm>> -> memref<2000xi32, #tpu.memory_space<hbm>>
      %dma_wait3A_609 = tpu.memref_slice %arg4[%add3A_525] : memref<1600000xi32, #tpu.memory_space<hbm>> -> memref<2000xi32, #tpu.memory_space<hbm>>
      tpu.wait_dma2 semaphore(%run_scoped3A : memref<!tpu.dma_semaphore, #tpu.memory_space<semaphore_mem>>) src(%dma_wait3A_609 : memref<2000xi32, #tpu.memory_space<hbm>>) dst(%arg11 : memref<2000xi32, #tpu.memory_space<vmem>>)
      tpu.yield
    }) : () -> ()
    "tpu.region"() ({
      %run_scoped3A = tpu.sem_alloc : memref<!tpu.dma_semaphore, #tpu.memory_space<semaphore_mem>>
      %dma_start3A_606 = tpu.memref_slice %arg5[%add3A_525] : memref<1600000xi32, #tpu.memory_space<hbm>> -> memref<2000xi32, #tpu.memory_space<hbm>>
      %dma_start3A_607 = tpu.memref_slice %arg5[%add3A_525] : memref<1600000xi32, #tpu.memory_space<hbm>> -> memref<2000xi32, #tpu.memory_space<hbm>>
      tpu.enqueue_dma source(%dma_start3A_607 : memref<2000xi32, #tpu.memory_space<hbm>>) target(%arg13 : memref<2000xi32, #tpu.memory_space<vmem>>) target_semaphore(%run_scoped3A : memref<!tpu.dma_semaphore, #tpu.memory_space<semaphore_mem>>)
      %dma_wait3A_608 = tpu.memref_slice %arg5[%add3A_525] : memref<1600000xi32, #tpu.memory_space<hbm>> -> memref<2000xi32, #tpu.memory_space<hbm>>
      %dma_wait3A_609 = tpu.memref_slice %arg5[%add3A_525] : memref<1600000xi32, #tpu.memory_space<hbm>> -> memref<2000xi32, #tpu.memory_space<hbm>>
      tpu.wait_dma2 semaphore(%run_scoped3A : memref<!tpu.dma_semaphore, #tpu.memory_space<semaphore_mem>>) src(%dma_wait3A_609 : memref<2000xi32, #tpu.memory_space<hbm>>) dst(%arg13 : memref<2000xi32, #tpu.memory_space<vmem>>)
      tpu.yield
    }) : () -> ()
    %scan3A_526 = arith.constant 0 : i32
    %scan3A_527 = arith.constant 125 : i32
    %scan3A_528 = arith.addi %scan3A_526, %scan3A_527 : i32
    %scan3A_529 = arith.constant 1 : i32
    scf.for %scan3A_606 = %scan3A_526 to %scan3A_528 step %scan3A_529  : i32 {
      %mul3A_607 = arith.constant 16 : i32
      %mul3A_608 = arith.muli %scan3A_606, %mul3A_607 : i32
      %get3A = arith.index_cast %mul3A_608 : i32 to index
      %get3A_609 = tpu.vector_load %arg13[%get3A] {strides = array<i32>} : memref<2000xi32, #tpu.memory_space<vmem>>, vector<16xi32>,
      %get3A_610 = vector.shape_cast %get3A_609 : vector<16xi32> to vector<16xi32>
      %mul3A_611 = arith.constant 50000 : i32
      %mul3A_612 = vector.broadcast %mul3A_611 : i32 to vector<16xi32>
      %mul3A_613 = arith.muli %get3A_610, %mul3A_612 : vector<16xi32>
      %get3A_614 = arith.index_cast %mul3A_608 : i32 to index
      %get3A_615 = tpu.vector_load %arg11[%get3A_614] {strides = array<i32>} : memref<2000xi32, #tpu.memory_space<vmem>>, vector<16xi32>,
      %get3A_616 = vector.shape_cast %get3A_615 : vector<16xi32> to vector<16xi32>
      %add3A_617 = arith.addi %mul3A_613, %get3A_616 : vector<16xi32>
      %swap3A = arith.index_cast %mul3A_608 : i32 to index
      %swap3A_618 = tpu.vector_load %arg11[%swap3A] {strides = array<i32>} : memref<2000xi32, #tpu.memory_space<vmem>>, vector<16xi32>,
      %swap3A_619 = vector.shape_cast %swap3A_618 : vector<16xi32> to vector<16xi32>
      %swap3A_620 = vector.shape_cast %add3A_617 : vector<16xi32> to vector<16xi32>
      tpu.vector_store %arg11[%swap3A], %swap3A_620 {strides = array<i32>} : memref<2000xi32, #tpu.memory_space<vmem>>, vector<16xi32>,
    }
    %scan3A_530 = arith.constant 125 : i32
    %dma_start3A_531 = arith.constant 0 : i32
    %dma_start3A_532 = arith.constant 0 : i32
    %dma_start3A_533 = tpu.memref_slice %arg2[%dma_start3A_531, %dma_start3A_532] : memref<400000x16xf32, #tpu.memory_space<hbm>> -> memref<400000x16xf32, #tpu.memory_space<hbm>>
    tpu.enqueue_indirect_dma source(%dma_start3A_533 : memref<400000x16xf32, #tpu.memory_space<hbm>>) target(%arg14 : memref<2000x16xf32, #tpu.memory_space<vmem>>) offsets(%arg11 : memref<2000xi32, #tpu.memory_space<vmem>>) semaphore(%arg20 : memref<!tpu.dma_semaphore, #tpu.memory_space<semaphore_mem>>)
    %dma_wait3A_534 = arith.constant 0 : i32
    %dma_wait3A_535 = arith.constant 0 : i32
    %dma_wait3A_536 = tpu.memref_slice %arg17[%dma_wait3A_534, %dma_wait3A_535] : memref<50048x16xf32, #tpu.memory_space<vmem_shared>> -> memref<50048x16xf32, #tpu.memory_space<vmem_shared>>
    tpu.wait_indirect_dma semaphore(%arg22 : memref<!tpu.dma_semaphore, #tpu.memory_space<semaphore_mem>>) src(%arg15 : memref<2000x16xf32, #tpu.memory_space<vmem>>) dst(%dma_wait3A_536 : memref<50048x16xf32, #tpu.memory_space<vmem_shared>>)
    %dma_wait3A_537 = arith.constant 0 : i32
    %dma_wait3A_538 = tpu.memref_slice %arg18[%dma_wait3A_537] : memref<50048xf32, #tpu.memory_space<vmem_shared>> -> memref<50048xf32, #tpu.memory_space<vmem_shared>>
    tpu.wait_indirect_dma semaphore(%arg23 : memref<!tpu.dma_semaphore, #tpu.memory_space<semaphore_mem>>) src(%arg16 : memref<2000xf32, #tpu.memory_space<vmem>>) dst(%dma_wait3A_538 : memref<50048xf32, #tpu.memory_space<vmem_shared>>)
    %dma_wait3A_539 = arith.constant 0 : i32
    %dma_wait3A_540 = arith.constant 0 : i32
    %dma_wait3A_541 = tpu.memref_slice %arg2[%dma_wait3A_539, %dma_wait3A_540] : memref<400000x16xf32, #tpu.memory_space<hbm>> -> memref<400000x16xf32, #tpu.memory_space<hbm>>
    tpu.wait_indirect_dma semaphore(%arg20 : memref<!tpu.dma_semaphore, #tpu.memory_space<semaphore_mem>>) src(%dma_wait3A_541 : memref<400000x16xf32, #tpu.memory_space<hbm>>) dst(%arg14 : memref<2000x16xf32, #tpu.memory_space<vmem>>)
    %dma_start3A_542 = arith.constant 0 : i32
    %dma_start3A_543 = arith.constant 0 : i32
    %dma_start3A_544 = tpu.memref_slice %arg17[%dma_start3A_542, %dma_start3A_543] : memref<50048x16xf32, #tpu.memory_space<vmem_shared>> -> memref<50048x16xf32, #tpu.memory_space<vmem_shared>>
    tpu.enqueue_indirect_dma source(%arg14 : memref<2000x16xf32, #tpu.memory_space<vmem>>) target(%dma_start3A_544 : memref<50048x16xf32, #tpu.memory_space<vmem_shared>>) offsets(%arg9 : memref<2000xi32, #tpu.memory_space<vmem>>) semaphore(%arg22 : memref<!tpu.dma_semaphore, #tpu.memory_space<semaphore_mem>>) {add = true}
    %dma_start3A_545 = arith.constant 0 : i32
    %dma_start3A_546 = tpu.memref_slice %arg18[%dma_start3A_545] : memref<50048xf32, #tpu.memory_space<vmem_shared>> -> memref<50048xf32, #tpu.memory_space<vmem_shared>>
    tpu.enqueue_indirect_dma source(%arg16 : memref<2000xf32, #tpu.memory_space<vmem>>) target(%dma_start3A_546 : memref<50048xf32, #tpu.memory_space<vmem_shared>>) offsets(%arg9 : memref<2000xi32, #tpu.memory_space<vmem>>) semaphore(%arg23 : memref<!tpu.dma_semaphore, #tpu.memory_space<semaphore_mem>>) {add = true}
    %add3A_547 = arith.constant 46000 : i32
    %add3A_548 = arith.addi %add3A_24, %add3A_547 : i32
    "tpu.region"() ({
      %run_scoped3A = tpu.sem_alloc : memref<!tpu.dma_semaphore, #tpu.memory_space<semaphore_mem>>
      %dma_start3A_606 = tpu.memref_slice %arg3[%add3A_548] : memref<1600000xi32, #tpu.memory_space<hbm>> -> memref<2000xi32, #tpu.memory_space<hbm>>
      %dma_start3A_607 = tpu.memref_slice %arg3[%add3A_548] : memref<1600000xi32, #tpu.memory_space<hbm>> -> memref<2000xi32, #tpu.memory_space<hbm>>
      tpu.enqueue_dma source(%dma_start3A_607 : memref<2000xi32, #tpu.memory_space<hbm>>) target(%arg10 : memref<2000xi32, #tpu.memory_space<vmem>>) target_semaphore(%run_scoped3A : memref<!tpu.dma_semaphore, #tpu.memory_space<semaphore_mem>>)
      %dma_wait3A_608 = tpu.memref_slice %arg3[%add3A_548] : memref<1600000xi32, #tpu.memory_space<hbm>> -> memref<2000xi32, #tpu.memory_space<hbm>>
      %dma_wait3A_609 = tpu.memref_slice %arg3[%add3A_548] : memref<1600000xi32, #tpu.memory_space<hbm>> -> memref<2000xi32, #tpu.memory_space<hbm>>
      tpu.wait_dma2 semaphore(%run_scoped3A : memref<!tpu.dma_semaphore, #tpu.memory_space<semaphore_mem>>) src(%dma_wait3A_609 : memref<2000xi32, #tpu.memory_space<hbm>>) dst(%arg10 : memref<2000xi32, #tpu.memory_space<vmem>>)
      tpu.yield
    }) : () -> ()
    "tpu.region"() ({
      %run_scoped3A = tpu.sem_alloc : memref<!tpu.dma_semaphore, #tpu.memory_space<semaphore_mem>>
      %dma_start3A_606 = tpu.memref_slice %arg4[%add3A_548] : memref<1600000xi32, #tpu.memory_space<hbm>> -> memref<2000xi32, #tpu.memory_space<hbm>>
      %dma_start3A_607 = tpu.memref_slice %arg4[%add3A_548] : memref<1600000xi32, #tpu.memory_space<hbm>> -> memref<2000xi32, #tpu.memory_space<hbm>>
      tpu.enqueue_dma source(%dma_start3A_607 : memref<2000xi32, #tpu.memory_space<hbm>>) target(%arg12 : memref<2000xi32, #tpu.memory_space<vmem>>) target_semaphore(%run_scoped3A : memref<!tpu.dma_semaphore, #tpu.memory_space<semaphore_mem>>)
      %dma_wait3A_608 = tpu.memref_slice %arg4[%add3A_548] : memref<1600000xi32, #tpu.memory_space<hbm>> -> memref<2000xi32, #tpu.memory_space<hbm>>
      %dma_wait3A_609 = tpu.memref_slice %arg4[%add3A_548] : memref<1600000xi32, #tpu.memory_space<hbm>> -> memref<2000xi32, #tpu.memory_space<hbm>>
      tpu.wait_dma2 semaphore(%run_scoped3A : memref<!tpu.dma_semaphore, #tpu.memory_space<semaphore_mem>>) src(%dma_wait3A_609 : memref<2000xi32, #tpu.memory_space<hbm>>) dst(%arg12 : memref<2000xi32, #tpu.memory_space<vmem>>)
      tpu.yield
    }) : () -> ()
    "tpu.region"() ({
      %run_scoped3A = tpu.sem_alloc : memref<!tpu.dma_semaphore, #tpu.memory_space<semaphore_mem>>
      %dma_start3A_606 = tpu.memref_slice %arg5[%add3A_548] : memref<1600000xi32, #tpu.memory_space<hbm>> -> memref<2000xi32, #tpu.memory_space<hbm>>
      %dma_start3A_607 = tpu.memref_slice %arg5[%add3A_548] : memref<1600000xi32, #tpu.memory_space<hbm>> -> memref<2000xi32, #tpu.memory_space<hbm>>
      tpu.enqueue_dma source(%dma_start3A_607 : memref<2000xi32, #tpu.memory_space<hbm>>) target(%arg13 : memref<2000xi32, #tpu.memory_space<vmem>>) target_semaphore(%run_scoped3A : memref<!tpu.dma_semaphore, #tpu.memory_space<semaphore_mem>>)
      %dma_wait3A_608 = tpu.memref_slice %arg5[%add3A_548] : memref<1600000xi32, #tpu.memory_space<hbm>> -> memref<2000xi32, #tpu.memory_space<hbm>>
      %dma_wait3A_609 = tpu.memref_slice %arg5[%add3A_548] : memref<1600000xi32, #tpu.memory_space<hbm>> -> memref<2000xi32, #tpu.memory_space<hbm>>
      tpu.wait_dma2 semaphore(%run_scoped3A : memref<!tpu.dma_semaphore, #tpu.memory_space<semaphore_mem>>) src(%dma_wait3A_609 : memref<2000xi32, #tpu.memory_space<hbm>>) dst(%arg13 : memref<2000xi32, #tpu.memory_space<vmem>>)
      tpu.yield
    }) : () -> ()
    %scan3A_549 = arith.constant 0 : i32
    %scan3A_550 = arith.constant 125 : i32
    %scan3A_551 = arith.addi %scan3A_549, %scan3A_550 : i32
    %scan3A_552 = arith.constant 1 : i32
    scf.for %scan3A_606 = %scan3A_549 to %scan3A_551 step %scan3A_552  : i32 {
      %mul3A_607 = arith.constant 16 : i32
      %mul3A_608 = arith.muli %scan3A_606, %mul3A_607 : i32
      %get3A = arith.index_cast %mul3A_608 : i32 to index
      %get3A_609 = tpu.vector_load %arg13[%get3A] {strides = array<i32>} : memref<2000xi32, #tpu.memory_space<vmem>>, vector<16xi32>,
      %get3A_610 = vector.shape_cast %get3A_609 : vector<16xi32> to vector<16xi32>
      %mul3A_611 = arith.constant 50000 : i32
      %mul3A_612 = vector.broadcast %mul3A_611 : i32 to vector<16xi32>
      %mul3A_613 = arith.muli %get3A_610, %mul3A_612 : vector<16xi32>
      %get3A_614 = arith.index_cast %mul3A_608 : i32 to index
      %get3A_615 = tpu.vector_load %arg12[%get3A_614] {strides = array<i32>} : memref<2000xi32, #tpu.memory_space<vmem>>, vector<16xi32>,
      %get3A_616 = vector.shape_cast %get3A_615 : vector<16xi32> to vector<16xi32>
      %add3A_617 = arith.addi %mul3A_613, %get3A_616 : vector<16xi32>
      %swap3A = arith.index_cast %mul3A_608 : i32 to index
      %swap3A_618 = tpu.vector_load %arg12[%swap3A] {strides = array<i32>} : memref<2000xi32, #tpu.memory_space<vmem>>, vector<16xi32>,
      %swap3A_619 = vector.shape_cast %swap3A_618 : vector<16xi32> to vector<16xi32>
      %swap3A_620 = vector.shape_cast %add3A_617 : vector<16xi32> to vector<16xi32>
      tpu.vector_store %arg12[%swap3A], %swap3A_620 {strides = array<i32>} : memref<2000xi32, #tpu.memory_space<vmem>>, vector<16xi32>,
    }
    %scan3A_553 = arith.constant 125 : i32
    %dma_start3A_554 = arith.constant 0 : i32
    %dma_start3A_555 = arith.constant 0 : i32
    %dma_start3A_556 = tpu.memref_slice %arg2[%dma_start3A_554, %dma_start3A_555] : memref<400000x16xf32, #tpu.memory_space<hbm>> -> memref<400000x16xf32, #tpu.memory_space<hbm>>
    tpu.enqueue_indirect_dma source(%dma_start3A_556 : memref<400000x16xf32, #tpu.memory_space<hbm>>) target(%arg15 : memref<2000x16xf32, #tpu.memory_space<vmem>>) offsets(%arg12 : memref<2000xi32, #tpu.memory_space<vmem>>) semaphore(%arg21 : memref<!tpu.dma_semaphore, #tpu.memory_space<semaphore_mem>>)
    %dma_wait3A_557 = arith.constant 0 : i32
    %dma_wait3A_558 = arith.constant 0 : i32
    %dma_wait3A_559 = tpu.memref_slice %arg17[%dma_wait3A_557, %dma_wait3A_558] : memref<50048x16xf32, #tpu.memory_space<vmem_shared>> -> memref<50048x16xf32, #tpu.memory_space<vmem_shared>>
    tpu.wait_indirect_dma semaphore(%arg22 : memref<!tpu.dma_semaphore, #tpu.memory_space<semaphore_mem>>) src(%arg14 : memref<2000x16xf32, #tpu.memory_space<vmem>>) dst(%dma_wait3A_559 : memref<50048x16xf32, #tpu.memory_space<vmem_shared>>)
    %dma_wait3A_560 = arith.constant 0 : i32
    %dma_wait3A_561 = tpu.memref_slice %arg18[%dma_wait3A_560] : memref<50048xf32, #tpu.memory_space<vmem_shared>> -> memref<50048xf32, #tpu.memory_space<vmem_shared>>
    tpu.wait_indirect_dma semaphore(%arg23 : memref<!tpu.dma_semaphore, #tpu.memory_space<semaphore_mem>>) src(%arg16 : memref<2000xf32, #tpu.memory_space<vmem>>) dst(%dma_wait3A_561 : memref<50048xf32, #tpu.memory_space<vmem_shared>>)
    %dma_wait3A_562 = arith.constant 0 : i32
    %dma_wait3A_563 = arith.constant 0 : i32
    %dma_wait3A_564 = tpu.memref_slice %arg2[%dma_wait3A_562, %dma_wait3A_563] : memref<400000x16xf32, #tpu.memory_space<hbm>> -> memref<400000x16xf32, #tpu.memory_space<hbm>>
    tpu.wait_indirect_dma semaphore(%arg21 : memref<!tpu.dma_semaphore, #tpu.memory_space<semaphore_mem>>) src(%dma_wait3A_564 : memref<400000x16xf32, #tpu.memory_space<hbm>>) dst(%arg15 : memref<2000x16xf32, #tpu.memory_space<vmem>>)
    %dma_start3A_565 = arith.constant 0 : i32
    %dma_start3A_566 = arith.constant 0 : i32
    %dma_start3A_567 = tpu.memref_slice %arg17[%dma_start3A_565, %dma_start3A_566] : memref<50048x16xf32, #tpu.memory_space<vmem_shared>> -> memref<50048x16xf32, #tpu.memory_space<vmem_shared>>
    tpu.enqueue_indirect_dma source(%arg15 : memref<2000x16xf32, #tpu.memory_space<vmem>>) target(%dma_start3A_567 : memref<50048x16xf32, #tpu.memory_space<vmem_shared>>) offsets(%arg10 : memref<2000xi32, #tpu.memory_space<vmem>>) semaphore(%arg22 : memref<!tpu.dma_semaphore, #tpu.memory_space<semaphore_mem>>) {add = true}
    %dma_start3A_568 = arith.constant 0 : i32
    %dma_start3A_569 = tpu.memref_slice %arg18[%dma_start3A_568] : memref<50048xf32, #tpu.memory_space<vmem_shared>> -> memref<50048xf32, #tpu.memory_space<vmem_shared>>
    tpu.enqueue_indirect_dma source(%arg16 : memref<2000xf32, #tpu.memory_space<vmem>>) target(%dma_start3A_569 : memref<50048xf32, #tpu.memory_space<vmem_shared>>) offsets(%arg10 : memref<2000xi32, #tpu.memory_space<vmem>>) semaphore(%arg23 : memref<!tpu.dma_semaphore, #tpu.memory_space<semaphore_mem>>) {add = true}
    %add3A_570 = arith.constant 48000 : i32
    %add3A_571 = arith.addi %add3A_24, %add3A_570 : i32
    "tpu.region"() ({
      %run_scoped3A = tpu.sem_alloc : memref<!tpu.dma_semaphore, #tpu.memory_space<semaphore_mem>>
      %dma_start3A_606 = tpu.memref_slice %arg3[%add3A_571] : memref<1600000xi32, #tpu.memory_space<hbm>> -> memref<2000xi32, #tpu.memory_space<hbm>>
      %dma_start3A_607 = tpu.memref_slice %arg3[%add3A_571] : memref<1600000xi32, #tpu.memory_space<hbm>> -> memref<2000xi32, #tpu.memory_space<hbm>>
      tpu.enqueue_dma source(%dma_start3A_607 : memref<2000xi32, #tpu.memory_space<hbm>>) target(%arg9 : memref<2000xi32, #tpu.memory_space<vmem>>) target_semaphore(%run_scoped3A : memref<!tpu.dma_semaphore, #tpu.memory_space<semaphore_mem>>)
      %dma_wait3A_608 = tpu.memref_slice %arg3[%add3A_571] : memref<1600000xi32, #tpu.memory_space<hbm>> -> memref<2000xi32, #tpu.memory_space<hbm>>
      %dma_wait3A_609 = tpu.memref_slice %arg3[%add3A_571] : memref<1600000xi32, #tpu.memory_space<hbm>> -> memref<2000xi32, #tpu.memory_space<hbm>>
      tpu.wait_dma2 semaphore(%run_scoped3A : memref<!tpu.dma_semaphore, #tpu.memory_space<semaphore_mem>>) src(%dma_wait3A_609 : memref<2000xi32, #tpu.memory_space<hbm>>) dst(%arg9 : memref<2000xi32, #tpu.memory_space<vmem>>)
      tpu.yield
    }) : () -> ()
    "tpu.region"() ({
      %run_scoped3A = tpu.sem_alloc : memref<!tpu.dma_semaphore, #tpu.memory_space<semaphore_mem>>
      %dma_start3A_606 = tpu.memref_slice %arg4[%add3A_571] : memref<1600000xi32, #tpu.memory_space<hbm>> -> memref<2000xi32, #tpu.memory_space<hbm>>
      %dma_start3A_607 = tpu.memref_slice %arg4[%add3A_571] : memref<1600000xi32, #tpu.memory_space<hbm>> -> memref<2000xi32, #tpu.memory_space<hbm>>
      tpu.enqueue_dma source(%dma_start3A_607 : memref<2000xi32, #tpu.memory_space<hbm>>) target(%arg11 : memref<2000xi32, #tpu.memory_space<vmem>>) target_semaphore(%run_scoped3A : memref<!tpu.dma_semaphore, #tpu.memory_space<semaphore_mem>>)
      %dma_wait3A_608 = tpu.memref_slice %arg4[%add3A_571] : memref<1600000xi32, #tpu.memory_space<hbm>> -> memref<2000xi32, #tpu.memory_space<hbm>>
      %dma_wait3A_609 = tpu.memref_slice %arg4[%add3A_571] : memref<1600000xi32, #tpu.memory_space<hbm>> -> memref<2000xi32, #tpu.memory_space<hbm>>
      tpu.wait_dma2 semaphore(%run_scoped3A : memref<!tpu.dma_semaphore, #tpu.memory_space<semaphore_mem>>) src(%dma_wait3A_609 : memref<2000xi32, #tpu.memory_space<hbm>>) dst(%arg11 : memref<2000xi32, #tpu.memory_space<vmem>>)
      tpu.yield
    }) : () -> ()
    "tpu.region"() ({
      %run_scoped3A = tpu.sem_alloc : memref<!tpu.dma_semaphore, #tpu.memory_space<semaphore_mem>>
      %dma_start3A_606 = tpu.memref_slice %arg5[%add3A_571] : memref<1600000xi32, #tpu.memory_space<hbm>> -> memref<2000xi32, #tpu.memory_space<hbm>>
      %dma_start3A_607 = tpu.memref_slice %arg5[%add3A_571] : memref<1600000xi32, #tpu.memory_space<hbm>> -> memref<2000xi32, #tpu.memory_space<hbm>>
      tpu.enqueue_dma source(%dma_start3A_607 : memref<2000xi32, #tpu.memory_space<hbm>>) target(%arg13 : memref<2000xi32, #tpu.memory_space<vmem>>) target_semaphore(%run_scoped3A : memref<!tpu.dma_semaphore, #tpu.memory_space<semaphore_mem>>)
      %dma_wait3A_608 = tpu.memref_slice %arg5[%add3A_571] : memref<1600000xi32, #tpu.memory_space<hbm>> -> memref<2000xi32, #tpu.memory_space<hbm>>
      %dma_wait3A_609 = tpu.memref_slice %arg5[%add3A_571] : memref<1600000xi32, #tpu.memory_space<hbm>> -> memref<2000xi32, #tpu.memory_space<hbm>>
      tpu.wait_dma2 semaphore(%run_scoped3A : memref<!tpu.dma_semaphore, #tpu.memory_space<semaphore_mem>>) src(%dma_wait3A_609 : memref<2000xi32, #tpu.memory_space<hbm>>) dst(%arg13 : memref<2000xi32, #tpu.memory_space<vmem>>)
      tpu.yield
    }) : () -> ()
    %scan3A_572 = arith.constant 0 : i32
    %scan3A_573 = arith.constant 125 : i32
    %scan3A_574 = arith.addi %scan3A_572, %scan3A_573 : i32
    %scan3A_575 = arith.constant 1 : i32
    scf.for %scan3A_606 = %scan3A_572 to %scan3A_574 step %scan3A_575  : i32 {
      %mul3A_607 = arith.constant 16 : i32
      %mul3A_608 = arith.muli %scan3A_606, %mul3A_607 : i32
      %get3A = arith.index_cast %mul3A_608 : i32 to index
      %get3A_609 = tpu.vector_load %arg13[%get3A] {strides = array<i32>} : memref<2000xi32, #tpu.memory_space<vmem>>, vector<16xi32>,
      %get3A_610 = vector.shape_cast %get3A_609 : vector<16xi32> to vector<16xi32>
      %mul3A_611 = arith.constant 50000 : i32
      %mul3A_612 = vector.broadcast %mul3A_611 : i32 to vector<16xi32>
      %mul3A_613 = arith.muli %get3A_610, %mul3A_612 : vector<16xi32>
      %get3A_614 = arith.index_cast %mul3A_608 : i32 to index
      %get3A_615 = tpu.vector_load %arg11[%get3A_614] {strides = array<i32>} : memref<2000xi32, #tpu.memory_space<vmem>>, vector<16xi32>,
      %get3A_616 = vector.shape_cast %get3A_615 : vector<16xi32> to vector<16xi32>
      %add3A_617 = arith.addi %mul3A_613, %get3A_616 : vector<16xi32>
      %swap3A = arith.index_cast %mul3A_608 : i32 to index
      %swap3A_618 = tpu.vector_load %arg11[%swap3A] {strides = array<i32>} : memref<2000xi32, #tpu.memory_space<vmem>>, vector<16xi32>,
      %swap3A_619 = vector.shape_cast %swap3A_618 : vector<16xi32> to vector<16xi32>
      %swap3A_620 = vector.shape_cast %add3A_617 : vector<16xi32> to vector<16xi32>
      tpu.vector_store %arg11[%swap3A], %swap3A_620 {strides = array<i32>} : memref<2000xi32, #tpu.memory_space<vmem>>, vector<16xi32>,
    }
    %scan3A_576 = arith.constant 125 : i32
    %dma_start3A_577 = arith.constant 0 : i32
    %dma_start3A_578 = arith.constant 0 : i32
    %dma_start3A_579 = tpu.memref_slice %arg2[%dma_start3A_577, %dma_start3A_578] : memref<400000x16xf32, #tpu.memory_space<hbm>> -> memref<400000x16xf32, #tpu.memory_space<hbm>>
    tpu.enqueue_indirect_dma source(%dma_start3A_579 : memref<400000x16xf32, #tpu.memory_space<hbm>>) target(%arg14 : memref<2000x16xf32, #tpu.memory_space<vmem>>) offsets(%arg11 : memref<2000xi32, #tpu.memory_space<vmem>>) semaphore(%arg20 : memref<!tpu.dma_semaphore, #tpu.memory_space<semaphore_mem>>)
    %dma_wait3A_580 = arith.constant 0 : i32
    %dma_wait3A_581 = arith.constant 0 : i32
    %dma_wait3A_582 = tpu.memref_slice %arg17[%dma_wait3A_580, %dma_wait3A_581] : memref<50048x16xf32, #tpu.memory_space<vmem_shared>> -> memref<50048x16xf32, #tpu.memory_space<vmem_shared>>
    tpu.wait_indirect_dma semaphore(%arg22 : memref<!tpu.dma_semaphore, #tpu.memory_space<semaphore_mem>>) src(%arg15 : memref<2000x16xf32, #tpu.memory_space<vmem>>) dst(%dma_wait3A_582 : memref<50048x16xf32, #tpu.memory_space<vmem_shared>>)
    %dma_wait3A_583 = arith.constant 0 : i32
    %dma_wait3A_584 = tpu.memref_slice %arg18[%dma_wait3A_583] : memref<50048xf32, #tpu.memory_space<vmem_shared>> -> memref<50048xf32, #tpu.memory_space<vmem_shared>>
    tpu.wait_indirect_dma semaphore(%arg23 : memref<!tpu.dma_semaphore, #tpu.memory_space<semaphore_mem>>) src(%arg16 : memref<2000xf32, #tpu.memory_space<vmem>>) dst(%dma_wait3A_584 : memref<50048xf32, #tpu.memory_space<vmem_shared>>)
    %dma_wait3A_585 = arith.constant 0 : i32
    %dma_wait3A_586 = arith.constant 0 : i32
    %dma_wait3A_587 = tpu.memref_slice %arg2[%dma_wait3A_585, %dma_wait3A_586] : memref<400000x16xf32, #tpu.memory_space<hbm>> -> memref<400000x16xf32, #tpu.memory_space<hbm>>
    tpu.wait_indirect_dma semaphore(%arg20 : memref<!tpu.dma_semaphore, #tpu.memory_space<semaphore_mem>>) src(%dma_wait3A_587 : memref<400000x16xf32, #tpu.memory_space<hbm>>) dst(%arg14 : memref<2000x16xf32, #tpu.memory_space<vmem>>)
    %dma_start3A_588 = arith.constant 0 : i32
    %dma_start3A_589 = arith.constant 0 : i32
    %dma_start3A_590 = tpu.memref_slice %arg17[%dma_start3A_588, %dma_start3A_589] : memref<50048x16xf32, #tpu.memory_space<vmem_shared>> -> memref<50048x16xf32, #tpu.memory_space<vmem_shared>>
    tpu.enqueue_indirect_dma source(%arg14 : memref<2000x16xf32, #tpu.memory_space<vmem>>) target(%dma_start3A_590 : memref<50048x16xf32, #tpu.memory_space<vmem_shared>>) offsets(%arg9 : memref<2000xi32, #tpu.memory_space<vmem>>) semaphore(%arg22 : memref<!tpu.dma_semaphore, #tpu.memory_space<semaphore_mem>>) {add = true}
    %dma_start3A_591 = arith.constant 0 : i32
    %dma_start3A_592 = tpu.memref_slice %arg18[%dma_start3A_591] : memref<50048xf32, #tpu.memory_space<vmem_shared>> -> memref<50048xf32, #tpu.memory_space<vmem_shared>>
    tpu.enqueue_indirect_dma source(%arg16 : memref<2000xf32, #tpu.memory_space<vmem>>) target(%dma_start3A_592 : memref<50048xf32, #tpu.memory_space<vmem_shared>>) offsets(%arg9 : memref<2000xi32, #tpu.memory_space<vmem>>) semaphore(%arg23 : memref<!tpu.dma_semaphore, #tpu.memory_space<semaphore_mem>>) {add = true}
    %dma_wait3A_593 = arith.constant 0 : i32
    %dma_wait3A_594 = arith.constant 0 : i32
    %dma_wait3A_595 = tpu.memref_slice %arg17[%dma_wait3A_593, %dma_wait3A_594] : memref<50048x16xf32, #tpu.memory_space<vmem_shared>> -> memref<50048x16xf32, #tpu.memory_space<vmem_shared>>
    tpu.wait_indirect_dma semaphore(%arg22 : memref<!tpu.dma_semaphore, #tpu.memory_space<semaphore_mem>>) src(%arg14 : memref<2000x16xf32, #tpu.memory_space<vmem>>) dst(%dma_wait3A_595 : memref<50048x16xf32, #tpu.memory_space<vmem_shared>>)
    %dma_wait3A_596 = arith.constant 0 : i32
    %dma_wait3A_597 = tpu.memref_slice %arg18[%dma_wait3A_596] : memref<50048xf32, #tpu.memory_space<vmem_shared>> -> memref<50048xf32, #tpu.memory_space<vmem_shared>>
    tpu.wait_indirect_dma semaphore(%arg23 : memref<!tpu.dma_semaphore, #tpu.memory_space<semaphore_mem>>) src(%arg16 : memref<2000xf32, #tpu.memory_space<vmem>>) dst(%dma_wait3A_597 : memref<50048xf32, #tpu.memory_space<vmem_shared>>)
    %scan3A_598 = arith.constant 1 : i32
    %barrier3A_599 = arith.constant 0 : index
    tpu.barrier barrier_id(%barrier3A_599)
    %mul3A_600 = arith.constant 50048 : i32
    %mul3A_601 = arith.muli %arg0, %mul3A_600 : i32
    %add3A_602 = arith.addi %mul3A_601, %mul3A_14 : i32
    "tpu.region"() ({
      %run_scoped3A = tpu.sem_alloc : memref<!tpu.dma_semaphore, #tpu.memory_space<semaphore_mem>>
      %dma_start3A_606 = arith.constant 0 : i32
      %dma_start3A_607 = tpu.memref_slice %arg7[%add3A_602, %dma_start3A_606] : memref<100096x16xf32, #tpu.memory_space<hbm>> -> memref<3128x16xf32, #tpu.memory_space<hbm>>
      %dma_start3A_608 = arith.constant 0 : i32
      %dma_start3A_609 = tpu.memref_slice %arg17[%mul3A_14, %dma_start3A_608] : memref<50048x16xf32, #tpu.memory_space<vmem_shared>> -> memref<3128x16xf32, #tpu.memory_space<vmem_shared>>
      tpu.enqueue_dma source(%dma_start3A_609 : memref<3128x16xf32, #tpu.memory_space<vmem_shared>>) target(%dma_start3A_607 : memref<3128x16xf32, #tpu.memory_space<hbm>>) target_semaphore(%run_scoped3A : memref<!tpu.dma_semaphore, #tpu.memory_space<semaphore_mem>>)
      %dma_wait3A_610 = arith.constant 0 : i32
      %dma_wait3A_611 = tpu.memref_slice %arg7[%add3A_602, %dma_wait3A_610] : memref<100096x16xf32, #tpu.memory_space<hbm>> -> memref<3128x16xf32, #tpu.memory_space<hbm>>
      %dma_wait3A_612 = arith.constant 0 : i32
      %dma_wait3A_613 = tpu.memref_slice %arg17[%mul3A_14, %dma_wait3A_612] : memref<50048x16xf32, #tpu.memory_space<vmem_shared>> -> memref<3128x16xf32, #tpu.memory_space<vmem_shared>>
      tpu.wait_dma2 semaphore(%run_scoped3A : memref<!tpu.dma_semaphore, #tpu.memory_space<semaphore_mem>>) src(%dma_wait3A_613 : memref<3128x16xf32, #tpu.memory_space<vmem_shared>>) dst(%dma_wait3A_611 : memref<3128x16xf32, #tpu.memory_space<hbm>>)
      tpu.yield
    }) : () -> ()
    %mul3A_603 = arith.constant 50048 : i32
    %mul3A_604 = arith.muli %arg0, %mul3A_603 : i32
    %add3A_605 = arith.addi %mul3A_604, %mul3A_18 : i32
    "tpu.region"() ({
      %run_scoped3A = tpu.sem_alloc : memref<!tpu.dma_semaphore, #tpu.memory_space<semaphore_mem>>
      %dma_start3A_606 = tpu.memref_slice %arg8[%add3A_605] : memref<100096xf32, #tpu.memory_space<hbm>> -> memref<3128xf32, #tpu.memory_space<hbm>>
      %dma_start3A_607 = tpu.memref_slice %arg18[%mul3A_18] : memref<50048xf32, #tpu.memory_space<vmem_shared>> -> memref<3128xf32, #tpu.memory_space<vmem_shared>>
      tpu.enqueue_dma source(%dma_start3A_607 : memref<3128xf32, #tpu.memory_space<vmem_shared>>) target(%dma_start3A_606 : memref<3128xf32, #tpu.memory_space<hbm>>) target_semaphore(%run_scoped3A : memref<!tpu.dma_semaphore, #tpu.memory_space<semaphore_mem>>)
      %dma_wait3A_608 = tpu.memref_slice %arg8[%add3A_605] : memref<100096xf32, #tpu.memory_space<hbm>> -> memref<3128xf32, #tpu.memory_space<hbm>>
      %dma_wait3A_609 = tpu.memref_slice %arg18[%mul3A_18] : memref<50048xf32, #tpu.memory_space<vmem_shared>> -> memref<3128xf32, #tpu.memory_space<vmem_shared>>
      tpu.wait_dma2 semaphore(%run_scoped3A : memref<!tpu.dma_semaphore, #tpu.memory_space<semaphore_mem>>) src(%dma_wait3A_609 : memref<3128xf32, #tpu.memory_space<vmem_shared>>) dst(%dma_wait3A_608 : memref<3128xf32, #tpu.memory_space<hbm>>)
      tpu.yield
    }) : () -> ()
    return
  }
}

</mosaic_0001>

<sc_bundles>
// kernel: kernel.4.cloned.1.call-start
scs
__scs_entry_jumppad:
0x0: {  	(pc) =	sbr.rel $0x88, $3  }
0x1: {  	(tag) =	ssettag $0x0;
	lr =	simm.s32 $0x1  }
0x2: {  	[smem:$0x3F9D] =	sst lr;
	_ =	strace $0xD0000000  }
0x3: {  	_ = 	snop  }
0x4: {  	_ = 	snop  }
0x5: {  	_ = 	snop  }
0x6: {  	_ = 	snop  }
0x7: {  	_ = 	snop  }
__scs_overlays_trampoline_lowered:
0x8: {  	[smem:$0x3FAC] =	sst s0  }
0x9: {  	[smem:$0x3FAD] =	sst s1  }
0xa: {  	[smem:$0x3FAE] =	sst s2  }
0xb: {  	[smem:$0x3FAF] =	sst s3  }
0xc: {  	[smem:$0x3FB0] =	sst s4  }
0xd: {  	[smem:$0x3FB1] =	sst s5  }
0xe: {  	[smem:$0x3FB2] =	sst s6  }
0xf: {  	[smem:$0x3FB3] =	sst s7  }
0x10: {  	[smem:$0x3FB4] =	sst s8  }
0x11: {  	[smem:$0x3FB5] =	sst s9;
	s0 =	simm.s32 @!p0 $0x0  }
0x12: {  	s1 =	sld [smem:$0x3F9B];
	s0 =	simm.s32 @p0 $0x1  }
0x13: {  	[smem:$0x3FB6] =	sst s0;
	s0 =	simm.s32 @!p1 $0x0  }
0x14: {  	s2 =	sld [smem:$0x3F9A];
	s0 =	simm.s32 @p1 $0x1  }
0x15: {  	[smem:$0x3FB7] =	sst s0;
	s0 =	simm.s32 @!p2 $0x0  }
0x16: {  	s3 =	sld [smem:$0x3FDB];
	s0 =	simm.s32 @p2 $0x1  }
0x17: {  	s4 =	simm.s32 $0x1BF5;
	[smem:$0x3FB9] =	sst s0  }
0x18: {  	s0 =	sld [smem:$0x3F9C];
	_ =	swait.ge [sflag:s4], $0x0  }
0x19: {  	s7 =	sld [smem:$0x3F9D]  }
0x1a: {  	s8 =	sadd.s32 $0xFFFFE003, lr  }
0x1b: {  	s9 =	sadd.s32 $0xFFFFFEF7, lr;
	s5 =	simm.s32 $0xFFFFFFFF;
	p2 =	slt.u32 s8, $0xFFFFF086  }
0x1c: {  	p1 =	slt.u32 s9, $0xF7A;
	s5 =	simm.s32 @!p2 $0x0  }
0x1d: {  	s5 =	simm.s32 @p1 $0x1;
	p0 =	seq.s32 s7, s2  }
0x1e: {  	s7 =	smul.u32 @!p0 $0xF7A, s2;
	p2 =	seq.s32 @!p0 s5, $0x0  }
0x1f: {  	s9 =	smul.u32 $0xF7A, s1;
	s8 =	simm.s32 @!p0 $0x1BF5;
	p2 =	por !p2, p0  }
0x20: {  	[sflag:s8] =	ssyncset.s32 @!p0 $0xFFFFF086;
	s6 =	sadd.s32 @!p0 s3, s7;
	s7 =	simm.s32 @!p0 $0x108  }
0x21: {  	s3 =	sadd.s32 s3, s9;
	s6 =	sadd.s32 @!p0 $0x88, s6;
	s7 =	simm.s32 @p2 $0x1082  }
0x22: {  	[simem:s7], [sflag:s8] =	dma.local @!p0 [hbm:s6], $0xF7A  }
0x23: {  	s9 =	sor.u32 $0xD0000000, s2;
	s6 =	simm.s32 $0x108;
	_ =	swait.ge @!p0 [sflag:s8], $0x0  }
0x24: {  	s3 =	sadd.s32 $0x88, s3;
	s6 =	simm.s32 @!p1 $0x1082;
	[sflag:s4] =	ssyncset.s32 $0xFFFFF086  }
0x25: {  	[simem:s6], [sflag:s4] =	dma.local [hbm:s3], $0xF7A  }
0x26: {  	[smem:$0x3F9D] =	sst s1;
	(tag) =	ssettag s2;
	_ =	strace s9  }
0x27: {  	s1 =	sld [smem:$0x3FAD]  }
0x28: {  	s2 =	sld [smem:$0x3FAE]  }
0x29: {  	s4 =	sld [smem:$0x3FB0]  }
0x2a: {  	p0 =	seq.s32 s5, $0x0;
	s5 =	sld [smem:$0x3FB1]  }
0x2b: {  	s6 =	sld [smem:$0x3FB2]  }
0x2c: {  	s7 =	sld [smem:$0x3FB3]  }
0x2d: {  	s3 =	simm.s32 $0x108;
	s8 =	sld [smem:$0x3FB4]  }
0x2e: {  	s3 =	simm.s32 @!p0 $0x1082;
	s9 =	sld [smem:$0x3FB5]  }
0x2f: {  	lr =	sadd.s32 s0, s3;
	s0 =	sld [smem:$0x3FAC]  }
0x30: {  	s3 =	sld [smem:$0x3FAF]  }
0x31: {  	[smem:$0x3FB8] =	sst s10  }
0x32: {  	s10 =	sld [smem:$0x3FB6];
	_ =	sdelay $0x3  }
0x33: {  	p0 =	seq.s32 s10, $0x1;
	s10 =	sld [smem:$0x3FB8];
	_ =	sdelay $0x3  }
0x34: {  	[smem:$0x3FB8] =	sst s10  }
0x35: {  	s10 =	sld [smem:$0x3FB7];
	_ =	sdelay $0x3  }
0x36: {  	p1 =	seq.s32 s10, $0x1;
	s10 =	sld [smem:$0x3FB8];
	_ =	sdelay $0x3  }
0x37: {  	[smem:$0x3FB8] =	sst s10  }
0x38: {  	s10 =	sld [smem:$0x3FB9]  }
0x39: {  	_ = 	snop;
	(pc) =	sbr.ind lr, $3  }
0x3a: {  	_ = 	snop  }
0x3b: {  	_ = 	snop  }
0x3c: {  	p2 =	seq.s32 s10, $0x1;
	s10 =	sld [smem:$0x3FB8]  }
0x3d: {  	_ =	shalt  }
0x3e: {  	_ =	shalt  }
0x3f: {  	_ =	shalt  }
0x40: {  	_ =	shalt  }
0x41: {  	_ =	shalt  }
0x42: {  	_ =	shalt  }
0x43: {  	_ =	shalt  }
0x44: {  	_ =	shalt  }
0x45: {  	_ =	shalt  }
0x46: {  	_ =	shalt  }
0x47: {  	_ =	shalt  }
0x48: {  	_ =	shalt  }
0x49: {  	_ =	shalt  }
0x4a: {  	_ =	shalt  }
0x4b: {  	_ =	shalt  }
0x4c: {  	_ =	shalt  }
0x4d: {  	_ =	shalt  }
0x4e: {  	_ =	shalt  }
0x4f: {  	_ =	shalt  }
0x50: {  	_ =	shalt  }
0x51: {  	_ =	shalt  }
0x52: {  	_ =	shalt  }
0x53: {  	_ =	shalt  }
0x54: {  	_ =	shalt  }
0x55: {  	_ =	shalt  }
0x56: {  	_ =	shalt  }
0x57: {  	_ =	shalt  }
0x58: {  	_ =	shalt  }
0x59: {  	_ =	shalt  }
0x5a: {  	_ =	shalt  }
0x5b: {  	_ =	shalt  }
0x5c: {  	_ =	shalt  }
0x5d: {  	_ =	shalt  }
0x5e: {  	_ =	shalt  }
0x5f: {  	_ =	shalt  }
0x60: {  	_ =	shalt  }
0x61: {  	_ =	shalt  }
0x62: {  	_ =	shalt  }
0x63: {  	_ =	shalt  }
0x64: {  	_ =	shalt  }
0x65: {  	_ =	shalt  }
0x66: {  	_ =	shalt  }
0x67: {  	_ =	shalt  }
0x68: {  	_ =	shalt  }
0x69: {  	_ =	shalt  }
0x6a: {  	_ =	shalt  }
0x6b: {  	_ =	shalt  }
0x6c: {  	_ =	shalt  }
0x6d: {  	_ =	shalt  }
0x6e: {  	_ =	shalt  }
0x6f: {  	_ =	shalt  }
0x70: {  	_ =	shalt  }
0x71: {  	_ =	shalt  }
0x72: {  	_ =	shalt  }
0x73: {  	_ =	shalt  }
0x74: {  	_ =	shalt  }
0x75: {  	_ =	shalt  }
0x76: {  	_ =	shalt  }
0x77: {  	_ =	shalt  }
0x78: {  	_ =	shalt  }
0x79: {  	_ =	shalt  }
0x7a: {  	_ =	shalt  }
0x7b: {  	_ =	shalt  }
0x7c: {  	_ =	shalt  }
0x7d: {  	_ =	shalt  }
0x7e: {  	_ =	shalt  }
0x7f: {  	_ =	shalt  }
0x80: {  	_ =	shalt  }
0x81: {  	_ =	shalt  }
0x82: {  	_ =	shalt  }
0x83: {  	_ =	shalt  }
0x84: {  	_ =	shalt  }
0x85: {  	_ =	shalt  }
0x86: {  	_ =	shalt  }
0x87: {  	_ =	shalt  }
.Lfunc_end0:
.L_simem_size_0:
called_computation_lowered:
.L_overlay_start_0:
0x88: {  	s2 =	sld [smem:$0x3FD9]  }
0x89: {  	s3 =	sld [smem:$0x3FFE];
	_ =	sdelay $0x1  }
0x8a: {  	s1 =	srdreg.scid  }
0x8b: {  	s0 =	sand.u32 $0x1, s1  }
0x8c: {  	s17 =	sshll.u32 s0, $0xA;
	s2 =	sadd.s32 s3, s2  }
0x8d: {  	s2 =	sadd.s32 s2, s17  }
0x8e: {  	[smem:$0x3FC4] =	sst s2  }
0x8f: {  	_ = 	snop  }
0x90: {  	s2 =	sld [smem:$0x3FC8]  }
0x91: {  	s18 =	sld [smem:$0x3FC7]  }
0x92: {  	s4 =	sld [smem:$0x3FC6]  }
0x93: {  	s5 =	sld [smem:$0x3FD0];
	(tm) =	ssettm $0x1  }
0x94: {  	s6 =	sld [smem:$0x3FFB];
	_ =	sdelay $0x3  }
0x95: {  	_ =	strace s6  }
0x96: {  	s6 =	sld [smem:$0x3FFC];
	_ =	sdelay $0x3  }
0x97: {  	_ =	strace s6  }
0x98: {  	s6 =	sld [smem:$0x3FFD];
	_ =	sdelay $0x3  }
0x99: {  	_ =	strace s6  }
0x9a: {  	_ =	strace $0x8FFFFFFF  }
0x9b: {  	s19 =	sld [smem:$0x3FDB];
	_ =	sdelay $0x1  }
0x9c: {  	s7 =	simm.s32 $_scs_section_size  }
0x9d: {  	s8 =	simm.s32 $_size__tile_overlayer_lowered;
	s9 =	simm.s32 $_tile_overlayer_lowered  }
0x9e: {  	s22 =	simm.s32 $0x1BFF;
	s21 =	sshll.u32 s9, $0x1;
	s6 =	sadd.s32 s7, s19  }
0x9f: {  	s10 =	simm.s32 $0x0;
	s20 =	sshll.u32 s8, $0x1;
	s8 =	sadd.s32 s21, s6  }
0xa0: {  	[timem:s10], [sflag:s22] =	dma.local [hbm:s8], s20  }
0xa1: {  	_ =	swait.ge [sflag:s22], s20  }
0xa2: {  	s7 =	ssub.s32 $0x0, s20;
	[sflag:s22] =	ssyncset.done $0x0  }
0xa3: {  	[sflag:s22] =	ssyncadd.s32 s7;
	_ =	sdelay $0x1  }
0xa4: {  	s23 =	simm.s32 $0x1B8B  }
0xa5: {  	_ =	swait.ge [sflag:s23], $0x1  }
0xa6: {  	[sflag:s23] =	ssyncset.done $0x0  }
0xa7: {  	s25 =	simm.s32 $0x1B8E;
	s24 =	sld [smem:$0x3FFE];
	[sflag:s23] =	ssyncadd.s32 $0xFFFFFFFF  }
0xa8: {  	s26 =	simm.s32 $execute0_lowered;
	[smem:$0x3FD2] =	sst s25  }
0xa9: {  	s8 =	sshll.u32 s26, $0x1;
	_ =	strace $0x80000046;
	[dreg:$0x1] =	wrdreg $0xFFFFFFFF  }
0xaa: {  	s28 =	simm.s32 $_size_execute0_lowered;
	s6 =	sadd.s32 s6, s8;
	[dreg:$0x0] =	wrdreg $0x0  }
0xab: {  	s8 =	sshll.u32 s28, $0x1;
	[dreg:$0x2] =	wrdreg s6  }
0xac: {  	[dreg:$0x3] =	wrdreg s8  }
0xad: {  	[dreg:$0x4] =	wrdreg $0xC0  }
0xae: {  	_ =	task [dreg:s10], $0x5FFFF  }
0xaf: {  	[dreg:$0x1] =	wrdreg $0xFFFFFFFF  }
0xb0: {  	[dreg:$0x0] =	wrdreg $0x60  }
0xb1: {  	[dreg:$0x2] =	wrdreg s24  }
0xb2: {  	[dreg:$0x3] =	wrdreg s2  }
0xb3: {  	[dreg:$0x4] =	wrdreg s18  }
0xb4: {  	[dreg:$0x5] =	wrdreg s4  }
0xb5: {  	[dreg:$0x6] =	wrdreg s5  }
0xb6: {  	[dreg:$0x7] =	wrdreg $0x128E00  }
0xb7: {  	[dreg:$0x8] =	wrdreg $0x1EC600  }
0xb8: {  	[dreg:$0x9] =	wrdreg $0x9  }
0xb9: {  	_ =	task.clear_ibuf [dreg:s10], $0xAFFFF;
	_ =	strace $0x90000046  }
0xba: {  	s29 =	simm.s32 $0x9;
	_ =	strace $0x80000048  }
0xbb: {  	_ =	swait.ge [sflag:s29], $0x1  }
0xbc: {  	[sflag:s29] =	ssyncadd.s32 $0xFFFFFFFF  }
0xbd: {  	_ =	strace $0x90000048  }
0xbe: {  	_ =	sfence  }
0xbf: {  	s30 =	sld [smem:$0x0];
	_ =	sdelay $0x2  }
0xc0: {  	s31 =	sshll.u32 s1, $0xD;
	s1 =	sshrl.u32 s1, $0x2  }
0xc1: {  	s3 =	sand.u32 $0x4000, s31;
	s1 =	sadd.s32 s1, s30  }
0xc2: {  	s0 =	sor.u32 s3, s0;
	s1 =	sshll.u32 s1, $0x11  }
0xc3: {  	s0 =	sor.u32 s1, s0  }
0xc4: {  	s0 =	sadd.s32 $0x8F2B, s0  }
0xc5: {  	[sflag:s0] =	ssyncadd.remote.s32 $0x1  }
0xc6: {  	_ =	sfence.sel $0xFFFF  }
0xc7: {  	[dreg:$0x0] =	wrdreg $0xFFFFFFFF;
	(pc) =	sbr.abs _section_cstart, $3  }
0xc8: {  	[dreg:$0x1] =	wrdreg $0xFFFFFFFF  }
0xc9: {  	_ =	task.clear_ibuf [dreg:s10], $0x2FFFF;
	_ =	strace $0x9FFFFFFF  }
0xca: {  	(tm) =	ssettm $0x7FFFFFFF  }
0xcb: {  	_ =	shalt  }
tec
execute0_lowered:
.L_overlay_start_1:
0x0: {  	(tag) =	ssettag $0x1  }
0x1: {  	s0 =	srdreg.scid  }
0x2: {  	s1 =	sand.u32 $0x1, s0  }
0x3: {  	s10 =	stileid.u32;
	s0 =	sshll.u32 s1, $0x4  }
0x4: {  	s0 =	sor.u32 s10, s0  }
0x5: {  	s5 =	smul.u32 $0xC350, s0  }
0x6: {  	s3 =	rddreg [dreg:$0x1]  }
0x7: {  	s4 =	rddreg [dreg:$0x2];
	s6 =	sshrl.u32 s5, $0x3  }
0x8: {  	s2 =	rddreg [dreg:$0x3];
	s8 =	simm.s32 $0x0;
	s9 =	sadd.s32 $0xFA, s6  }
0x9: {  	[smem:$0x7FF] =	sst s8;
	s7 =	smul.u32 $0xC380, s1;
	s18 =	sadd.s32 s3, s9  }
0xa: {  	s0 =	smul.u32 $0xC38, s10;
	s19 =	sadd.s32 s4, s9;
	[dreg:$0x8] =	wrdreg s18  }
0xb: {  	s21 =	sadd.s32 $0x1F4, s6;
	s20 =	sadd.s32 s2, s9;
	[dreg:$0x9] =	wrdreg s19  }
0xc: {  	s22 =	sadd.s32 s3, s21;
	[dreg:$0xa] =	wrdreg s20  }
0xd: {  	s5 =	sadd.s32 s0, s7;
	s23 =	sadd.s32 s4, s21;
	[dreg:$0xb] =	wrdreg s22  }
0xe: {  	s24 =	sadd.s32 $0x2EE, s6;
	s7 =	sadd.s32 s2, s21;
	[dreg:$0xc] =	wrdreg s23  }
0xf: {  	s25 =	sadd.s32 s3, s24;
	[dreg:$0xd] =	wrdreg s7  }
0x10: {  	s11 =	sadd.s32 s4, s24;
	[dreg:$0xe] =	wrdreg s25  }
0x11: {  	s26 =	sadd.s32 $0x3E8, s6;
	s8 =	sadd.s32 s2, s24;
	[dreg:$0xf] =	wrdreg s11  }
0x12: {  	s1 =	ssub.s32 $0x2, s1;
	s12 =	sadd.s32 s3, s26;
	[dreg:$0x10] =	wrdreg s8  }
0x13: {  	s14 =	sadd.s32 $0x4E2, s6;
	s13 =	sadd.s32 s4, s26;
	[dreg:$0x11] =	wrdreg s12  }
0x14: {  	s17 =	sshrl.u32 s1, $0x1;
	s15 =	sadd.s32 s3, s14;
	[dreg:$0x12] =	wrdreg s13  }
0x15: {  	s1 =	ssub.s32 s1, s17;
	s16 =	sadd.s32 s4, s14;
	[dreg:$0x14] =	wrdreg s15  }
0x16: {  	s17 =	sadd.s32 $0x5DC, s6;
	s7 =	sadd.s32 s2, s26;
	[dreg:$0x15] =	wrdreg s16  }
0x17: {  	s18 =	sadd.s32 s3, s17;
	[dreg:$0x13] =	wrdreg s7  }
0x18: {  	s20 =	sadd.s32 s4, s17;
	[dreg:$0x17] =	wrdreg s18  }
0x19: {  	s8 =	sadd.s32 s2, s17;
	[dreg:$0x18] =	wrdreg s20  }
0x1a: {  	s19 =	sadd.s32 $0x6D6, s6;
	s7 =	sadd.s32 s2, s14;
	[dreg:$0x19] =	wrdreg s8  }
0x1b: {  	s21 =	sadd.s32 s3, s19;
	[dreg:$0x16] =	wrdreg s7  }
0x1c: {  	s23 =	sadd.s32 $0x7D0, s6;
	s22 =	sadd.s32 s4, s19;
	[dreg:$0x1a] =	wrdreg s21  }
0x1d: {  	s24 =	sadd.s32 s3, s23;
	[dreg:$0x1b] =	wrdreg s22  }
0x1e: {  	s26 =	sadd.s32 $0x8CA, s6;
	s25 =	sadd.s32 s4, s23;
	[dreg:$0x1d] =	wrdreg s24  }
0x1f: {  	s11 =	sadd.s32 s3, s26;
	[dreg:$0x1e] =	wrdreg s25  }
0x20: {  	s13 =	sadd.s32 s4, s26;
	[smem:$0x7CF] =	sst s11  }
0x21: {  	s12 =	sadd.s32 $0x9C4, s6;
	s8 =	sadd.s32 s2, s26;
	[smem:$0x7D0] =	sst s13  }
0x22: {  	s14 =	sadd.s32 s3, s12;
	[smem:$0x7D1] =	sst s8  }
0x23: {  	s16 =	sadd.s32 $0xABE, s6;
	s15 =	sadd.s32 s4, s12;
	[smem:$0x7D2] =	sst s14  }
0x24: {  	s17 =	sadd.s32 s3, s16;
	[smem:$0x7D3] =	sst s15  }
0x25: {  	s18 =	sadd.s32 s4, s16;
	[smem:$0x7D5] =	sst s17  }
0x26: {  	s7 =	sadd.s32 s2, s19;
	[smem:$0x7D6] =	sst s18  }
0x27: {  	s19 =	sadd.s32 $0xBB8, s6;
	[dreg:$0x1c] =	wrdreg s7;
	s7 =	sadd.s32 s2, s23  }
0x28: {  	s20 =	sadd.s32 s3, s19;
	[dreg:$0x1f] =	wrdreg s7  }
0x29: {  	s22 =	sadd.s32 s4, s19;
	[smem:$0x7D8] =	sst s20  }
0x2a: {  	s21 =	sadd.s32 $0xCB2, s6;
	s8 =	sadd.s32 s2, s19;
	[smem:$0x7D9] =	sst s22  }
0x2b: {  	s23 =	sadd.s32 s3, s21;
	[smem:$0x7DA] =	sst s8  }
0x2c: {  	s25 =	sadd.s32 $0xDAC, s6;
	s24 =	sadd.s32 s4, s21;
	[smem:$0x7DB] =	sst s23  }
0x2d: {  	s26 =	sadd.s32 s3, s25;
	[smem:$0x7DC] =	sst s24  }
0x2e: {  	s11 =	sadd.s32 $0xEA6, s6;
	s9 =	sadd.s32 s4, s25;
	[smem:$0x7DE] =	sst s26  }
0x2f: {  	s13 =	sadd.s32 $0xFA0, s6;
	s14 =	sadd.s32 s4, s11;
	[smem:$0x7DF] =	sst s9  }
0x30: {  	s17 =	sadd.s32 $0x109A, s6;
	s15 =	sadd.s32 s3, s13;
	[smem:$0x7E2] =	sst s14  }
0x31: {  	s18 =	sadd.s32 s3, s17;
	[smem:$0x7E4] =	sst s15  }
0x32: {  	s19 =	sadd.s32 s4, s17;
	[smem:$0x7E7] =	sst s18  }
0x33: {  	[smem:$0x7E8] =	sst s19  }
0x34: {  	s7 =	sadd.s32 s2, s12;
	s18 =	rddreg [dreg:$0x0]  }
0x35: {  	s12 =	sadd.s32 s3, s11;
	[smem:$0x7D4] =	sst s7  }
0x36: {  	s8 =	sadd.s32 s2, s11;
	[smem:$0x7E1] =	sst s12  }
0x37: {  	s19 =	sadd.s32 s3, s6;
	[smem:$0x7E3] =	sst s8  }
0x38: {  	s7 =	sadd.s32 s2, s16;
	[smem:$0x7F9] =	sst s19  }
0x39: {  	s20 =	sadd.s32 $0x1194, s6;
	s16 =	sadd.s32 s4, s13;
	[smem:$0x7D7] =	sst s7  }
0x3a: {  	s23 =	sadd.s32 s4, s20;
	[smem:$0x7E5] =	sst s16  }
0x3b: {  	s22 =	sadd.s32 $0x128E, s6;
	s8 =	sadd.s32 s2, s20;
	[smem:$0x7EB] =	sst s23  }
0x3c: {  	s26 =	sadd.s32 $0x1388, s6;
	s24 =	sadd.s32 s3, s22;
	[smem:$0x7EC] =	sst s8  }
0x3d: {  	s9 =	sadd.s32 s3, s26;
	[smem:$0x7ED] =	sst s24  }
0x3e: {  	s11 =	sadd.s32 s4, s26;
	[smem:$0x7F0] =	sst s9  }
0x3f: {  	[smem:$0x7F1] =	sst s11  }
0x40: {  	s7 =	sadd.s32 s2, s21;
	s9 =	rddreg [dreg:$0x5]  }
0x41: {  	s12 =	sadd.s32 $0x1482, s6;
	s21 =	sadd.s32 s3, s20;
	[smem:$0x7DD] =	sst s7  }
0x42: {  	s15 =	sadd.s32 s4, s12;
	[smem:$0x7EA] =	sst s21  }
0x43: {  	s14 =	sadd.s32 $0x157C, s6;
	s8 =	sadd.s32 s2, s12;
	[smem:$0x7F4] =	sst s15  }
0x44: {  	s16 =	sadd.s32 s3, s14;
	[smem:$0x7F5] =	sst s8  }
0x45: {  	s20 =	sadd.s32 s4, s6;
	[smem:$0x7F6] =	sst s16  }
0x46: {  	s7 =	sadd.s32 s2, s25;
	[smem:$0x7FA] =	sst s20  }
0x47: {  	s28 =	simm.s32 $0x1F40;
	s25 =	sadd.s32 s4, s22;
	[smem:$0x7E0] =	sst s7  }
0x48: {  	s29 =	simm.s32 $0x7D0;
	s21 =	sadd.s32 s2, s6;
	[smem:$0x7EE] =	sst s25  }
0x49: {  	s30 =	simm.s32 $0x1;
	s7 =	sadd.s32 s2, s13;
	[smem:$0x7FB] =	sst s21  }
0x4a: {  	s31 =	simm.s32 $0x12110;
	s13 =	sadd.s32 s3, s12;
	[smem:$0x7E6] =	sst s7  }
0x4b: {  	s24 =	smul.u32 $0x30E00, s10;
	s7 =	sadd.s32 s2, s17;
	[smem:$0x7F3] =	sst s13  }
0x4c: {  	s25 =	sshll.u32 s5, $0x1;
	s17 =	sadd.s32 s4, s14;
	[smem:$0x7E9] =	sst s7  }
0x4d: {  	s7 =	sadd.s32 s2, s22;
	[smem:$0x7F7] =	sst s17;
	s22 =	sadd.s32 $0x1676, s6  }
0x4e: {  	s6 =	sadd.s32 $0x1770, s6;
	s17 =	sadd.s32 $0x61B400, s18;
	[smem:$0x7EF] =	sst s7  }
0x4f: {  	s7 =	sadd.s32 s2, s26;
	s11 =	sadd.s32 s3, s22;
	s23 =	sadd.s32 s4, s22  }
0x50: {  	s12 =	sadd.s32 s2, s22;
	s13 =	sadd.s32 s3, s6;
	s15 =	sadd.s32 s4, s6  }
0x51: {  	s16 =	sadd.s32 s2, s6;
	s26 =	sshrl.u32 s5, $0x3;
	[smem:$0x7F2] =	sst s7  }
0x52: {  	s3 =	sshrl.u32 s24, $0x2;
	s22 =	smax.u32 s1, $0x1;
	[smem:$0x7FC] =	sst s11  }
0x53: {  	s24 =	simm.s32 $0x2710;
	s1 =	simm.s32 $0xA410;
	[smem:$0x7FD] =	sst s23  }
0x54: {  	s5 =	simm.s32 $0x0;
	s7 =	sadd.s32 s2, s14;
	s14 =	rddreg [dreg:$0x6]  }
0x55: {  	s2 =	sadd.s32 s25, s18;
	s4 =	sadd.s32 s26, s18;
	s18 =	sadd.s32 s3, s9  }
0x56: {  	s25 =	simm.s32 $0x5;
	s26 =	simm.s32 $0xFA0;
	s3 =	simm.s32 $0x4  }
0x57: {  	[smem:$0x7F8] =	sst s7;
	s19 =	sadd.s32 s0, s14;
	s20 =	sadd.s32 $0xC00, s2  }
0x58: {  	s21 =	sadd.s32 $0x31A00, s4;
	s23 =	sadd.s32 $0x7D00, s18;
	s0 =	simm.s32 $0x1770  }
0x59: {  	v0 =	vimm.f32 $0.0e+00;
	v1 =	vimm.f32 $1.000000000e+00;
	s2 =	simm.s32 $0x3;
	s4 =	simm.s32 $0x2;
	_ =	strace $0x80000047  }
.LBB2_1:
0x5a: {  	s6 =	simm.s32 $0x0  }
.LBB2_2:
0x5b: {  	p0 =	sne.s32 s6, $0x1F3C0  }
.Ltmp0:
0x5c: {  	_ = 	snop;
	(pc) =	sbr.rel @p0 .LBB2_2-.Ltmp0, $3  }
0x5d: {  	_ =	sdelay $0x1  }
0x5e: {  	s7 =	sshra.s32 s6, $0x2  }
0x5f: {  	s6 =	sadd.s32 $0x40, s6;
	[tilespmem:s7+$0x2710] =	vst v0  }
0x60: {  	s6 =	simm.s32 $0x40;
	s7 =	simm.s32 $0x0  }
.LBB2_4:
0x61: {  	p0 =	sne.s32 s6, $0x1F00;
	[tilespmem:s7+$0x12110] =	vst v1;
	s7 =	smov.u32 s6;
	s6 =	sadd.s32 $0x40, s6  }
.Ltmp1:
0x62: {  	(pc) =	sbr.rel @p0 .LBB2_4-.Ltmp1, $2  }
0x63: {  	_ =	sdelay $0x2  }
0x64: {  	s7 =	sshra.s32 s7, $0x2  }
0x65: {  	[tilespmem:s7+$0x12110] =	vst v1  }
0x66: {  	[spmem:s18] =	stream.linear.scatter [tilespmem:s24], [sflag:$0x5], $0x7D00, $0x38;
	[tilespmem:$0x1F898] =	vst v63  }
0x67: {  	_ =	swait.ge [sflag:s25], $0x7D00  }
0x68: {  	[sflag:s25] =	ssyncset.done $0x0  }
0x69: {  	[sflag:s25] =	ssyncadd.s32 $0xFFFF8300  }
0x6a: {  	[spmem:s23] =	stream.linear.scatter [tilespmem:s24], [sflag:$0x5], $0x4680, $0x38;
	[tilespmem:$0x1F898] =	vst v63  }
0x6b: {  	_ =	swait.ge [sflag:s25], $0x4680  }
0x6c: {  	s6 =	stileid.u32;
	[sflag:s25] =	ssyncset.done $0x0  }
0x6d: {  	s6 =	sshll.u32 s6, $0x6;
	[sflag:s25] =	ssyncadd.s32 $0xFFFFB980  }
0x6e: {  	s7 =	sshrl.u32 s19, $0x3;
	s6 =	sor.u32 $0x1C05, s6;
	s8 =	rddreg [dreg:$0x4]  }
0x6f: {  	[spmem:s7], [sflag:s6] =	dma.local [hbm:s8], $0x187  }
0x70: {  	_ =	swait.ge [sflag:s25], $0x187  }
0x71: {  	[sflag:s25] =	ssyncset.done $0x0  }
0x72: {  	[sflag:s25] =	ssyncadd.s32 $0xFFFFFE79  }
0x73: {  	[bflag:$0x0] =	sbarrier.arrive $0xFFFF  }
0x74: {  	s10 =	sld [smem:$0x7F9];
	_ =	sdelay $0x1  }
0x75: {  	s8 =	simm.s32 $0x0  }
0x76: {  	[tilespmem:s8], [sflag:$0x5] =	stream.linear.gather [hbm4b:s10+s8], $0x7D0, $0x38;
	[tilespmem:$0x1F898] =	vst v63  }
0x77: {  	_ =	swait.ge [sflag:s25], $0x7D0  }
0x78: {  	s11 =	sld [smem:$0x7FA]  }
0x79: {  	[sflag:s25] =	ssyncset.done $0x0  }
0x7a: {  	[sflag:s25] =	ssyncadd.s32 $0xFFFFF830  }
0x7b: {  	[tilespmem:s26], [sflag:$0x5] =	stream.linear.gather [hbm4b:s11+s8], $0x7D0, $0x38;
	[tilespmem:$0x1F898] =	vst v63  }
0x7c: {  	_ =	swait.ge [sflag:s25], $0x7D0  }
0x7d: {  	s11 =	sld [smem:$0x7FB]  }
0x7e: {  	[sflag:s25] =	ssyncset.done $0x0  }
0x7f: {  	[sflag:s25] =	ssyncadd.s32 $0xFFFFF830  }
0x80: {  	[tilespmem:s28], [sflag:$0x5] =	stream.linear.gather [hbm4b:s11+s8], $0x7D0, $0x38;
	[tilespmem:$0x1F898] =	vst v63  }
0x81: {  	_ =	swait.ge [sflag:s25], $0x7D0  }
0x82: {  	[sflag:s25] =	ssyncset.done $0x0  }
0x83: {  	s8 =	simm.s32 $0x0;
	[sflag:s25] =	ssyncadd.s32 $0xFFFFF830  }
0x84: {  	v3 =	vld [tilespmem:s8+$0x1F40];
	_ =	sdelay $0x1  }
0x85: {  	v2 =	vld [tilespmem:s8+$0xFA0];
	_ =	sdelay $0x2  }
0x86: {  	v3 =	vmul.u32 $0xC350, v3  }
0x87: {  	s10 =	simm.s32 $0x10;
	s11 =	simm.s32 $0x80  }
.LBB2_6:
0x88: {  	p0 =	sne.s32 s11, $0x1F00;
	v4 =	vld [tilespmem:s10+$0x1F40];
	v2 =	vadd.s32 v2, v3  }
0x89: {  	[tilespmem:s8+$0xFA0] =	vst v2;
	s8 =	smov.u32 s10  }
.Ltmp2:
0x8a: {  	v2 =	vld [tilespmem:s8+$0xFA0];
	(pc) =	sbr.rel @p0 .LBB2_6-.Ltmp2, $3  }
0x8b: {  	_ =	sdelay $0x1  }
0x8c: {  	v3 =	vmul.u32 $0xC350, v4  }
0x8d: {  	s10 =	sshra.s32 s11, $0x2;
	s11 =	sadd.s32 $0x40, s11  }
0x8e: {  	v4 =	vld [tilespmem:s10+$0x1F40];
	v2 =	vadd.s32 v2, v3  }
0x8f: {  	[tilespmem:s8+$0xFA0] =	vst v2  }
0x90: {  	v2 =	vld [tilespmem:s10+$0xFA0];
	_ =	sdelay $0x2  }
0x91: {  	v3 =	vmul.u32 $0xC350, v4;
	_ =	sdelay $0x1  }
0x92: {  	v2 =	vadd.s32 v2, v3  }
0x93: {  	[tilespmem:s10+$0xFA0] =	vst v2  }
0x94: {  	[tilespmem:s24], [sflag:$0x1] =	stream.indirect.gather [hbm4b:s17+s29], $0x10, s26, s29, $0xb8;
	[tilespmem:$0x1F898] =	vst v63  }
0x95: {  	_ =	swait.ge [sflag:s30], $0x7D00  }
0x96: {  	[sflag:s30] =	ssyncset.done $0x0  }
0x97: {  	s8 =	simm.s32 $0x0;
	[sflag:s30] =	ssyncadd.s32 $0xFFFF8300  }
0x98: {  	[spmem:s9] =	stream.indirect.scatter.add.f32 [tilespmem:s24], [sflag:$0x3], $0x10, s8, s29, $0xb8;
	[tilespmem:$0x1F898] =	vst v63  }
0x99: {  	_ = 	snop  }
0x9a: {  	[spmem:s14] =	stream.indirect.scatter.add.f32 [tilespmem:s31], [sflag:$0x4], $0x1, s8, s29, $0xb8;
	[tilespmem:$0x1F898] =	vst v63  }
0x9b: {  	s11 =	rddreg [dreg:$0x8]  }
0x9c: {  	[tilespmem:s29], [sflag:$0x5] =	stream.linear.gather [hbm4b:s11+s8], $0x7D0, $0x38;
	[tilespmem:$0x1F898] =	vst v63  }
0x9d: {  	_ =	swait.ge [sflag:s25], $0x7D0  }
0x9e: {  	[sflag:s25] =	ssyncset.done $0x0  }
0x9f: {  	s11 =	rddreg [dreg:$0x9];
	[sflag:s25] =	ssyncadd.s32 $0xFFFFF830  }
0xa0: {  	[tilespmem:s0], [sflag:$0x5] =	stream.linear.gather [hbm4b:s11+s8], $0x7D0, $0x38;
	[tilespmem:$0x1F898] =	vst v63  }
0xa1: {  	_ =	swait.ge [sflag:s25], $0x7D0  }
0xa2: {  	[sflag:s25] =	ssyncset.done $0x0  }
0xa3: {  	s11 =	rddreg [dreg:$0xa];
	[sflag:s25] =	ssyncadd.s32 $0xFFFFF830  }
0xa4: {  	[tilespmem:s28], [sflag:$0x5] =	stream.linear.gather [hbm4b:s11+s8], $0x7D0, $0x38;
	[tilespmem:$0x1F898] =	vst v63  }
0xa5: {  	_ =	swait.ge [sflag:s25], $0x7D0  }
0xa6: {  	[sflag:s25] =	ssyncset.done $0x0  }
0xa7: {  	s8 =	simm.s32 $0x0;
	[sflag:s25] =	ssyncadd.s32 $0xFFFFF830  }
0xa8: {  	v3 =	vld [tilespmem:s8+$0x1F40];
	_ =	sdelay $0x1  }
0xa9: {  	v2 =	vld [tilespmem:s8+$0x1770];
	_ =	sdelay $0x2  }
0xaa: {  	v3 =	vmul.u32 $0xC350, v3  }
0xab: {  	s10 =	simm.s32 $0x10;
	s11 =	simm.s32 $0x80  }
.LBB2_8:
0xac: {  	p0 =	sne.s32 s11, $0x1F00;
	v4 =	vld [tilespmem:s10+$0x1F40];
	v2 =	vadd.s32 v2, v3  }
0xad: {  	[tilespmem:s8+$0x1770] =	vst v2;
	s8 =	smov.u32 s10  }
.Ltmp3:
0xae: {  	v2 =	vld [tilespmem:s8+$0x1770];
	(pc) =	sbr.rel @p0 .LBB2_8-.Ltmp3, $3  }
0xaf: {  	_ =	sdelay $0x1  }
0xb0: {  	v3 =	vmul.u32 $0xC350, v4  }
0xb1: {  	s10 =	sshra.s32 s11, $0x2;
	s11 =	sadd.s32 $0x40, s11  }
0xb2: {  	v4 =	vld [tilespmem:s10+$0x1F40];
	v2 =	vadd.s32 v2, v3  }
0xb3: {  	[tilespmem:s8+$0x1770] =	vst v2  }
0xb4: {  	v2 =	vld [tilespmem:s10+$0x1770];
	_ =	sdelay $0x2  }
0xb5: {  	v3 =	vmul.u32 $0xC350, v4;
	_ =	sdelay $0x1  }
0xb6: {  	v2 =	vadd.s32 v2, v3  }
0xb7: {  	[tilespmem:s10+$0x1770] =	vst v2  }
0xb8: {  	[tilespmem:s1], [sflag:$0x2] =	stream.indirect.gather [hbm4b:s17+s29], $0x10, s0, s29, $0xb8;
	[tilespmem:$0x1F898] =	vst v63  }
0xb9: {  	_ =	swait.ge [sflag:s2], $0x7D00  }
0xba: {  	[sflag:s2] =	ssyncset.done $0x0  }
0xbb: {  	[sflag:s2] =	ssyncadd.s32 $0xFFFF8300  }
0xbc: {  	_ =	swait.ge [sflag:s3], $0x7D0  }
0xbd: {  	[sflag:s3] =	ssyncset.done $0x0  }
0xbe: {  	[sflag:s3] =	ssyncadd.s32 $0xFFFFF830  }
0xbf: {  	_ =	swait.ge [sflag:s4], $0x7D00  }
0xc0: {  	[sflag:s4] =	ssyncset.done $0x0  }
0xc1: {  	[sflag:s4] =	ssyncadd.s32 $0xFFFF8300  }
0xc2: {  	[spmem:s9] =	stream.indirect.scatter.add.f32 [tilespmem:s1], [sflag:$0x3], $0x10, s29, s29, $0xb8;
	[tilespmem:$0x1F898] =	vst v63  }
0xc3: {  	_ = 	snop  }
0xc4: {  	[spmem:s14] =	stream.indirect.scatter.add.f32 [tilespmem:s31], [sflag:$0x4], $0x1, s29, s29, $0xb8;
	[tilespmem:$0x1F898] =	vst v63  }
0xc5: {  	s8 =	simm.s32 $0x0;
	s11 =	rddreg [dreg:$0xb]  }
0xc6: {  	[tilespmem:s8], [sflag:$0x5] =	stream.linear.gather [hbm4b:s11+s8], $0x7D0, $0x38;
	[tilespmem:$0x1F898] =	vst v63  }
0xc7: {  	_ =	swait.ge [sflag:s25], $0x7D0  }
0xc8: {  	[sflag:s25] =	ssyncset.done $0x0  }
0xc9: {  	s11 =	rddreg [dreg:$0xc];
	[sflag:s25] =	ssyncadd.s32 $0xFFFFF830  }
0xca: {  	[tilespmem:s26], [sflag:$0x5] =	stream.linear.gather [hbm4b:s11+s8], $0x7D0, $0x38;
	[tilespmem:$0x1F898] =	vst v63  }
0xcb: {  	_ =	swait.ge [sflag:s25], $0x7D0  }
0xcc: {  	[sflag:s25] =	ssyncset.done $0x0  }
0xcd: {  	s11 =	rddreg [dreg:$0xd];
	[sflag:s25] =	ssyncadd.s32 $0xFFFFF830  }
0xce: {  	[tilespmem:s28], [sflag:$0x5] =	stream.linear.gather [hbm4b:s11+s8], $0x7D0, $0x38;
	[tilespmem:$0x1F898] =	vst v63  }
0xcf: {  	_ =	swait.ge [sflag:s25], $0x7D0  }
0xd0: {  	[sflag:s25] =	ssyncset.done $0x0  }
0xd1: {  	s8 =	simm.s32 $0x0;
	[sflag:s25] =	ssyncadd.s32 $0xFFFFF830  }
0xd2: {  	v3 =	vld [tilespmem:s8+$0x1F40];
	_ =	sdelay $0x1  }
0xd3: {  	v2 =	vld [tilespmem:s8+$0xFA0];
	_ =	sdelay $0x2  }
0xd4: {  	v3 =	vmul.u32 $0xC350, v3  }
0xd5: {  	s10 =	simm.s32 $0x10;
	s11 =	simm.s32 $0x80  }
.LBB2_10:
0xd6: {  	p0 =	sne.s32 s11, $0x1F00;
	v4 =	vld [tilespmem:s10+$0x1F40];
	v2 =	vadd.s32 v2, v3  }
0xd7: {  	[tilespmem:s8+$0xFA0] =	vst v2;
	s8 =	smov.u32 s10  }
.Ltmp4:
0xd8: {  	v2 =	vld [tilespmem:s8+$0xFA0];
	(pc) =	sbr.rel @p0 .LBB2_10-.Ltmp4, $3  }
0xd9: {  	_ =	sdelay $0x1  }
0xda: {  	v3 =	vmul.u32 $0xC350, v4  }
0xdb: {  	s10 =	sshra.s32 s11, $0x2;
	s11 =	sadd.s32 $0x40, s11  }
0xdc: {  	v4 =	vld [tilespmem:s10+$0x1F40];
	v2 =	vadd.s32 v2, v3  }
0xdd: {  	[tilespmem:s8+$0xFA0] =	vst v2  }
0xde: {  	v2 =	vld [tilespmem:s10+$0xFA0];
	_ =	sdelay $0x2  }
0xdf: {  	v3 =	vmul.u32 $0xC350, v4;
	_ =	sdelay $0x1  }
0xe0: {  	v2 =	vadd.s32 v2, v3  }
0xe1: {  	[tilespmem:s10+$0xFA0] =	vst v2  }
0xe2: {  	[tilespmem:s24], [sflag:$0x1] =	stream.indirect.gather [hbm4b:s17+s29], $0x10, s26, s29, $0xb8;
	[tilespmem:$0x1F898] =	vst v63  }
0xe3: {  	_ =	swait.ge [sflag:s2], $0x7D00  }
0xe4: {  	[sflag:s2] =	ssyncset.done $0x0  }
0xe5: {  	[sflag:s2] =	ssyncadd.s32 $0xFFFF8300  }
0xe6: {  	_ =	swait.ge [sflag:s3], $0x7D0  }
0xe7: {  	[sflag:s3] =	ssyncset.done $0x0  }
0xe8: {  	[sflag:s3] =	ssyncadd.s32 $0xFFFFF830  }
0xe9: {  	_ =	swait.ge [sflag:s30], $0x7D00  }
0xea: {  	[sflag:s30] =	ssyncset.done $0x0  }
0xeb: {  	s8 =	simm.s32 $0x0;
	[sflag:s30] =	ssyncadd.s32 $0xFFFF8300  }
0xec: {  	[spmem:s9] =	stream.indirect.scatter.add.f32 [tilespmem:s24], [sflag:$0x3], $0x10, s8, s29, $0xb8;
	[tilespmem:$0x1F898] =	vst v63  }
0xed: {  	_ = 	snop  }
0xee: {  	[spmem:s14] =	stream.indirect.scatter.add.f32 [tilespmem:s31], [sflag:$0x4], $0x1, s8, s29, $0xb8;
	[tilespmem:$0x1F898] =	vst v63  }
0xef: {  	s11 =	rddreg [dreg:$0xe]  }
0xf0: {  	[tilespmem:s29], [sflag:$0x5] =	stream.linear.gather [hbm4b:s11+s8], $0x7D0, $0x38;
	[tilespmem:$0x1F898] =	vst v63  }
0xf1: {  	_ =	swait.ge [sflag:s25], $0x7D0  }
0xf2: {  	[sflag:s25] =	ssyncset.done $0x0  }
0xf3: {  	s11 =	rddreg [dreg:$0xf];
	[sflag:s25] =	ssyncadd.s32 $0xFFFFF830  }
0xf4: {  	[tilespmem:s0], [sflag:$0x5] =	stream.linear.gather [hbm4b:s11+s8], $0x7D0, $0x38;
	[tilespmem:$0x1F898] =	vst v63  }
0xf5: {  	_ =	swait.ge [sflag:s25], $0x7D0  }
0xf6: {  	[sflag:s25] =	ssyncset.done $0x0  }
0xf7: {  	s11 =	rddreg [dreg:$0x10];
	[sflag:s25] =	ssyncadd.s32 $0xFFFFF830  }
0xf8: {  	[tilespmem:s28], [sflag:$0x5] =	stream.linear.gather [hbm4b:s11+s8], $0x7D0, $0x38;
	[tilespmem:$0x1F898] =	vst v63  }
0xf9: {  	_ =	swait.ge [sflag:s25], $0x7D0  }
0xfa: {  	[sflag:s25] =	ssyncset.done $0x0  }
0xfb: {  	s8 =	simm.s32 $0x0;
	[sflag:s25] =	ssyncadd.s32 $0xFFFFF830  }
0xfc: {  	v3 =	vld [tilespmem:s8+$0x1F40];
	_ =	sdelay $0x1  }
0xfd: {  	v2 =	vld [tilespmem:s8+$0x1770];
	_ =	sdelay $0x2  }
0xfe: {  	v3 =	vmul.u32 $0xC350, v3  }
0xff: {  	s10 =	simm.s32 $0x10;
	s11 =	simm.s32 $0x80  }
.LBB2_12:
0x100: {  	p0 =	sne.s32 s11, $0x1F00;
	v4 =	vld [tilespmem:s10+$0x1F40];
	v2 =	vadd.s32 v2, v3  }
0x101: {  	[tilespmem:s8+$0x1770] =	vst v2;
	s8 =	smov.u32 s10  }
.Ltmp5:
0x102: {  	v2 =	vld [tilespmem:s8+$0x1770];
	(pc) =	sbr.rel @p0 .LBB2_12-.Ltmp5, $3  }
0x103: {  	_ =	sdelay $0x1  }
0x104: {  	v3 =	vmul.u32 $0xC350, v4  }
0x105: {  	s10 =	sshra.s32 s11, $0x2;
	s11 =	sadd.s32 $0x40, s11  }
0x106: {  	v4 =	vld [tilespmem:s10+$0x1F40];
	v2 =	vadd.s32 v2, v3  }
0x107: {  	[tilespmem:s8+$0x1770] =	vst v2  }
0x108: {  	v2 =	vld [tilespmem:s10+$0x1770];
	_ =	sdelay $0x2  }
0x109: {  	v3 =	vmul.u32 $0xC350, v4;
	_ =	sdelay $0x1  }
0x10a: {  	v2 =	vadd.s32 v2, v3  }
0x10b: {  	[tilespmem:s10+$0x1770] =	vst v2  }
0x10c: {  	[tilespmem:s1], [sflag:$0x2] =	stream.indirect.gather [hbm4b:s17+s29], $0x10, s0, s29, $0xb8;
	[tilespmem:$0x1F898] =	vst v63  }
0x10d: {  	_ =	swait.ge [sflag:s2], $0x7D00  }
0x10e: {  	[sflag:s2] =	ssyncset.done $0x0  }
0x10f: {  	[sflag:s2] =	ssyncadd.s32 $0xFFFF8300  }
0x110: {  	_ =	swait.ge [sflag:s3], $0x7D0  }
0x111: {  	[sflag:s3] =	ssyncset.done $0x0  }
0x112: {  	[sflag:s3] =	ssyncadd.s32 $0xFFFFF830  }
0x113: {  	_ =	swait.ge [sflag:s4], $0x7D00  }
0x114: {  	[sflag:s4] =	ssyncset.done $0x0  }
0x115: {  	[sflag:s4] =	ssyncadd.s32 $0xFFFF8300  }
0x116: {  	[spmem:s9] =	stream.indirect.scatter.add.f32 [tilespmem:s1], [sflag:$0x3], $0x10, s29, s29, $0xb8;
	[tilespmem:$0x1F898] =	vst v63  }
0x117: {  	_ = 	snop  }
0x118: {  	[spmem:s14] =	stream.indirect.scatter.add.f32 [tilespmem:s31], [sflag:$0x4], $0x1, s29, s29, $0xb8;
	[tilespmem:$0x1F898] =	vst v63  }
0x119: {  	s8 =	simm.s32 $0x0;
	s11 =	rddreg [dreg:$0x11]  }
0x11a: {  	[tilespmem:s8], [sflag:$0x5] =	stream.linear.gather [hbm4b:s11+s8], $0x7D0, $0x38;
	[tilespmem:$0x1F898] =	vst v63  }
0x11b: {  	_ =	swait.ge [sflag:s25], $0x7D0  }
0x11c: {  	[sflag:s25] =	ssyncset.done $0x0  }
0x11d: {  	s11 =	rddreg [dreg:$0x12];
	[sflag:s25] =	ssyncadd.s32 $0xFFFFF830  }
0x11e: {  	[tilespmem:s26], [sflag:$0x5] =	stream.linear.gather [hbm4b:s11+s8], $0x7D0, $0x38;
	[tilespmem:$0x1F898] =	vst v63  }
0x11f: {  	_ =	swait.ge [sflag:s25], $0x7D0  }
0x120: {  	[sflag:s25] =	ssyncset.done $0x0  }
0x121: {  	s11 =	rddreg [dreg:$0x13];
	[sflag:s25] =	ssyncadd.s32 $0xFFFFF830  }
0x122: {  	[tilespmem:s28], [sflag:$0x5] =	stream.linear.gather [hbm4b:s11+s8], $0x7D0, $0x38;
	[tilespmem:$0x1F898] =	vst v63  }
0x123: {  	_ =	swait.ge [sflag:s25], $0x7D0  }
0x124: {  	[sflag:s25] =	ssyncset.done $0x0  }
0x125: {  	s8 =	simm.s32 $0x0;
	[sflag:s25] =	ssyncadd.s32 $0xFFFFF830  }
0x126: {  	v3 =	vld [tilespmem:s8+$0x1F40];
	_ =	sdelay $0x1  }
0x127: {  	v2 =	vld [tilespmem:s8+$0xFA0];
	_ =	sdelay $0x2  }
0x128: {  	v3 =	vmul.u32 $0xC350, v3  }
0x129: {  	s10 =	simm.s32 $0x10;
	s11 =	simm.s32 $0x80  }
.LBB2_14:
0x12a: {  	p0 =	sne.s32 s11, $0x1F00;
	v4 =	vld [tilespmem:s10+$0x1F40];
	v2 =	vadd.s32 v2, v3  }
0x12b: {  	[tilespmem:s8+$0xFA0] =	vst v2;
	s8 =	smov.u32 s10  }
.Ltmp6:
0x12c: {  	v2 =	vld [tilespmem:s8+$0xFA0];
	(pc) =	sbr.rel @p0 .LBB2_14-.Ltmp6, $3  }
0x12d: {  	_ =	sdelay $0x1  }
0x12e: {  	v3 =	vmul.u32 $0xC350, v4  }
0x12f: {  	s10 =	sshra.s32 s11, $0x2;
	s11 =	sadd.s32 $0x40, s11  }
0x130: {  	v4 =	vld [tilespmem:s10+$0x1F40];
	v2 =	vadd.s32 v2, v3  }
0x131: {  	[tilespmem:s8+$0xFA0] =	vst v2  }
0x132: {  	v2 =	vld [tilespmem:s10+$0xFA0];
	_ =	sdelay $0x2  }
0x133: {  	v3 =	vmul.u32 $0xC350, v4;
	_ =	sdelay $0x1  }
0x134: {  	v2 =	vadd.s32 v2, v3  }
0x135: {  	[tilespmem:s10+$0xFA0] =	vst v2  }
0x136: {  	[tilespmem:s24], [sflag:$0x1] =	stream.indirect.gather [hbm4b:s17+s29], $0x10, s26, s29, $0xb8;
	[tilespmem:$0x1F898] =	vst v63  }
0x137: {  	_ =	swait.ge [sflag:s2], $0x7D00  }
0x138: {  	[sflag:s2] =	ssyncset.done $0x0  }
0x139: {  	[sflag:s2] =	ssyncadd.s32 $0xFFFF8300  }
0x13a: {  	_ =	swait.ge [sflag:s3], $0x7D0  }
0x13b: {  	[sflag:s3] =	ssyncset.done $0x0  }
0x13c: {  	[sflag:s3] =	ssyncadd.s32 $0xFFFFF830  }
0x13d: {  	_ =	swait.ge [sflag:s30], $0x7D00  }
0x13e: {  	[sflag:s30] =	ssyncset.done $0x0  }
0x13f: {  	s8 =	simm.s32 $0x0;
	[sflag:s30] =	ssyncadd.s32 $0xFFFF8300  }
0x140: {  	[spmem:s9] =	stream.indirect.scatter.add.f32 [tilespmem:s24], [sflag:$0x3], $0x10, s8, s29, $0xb8;
	[tilespmem:$0x1F898] =	vst v63  }
0x141: {  	_ = 	snop  }
0x142: {  	[spmem:s14] =	stream.indirect.scatter.add.f32 [tilespmem:s31], [sflag:$0x4], $0x1, s8, s29, $0xb8;
	[tilespmem:$0x1F898] =	vst v63  }
0x143: {  	s11 =	rddreg [dreg:$0x14]  }
0x144: {  	[tilespmem:s29], [sflag:$0x5] =	stream.linear.gather [hbm4b:s11+s8], $0x7D0, $0x38;
	[tilespmem:$0x1F898] =	vst v63  }
0x145: {  	_ =	swait.ge [sflag:s25], $0x7D0  }
0x146: {  	[sflag:s25] =	ssyncset.done $0x0  }
0x147: {  	s11 =	rddreg [dreg:$0x15];
	[sflag:s25] =	ssyncadd.s32 $0xFFFFF830  }
0x148: {  	[tilespmem:s0], [sflag:$0x5] =	stream.linear.gather [hbm4b:s11+s8], $0x7D0, $0x38;
	[tilespmem:$0x1F898] =	vst v63  }
0x149: {  	_ =	swait.ge [sflag:s25], $0x7D0  }
0x14a: {  	[sflag:s25] =	ssyncset.done $0x0  }
0x14b: {  	s11 =	rddreg [dreg:$0x16];
	[sflag:s25] =	ssyncadd.s32 $0xFFFFF830  }
0x14c: {  	[tilespmem:s28], [sflag:$0x5] =	stream.linear.gather [hbm4b:s11+s8], $0x7D0, $0x38;
	[tilespmem:$0x1F898] =	vst v63  }
0x14d: {  	_ =	swait.ge [sflag:s25], $0x7D0  }
0x14e: {  	[sflag:s25] =	ssyncset.done $0x0  }
0x14f: {  	s8 =	simm.s32 $0x0;
	[sflag:s25] =	ssyncadd.s32 $0xFFFFF830  }
0x150: {  	v3 =	vld [tilespmem:s8+$0x1F40];
	_ =	sdelay $0x1  }
0x151: {  	v2 =	vld [tilespmem:s8+$0x1770];
	_ =	sdelay $0x2  }
0x152: {  	v3 =	vmul.u32 $0xC350, v3  }
0x153: {  	s10 =	simm.s32 $0x10;
	s11 =	simm.s32 $0x80  }
.LBB2_16:
0x154: {  	p0 =	sne.s32 s11, $0x1F00;
	v4 =	vld [tilespmem:s10+$0x1F40];
	v2 =	vadd.s32 v2, v3  }
0x155: {  	[tilespmem:s8+$0x1770] =	vst v2;
	s8 =	smov.u32 s10  }
.Ltmp7:
0x156: {  	v2 =	vld [tilespmem:s8+$0x1770];
	(pc) =	sbr.rel @p0 .LBB2_16-.Ltmp7, $3  }
0x157: {  	_ =	sdelay $0x1  }
0x158: {  	v3 =	vmul.u32 $0xC350, v4  }
0x159: {  	s10 =	sshra.s32 s11, $0x2;
	s11 =	sadd.s32 $0x40, s11  }
0x15a: {  	v4 =	vld [tilespmem:s10+$0x1F40];
	v2 =	vadd.s32 v2, v3  }
0x15b: {  	[tilespmem:s8+$0x1770] =	vst v2  }
0x15c: {  	v2 =	vld [tilespmem:s10+$0x1770];
	_ =	sdelay $0x2  }
0x15d: {  	v3 =	vmul.u32 $0xC350, v4;
	_ =	sdelay $0x1  }
0x15e: {  	v2 =	vadd.s32 v2, v3  }
0x15f: {  	[tilespmem:s10+$0x1770] =	vst v2  }
0x160: {  	[tilespmem:s1], [sflag:$0x2] =	stream.indirect.gather [hbm4b:s17+s29], $0x10, s0, s29, $0xb8;
	[tilespmem:$0x1F898] =	vst v63  }
0x161: {  	_ =	swait.ge [sflag:s2], $0x7D00  }
0x162: {  	[sflag:s2] =	ssyncset.done $0x0  }
0x163: {  	[sflag:s2] =	ssyncadd.s32 $0xFFFF8300  }
0x164: {  	_ =	swait.ge [sflag:s3], $0x7D0  }
0x165: {  	[sflag:s3] =	ssyncset.done $0x0  }
0x166: {  	[sflag:s3] =	ssyncadd.s32 $0xFFFFF830  }
0x167: {  	_ =	swait.ge [sflag:s4], $0x7D00  }
0x168: {  	[sflag:s4] =	ssyncset.done $0x0  }
0x169: {  	[sflag:s4] =	ssyncadd.s32 $0xFFFF8300  }
0x16a: {  	[spmem:s9] =	stream.indirect.scatter.add.f32 [tilespmem:s1], [sflag:$0x3], $0x10, s29, s29, $0xb8;
	[tilespmem:$0x1F898] =	vst v63  }
0x16b: {  	_ = 	snop  }
0x16c: {  	[spmem:s14] =	stream.indirect.scatter.add.f32 [tilespmem:s31], [sflag:$0x4], $0x1, s29, s29, $0xb8;
	[tilespmem:$0x1F898] =	vst v63  }
0x16d: {  	s8 =	simm.s32 $0x0;
	s11 =	rddreg [dreg:$0x17]  }
0x16e: {  	[tilespmem:s8], [sflag:$0x5] =	stream.linear.gather [hbm4b:s11+s8], $0x7D0, $0x38;
	[tilespmem:$0x1F898] =	vst v63  }
0x16f: {  	_ =	swait.ge [sflag:s25], $0x7D0  }
0x170: {  	[sflag:s25] =	ssyncset.done $0x0  }
0x171: {  	s11 =	rddreg [dreg:$0x18];
	[sflag:s25] =	ssyncadd.s32 $0xFFFFF830  }
0x172: {  	[tilespmem:s26], [sflag:$0x5] =	stream.linear.gather [hbm4b:s11+s8], $0x7D0, $0x38;
	[tilespmem:$0x1F898] =	vst v63  }
0x173: {  	_ =	swait.ge [sflag:s25], $0x7D0  }
0x174: {  	[sflag:s25] =	ssyncset.done $0x0  }
0x175: {  	s11 =	rddreg [dreg:$0x19];
	[sflag:s25] =	ssyncadd.s32 $0xFFFFF830  }
0x176: {  	[tilespmem:s28], [sflag:$0x5] =	stream.linear.gather [hbm4b:s11+s8], $0x7D0, $0x38;
	[tilespmem:$0x1F898] =	vst v63  }
0x177: {  	_ =	swait.ge [sflag:s25], $0x7D0  }
0x178: {  	[sflag:s25] =	ssyncset.done $0x0  }
0x179: {  	s8 =	simm.s32 $0x0;
	[sflag:s25] =	ssyncadd.s32 $0xFFFFF830  }
0x17a: {  	v3 =	vld [tilespmem:s8+$0x1F40];
	_ =	sdelay $0x1  }
0x17b: {  	v2 =	vld [tilespmem:s8+$0xFA0];
	_ =	sdelay $0x2  }
0x17c: {  	v3 =	vmul.u32 $0xC350, v3  }
0x17d: {  	s10 =	simm.s32 $0x10;
	s11 =	simm.s32 $0x80  }
.LBB2_18:
0x17e: {  	p0 =	sne.s32 s11, $0x1F00;
	v4 =	vld [tilespmem:s10+$0x1F40];
	v2 =	vadd.s32 v2, v3  }
0x17f: {  	[tilespmem:s8+$0xFA0] =	vst v2;
	s8 =	smov.u32 s10  }
.Ltmp8:
0x180: {  	v2 =	vld [tilespmem:s8+$0xFA0];
	(pc) =	sbr.rel @p0 .LBB2_18-.Ltmp8, $3  }
0x181: {  	_ =	sdelay $0x1  }
0x182: {  	v3 =	vmul.u32 $0xC350, v4  }
0x183: {  	s10 =	sshra.s32 s11, $0x2;
	s11 =	sadd.s32 $0x40, s11  }
0x184: {  	v4 =	vld [tilespmem:s10+$0x1F40];
	v2 =	vadd.s32 v2, v3  }
0x185: {  	[tilespmem:s8+$0xFA0] =	vst v2  }
0x186: {  	v2 =	vld [tilespmem:s10+$0xFA0];
	_ =	sdelay $0x2  }
0x187: {  	v3 =	vmul.u32 $0xC350, v4;
	_ =	sdelay $0x1  }
0x188: {  	v2 =	vadd.s32 v2, v3  }
0x189: {  	[tilespmem:s10+$0xFA0] =	vst v2  }
0x18a: {  	[tilespmem:s24], [sflag:$0x1] =	stream.indirect.gather [hbm4b:s17+s29], $0x10, s26, s29, $0xb8;
	[tilespmem:$0x1F898] =	vst v63  }
0x18b: {  	_ =	swait.ge [sflag:s2], $0x7D00  }
0x18c: {  	[sflag:s2] =	ssyncset.done $0x0  }
0x18d: {  	[sflag:s2] =	ssyncadd.s32 $0xFFFF8300  }
0x18e: {  	_ =	swait.ge [sflag:s3], $0x7D0  }
0x18f: {  	[sflag:s3] =	ssyncset.done $0x0  }
0x190: {  	[sflag:s3] =	ssyncadd.s32 $0xFFFFF830  }
0x191: {  	_ =	swait.ge [sflag:s30], $0x7D00  }
0x192: {  	[sflag:s30] =	ssyncset.done $0x0  }
0x193: {  	s8 =	simm.s32 $0x0;
	[sflag:s30] =	ssyncadd.s32 $0xFFFF8300  }
0x194: {  	[spmem:s9] =	stream.indirect.scatter.add.f32 [tilespmem:s24], [sflag:$0x3], $0x10, s8, s29, $0xb8;
	[tilespmem:$0x1F898] =	vst v63  }
0x195: {  	_ = 	snop  }
0x196: {  	[spmem:s14] =	stream.indirect.scatter.add.f32 [tilespmem:s31], [sflag:$0x4], $0x1, s8, s29, $0xb8;
	[tilespmem:$0x1F898] =	vst v63  }
0x197: {  	s11 =	rddreg [dreg:$0x1a]  }
0x198: {  	[tilespmem:s29], [sflag:$0x5] =	stream.linear.gather [hbm4b:s11+s8], $0x7D0, $0x38;
	[tilespmem:$0x1F898] =	vst v63  }
0x199: {  	_ =	swait.ge [sflag:s25], $0x7D0  }
0x19a: {  	[sflag:s25] =	ssyncset.done $0x0  }
0x19b: {  	s11 =	rddreg [dreg:$0x1b];
	[sflag:s25] =	ssyncadd.s32 $0xFFFFF830  }
0x19c: {  	[tilespmem:s0], [sflag:$0x5] =	stream.linear.gather [hbm4b:s11+s8], $0x7D0, $0x38;
	[tilespmem:$0x1F898] =	vst v63  }
0x19d: {  	_ =	swait.ge [sflag:s25], $0x7D0  }
0x19e: {  	[sflag:s25] =	ssyncset.done $0x0  }
0x19f: {  	s11 =	rddreg [dreg:$0x1c];
	[sflag:s25] =	ssyncadd.s32 $0xFFFFF830  }
0x1a0: {  	[tilespmem:s28], [sflag:$0x5] =	stream.linear.gather [hbm4b:s11+s8], $0x7D0, $0x38;
	[tilespmem:$0x1F898] =	vst v63  }
0x1a1: {  	_ =	swait.ge [sflag:s25], $0x7D0  }
0x1a2: {  	[sflag:s25] =	ssyncset.done $0x0  }
0x1a3: {  	s8 =	simm.s32 $0x0;
	[sflag:s25] =	ssyncadd.s32 $0xFFFFF830  }
0x1a4: {  	v3 =	vld [tilespmem:s8+$0x1F40];
	_ =	sdelay $0x1  }
0x1a5: {  	v2 =	vld [tilespmem:s8+$0x1770];
	_ =	sdelay $0x2  }
0x1a6: {  	v3 =	vmul.u32 $0xC350, v3  }
0x1a7: {  	s10 =	simm.s32 $0x10;
	s11 =	simm.s32 $0x80  }
.LBB2_20:
0x1a8: {  	p0 =	sne.s32 s11, $0x1F00;
	v4 =	vld [tilespmem:s10+$0x1F40];
	v2 =	vadd.s32 v2, v3  }
0x1a9: {  	[tilespmem:s8+$0x1770] =	vst v2;
	s8 =	smov.u32 s10  }
.Ltmp9:
0x1aa: {  	v2 =	vld [tilespmem:s8+$0x1770];
	(pc) =	sbr.rel @p0 .LBB2_20-.Ltmp9, $3  }
0x1ab: {  	_ =	sdelay $0x1  }
0x1ac: {  	v3 =	vmul.u32 $0xC350, v4  }
0x1ad: {  	s10 =	sshra.s32 s11, $0x2;
	s11 =	sadd.s32 $0x40, s11  }
0x1ae: {  	v4 =	vld [tilespmem:s10+$0x1F40];
	v2 =	vadd.s32 v2, v3  }
0x1af: {  	[tilespmem:s8+$0x1770] =	vst v2  }
0x1b0: {  	v2 =	vld [tilespmem:s10+$0x1770];
	_ =	sdelay $0x2  }
0x1b1: {  	v3 =	vmul.u32 $0xC350, v4;
	_ =	sdelay $0x1  }
0x1b2: {  	v2 =	vadd.s32 v2, v3  }
0x1b3: {  	[tilespmem:s10+$0x1770] =	vst v2  }
0x1b4: {  	[tilespmem:s1], [sflag:$0x2] =	stream.indirect.gather [hbm4b:s17+s29], $0x10, s0, s29, $0xb8;
	[tilespmem:$0x1F898] =	vst v63  }
0x1b5: {  	_ =	swait.ge [sflag:s2], $0x7D00  }
0x1b6: {  	[sflag:s2] =	ssyncset.done $0x0  }
0x1b7: {  	[sflag:s2] =	ssyncadd.s32 $0xFFFF8300  }
0x1b8: {  	_ =	swait.ge [sflag:s3], $0x7D0  }
0x1b9: {  	[sflag:s3] =	ssyncset.done $0x0  }
0x1ba: {  	[sflag:s3] =	ssyncadd.s32 $0xFFFFF830  }
0x1bb: {  	_ =	swait.ge [sflag:s4], $0x7D00  }
0x1bc: {  	[sflag:s4] =	ssyncset.done $0x0  }
0x1bd: {  	[sflag:s4] =	ssyncadd.s32 $0xFFFF8300  }
0x1be: {  	[spmem:s9] =	stream.indirect.scatter.add.f32 [tilespmem:s1], [sflag:$0x3], $0x10, s29, s29, $0xb8;
	[tilespmem:$0x1F898] =	vst v63  }
0x1bf: {  	_ = 	snop  }
0x1c0: {  	[spmem:s14] =	stream.indirect.scatter.add.f32 [tilespmem:s31], [sflag:$0x4], $0x1, s29, s29, $0xb8;
	[tilespmem:$0x1F898] =	vst v63  }
0x1c1: {  	s8 =	simm.s32 $0x0;
	s11 =	rddreg [dreg:$0x1d]  }
0x1c2: {  	[tilespmem:s8], [sflag:$0x5] =	stream.linear.gather [hbm4b:s11+s8], $0x7D0, $0x38;
	[tilespmem:$0x1F898] =	vst v63  }
0x1c3: {  	_ =	swait.ge [sflag:s25], $0x7D0  }
0x1c4: {  	[sflag:s25] =	ssyncset.done $0x0  }
0x1c5: {  	s11 =	rddreg [dreg:$0x1e];
	[sflag:s25] =	ssyncadd.s32 $0xFFFFF830  }
0x1c6: {  	[tilespmem:s26], [sflag:$0x5] =	stream.linear.gather [hbm4b:s11+s8], $0x7D0, $0x38;
	[tilespmem:$0x1F898] =	vst v63  }
0x1c7: {  	_ =	swait.ge [sflag:s25], $0x7D0  }
0x1c8: {  	[sflag:s25] =	ssyncset.done $0x0  }
0x1c9: {  	s11 =	rddreg [dreg:$0x1f];
	[sflag:s25] =	ssyncadd.s32 $0xFFFFF830  }
0x1ca: {  	[tilespmem:s28], [sflag:$0x5] =	stream.linear.gather [hbm4b:s11+s8], $0x7D0, $0x38;
	[tilespmem:$0x1F898] =	vst v63  }
0x1cb: {  	_ =	swait.ge [sflag:s25], $0x7D0  }
0x1cc: {  	[sflag:s25] =	ssyncset.done $0x0  }
0x1cd: {  	s8 =	simm.s32 $0x0;
	[sflag:s25] =	ssyncadd.s32 $0xFFFFF830  }
0x1ce: {  	v3 =	vld [tilespmem:s8+$0x1F40];
	_ =	sdelay $0x1  }
0x1cf: {  	v2 =	vld [tilespmem:s8+$0xFA0];
	_ =	sdelay $0x2  }
0x1d0: {  	v3 =	vmul.u32 $0xC350, v3  }
0x1d1: {  	s10 =	simm.s32 $0x10;
	s11 =	simm.s32 $0x80  }
.LBB2_22:
0x1d2: {  	p0 =	sne.s32 s11, $0x1F00;
	v4 =	vld [tilespmem:s10+$0x1F40];
	v2 =	vadd.s32 v2, v3  }
0x1d3: {  	[tilespmem:s8+$0xFA0] =	vst v2;
	s8 =	smov.u32 s10  }
.Ltmp10:
0x1d4: {  	v2 =	vld [tilespmem:s8+$0xFA0];
	(pc) =	sbr.rel @p0 .LBB2_22-.Ltmp10, $3  }
0x1d5: {  	_ =	sdelay $0x1  }
0x1d6: {  	v3 =	vmul.u32 $0xC350, v4  }
0x1d7: {  	s10 =	sshra.s32 s11, $0x2;
	s11 =	sadd.s32 $0x40, s11  }
0x1d8: {  	v4 =	vld [tilespmem:s10+$0x1F40];
	v2 =	vadd.s32 v2, v3  }
0x1d9: {  	[tilespmem:s8+$0xFA0] =	vst v2  }
0x1da: {  	v2 =	vld [tilespmem:s10+$0xFA0];
	_ =	sdelay $0x2  }
0x1db: {  	v3 =	vmul.u32 $0xC350, v4;
	_ =	sdelay $0x1  }
0x1dc: {  	v2 =	vadd.s32 v2, v3  }
0x1dd: {  	[tilespmem:s10+$0xFA0] =	vst v2  }
0x1de: {  	[tilespmem:s24], [sflag:$0x1] =	stream.indirect.gather [hbm4b:s17+s29], $0x10, s26, s29, $0xb8;
	[tilespmem:$0x1F898] =	vst v63  }
0x1df: {  	_ =	swait.ge [sflag:s2], $0x7D00  }
0x1e0: {  	[sflag:s2] =	ssyncset.done $0x0  }
0x1e1: {  	[sflag:s2] =	ssyncadd.s32 $0xFFFF8300  }
0x1e2: {  	_ =	swait.ge [sflag:s3], $0x7D0  }
0x1e3: {  	[sflag:s3] =	ssyncset.done $0x0  }
0x1e4: {  	[sflag:s3] =	ssyncadd.s32 $0xFFFFF830  }
0x1e5: {  	_ =	swait.ge [sflag:s30], $0x7D00  }
0x1e6: {  	[sflag:s30] =	ssyncset.done $0x0  }
0x1e7: {  	s8 =	simm.s32 $0x0;
	[sflag:s30] =	ssyncadd.s32 $0xFFFF8300  }
0x1e8: {  	[spmem:s9] =	stream.indirect.scatter.add.f32 [tilespmem:s24], [sflag:$0x3], $0x10, s8, s29, $0xb8;
	[tilespmem:$0x1F898] =	vst v63  }
0x1e9: {  	s11 =	sld [smem:$0x7CF]  }
0x1ea: {  	[spmem:s14] =	stream.indirect.scatter.add.f32 [tilespmem:s31], [sflag:$0x4], $0x1, s8, s29, $0xb8;
	[tilespmem:$0x1F898] =	vst v63  }
0x1eb: {  	_ = 	snop  }
0x1ec: {  	[tilespmem:s29], [sflag:$0x5] =	stream.linear.gather [hbm4b:s11+s8], $0x7D0, $0x38;
	[tilespmem:$0x1F898] =	vst v63  }
0x1ed: {  	_ =	swait.ge [sflag:s25], $0x7D0  }
0x1ee: {  	s11 =	sld [smem:$0x7D0]  }
0x1ef: {  	[sflag:s25] =	ssyncset.done $0x0  }
0x1f0: {  	[sflag:s25] =	ssyncadd.s32 $0xFFFFF830  }
0x1f1: {  	[tilespmem:s0], [sflag:$0x5] =	stream.linear.gather [hbm4b:s11+s8], $0x7D0, $0x38;
	[tilespmem:$0x1F898] =	vst v63  }
0x1f2: {  	_ =	swait.ge [sflag:s25], $0x7D0  }
0x1f3: {  	s11 =	sld [smem:$0x7D1]  }
0x1f4: {  	[sflag:s25] =	ssyncset.done $0x0  }
0x1f5: {  	[sflag:s25] =	ssyncadd.s32 $0xFFFFF830  }
0x1f6: {  	[tilespmem:s28], [sflag:$0x5] =	stream.linear.gather [hbm4b:s11+s8], $0x7D0, $0x38;
	[tilespmem:$0x1F898] =	vst v63  }
0x1f7: {  	_ =	swait.ge [sflag:s25], $0x7D0  }
0x1f8: {  	[sflag:s25] =	ssyncset.done $0x0  }
0x1f9: {  	s8 =	simm.s32 $0x0;
	[sflag:s25] =	ssyncadd.s32 $0xFFFFF830  }
0x1fa: {  	v3 =	vld [tilespmem:s8+$0x1F40];
	_ =	sdelay $0x1  }
0x1fb: {  	v2 =	vld [tilespmem:s8+$0x1770];
	_ =	sdelay $0x2  }
0x1fc: {  	v3 =	vmul.u32 $0xC350, v3  }
0x1fd: {  	s10 =	simm.s32 $0x10;
	s11 =	simm.s32 $0x80  }
.LBB2_24:
0x1fe: {  	p0 =	sne.s32 s11, $0x1F00;
	v4 =	vld [tilespmem:s10+$0x1F40];
	v2 =	vadd.s32 v2, v3  }
0x1ff: {  	[tilespmem:s8+$0x1770] =	vst v2;
	s8 =	smov.u32 s10  }
.Ltmp11:
0x200: {  	v2 =	vld [tilespmem:s8+$0x1770];
	(pc) =	sbr.rel @p0 .LBB2_24-.Ltmp11, $3  }
0x201: {  	_ =	sdelay $0x1  }
0x202: {  	v3 =	vmul.u32 $0xC350, v4  }
0x203: {  	s10 =	sshra.s32 s11, $0x2;
	s11 =	sadd.s32 $0x40, s11  }
0x204: {  	v4 =	vld [tilespmem:s10+$0x1F40];
	v2 =	vadd.s32 v2, v3  }
0x205: {  	[tilespmem:s8+$0x1770] =	vst v2  }
0x206: {  	v2 =	vld [tilespmem:s10+$0x1770];
	_ =	sdelay $0x2  }
0x207: {  	v3 =	vmul.u32 $0xC350, v4;
	_ =	sdelay $0x1  }
0x208: {  	v2 =	vadd.s32 v2, v3  }
0x209: {  	[tilespmem:s10+$0x1770] =	vst v2  }
0x20a: {  	[tilespmem:s1], [sflag:$0x2] =	stream.indirect.gather [hbm4b:s17+s29], $0x10, s0, s29, $0xb8;
	[tilespmem:$0x1F898] =	vst v63  }
0x20b: {  	_ =	swait.ge [sflag:s2], $0x7D00  }
0x20c: {  	[sflag:s2] =	ssyncset.done $0x0  }
0x20d: {  	[sflag:s2] =	ssyncadd.s32 $0xFFFF8300  }
0x20e: {  	_ =	swait.ge [sflag:s3], $0x7D0  }
0x20f: {  	[sflag:s3] =	ssyncset.done $0x0  }
0x210: {  	[sflag:s3] =	ssyncadd.s32 $0xFFFFF830  }
0x211: {  	_ =	swait.ge [sflag:s4], $0x7D00  }
0x212: {  	[sflag:s4] =	ssyncset.done $0x0  }
0x213: {  	[sflag:s4] =	ssyncadd.s32 $0xFFFF8300  }
0x214: {  	[spmem:s9] =	stream.indirect.scatter.add.f32 [tilespmem:s1], [sflag:$0x3], $0x10, s29, s29, $0xb8;
	[tilespmem:$0x1F898] =	vst v63  }
0x215: {  	s11 =	sld [smem:$0x7D2]  }
0x216: {  	[spmem:s14] =	stream.indirect.scatter.add.f32 [tilespmem:s31], [sflag:$0x4], $0x1, s29, s29, $0xb8;
	[tilespmem:$0x1F898] =	vst v63  }
0x217: {  	s8 =	simm.s32 $0x0  }
0x218: {  	[tilespmem:s8], [sflag:$0x5] =	stream.linear.gather [hbm4b:s11+s8], $0x7D0, $0x38;
	[tilespmem:$0x1F898] =	vst v63  }
0x219: {  	_ =	swait.ge [sflag:s25], $0x7D0  }
0x21a: {  	s11 =	sld [smem:$0x7D3]  }
0x21b: {  	[sflag:s25] =	ssyncset.done $0x0  }
0x21c: {  	[sflag:s25] =	ssyncadd.s32 $0xFFFFF830  }
0x21d: {  	[tilespmem:s26], [sflag:$0x5] =	stream.linear.gather [hbm4b:s11+s8], $0x7D0, $0x38;
	[tilespmem:$0x1F898] =	vst v63  }
0x21e: {  	_ =	swait.ge [sflag:s25], $0x7D0  }
0x21f: {  	s11 =	sld [smem:$0x7D4]  }
0x220: {  	[sflag:s25] =	ssyncset.done $0x0  }
0x221: {  	[sflag:s25] =	ssyncadd.s32 $0xFFFFF830  }
0x222: {  	[tilespmem:s28], [sflag:$0x5] =	stream.linear.gather [hbm4b:s11+s8], $0x7D0, $0x38;
	[tilespmem:$0x1F898] =	vst v63  }
0x223: {  	_ =	swait.ge [sflag:s25], $0x7D0  }
0x224: {  	[sflag:s25] =	ssyncset.done $0x0  }
0x225: {  	s8 =	simm.s32 $0x0;
	[sflag:s25] =	ssyncadd.s32 $0xFFFFF830  }
0x226: {  	v3 =	vld [tilespmem:s8+$0x1F40];
	_ =	sdelay $0x1  }
0x227: {  	v2 =	vld [tilespmem:s8+$0xFA0];
	_ =	sdelay $0x2  }
0x228: {  	v3 =	vmul.u32 $0xC350, v3  }
0x229: {  	s10 =	simm.s32 $0x10;
	s11 =	simm.s32 $0x80  }
.LBB2_26:
0x22a: {  	p0 =	sne.s32 s11, $0x1F00;
	v4 =	vld [tilespmem:s10+$0x1F40];
	v2 =	vadd.s32 v2, v3  }
0x22b: {  	[tilespmem:s8+$0xFA0] =	vst v2;
	s8 =	smov.u32 s10  }
.Ltmp12:
0x22c: {  	v2 =	vld [tilespmem:s8+$0xFA0];
	(pc) =	sbr.rel @p0 .LBB2_26-.Ltmp12, $3  }
0x22d: {  	_ =	sdelay $0x1  }
0x22e: {  	v3 =	vmul.u32 $0xC350, v4  }
0x22f: {  	s10 =	sshra.s32 s11, $0x2;
	s11 =	sadd.s32 $0x40, s11  }
0x230: {  	v4 =	vld [tilespmem:s10+$0x1F40];
	v2 =	vadd.s32 v2, v3  }
0x231: {  	[tilespmem:s8+$0xFA0] =	vst v2  }
0x232: {  	v2 =	vld [tilespmem:s10+$0xFA0];
	_ =	sdelay $0x2  }
0x233: {  	v3 =	vmul.u32 $0xC350, v4;
	_ =	sdelay $0x1  }
0x234: {  	v2 =	vadd.s32 v2, v3  }
0x235: {  	[tilespmem:s10+$0xFA0] =	vst v2  }
0x236: {  	[tilespmem:s24], [sflag:$0x1] =	stream.indirect.gather [hbm4b:s17+s29], $0x10, s26, s29, $0xb8;
	[tilespmem:$0x1F898] =	vst v63  }
0x237: {  	_ =	swait.ge [sflag:s2], $0x7D00  }
0x238: {  	[sflag:s2] =	ssyncset.done $0x0  }
0x239: {  	[sflag:s2] =	ssyncadd.s32 $0xFFFF8300  }
0x23a: {  	_ =	swait.ge [sflag:s3], $0x7D0  }
0x23b: {  	[sflag:s3] =	ssyncset.done $0x0  }
0x23c: {  	[sflag:s3] =	ssyncadd.s32 $0xFFFFF830  }
0x23d: {  	_ =	swait.ge [sflag:s30], $0x7D00  }
0x23e: {  	[sflag:s30] =	ssyncset.done $0x0  }
0x23f: {  	s8 =	simm.s32 $0x0;
	[sflag:s30] =	ssyncadd.s32 $0xFFFF8300  }
0x240: {  	[spmem:s9] =	stream.indirect.scatter.add.f32 [tilespmem:s24], [sflag:$0x3], $0x10, s8, s29, $0xb8;
	[tilespmem:$0x1F898] =	vst v63  }
0x241: {  	s11 =	sld [smem:$0x7D5]  }
0x242: {  	[spmem:s14] =	stream.indirect.scatter.add.f32 [tilespmem:s31], [sflag:$0x4], $0x1, s8, s29, $0xb8;
	[tilespmem:$0x1F898] =	vst v63  }
0x243: {  	_ = 	snop  }
0x244: {  	[tilespmem:s29], [sflag:$0x5] =	stream.linear.gather [hbm4b:s11+s8], $0x7D0, $0x38;
	[tilespmem:$0x1F898] =	vst v63  }
0x245: {  	_ =	swait.ge [sflag:s25], $0x7D0  }
0x246: {  	s11 =	sld [smem:$0x7D6]  }
0x247: {  	[sflag:s25] =	ssyncset.done $0x0  }
0x248: {  	[sflag:s25] =	ssyncadd.s32 $0xFFFFF830  }
0x249: {  	[tilespmem:s0], [sflag:$0x5] =	stream.linear.gather [hbm4b:s11+s8], $0x7D0, $0x38;
	[tilespmem:$0x1F898] =	vst v63  }
0x24a: {  	_ =	swait.ge [sflag:s25], $0x7D0  }
0x24b: {  	s11 =	sld [smem:$0x7D7]  }
0x24c: {  	[sflag:s25] =	ssyncset.done $0x0  }
0x24d: {  	[sflag:s25] =	ssyncadd.s32 $0xFFFFF830  }
0x24e: {  	[tilespmem:s28], [sflag:$0x5] =	stream.linear.gather [hbm4b:s11+s8], $0x7D0, $0x38;
	[tilespmem:$0x1F898] =	vst v63  }
0x24f: {  	_ =	swait.ge [sflag:s25], $0x7D0  }
0x250: {  	[sflag:s25] =	ssyncset.done $0x0  }
0x251: {  	s8 =	simm.s32 $0x0;
	[sflag:s25] =	ssyncadd.s32 $0xFFFFF830  }
0x252: {  	v3 =	vld [tilespmem:s8+$0x1F40];
	_ =	sdelay $0x1  }
0x253: {  	v2 =	vld [tilespmem:s8+$0x1770];
	_ =	sdelay $0x2  }
0x254: {  	v3 =	vmul.u32 $0xC350, v3  }
0x255: {  	s10 =	simm.s32 $0x10;
	s11 =	simm.s32 $0x80  }
.LBB2_28:
0x256: {  	p0 =	sne.s32 s11, $0x1F00;
	v4 =	vld [tilespmem:s10+$0x1F40];
	v2 =	vadd.s32 v2, v3  }
0x257: {  	[tilespmem:s8+$0x1770] =	vst v2;
	s8 =	smov.u32 s10  }
.Ltmp13:
0x258: {  	v2 =	vld [tilespmem:s8+$0x1770];
	(pc) =	sbr.rel @p0 .LBB2_28-.Ltmp13, $3  }
0x259: {  	_ =	sdelay $0x1  }
0x25a: {  	v3 =	vmul.u32 $0xC350, v4  }
0x25b: {  	s10 =	sshra.s32 s11, $0x2;
	s11 =	sadd.s32 $0x40, s11  }
0x25c: {  	v4 =	vld [tilespmem:s10+$0x1F40];
	v2 =	vadd.s32 v2, v3  }
0x25d: {  	[tilespmem:s8+$0x1770] =	vst v2  }
0x25e: {  	v2 =	vld [tilespmem:s10+$0x1770];
	_ =	sdelay $0x2  }
0x25f: {  	v3 =	vmul.u32 $0xC350, v4;
	_ =	sdelay $0x1  }
0x260: {  	v2 =	vadd.s32 v2, v3  }
0x261: {  	[tilespmem:s10+$0x1770] =	vst v2  }
0x262: {  	[tilespmem:s1], [sflag:$0x2] =	stream.indirect.gather [hbm4b:s17+s29], $0x10, s0, s29, $0xb8;
	[tilespmem:$0x1F898] =	vst v63  }
0x263: {  	_ =	swait.ge [sflag:s2], $0x7D00  }
0x264: {  	[sflag:s2] =	ssyncset.done $0x0  }
0x265: {  	[sflag:s2] =	ssyncadd.s32 $0xFFFF8300  }
0x266: {  	_ =	swait.ge [sflag:s3], $0x7D0  }
0x267: {  	[sflag:s3] =	ssyncset.done $0x0  }
0x268: {  	[sflag:s3] =	ssyncadd.s32 $0xFFFFF830  }
0x269: {  	_ =	swait.ge [sflag:s4], $0x7D00  }
0x26a: {  	[sflag:s4] =	ssyncset.done $0x0  }
0x26b: {  	[sflag:s4] =	ssyncadd.s32 $0xFFFF8300  }
0x26c: {  	[spmem:s9] =	stream.indirect.scatter.add.f32 [tilespmem:s1], [sflag:$0x3], $0x10, s29, s29, $0xb8;
	[tilespmem:$0x1F898] =	vst v63  }
0x26d: {  	s11 =	sld [smem:$0x7D8]  }
0x26e: {  	[spmem:s14] =	stream.indirect.scatter.add.f32 [tilespmem:s31], [sflag:$0x4], $0x1, s29, s29, $0xb8;
	[tilespmem:$0x1F898] =	vst v63  }
0x26f: {  	s8 =	simm.s32 $0x0  }
0x270: {  	[tilespmem:s8], [sflag:$0x5] =	stream.linear.gather [hbm4b:s11+s8], $0x7D0, $0x38;
	[tilespmem:$0x1F898] =	vst v63  }
0x271: {  	_ =	swait.ge [sflag:s25], $0x7D0  }
0x272: {  	s11 =	sld [smem:$0x7D9]  }
0x273: {  	[sflag:s25] =	ssyncset.done $0x0  }
0x274: {  	[sflag:s25] =	ssyncadd.s32 $0xFFFFF830  }
0x275: {  	[tilespmem:s26], [sflag:$0x5] =	stream.linear.gather [hbm4b:s11+s8], $0x7D0, $0x38;
	[tilespmem:$0x1F898] =	vst v63  }
0x276: {  	_ =	swait.ge [sflag:s25], $0x7D0  }
0x277: {  	s11 =	sld [smem:$0x7DA]  }
0x278: {  	[sflag:s25] =	ssyncset.done $0x0  }
0x279: {  	[sflag:s25] =	ssyncadd.s32 $0xFFFFF830  }
0x27a: {  	[tilespmem:s28], [sflag:$0x5] =	stream.linear.gather [hbm4b:s11+s8], $0x7D0, $0x38;
	[tilespmem:$0x1F898] =	vst v63  }
0x27b: {  	_ =	swait.ge [sflag:s25], $0x7D0  }
0x27c: {  	[sflag:s25] =	ssyncset.done $0x0  }
0x27d: {  	s8 =	simm.s32 $0x0;
	[sflag:s25] =	ssyncadd.s32 $0xFFFFF830  }
0x27e: {  	v3 =	vld [tilespmem:s8+$0x1F40];
	_ =	sdelay $0x1  }
0x27f: {  	v2 =	vld [tilespmem:s8+$0xFA0];
	_ =	sdelay $0x2  }
0x280: {  	v3 =	vmul.u32 $0xC350, v3  }
0x281: {  	s10 =	simm.s32 $0x10;
	s11 =	simm.s32 $0x80  }
.LBB2_30:
0x282: {  	p0 =	sne.s32 s11, $0x1F00;
	v4 =	vld [tilespmem:s10+$0x1F40];
	v2 =	vadd.s32 v2, v3  }
0x283: {  	[tilespmem:s8+$0xFA0] =	vst v2;
	s8 =	smov.u32 s10  }
.Ltmp14:
0x284: {  	v2 =	vld [tilespmem:s8+$0xFA0];
	(pc) =	sbr.rel @p0 .LBB2_30-.Ltmp14, $3  }
0x285: {  	_ =	sdelay $0x1  }
0x286: {  	v3 =	vmul.u32 $0xC350, v4  }
0x287: {  	s10 =	sshra.s32 s11, $0x2;
	s11 =	sadd.s32 $0x40, s11  }
0x288: {  	v4 =	vld [tilespmem:s10+$0x1F40];
	v2 =	vadd.s32 v2, v3  }
0x289: {  	[tilespmem:s8+$0xFA0] =	vst v2  }
0x28a: {  	v2 =	vld [tilespmem:s10+$0xFA0];
	_ =	sdelay $0x2  }
0x28b: {  	v3 =	vmul.u32 $0xC350, v4;
	_ =	sdelay $0x1  }
0x28c: {  	v2 =	vadd.s32 v2, v3  }
0x28d: {  	[tilespmem:s10+$0xFA0] =	vst v2  }
0x28e: {  	[tilespmem:s24], [sflag:$0x1] =	stream.indirect.gather [hbm4b:s17+s29], $0x10, s26, s29, $0xb8;
	[tilespmem:$0x1F898] =	vst v63  }
0x28f: {  	_ =	swait.ge [sflag:s2], $0x7D00  }
0x290: {  	[sflag:s2] =	ssyncset.done $0x0  }
0x291: {  	[sflag:s2] =	ssyncadd.s32 $0xFFFF8300  }
0x292: {  	_ =	swait.ge [sflag:s3], $0x7D0  }
0x293: {  	[sflag:s3] =	ssyncset.done $0x0  }
0x294: {  	[sflag:s3] =	ssyncadd.s32 $0xFFFFF830  }
0x295: {  	_ =	swait.ge [sflag:s30], $0x7D00  }
0x296: {  	[sflag:s30] =	ssyncset.done $0x0  }
0x297: {  	s8 =	simm.s32 $0x0;
	[sflag:s30] =	ssyncadd.s32 $0xFFFF8300  }
0x298: {  	[spmem:s9] =	stream.indirect.scatter.add.f32 [tilespmem:s24], [sflag:$0x3], $0x10, s8, s29, $0xb8;
	[tilespmem:$0x1F898] =	vst v63  }
0x299: {  	s11 =	sld [smem:$0x7DB]  }
0x29a: {  	[spmem:s14] =	stream.indirect.scatter.add.f32 [tilespmem:s31], [sflag:$0x4], $0x1, s8, s29, $0xb8;
	[tilespmem:$0x1F898] =	vst v63  }
0x29b: {  	_ = 	snop  }
0x29c: {  	[tilespmem:s29], [sflag:$0x5] =	stream.linear.gather [hbm4b:s11+s8], $0x7D0, $0x38;
	[tilespmem:$0x1F898] =	vst v63  }
0x29d: {  	_ =	swait.ge [sflag:s25], $0x7D0  }
0x29e: {  	s11 =	sld [smem:$0x7DC]  }
0x29f: {  	[sflag:s25] =	ssyncset.done $0x0  }
0x2a0: {  	[sflag:s25] =	ssyncadd.s32 $0xFFFFF830  }
0x2a1: {  	[tilespmem:s0], [sflag:$0x5] =	stream.linear.gather [hbm4b:s11+s8], $0x7D0, $0x38;
	[tilespmem:$0x1F898] =	vst v63  }
0x2a2: {  	_ =	swait.ge [sflag:s25], $0x7D0  }
0x2a3: {  	s11 =	sld [smem:$0x7DD]  }
0x2a4: {  	[sflag:s25] =	ssyncset.done $0x0  }
0x2a5: {  	[sflag:s25] =	ssyncadd.s32 $0xFFFFF830  }
0x2a6: {  	[tilespmem:s28], [sflag:$0x5] =	stream.linear.gather [hbm4b:s11+s8], $0x7D0, $0x38;
	[tilespmem:$0x1F898] =	vst v63  }
0x2a7: {  	_ =	swait.ge [sflag:s25], $0x7D0  }
0x2a8: {  	[sflag:s25] =	ssyncset.done $0x0  }
0x2a9: {  	s8 =	simm.s32 $0x0;
	[sflag:s25] =	ssyncadd.s32 $0xFFFFF830  }
0x2aa: {  	v3 =	vld [tilespmem:s8+$0x1F40];
	_ =	sdelay $0x1  }
0x2ab: {  	v2 =	vld [tilespmem:s8+$0x1770];
	_ =	sdelay $0x2  }
0x2ac: {  	v3 =	vmul.u32 $0xC350, v3  }
0x2ad: {  	s10 =	simm.s32 $0x10;
	s11 =	simm.s32 $0x80  }
.LBB2_32:
0x2ae: {  	p0 =	sne.s32 s11, $0x1F00;
	v4 =	vld [tilespmem:s10+$0x1F40];
	v2 =	vadd.s32 v2, v3  }
0x2af: {  	[tilespmem:s8+$0x1770] =	vst v2;
	s8 =	smov.u32 s10  }
.Ltmp15:
0x2b0: {  	v2 =	vld [tilespmem:s8+$0x1770];
	(pc) =	sbr.rel @p0 .LBB2_32-.Ltmp15, $3  }
0x2b1: {  	_ =	sdelay $0x1  }
0x2b2: {  	v3 =	vmul.u32 $0xC350, v4  }
0x2b3: {  	s10 =	sshra.s32 s11, $0x2;
	s11 =	sadd.s32 $0x40, s11  }
0x2b4: {  	v4 =	vld [tilespmem:s10+$0x1F40];
	v2 =	vadd.s32 v2, v3  }
0x2b5: {  	[tilespmem:s8+$0x1770] =	vst v2  }
0x2b6: {  	v2 =	vld [tilespmem:s10+$0x1770];
	_ =	sdelay $0x2  }
0x2b7: {  	v3 =	vmul.u32 $0xC350, v4;
	_ =	sdelay $0x1  }
0x2b8: {  	v2 =	vadd.s32 v2, v3  }
0x2b9: {  	[tilespmem:s10+$0x1770] =	vst v2  }
0x2ba: {  	[tilespmem:s1], [sflag:$0x2] =	stream.indirect.gather [hbm4b:s17+s29], $0x10, s0, s29, $0xb8;
	[tilespmem:$0x1F898] =	vst v63  }
0x2bb: {  	_ =	swait.ge [sflag:s2], $0x7D00  }
0x2bc: {  	[sflag:s2] =	ssyncset.done $0x0  }
0x2bd: {  	[sflag:s2] =	ssyncadd.s32 $0xFFFF8300  }
0x2be: {  	_ =	swait.ge [sflag:s3], $0x7D0  }
0x2bf: {  	[sflag:s3] =	ssyncset.done $0x0  }
0x2c0: {  	[sflag:s3] =	ssyncadd.s32 $0xFFFFF830  }
0x2c1: {  	_ =	swait.ge [sflag:s4], $0x7D00  }
0x2c2: {  	[sflag:s4] =	ssyncset.done $0x0  }
0x2c3: {  	[sflag:s4] =	ssyncadd.s32 $0xFFFF8300  }
0x2c4: {  	[spmem:s9] =	stream.indirect.scatter.add.f32 [tilespmem:s1], [sflag:$0x3], $0x10, s29, s29, $0xb8;
	[tilespmem:$0x1F898] =	vst v63  }
0x2c5: {  	s11 =	sld [smem:$0x7DE]  }
0x2c6: {  	[spmem:s14] =	stream.indirect.scatter.add.f32 [tilespmem:s31], [sflag:$0x4], $0x1, s29, s29, $0xb8;
	[tilespmem:$0x1F898] =	vst v63  }
0x2c7: {  	s8 =	simm.s32 $0x0  }
0x2c8: {  	[tilespmem:s8], [sflag:$0x5] =	stream.linear.gather [hbm4b:s11+s8], $0x7D0, $0x38;
	[tilespmem:$0x1F898] =	vst v63  }
0x2c9: {  	_ =	swait.ge [sflag:s25], $0x7D0  }
0x2ca: {  	s11 =	sld [smem:$0x7DF]  }
0x2cb: {  	[sflag:s25] =	ssyncset.done $0x0  }
0x2cc: {  	[sflag:s25] =	ssyncadd.s32 $0xFFFFF830  }
0x2cd: {  	[tilespmem:s26], [sflag:$0x5] =	stream.linear.gather [hbm4b:s11+s8], $0x7D0, $0x38;
	[tilespmem:$0x1F898] =	vst v63  }
0x2ce: {  	_ =	swait.ge [sflag:s25], $0x7D0  }
0x2cf: {  	s11 =	sld [smem:$0x7E0]  }
0x2d0: {  	[sflag:s25] =	ssyncset.done $0x0  }
0x2d1: {  	[sflag:s25] =	ssyncadd.s32 $0xFFFFF830  }
0x2d2: {  	[tilespmem:s28], [sflag:$0x5] =	stream.linear.gather [hbm4b:s11+s8], $0x7D0, $0x38;
	[tilespmem:$0x1F898] =	vst v63  }
0x2d3: {  	_ =	swait.ge [sflag:s25], $0x7D0  }
0x2d4: {  	[sflag:s25] =	ssyncset.done $0x0  }
0x2d5: {  	s8 =	simm.s32 $0x0;
	[sflag:s25] =	ssyncadd.s32 $0xFFFFF830  }
0x2d6: {  	v3 =	vld [tilespmem:s8+$0x1F40];
	_ =	sdelay $0x1  }
0x2d7: {  	v2 =	vld [tilespmem:s8+$0xFA0];
	_ =	sdelay $0x2  }
0x2d8: {  	v3 =	vmul.u32 $0xC350, v3  }
0x2d9: {  	s10 =	simm.s32 $0x10;
	s11 =	simm.s32 $0x80  }
.LBB2_34:
0x2da: {  	p0 =	sne.s32 s11, $0x1F00;
	v4 =	vld [tilespmem:s10+$0x1F40];
	v2 =	vadd.s32 v2, v3  }
0x2db: {  	[tilespmem:s8+$0xFA0] =	vst v2;
	s8 =	smov.u32 s10  }
.Ltmp16:
0x2dc: {  	v2 =	vld [tilespmem:s8+$0xFA0];
	(pc) =	sbr.rel @p0 .LBB2_34-.Ltmp16, $3  }
0x2dd: {  	_ =	sdelay $0x1  }
0x2de: {  	v3 =	vmul.u32 $0xC350, v4  }
0x2df: {  	s10 =	sshra.s32 s11, $0x2;
	s11 =	sadd.s32 $0x40, s11  }
0x2e0: {  	v4 =	vld [tilespmem:s10+$0x1F40];
	v2 =	vadd.s32 v2, v3  }
0x2e1: {  	[tilespmem:s8+$0xFA0] =	vst v2  }
0x2e2: {  	v2 =	vld [tilespmem:s10+$0xFA0];
	_ =	sdelay $0x2  }
0x2e3: {  	v3 =	vmul.u32 $0xC350, v4;
	_ =	sdelay $0x1  }
0x2e4: {  	v2 =	vadd.s32 v2, v3  }
0x2e5: {  	[tilespmem:s10+$0xFA0] =	vst v2  }
0x2e6: {  	[tilespmem:s24], [sflag:$0x1] =	stream.indirect.gather [hbm4b:s17+s29], $0x10, s26, s29, $0xb8;
	[tilespmem:$0x1F898] =	vst v63  }
0x2e7: {  	_ =	swait.ge [sflag:s2], $0x7D00  }
0x2e8: {  	[sflag:s2] =	ssyncset.done $0x0  }
0x2e9: {  	[sflag:s2] =	ssyncadd.s32 $0xFFFF8300  }
0x2ea: {  	_ =	swait.ge [sflag:s3], $0x7D0  }
0x2eb: {  	[sflag:s3] =	ssyncset.done $0x0  }
0x2ec: {  	[sflag:s3] =	ssyncadd.s32 $0xFFFFF830  }
0x2ed: {  	_ =	swait.ge [sflag:s30], $0x7D00  }
0x2ee: {  	[sflag:s30] =	ssyncset.done $0x0  }
0x2ef: {  	s8 =	simm.s32 $0x0;
	[sflag:s30] =	ssyncadd.s32 $0xFFFF8300  }
0x2f0: {  	[spmem:s9] =	stream.indirect.scatter.add.f32 [tilespmem:s24], [sflag:$0x3], $0x10, s8, s29, $0xb8;
	[tilespmem:$0x1F898] =	vst v63  }
0x2f1: {  	s11 =	sld [smem:$0x7E1]  }
0x2f2: {  	[spmem:s14] =	stream.indirect.scatter.add.f32 [tilespmem:s31], [sflag:$0x4], $0x1, s8, s29, $0xb8;
	[tilespmem:$0x1F898] =	vst v63  }
0x2f3: {  	_ = 	snop  }
0x2f4: {  	[tilespmem:s29], [sflag:$0x5] =	stream.linear.gather [hbm4b:s11+s8], $0x7D0, $0x38;
	[tilespmem:$0x1F898] =	vst v63  }
0x2f5: {  	_ =	swait.ge [sflag:s25], $0x7D0  }
0x2f6: {  	s11 =	sld [smem:$0x7E2]  }
0x2f7: {  	[sflag:s25] =	ssyncset.done $0x0  }
0x2f8: {  	[sflag:s25] =	ssyncadd.s32 $0xFFFFF830  }
0x2f9: {  	[tilespmem:s0], [sflag:$0x5] =	stream.linear.gather [hbm4b:s11+s8], $0x7D0, $0x38;
	[tilespmem:$0x1F898] =	vst v63  }
0x2fa: {  	_ =	swait.ge [sflag:s25], $0x7D0  }
0x2fb: {  	s11 =	sld [smem:$0x7E3]  }
0x2fc: {  	[sflag:s25] =	ssyncset.done $0x0  }
0x2fd: {  	[sflag:s25] =	ssyncadd.s32 $0xFFFFF830  }
0x2fe: {  	[tilespmem:s28], [sflag:$0x5] =	stream.linear.gather [hbm4b:s11+s8], $0x7D0, $0x38;
	[tilespmem:$0x1F898] =	vst v63  }
0x2ff: {  	_ =	swait.ge [sflag:s25], $0x7D0  }
0x300: {  	[sflag:s25] =	ssyncset.done $0x0  }
0x301: {  	s8 =	simm.s32 $0x0;
	[sflag:s25] =	ssyncadd.s32 $0xFFFFF830  }
0x302: {  	v3 =	vld [tilespmem:s8+$0x1F40];
	_ =	sdelay $0x1  }
0x303: {  	v2 =	vld [tilespmem:s8+$0x1770];
	_ =	sdelay $0x2  }
0x304: {  	v3 =	vmul.u32 $0xC350, v3  }
0x305: {  	s10 =	simm.s32 $0x10;
	s11 =	simm.s32 $0x80  }
.LBB2_36:
0x306: {  	p0 =	sne.s32 s11, $0x1F00;
	v4 =	vld [tilespmem:s10+$0x1F40];
	v2 =	vadd.s32 v2, v3  }
0x307: {  	[tilespmem:s8+$0x1770] =	vst v2;
	s8 =	smov.u32 s10  }
.Ltmp17:
0x308: {  	v2 =	vld [tilespmem:s8+$0x1770];
	(pc) =	sbr.rel @p0 .LBB2_36-.Ltmp17, $3  }
0x309: {  	_ =	sdelay $0x1  }
0x30a: {  	v3 =	vmul.u32 $0xC350, v4  }
0x30b: {  	s10 =	sshra.s32 s11, $0x2;
	s11 =	sadd.s32 $0x40, s11  }
0x30c: {  	v4 =	vld [tilespmem:s10+$0x1F40];
	v2 =	vadd.s32 v2, v3  }
0x30d: {  	[tilespmem:s8+$0x1770] =	vst v2  }
0x30e: {  	v2 =	vld [tilespmem:s10+$0x1770];
	_ =	sdelay $0x2  }
0x30f: {  	v3 =	vmul.u32 $0xC350, v4;
	_ =	sdelay $0x1  }
0x310: {  	v2 =	vadd.s32 v2, v3  }
0x311: {  	[tilespmem:s10+$0x1770] =	vst v2  }
0x312: {  	[tilespmem:s1], [sflag:$0x2] =	stream.indirect.gather [hbm4b:s17+s29], $0x10, s0, s29, $0xb8;
	[tilespmem:$0x1F898] =	vst v63  }
0x313: {  	_ =	swait.ge [sflag:s2], $0x7D00  }
0x314: {  	[sflag:s2] =	ssyncset.done $0x0  }
0x315: {  	[sflag:s2] =	ssyncadd.s32 $0xFFFF8300  }
0x316: {  	_ =	swait.ge [sflag:s3], $0x7D0  }
0x317: {  	[sflag:s3] =	ssyncset.done $0x0  }
0x318: {  	[sflag:s3] =	ssyncadd.s32 $0xFFFFF830  }
0x319: {  	_ =	swait.ge [sflag:s4], $0x7D00  }
0x31a: {  	[sflag:s4] =	ssyncset.done $0x0  }
0x31b: {  	[sflag:s4] =	ssyncadd.s32 $0xFFFF8300  }
0x31c: {  	[spmem:s9] =	stream.indirect.scatter.add.f32 [tilespmem:s1], [sflag:$0x3], $0x10, s29, s29, $0xb8;
	[tilespmem:$0x1F898] =	vst v63  }
0x31d: {  	s11 =	sld [smem:$0x7E4]  }
0x31e: {  	[spmem:s14] =	stream.indirect.scatter.add.f32 [tilespmem:s31], [sflag:$0x4], $0x1, s29, s29, $0xb8;
	[tilespmem:$0x1F898] =	vst v63  }
0x31f: {  	s8 =	simm.s32 $0x0  }
0x320: {  	[tilespmem:s8], [sflag:$0x5] =	stream.linear.gather [hbm4b:s11+s8], $0x7D0, $0x38;
	[tilespmem:$0x1F898] =	vst v63  }
0x321: {  	_ =	swait.ge [sflag:s25], $0x7D0  }
0x322: {  	s11 =	sld [smem:$0x7E5]  }
0x323: {  	[sflag:s25] =	ssyncset.done $0x0  }
0x324: {  	[sflag:s25] =	ssyncadd.s32 $0xFFFFF830  }
0x325: {  	[tilespmem:s26], [sflag:$0x5] =	stream.linear.gather [hbm4b:s11+s8], $0x7D0, $0x38;
	[tilespmem:$0x1F898] =	vst v63  }
0x326: {  	_ =	swait.ge [sflag:s25], $0x7D0  }
0x327: {  	s11 =	sld [smem:$0x7E6]  }
0x328: {  	[sflag:s25] =	ssyncset.done $0x0  }
0x329: {  	[sflag:s25] =	ssyncadd.s32 $0xFFFFF830  }
0x32a: {  	[tilespmem:s28], [sflag:$0x5] =	stream.linear.gather [hbm4b:s11+s8], $0x7D0, $0x38;
	[tilespmem:$0x1F898] =	vst v63  }
0x32b: {  	_ =	swait.ge [sflag:s25], $0x7D0  }
0x32c: {  	[sflag:s25] =	ssyncset.done $0x0  }
0x32d: {  	s8 =	simm.s32 $0x0;
	[sflag:s25] =	ssyncadd.s32 $0xFFFFF830  }
0x32e: {  	v3 =	vld [tilespmem:s8+$0x1F40];
	_ =	sdelay $0x1  }
0x32f: {  	v2 =	vld [tilespmem:s8+$0xFA0];
	_ =	sdelay $0x2  }
0x330: {  	v3 =	vmul.u32 $0xC350, v3  }
0x331: {  	s10 =	simm.s32 $0x10;
	s11 =	simm.s32 $0x80  }
.LBB2_38:
0x332: {  	p0 =	sne.s32 s11, $0x1F00;
	v4 =	vld [tilespmem:s10+$0x1F40];
	v2 =	vadd.s32 v2, v3  }
0x333: {  	[tilespmem:s8+$0xFA0] =	vst v2;
	s8 =	smov.u32 s10  }
.Ltmp18:
0x334: {  	v2 =	vld [tilespmem:s8+$0xFA0];
	(pc) =	sbr.rel @p0 .LBB2_38-.Ltmp18, $3  }
0x335: {  	_ =	sdelay $0x1  }
0x336: {  	v3 =	vmul.u32 $0xC350, v4  }
0x337: {  	s10 =	sshra.s32 s11, $0x2;
	s11 =	sadd.s32 $0x40, s11  }
0x338: {  	v4 =	vld [tilespmem:s10+$0x1F40];
	v2 =	vadd.s32 v2, v3  }
0x339: {  	[tilespmem:s8+$0xFA0] =	vst v2  }
0x33a: {  	v2 =	vld [tilespmem:s10+$0xFA0];
	_ =	sdelay $0x2  }
0x33b: {  	v3 =	vmul.u32 $0xC350, v4;
	_ =	sdelay $0x1  }
0x33c: {  	v2 =	vadd.s32 v2, v3  }
0x33d: {  	[tilespmem:s10+$0xFA0] =	vst v2  }
0x33e: {  	[tilespmem:s24], [sflag:$0x1] =	stream.indirect.gather [hbm4b:s17+s29], $0x10, s26, s29, $0xb8;
	[tilespmem:$0x1F898] =	vst v63  }
0x33f: {  	_ =	swait.ge [sflag:s2], $0x7D00  }
0x340: {  	[sflag:s2] =	ssyncset.done $0x0  }
0x341: {  	[sflag:s2] =	ssyncadd.s32 $0xFFFF8300  }
0x342: {  	_ =	swait.ge [sflag:s3], $0x7D0  }
0x343: {  	[sflag:s3] =	ssyncset.done $0x0  }
0x344: {  	[sflag:s3] =	ssyncadd.s32 $0xFFFFF830  }
0x345: {  	_ =	swait.ge [sflag:s30], $0x7D00  }
0x346: {  	[sflag:s30] =	ssyncset.done $0x0  }
0x347: {  	s8 =	simm.s32 $0x0;
	[sflag:s30] =	ssyncadd.s32 $0xFFFF8300  }
0x348: {  	[spmem:s9] =	stream.indirect.scatter.add.f32 [tilespmem:s24], [sflag:$0x3], $0x10, s8, s29, $0xb8;
	[tilespmem:$0x1F898] =	vst v63  }
0x349: {  	s11 =	sld [smem:$0x7E7]  }
0x34a: {  	[spmem:s14] =	stream.indirect.scatter.add.f32 [tilespmem:s31], [sflag:$0x4], $0x1, s8, s29, $0xb8;
	[tilespmem:$0x1F898] =	vst v63  }
0x34b: {  	_ = 	snop  }
0x34c: {  	[tilespmem:s29], [sflag:$0x5] =	stream.linear.gather [hbm4b:s11+s8], $0x7D0, $0x38;
	[tilespmem:$0x1F898] =	vst v63  }
0x34d: {  	_ =	swait.ge [sflag:s25], $0x7D0  }
0x34e: {  	s11 =	sld [smem:$0x7E8]  }
0x34f: {  	[sflag:s25] =	ssyncset.done $0x0  }
0x350: {  	[sflag:s25] =	ssyncadd.s32 $0xFFFFF830  }
0x351: {  	[tilespmem:s0], [sflag:$0x5] =	stream.linear.gather [hbm4b:s11+s8], $0x7D0, $0x38;
	[tilespmem:$0x1F898] =	vst v63  }
0x352: {  	_ =	swait.ge [sflag:s25], $0x7D0  }
0x353: {  	s11 =	sld [smem:$0x7E9]  }
0x354: {  	[sflag:s25] =	ssyncset.done $0x0  }
0x355: {  	[sflag:s25] =	ssyncadd.s32 $0xFFFFF830  }
0x356: {  	[tilespmem:s28], [sflag:$0x5] =	stream.linear.gather [hbm4b:s11+s8], $0x7D0, $0x38;
	[tilespmem:$0x1F898] =	vst v63  }
0x357: {  	_ =	swait.ge [sflag:s25], $0x7D0  }
0x358: {  	[sflag:s25] =	ssyncset.done $0x0  }
0x359: {  	s8 =	simm.s32 $0x0;
	[sflag:s25] =	ssyncadd.s32 $0xFFFFF830  }
0x35a: {  	v3 =	vld [tilespmem:s8+$0x1F40];
	_ =	sdelay $0x1  }
0x35b: {  	v2 =	vld [tilespmem:s8+$0x1770];
	_ =	sdelay $0x2  }
0x35c: {  	v3 =	vmul.u32 $0xC350, v3  }
0x35d: {  	s10 =	simm.s32 $0x10;
	s11 =	simm.s32 $0x80  }
.LBB2_40:
0x35e: {  	p0 =	sne.s32 s11, $0x1F00;
	v4 =	vld [tilespmem:s10+$0x1F40];
	v2 =	vadd.s32 v2, v3  }
0x35f: {  	[tilespmem:s8+$0x1770] =	vst v2;
	s8 =	smov.u32 s10  }
.Ltmp19:
0x360: {  	v2 =	vld [tilespmem:s8+$0x1770];
	(pc) =	sbr.rel @p0 .LBB2_40-.Ltmp19, $3  }
0x361: {  	_ =	sdelay $0x1  }
0x362: {  	v3 =	vmul.u32 $0xC350, v4  }
0x363: {  	s10 =	sshra.s32 s11, $0x2;
	s11 =	sadd.s32 $0x40, s11  }
0x364: {  	v4 =	vld [tilespmem:s10+$0x1F40];
	v2 =	vadd.s32 v2, v3  }
0x365: {  	[tilespmem:s8+$0x1770] =	vst v2  }
0x366: {  	v2 =	vld [tilespmem:s10+$0x1770];
	_ =	sdelay $0x2  }
0x367: {  	v3 =	vmul.u32 $0xC350, v4;
	_ =	sdelay $0x1  }
0x368: {  	v2 =	vadd.s32 v2, v3  }
0x369: {  	[tilespmem:s10+$0x1770] =	vst v2  }
0x36a: {  	[tilespmem:s1], [sflag:$0x2] =	stream.indirect.gather [hbm4b:s17+s29], $0x10, s0, s29, $0xb8;
	[tilespmem:$0x1F898] =	vst v63  }
0x36b: {  	_ =	swait.ge [sflag:s2], $0x7D00  }
0x36c: {  	[sflag:s2] =	ssyncset.done $0x0  }
0x36d: {  	[sflag:s2] =	ssyncadd.s32 $0xFFFF8300  }
0x36e: {  	_ =	swait.ge [sflag:s3], $0x7D0  }
0x36f: {  	[sflag:s3] =	ssyncset.done $0x0  }
0x370: {  	[sflag:s3] =	ssyncadd.s32 $0xFFFFF830  }
0x371: {  	_ =	swait.ge [sflag:s4], $0x7D00  }
0x372: {  	[sflag:s4] =	ssyncset.done $0x0  }
0x373: {  	[sflag:s4] =	ssyncadd.s32 $0xFFFF8300  }
0x374: {  	[spmem:s9] =	stream.indirect.scatter.add.f32 [tilespmem:s1], [sflag:$0x3], $0x10, s29, s29, $0xb8;
	[tilespmem:$0x1F898] =	vst v63  }
0x375: {  	s11 =	sld [smem:$0x7EA]  }
0x376: {  	[spmem:s14] =	stream.indirect.scatter.add.f32 [tilespmem:s31], [sflag:$0x4], $0x1, s29, s29, $0xb8;
	[tilespmem:$0x1F898] =	vst v63  }
0x377: {  	s8 =	simm.s32 $0x0  }
0x378: {  	[tilespmem:s8], [sflag:$0x5] =	stream.linear.gather [hbm4b:s11+s8], $0x7D0, $0x38;
	[tilespmem:$0x1F898] =	vst v63  }
0x379: {  	_ =	swait.ge [sflag:s25], $0x7D0  }
0x37a: {  	s11 =	sld [smem:$0x7EB]  }
0x37b: {  	[sflag:s25] =	ssyncset.done $0x0  }
0x37c: {  	[sflag:s25] =	ssyncadd.s32 $0xFFFFF830  }
0x37d: {  	[tilespmem:s26], [sflag:$0x5] =	stream.linear.gather [hbm4b:s11+s8], $0x7D0, $0x38;
	[tilespmem:$0x1F898] =	vst v63  }
0x37e: {  	_ =	swait.ge [sflag:s25], $0x7D0  }
0x37f: {  	s11 =	sld [smem:$0x7EC]  }
0x380: {  	[sflag:s25] =	ssyncset.done $0x0  }
0x381: {  	[sflag:s25] =	ssyncadd.s32 $0xFFFFF830  }
0x382: {  	[tilespmem:s28], [sflag:$0x5] =	stream.linear.gather [hbm4b:s11+s8], $0x7D0, $0x38;
	[tilespmem:$0x1F898] =	vst v63  }
0x383: {  	_ =	swait.ge [sflag:s25], $0x7D0  }
0x384: {  	[sflag:s25] =	ssyncset.done $0x0  }
0x385: {  	s8 =	simm.s32 $0x0;
	[sflag:s25] =	ssyncadd.s32 $0xFFFFF830  }
0x386: {  	v3 =	vld [tilespmem:s8+$0x1F40];
	_ =	sdelay $0x1  }
0x387: {  	v2 =	vld [tilespmem:s8+$0xFA0];
	_ =	sdelay $0x2  }
0x388: {  	v3 =	vmul.u32 $0xC350, v3  }
0x389: {  	s10 =	simm.s32 $0x10;
	s11 =	simm.s32 $0x80  }
.LBB2_42:
0x38a: {  	p0 =	sne.s32 s11, $0x1F00;
	v4 =	vld [tilespmem:s10+$0x1F40];
	v2 =	vadd.s32 v2, v3  }
0x38b: {  	[tilespmem:s8+$0xFA0] =	vst v2;
	s8 =	smov.u32 s10  }
.Ltmp20:
0x38c: {  	v2 =	vld [tilespmem:s8+$0xFA0];
	(pc) =	sbr.rel @p0 .LBB2_42-.Ltmp20, $3  }
0x38d: {  	_ =	sdelay $0x1  }
0x38e: {  	v3 =	vmul.u32 $0xC350, v4  }
0x38f: {  	s10 =	sshra.s32 s11, $0x2;
	s11 =	sadd.s32 $0x40, s11  }
0x390: {  	v4 =	vld [tilespmem:s10+$0x1F40];
	v2 =	vadd.s32 v2, v3  }
0x391: {  	[tilespmem:s8+$0xFA0] =	vst v2  }
0x392: {  	v2 =	vld [tilespmem:s10+$0xFA0];
	_ =	sdelay $0x2  }
0x393: {  	v3 =	vmul.u32 $0xC350, v4;
	_ =	sdelay $0x1  }
0x394: {  	v2 =	vadd.s32 v2, v3  }
0x395: {  	[tilespmem:s10+$0xFA0] =	vst v2  }
0x396: {  	[tilespmem:s24], [sflag:$0x1] =	stream.indirect.gather [hbm4b:s17+s29], $0x10, s26, s29, $0xb8;
	[tilespmem:$0x1F898] =	vst v63  }
0x397: {  	_ =	swait.ge [sflag:s2], $0x7D00  }
0x398: {  	[sflag:s2] =	ssyncset.done $0x0  }
0x399: {  	[sflag:s2] =	ssyncadd.s32 $0xFFFF8300  }
0x39a: {  	_ =	swait.ge [sflag:s3], $0x7D0  }
0x39b: {  	[sflag:s3] =	ssyncset.done $0x0  }
0x39c: {  	[sflag:s3] =	ssyncadd.s32 $0xFFFFF830  }
0x39d: {  	_ =	swait.ge [sflag:s30], $0x7D00  }
0x39e: {  	[sflag:s30] =	ssyncset.done $0x0  }
0x39f: {  	s8 =	simm.s32 $0x0;
	[sflag:s30] =	ssyncadd.s32 $0xFFFF8300  }
0x3a0: {  	[spmem:s9] =	stream.indirect.scatter.add.f32 [tilespmem:s24], [sflag:$0x3], $0x10, s8, s29, $0xb8;
	[tilespmem:$0x1F898] =	vst v63  }
0x3a1: {  	s11 =	sld [smem:$0x7ED]  }
0x3a2: {  	[spmem:s14] =	stream.indirect.scatter.add.f32 [tilespmem:s31], [sflag:$0x4], $0x1, s8, s29, $0xb8;
	[tilespmem:$0x1F898] =	vst v63  }
0x3a3: {  	_ = 	snop  }
0x3a4: {  	[tilespmem:s29], [sflag:$0x5] =	stream.linear.gather [hbm4b:s11+s8], $0x7D0, $0x38;
	[tilespmem:$0x1F898] =	vst v63  }
0x3a5: {  	_ =	swait.ge [sflag:s25], $0x7D0  }
0x3a6: {  	s11 =	sld [smem:$0x7EE]  }
0x3a7: {  	[sflag:s25] =	ssyncset.done $0x0  }
0x3a8: {  	[sflag:s25] =	ssyncadd.s32 $0xFFFFF830  }
0x3a9: {  	[tilespmem:s0], [sflag:$0x5] =	stream.linear.gather [hbm4b:s11+s8], $0x7D0, $0x38;
	[tilespmem:$0x1F898] =	vst v63  }
0x3aa: {  	_ =	swait.ge [sflag:s25], $0x7D0  }
0x3ab: {  	s11 =	sld [smem:$0x7EF]  }
0x3ac: {  	[sflag:s25] =	ssyncset.done $0x0  }
0x3ad: {  	[sflag:s25] =	ssyncadd.s32 $0xFFFFF830  }
0x3ae: {  	[tilespmem:s28], [sflag:$0x5] =	stream.linear.gather [hbm4b:s11+s8], $0x7D0, $0x38;
	[tilespmem:$0x1F898] =	vst v63  }
0x3af: {  	_ =	swait.ge [sflag:s25], $0x7D0  }
0x3b0: {  	[sflag:s25] =	ssyncset.done $0x0  }
0x3b1: {  	s8 =	simm.s32 $0x0;
	[sflag:s25] =	ssyncadd.s32 $0xFFFFF830  }
0x3b2: {  	v3 =	vld [tilespmem:s8+$0x1F40];
	_ =	sdelay $0x1  }
0x3b3: {  	v2 =	vld [tilespmem:s8+$0x1770];
	_ =	sdelay $0x2  }
0x3b4: {  	v3 =	vmul.u32 $0xC350, v3  }
0x3b5: {  	s10 =	simm.s32 $0x10;
	s11 =	simm.s32 $0x80  }
.LBB2_44:
0x3b6: {  	p0 =	sne.s32 s11, $0x1F00;
	v4 =	vld [tilespmem:s10+$0x1F40];
	v2 =	vadd.s32 v2, v3  }
0x3b7: {  	[tilespmem:s8+$0x1770] =	vst v2;
	s8 =	smov.u32 s10  }
.Ltmp21:
0x3b8: {  	v2 =	vld [tilespmem:s8+$0x1770];
	(pc) =	sbr.rel @p0 .LBB2_44-.Ltmp21, $3  }
0x3b9: {  	_ =	sdelay $0x1  }
0x3ba: {  	v3 =	vmul.u32 $0xC350, v4  }
0x3bb: {  	s10 =	sshra.s32 s11, $0x2;
	s11 =	sadd.s32 $0x40, s11  }
0x3bc: {  	v4 =	vld [tilespmem:s10+$0x1F40];
	v2 =	vadd.s32 v2, v3  }
0x3bd: {  	[tilespmem:s8+$0x1770] =	vst v2  }
0x3be: {  	v2 =	vld [tilespmem:s10+$0x1770];
	_ =	sdelay $0x2  }
0x3bf: {  	v3 =	vmul.u32 $0xC350, v4;
	_ =	sdelay $0x1  }
0x3c0: {  	v2 =	vadd.s32 v2, v3  }
0x3c1: {  	[tilespmem:s10+$0x1770] =	vst v2  }
0x3c2: {  	[tilespmem:s1], [sflag:$0x2] =	stream.indirect.gather [hbm4b:s17+s29], $0x10, s0, s29, $0xb8;
	[tilespmem:$0x1F898] =	vst v63  }
0x3c3: {  	_ =	swait.ge [sflag:s2], $0x7D00  }
0x3c4: {  	[sflag:s2] =	ssyncset.done $0x0  }
0x3c5: {  	[sflag:s2] =	ssyncadd.s32 $0xFFFF8300  }
0x3c6: {  	_ =	swait.ge [sflag:s3], $0x7D0  }
0x3c7: {  	[sflag:s3] =	ssyncset.done $0x0  }
0x3c8: {  	[sflag:s3] =	ssyncadd.s32 $0xFFFFF830  }
0x3c9: {  	_ =	swait.ge [sflag:s4], $0x7D00  }
0x3ca: {  	[sflag:s4] =	ssyncset.done $0x0  }
0x3cb: {  	[sflag:s4] =	ssyncadd.s32 $0xFFFF8300  }
0x3cc: {  	[spmem:s9] =	stream.indirect.scatter.add.f32 [tilespmem:s1], [sflag:$0x3], $0x10, s29, s29, $0xb8;
	[tilespmem:$0x1F898] =	vst v63  }
0x3cd: {  	s11 =	sld [smem:$0x7F0]  }
0x3ce: {  	[spmem:s14] =	stream.indirect.scatter.add.f32 [tilespmem:s31], [sflag:$0x4], $0x1, s29, s29, $0xb8;
	[tilespmem:$0x1F898] =	vst v63  }
0x3cf: {  	s8 =	simm.s32 $0x0  }
0x3d0: {  	[tilespmem:s8], [sflag:$0x5] =	stream.linear.gather [hbm4b:s11+s8], $0x7D0, $0x38;
	[tilespmem:$0x1F898] =	vst v63  }
0x3d1: {  	_ =	swait.ge [sflag:s25], $0x7D0  }
0x3d2: {  	s11 =	sld [smem:$0x7F1]  }
0x3d3: {  	[sflag:s25] =	ssyncset.done $0x0  }
0x3d4: {  	[sflag:s25] =	ssyncadd.s32 $0xFFFFF830  }
0x3d5: {  	[tilespmem:s26], [sflag:$0x5] =	stream.linear.gather [hbm4b:s11+s8], $0x7D0, $0x38;
	[tilespmem:$0x1F898] =	vst v63  }
0x3d6: {  	_ =	swait.ge [sflag:s25], $0x7D0  }
0x3d7: {  	s11 =	sld [smem:$0x7F2]  }
0x3d8: {  	[sflag:s25] =	ssyncset.done $0x0  }
0x3d9: {  	[sflag:s25] =	ssyncadd.s32 $0xFFFFF830  }
0x3da: {  	[tilespmem:s28], [sflag:$0x5] =	stream.linear.gather [hbm4b:s11+s8], $0x7D0, $0x38;
	[tilespmem:$0x1F898] =	vst v63  }
0x3db: {  	_ =	swait.ge [sflag:s25], $0x7D0  }
0x3dc: {  	[sflag:s25] =	ssyncset.done $0x0  }
0x3dd: {  	s8 =	simm.s32 $0x0;
	[sflag:s25] =	ssyncadd.s32 $0xFFFFF830  }
0x3de: {  	v3 =	vld [tilespmem:s8+$0x1F40];
	_ =	sdelay $0x1  }
0x3df: {  	v2 =	vld [tilespmem:s8+$0xFA0];
	_ =	sdelay $0x2  }
0x3e0: {  	v3 =	vmul.u32 $0xC350, v3  }
0x3e1: {  	s10 =	simm.s32 $0x10;
	s11 =	simm.s32 $0x80  }
.LBB2_46:
0x3e2: {  	p0 =	sne.s32 s11, $0x1F00;
	v4 =	vld [tilespmem:s10+$0x1F40];
	v2 =	vadd.s32 v2, v3  }
0x3e3: {  	[tilespmem:s8+$0xFA0] =	vst v2;
	s8 =	smov.u32 s10  }
.Ltmp22:
0x3e4: {  	v2 =	vld [tilespmem:s8+$0xFA0];
	(pc) =	sbr.rel @p0 .LBB2_46-.Ltmp22, $3  }
0x3e5: {  	_ =	sdelay $0x1  }
0x3e6: {  	v3 =	vmul.u32 $0xC350, v4  }
0x3e7: {  	s10 =	sshra.s32 s11, $0x2;
	s11 =	sadd.s32 $0x40, s11  }
0x3e8: {  	v4 =	vld [tilespmem:s10+$0x1F40];
	v2 =	vadd.s32 v2, v3  }
0x3e9: {  	[tilespmem:s8+$0xFA0] =	vst v2  }
0x3ea: {  	v2 =	vld [tilespmem:s10+$0xFA0];
	_ =	sdelay $0x2  }
0x3eb: {  	v3 =	vmul.u32 $0xC350, v4;
	_ =	sdelay $0x1  }
0x3ec: {  	v2 =	vadd.s32 v2, v3  }
0x3ed: {  	[tilespmem:s10+$0xFA0] =	vst v2  }
0x3ee: {  	[tilespmem:s24], [sflag:$0x1] =	stream.indirect.gather [hbm4b:s17+s29], $0x10, s26, s29, $0xb8;
	[tilespmem:$0x1F898] =	vst v63  }
0x3ef: {  	_ =	swait.ge [sflag:s2], $0x7D00  }
0x3f0: {  	[sflag:s2] =	ssyncset.done $0x0  }
0x3f1: {  	[sflag:s2] =	ssyncadd.s32 $0xFFFF8300  }
0x3f2: {  	_ =	swait.ge [sflag:s3], $0x7D0  }
0x3f3: {  	[sflag:s3] =	ssyncset.done $0x0  }
0x3f4: {  	[sflag:s3] =	ssyncadd.s32 $0xFFFFF830  }
0x3f5: {  	_ =	swait.ge [sflag:s30], $0x7D00  }
0x3f6: {  	[sflag:s30] =	ssyncset.done $0x0  }
0x3f7: {  	s8 =	simm.s32 $0x0;
	[sflag:s30] =	ssyncadd.s32 $0xFFFF8300  }
0x3f8: {  	[spmem:s9] =	stream.indirect.scatter.add.f32 [tilespmem:s24], [sflag:$0x3], $0x10, s8, s29, $0xb8;
	[tilespmem:$0x1F898] =	vst v63  }
0x3f9: {  	s11 =	sld [smem:$0x7F3]  }
0x3fa: {  	[spmem:s14] =	stream.indirect.scatter.add.f32 [tilespmem:s31], [sflag:$0x4], $0x1, s8, s29, $0xb8;
	[tilespmem:$0x1F898] =	vst v63  }
0x3fb: {  	_ = 	snop  }
0x3fc: {  	[tilespmem:s29], [sflag:$0x5] =	stream.linear.gather [hbm4b:s11+s8], $0x7D0, $0x38;
	[tilespmem:$0x1F898] =	vst v63  }
0x3fd: {  	_ =	swait.ge [sflag:s25], $0x7D0  }
0x3fe: {  	s11 =	sld [smem:$0x7F4]  }
0x3ff: {  	[sflag:s25] =	ssyncset.done $0x0  }
0x400: {  	[sflag:s25] =	ssyncadd.s32 $0xFFFFF830  }
0x401: {  	[tilespmem:s0], [sflag:$0x5] =	stream.linear.gather [hbm4b:s11+s8], $0x7D0, $0x38;
	[tilespmem:$0x1F898] =	vst v63  }
0x402: {  	_ =	swait.ge [sflag:s25], $0x7D0  }
0x403: {  	s11 =	sld [smem:$0x7F5]  }
0x404: {  	[sflag:s25] =	ssyncset.done $0x0  }
0x405: {  	[sflag:s25] =	ssyncadd.s32 $0xFFFFF830  }
0x406: {  	[tilespmem:s28], [sflag:$0x5] =	stream.linear.gather [hbm4b:s11+s8], $0x7D0, $0x38;
	[tilespmem:$0x1F898] =	vst v63  }
0x407: {  	_ =	swait.ge [sflag:s25], $0x7D0  }
0x408: {  	[sflag:s25] =	ssyncset.done $0x0  }
0x409: {  	s8 =	simm.s32 $0x0;
	[sflag:s25] =	ssyncadd.s32 $0xFFFFF830  }
0x40a: {  	v3 =	vld [tilespmem:s8+$0x1F40];
	_ =	sdelay $0x1  }
0x40b: {  	v2 =	vld [tilespmem:s8+$0x1770];
	_ =	sdelay $0x2  }
0x40c: {  	v3 =	vmul.u32 $0xC350, v3  }
0x40d: {  	s10 =	simm.s32 $0x10;
	s11 =	simm.s32 $0x80  }
.LBB2_48:
0x40e: {  	p0 =	sne.s32 s11, $0x1F00;
	v4 =	vld [tilespmem:s10+$0x1F40];
	v2 =	vadd.s32 v2, v3  }
0x40f: {  	[tilespmem:s8+$0x1770] =	vst v2;
	s8 =	smov.u32 s10  }
.Ltmp23:
0x410: {  	v2 =	vld [tilespmem:s8+$0x1770];
	(pc) =	sbr.rel @p0 .LBB2_48-.Ltmp23, $3  }
0x411: {  	_ =	sdelay $0x1  }
0x412: {  	v3 =	vmul.u32 $0xC350, v4  }
0x413: {  	s10 =	sshra.s32 s11, $0x2;
	s11 =	sadd.s32 $0x40, s11  }
0x414: {  	v4 =	vld [tilespmem:s10+$0x1F40];
	v2 =	vadd.s32 v2, v3  }
0x415: {  	[tilespmem:s8+$0x1770] =	vst v2  }
0x416: {  	v2 =	vld [tilespmem:s10+$0x1770];
	_ =	sdelay $0x2  }
0x417: {  	v3 =	vmul.u32 $0xC350, v4;
	_ =	sdelay $0x1  }
0x418: {  	v2 =	vadd.s32 v2, v3  }
0x419: {  	[tilespmem:s10+$0x1770] =	vst v2  }
0x41a: {  	[tilespmem:s1], [sflag:$0x2] =	stream.indirect.gather [hbm4b:s17+s29], $0x10, s0, s29, $0xb8;
	[tilespmem:$0x1F898] =	vst v63  }
0x41b: {  	_ =	swait.ge [sflag:s2], $0x7D00  }
0x41c: {  	[sflag:s2] =	ssyncset.done $0x0  }
0x41d: {  	[sflag:s2] =	ssyncadd.s32 $0xFFFF8300  }
0x41e: {  	_ =	swait.ge [sflag:s3], $0x7D0  }
0x41f: {  	[sflag:s3] =	ssyncset.done $0x0  }
0x420: {  	[sflag:s3] =	ssyncadd.s32 $0xFFFFF830  }
0x421: {  	_ =	swait.ge [sflag:s4], $0x7D00  }
0x422: {  	[sflag:s4] =	ssyncset.done $0x0  }
0x423: {  	[sflag:s4] =	ssyncadd.s32 $0xFFFF8300  }
0x424: {  	[spmem:s9] =	stream.indirect.scatter.add.f32 [tilespmem:s1], [sflag:$0x3], $0x10, s29, s29, $0xb8;
	[tilespmem:$0x1F898] =	vst v63  }
0x425: {  	s11 =	sld [smem:$0x7F6]  }
0x426: {  	[spmem:s14] =	stream.indirect.scatter.add.f32 [tilespmem:s31], [sflag:$0x4], $0x1, s29, s29, $0xb8;
	[tilespmem:$0x1F898] =	vst v63  }
0x427: {  	s8 =	simm.s32 $0x0  }
0x428: {  	[tilespmem:s8], [sflag:$0x5] =	stream.linear.gather [hbm4b:s11+s8], $0x7D0, $0x38;
	[tilespmem:$0x1F898] =	vst v63  }
0x429: {  	_ =	swait.ge [sflag:s25], $0x7D0  }
0x42a: {  	s11 =	sld [smem:$0x7F7]  }
0x42b: {  	[sflag:s25] =	ssyncset.done $0x0  }
0x42c: {  	[sflag:s25] =	ssyncadd.s32 $0xFFFFF830  }
0x42d: {  	[tilespmem:s26], [sflag:$0x5] =	stream.linear.gather [hbm4b:s11+s8], $0x7D0, $0x38;
	[tilespmem:$0x1F898] =	vst v63  }
0x42e: {  	_ =	swait.ge [sflag:s25], $0x7D0  }
0x42f: {  	s11 =	sld [smem:$0x7F8]  }
0x430: {  	[sflag:s25] =	ssyncset.done $0x0  }
0x431: {  	[sflag:s25] =	ssyncadd.s32 $0xFFFFF830  }
0x432: {  	[tilespmem:s28], [sflag:$0x5] =	stream.linear.gather [hbm4b:s11+s8], $0x7D0, $0x38;
	[tilespmem:$0x1F898] =	vst v63  }
0x433: {  	_ =	swait.ge [sflag:s25], $0x7D0  }
0x434: {  	[sflag:s25] =	ssyncset.done $0x0  }
0x435: {  	s8 =	simm.s32 $0x0;
	[sflag:s25] =	ssyncadd.s32 $0xFFFFF830  }
0x436: {  	v3 =	vld [tilespmem:s8+$0x1F40];
	_ =	sdelay $0x1  }
0x437: {  	v2 =	vld [tilespmem:s8+$0xFA0];
	_ =	sdelay $0x2  }
0x438: {  	v3 =	vmul.u32 $0xC350, v3  }
0x439: {  	s10 =	simm.s32 $0x10;
	s11 =	simm.s32 $0x80  }
.LBB2_50:
0x43a: {  	p0 =	sne.s32 s11, $0x1F00;
	v4 =	vld [tilespmem:s10+$0x1F40];
	v2 =	vadd.s32 v2, v3  }
0x43b: {  	[tilespmem:s8+$0xFA0] =	vst v2;
	s8 =	smov.u32 s10  }
.Ltmp24:
0x43c: {  	v2 =	vld [tilespmem:s8+$0xFA0];
	(pc) =	sbr.rel @p0 .LBB2_50-.Ltmp24, $3  }
0x43d: {  	_ =	sdelay $0x1  }
0x43e: {  	v3 =	vmul.u32 $0xC350, v4  }
0x43f: {  	s10 =	sshra.s32 s11, $0x2;
	s11 =	sadd.s32 $0x40, s11  }
0x440: {  	v4 =	vld [tilespmem:s10+$0x1F40];
	v2 =	vadd.s32 v2, v3  }
0x441: {  	[tilespmem:s8+$0xFA0] =	vst v2  }
0x442: {  	v2 =	vld [tilespmem:s10+$0xFA0];
	_ =	sdelay $0x2  }
0x443: {  	v3 =	vmul.u32 $0xC350, v4;
	_ =	sdelay $0x1  }
0x444: {  	v2 =	vadd.s32 v2, v3  }
0x445: {  	[tilespmem:s10+$0xFA0] =	vst v2  }
0x446: {  	[tilespmem:s24], [sflag:$0x1] =	stream.indirect.gather [hbm4b:s17+s29], $0x10, s26, s29, $0xb8;
	[tilespmem:$0x1F898] =	vst v63  }
0x447: {  	_ =	swait.ge [sflag:s2], $0x7D00  }
0x448: {  	[sflag:s2] =	ssyncset.done $0x0  }
0x449: {  	[sflag:s2] =	ssyncadd.s32 $0xFFFF8300  }
0x44a: {  	_ =	swait.ge [sflag:s3], $0x7D0  }
0x44b: {  	[sflag:s3] =	ssyncset.done $0x0  }
0x44c: {  	[sflag:s3] =	ssyncadd.s32 $0xFFFFF830  }
0x44d: {  	_ =	swait.ge [sflag:s30], $0x7D00  }
0x44e: {  	[sflag:s30] =	ssyncset.done $0x0  }
0x44f: {  	s8 =	simm.s32 $0x0;
	[sflag:s30] =	ssyncadd.s32 $0xFFFF8300  }
0x450: {  	[spmem:s9] =	stream.indirect.scatter.add.f32 [tilespmem:s24], [sflag:$0x3], $0x10, s8, s29, $0xb8;
	[tilespmem:$0x1F898] =	vst v63  }
0x451: {  	s11 =	sld [smem:$0x7FC]  }
0x452: {  	[spmem:s14] =	stream.indirect.scatter.add.f32 [tilespmem:s31], [sflag:$0x4], $0x1, s8, s29, $0xb8;
	[tilespmem:$0x1F898] =	vst v63  }
0x453: {  	_ = 	snop  }
0x454: {  	[tilespmem:s29], [sflag:$0x5] =	stream.linear.gather [hbm4b:s11+s8], $0x7D0, $0x38;
	[tilespmem:$0x1F898] =	vst v63  }
0x455: {  	_ =	swait.ge [sflag:s25], $0x7D0  }
0x456: {  	s11 =	sld [smem:$0x7FD]  }
0x457: {  	[sflag:s25] =	ssyncset.done $0x0  }
0x458: {  	[sflag:s25] =	ssyncadd.s32 $0xFFFFF830  }
0x459: {  	[tilespmem:s0], [sflag:$0x5] =	stream.linear.gather [hbm4b:s11+s8], $0x7D0, $0x38;
	[tilespmem:$0x1F898] =	vst v63  }
0x45a: {  	_ =	swait.ge [sflag:s25], $0x7D0  }
0x45b: {  	[sflag:s25] =	ssyncset.done $0x0  }
0x45c: {  	[sflag:s25] =	ssyncadd.s32 $0xFFFFF830  }
0x45d: {  	[tilespmem:s28], [sflag:$0x5] =	stream.linear.gather [hbm4b:s12+s8], $0x7D0, $0x38;
	[tilespmem:$0x1F898] =	vst v63  }
0x45e: {  	_ =	swait.ge [sflag:s25], $0x7D0  }
0x45f: {  	[sflag:s25] =	ssyncset.done $0x0  }
0x460: {  	s8 =	simm.s32 $0x0;
	[sflag:s25] =	ssyncadd.s32 $0xFFFFF830  }
0x461: {  	v3 =	vld [tilespmem:s8+$0x1F40];
	_ =	sdelay $0x1  }
0x462: {  	v2 =	vld [tilespmem:s8+$0x1770];
	_ =	sdelay $0x2  }
0x463: {  	v3 =	vmul.u32 $0xC350, v3  }
0x464: {  	s10 =	simm.s32 $0x10;
	s11 =	simm.s32 $0x80  }
.LBB2_52:
0x465: {  	p0 =	sne.s32 s11, $0x1F00;
	v4 =	vld [tilespmem:s10+$0x1F40];
	v2 =	vadd.s32 v2, v3  }
0x466: {  	[tilespmem:s8+$0x1770] =	vst v2;
	s8 =	smov.u32 s10  }
.Ltmp25:
0x467: {  	v2 =	vld [tilespmem:s8+$0x1770];
	(pc) =	sbr.rel @p0 .LBB2_52-.Ltmp25, $3  }
0x468: {  	_ =	sdelay $0x1  }
0x469: {  	v3 =	vmul.u32 $0xC350, v4  }
0x46a: {  	s10 =	sshra.s32 s11, $0x2;
	s11 =	sadd.s32 $0x40, s11  }
0x46b: {  	v4 =	vld [tilespmem:s10+$0x1F40];
	v2 =	vadd.s32 v2, v3  }
0x46c: {  	[tilespmem:s8+$0x1770] =	vst v2  }
0x46d: {  	v2 =	vld [tilespmem:s10+$0x1770];
	_ =	sdelay $0x2  }
0x46e: {  	v3 =	vmul.u32 $0xC350, v4;
	_ =	sdelay $0x1  }
0x46f: {  	v2 =	vadd.s32 v2, v3  }
0x470: {  	[tilespmem:s10+$0x1770] =	vst v2  }
0x471: {  	[tilespmem:s1], [sflag:$0x2] =	stream.indirect.gather [hbm4b:s17+s29], $0x10, s0, s29, $0xb8;
	[tilespmem:$0x1F898] =	vst v63  }
0x472: {  	_ =	swait.ge [sflag:s2], $0x7D00  }
0x473: {  	[sflag:s2] =	ssyncset.done $0x0  }
0x474: {  	[sflag:s2] =	ssyncadd.s32 $0xFFFF8300  }
0x475: {  	_ =	swait.ge [sflag:s3], $0x7D0  }
0x476: {  	[sflag:s3] =	ssyncset.done $0x0  }
0x477: {  	[sflag:s3] =	ssyncadd.s32 $0xFFFFF830  }
0x478: {  	_ =	swait.ge [sflag:s4], $0x7D00  }
0x479: {  	[sflag:s4] =	ssyncset.done $0x0  }
0x47a: {  	[sflag:s4] =	ssyncadd.s32 $0xFFFF8300  }
0x47b: {  	[spmem:s9] =	stream.indirect.scatter.add.f32 [tilespmem:s1], [sflag:$0x3], $0x10, s29, s29, $0xb8;
	[tilespmem:$0x1F898] =	vst v63  }
0x47c: {  	_ = 	snop  }
0x47d: {  	[spmem:s14] =	stream.indirect.scatter.add.f32 [tilespmem:s31], [sflag:$0x4], $0x1, s29, s29, $0xb8;
	[tilespmem:$0x1F898] =	vst v63  }
0x47e: {  	s11 =	simm.s32 $0x0  }
0x47f: {  	[tilespmem:s11], [sflag:$0x5] =	stream.linear.gather [hbm4b:s13+s11], $0x7D0, $0x38;
	[tilespmem:$0x1F898] =	vst v63  }
0x480: {  	_ =	swait.ge [sflag:s25], $0x7D0  }
0x481: {  	[sflag:s25] =	ssyncset.done $0x0  }
0x482: {  	[sflag:s25] =	ssyncadd.s32 $0xFFFFF830  }
0x483: {  	[tilespmem:s26], [sflag:$0x5] =	stream.linear.gather [hbm4b:s15+s11], $0x7D0, $0x38;
	[tilespmem:$0x1F898] =	vst v63  }
0x484: {  	_ =	swait.ge [sflag:s25], $0x7D0  }
0x485: {  	[sflag:s25] =	ssyncset.done $0x0  }
0x486: {  	[sflag:s25] =	ssyncadd.s32 $0xFFFFF830  }
0x487: {  	[tilespmem:s28], [sflag:$0x5] =	stream.linear.gather [hbm4b:s16+s11], $0x7D0, $0x38;
	[tilespmem:$0x1F898] =	vst v63  }
0x488: {  	_ =	swait.ge [sflag:s25], $0x7D0  }
0x489: {  	[sflag:s25] =	ssyncset.done $0x0  }
0x48a: {  	s8 =	simm.s32 $0x0;
	[sflag:s25] =	ssyncadd.s32 $0xFFFFF830  }
0x48b: {  	v3 =	vld [tilespmem:s8+$0x1F40];
	_ =	sdelay $0x1  }
0x48c: {  	v2 =	vld [tilespmem:s8+$0xFA0];
	_ =	sdelay $0x2  }
0x48d: {  	v3 =	vmul.u32 $0xC350, v3  }
0x48e: {  	s10 =	simm.s32 $0x10;
	s11 =	simm.s32 $0x80  }
.LBB2_54:
0x48f: {  	p0 =	sne.s32 s11, $0x1F00;
	v4 =	vld [tilespmem:s10+$0x1F40];
	v2 =	vadd.s32 v2, v3  }
0x490: {  	[tilespmem:s8+$0xFA0] =	vst v2;
	s8 =	smov.u32 s10  }
.Ltmp26:
0x491: {  	v2 =	vld [tilespmem:s8+$0xFA0];
	(pc) =	sbr.rel @p0 .LBB2_54-.Ltmp26, $3  }
0x492: {  	_ =	sdelay $0x1  }
0x493: {  	v3 =	vmul.u32 $0xC350, v4  }
0x494: {  	s10 =	sshra.s32 s11, $0x2;
	s11 =	sadd.s32 $0x40, s11  }
0x495: {  	v4 =	vld [tilespmem:s10+$0x1F40];
	v2 =	vadd.s32 v2, v3  }
0x496: {  	[tilespmem:s8+$0xFA0] =	vst v2  }
0x497: {  	v2 =	vld [tilespmem:s10+$0xFA0];
	_ =	sdelay $0x2  }
0x498: {  	v3 =	vmul.u32 $0xC350, v4;
	_ =	sdelay $0x1  }
0x499: {  	v2 =	vadd.s32 v2, v3  }
0x49a: {  	[tilespmem:s10+$0xFA0] =	vst v2  }
0x49b: {  	[tilespmem:s24], [sflag:$0x1] =	stream.indirect.gather [hbm4b:s17+s29], $0x10, s26, s29, $0xb8;
	[tilespmem:$0x1F898] =	vst v63  }
0x49c: {  	_ =	swait.ge [sflag:s2], $0x7D00  }
0x49d: {  	[sflag:s2] =	ssyncset.done $0x0  }
0x49e: {  	[sflag:s2] =	ssyncadd.s32 $0xFFFF8300  }
0x49f: {  	_ =	swait.ge [sflag:s3], $0x7D0  }
0x4a0: {  	[sflag:s3] =	ssyncset.done $0x0  }
0x4a1: {  	[sflag:s3] =	ssyncadd.s32 $0xFFFFF830  }
0x4a2: {  	_ =	swait.ge [sflag:s30], $0x7D00  }
0x4a3: {  	[sflag:s30] =	ssyncset.done $0x0  }
0x4a4: {  	s10 =	simm.s32 $0x0;
	[sflag:s30] =	ssyncadd.s32 $0xFFFF8300  }
0x4a5: {  	[spmem:s9] =	stream.indirect.scatter.add.f32 [tilespmem:s24], [sflag:$0x3], $0x10, s10, s29, $0xb8;
	[tilespmem:$0x1F898] =	vst v63  }
0x4a6: {  	_ = 	snop  }
0x4a7: {  	[spmem:s14] =	stream.indirect.scatter.add.f32 [tilespmem:s31], [sflag:$0x4], $0x1, s10, s29, $0xb8;
	[tilespmem:$0x1F898] =	vst v63  }
0x4a8: {  	_ =	swait.ge [sflag:s2], $0x7D00  }
0x4a9: {  	[sflag:s2] =	ssyncset.done $0x0  }
0x4aa: {  	[sflag:s2] =	ssyncadd.s32 $0xFFFF8300  }
0x4ab: {  	_ =	swait.ge [sflag:s3], $0x7D0  }
0x4ac: {  	[sflag:s3] =	ssyncset.done $0x0  }
0x4ad: {  	[sflag:s3] =	ssyncadd.s32 $0xFFFFF830  }
0x4ae: {  	s11 =	sshrl.u32 s18, $0x3;
	[bflag:$0x0] =	sbarrier.arrive $0xFFFF  }
0x4af: {  	[hbm:s20], [sflag:s6] =	dma.local [spmem:s11], $0x1870  }
0x4b0: {  	s5 =	sadd.s32 $0x1, s5;
	_ =	swait.ge [sflag:s25], $0x1870  }
0x4b1: {  	p0 =	sne.s32 s5, s22;
	[sflag:s25] =	ssyncset.done $0x0  }
.Ltmp27:
0x4b2: {  	[sflag:s25] =	ssyncadd.s32 $0xFFFFE790;
	(pc) =	sbr.rel @p0 .LBB2_1-.Ltmp27, $4  }
0x4b3: {  	[hbm:s21], [sflag:s6] =	dma.local [spmem:s7], $0x187  }
0x4b4: {  	_ =	swait.ge [sflag:s25], $0x187  }
0x4b5: {  	[sflag:s25] =	ssyncset.done $0x0  }
0x4b6: {  	[sflag:s25] =	ssyncadd.s32 $0xFFFFFE79  }
0x4b7: {  	_ =	sfence.sel $0x180000  }
0x4b8: {  	[bflag:$0x0] =	sbarrier.arrive $0xFFFF  }
0x4b9: {  	_ =	strace $0x90000047  }
0x4ba: {  	s0 =	stileid.u32;
	[bflag:$0x2] =	sbarrier.arrive $0xFFFF  }
0x4bb: {  	p0 =	sne.s32 s0, $0x0;
	s0 =	rddreg [dreg:$0x7]  }
0x4bc: {  	s0 =	sadd.s32 @!p0 $0x100000, s0  }
0x4bd: {  	[sflag:s0] =	ssyncadd.tile.s32 @!p0 $0x1;
	_ =	shalt  }
.Lfunc_end2:
_tile_overlayer_lowered:
.L_overlay_start_2:
0x4be: {  	(tag) =	ssettag $0x2  }
0x4bf: {  	s0 =	rddreg [dreg:$0x0];
	s2 =	stileid.u32  }
0x4c0: {  	s1 =	rddreg [dreg:$0x1];
	p0 =	sne.s32 s2, $0x0  }
0x4c1: {  	s3 =	rddreg [dreg:$0x2];
	[bflag:$0x3] =	sbarrier.arrive $0xFFFF;
	s2 =	simm.s32 @!p0 $0x1C05  }
0x4c2: {  	[timem:s3], [sflag:s2] =	dma.local @!p0 [hbm:s0], s1  }
0x4c3: {  	s0 =	simm.s32 @!p0 $0x5  }
0x4c4: {  	_ =	swait.ge @!p0 [sflag:s0], s1  }
0x4c5: {  	s1 =	ssub.s32 @!p0 $0x0, s1;
	[sflag:s0] =	ssyncset.done @!p0 $0x0  }
0x4c6: {  	[sflag:s0] =	ssyncadd.s32 @!p0 s1  }
0x4c7: {  	[bflag:$0x3] =	sbarrier.arrive $0xFFFF  }
0x4c8: {  	_ =	shalt  }

// kernel: kernel.7.cloned.1.call-start
scs
__scs_entry_jumppad:
0x0: {  	(pc) =	sbr.rel $0x88, $3  }
0x1: {  	(tag) =	ssettag $0x0;
	lr =	simm.s32 $0x1  }
0x2: {  	[smem:$0x3F9D] =	sst lr;
	_ =	strace $0xD0000000  }
0x3: {  	_ = 	snop  }
0x4: {  	_ = 	snop  }
0x5: {  	_ = 	snop  }
0x6: {  	_ = 	snop  }
0x7: {  	_ = 	snop  }
__scs_overlays_trampoline_lowered:
0x8: {  	[smem:$0x3FAC] =	sst s0  }
0x9: {  	[smem:$0x3FAD] =	sst s1  }
0xa: {  	[smem:$0x3FAE] =	sst s2  }
0xb: {  	[smem:$0x3FAF] =	sst s3  }
0xc: {  	[smem:$0x3FB0] =	sst s4  }
0xd: {  	[smem:$0x3FB1] =	sst s5  }
0xe: {  	[smem:$0x3FB2] =	sst s6  }
0xf: {  	[smem:$0x3FB3] =	sst s7  }
0x10: {  	[smem:$0x3FB4] =	sst s8  }
0x11: {  	[smem:$0x3FB5] =	sst s9;
	s0 =	simm.s32 @!p0 $0x0  }
0x12: {  	s1 =	sld [smem:$0x3F9B];
	s0 =	simm.s32 @p0 $0x1  }
0x13: {  	[smem:$0x3FB6] =	sst s0;
	s0 =	simm.s32 @!p1 $0x0  }
0x14: {  	s2 =	sld [smem:$0x3F9A];
	s0 =	simm.s32 @p1 $0x1  }
0x15: {  	[smem:$0x3FB7] =	sst s0;
	s0 =	simm.s32 @!p2 $0x0  }
0x16: {  	s3 =	sld [smem:$0x3FDB];
	s0 =	simm.s32 @p2 $0x1  }
0x17: {  	s4 =	simm.s32 $0x1BF5;
	[smem:$0x3FB9] =	sst s0  }
0x18: {  	s0 =	sld [smem:$0x3F9C];
	_ =	swait.ge [sflag:s4], $0x0  }
0x19: {  	s7 =	sld [smem:$0x3F9D]  }
0x1a: {  	s8 =	sadd.s32 $0xFFFFE003, lr  }
0x1b: {  	s9 =	sadd.s32 $0xFFFFFEF7, lr;
	s5 =	simm.s32 $0xFFFFFFFF;
	p2 =	slt.u32 s8, $0xFFFFF086  }
0x1c: {  	p1 =	slt.u32 s9, $0xF7A;
	s5 =	simm.s32 @!p2 $0x0  }
0x1d: {  	s5 =	simm.s32 @p1 $0x1;
	p0 =	seq.s32 s7, s2  }
0x1e: {  	s7 =	smul.u32 @!p0 $0xF7A, s2;
	p2 =	seq.s32 @!p0 s5, $0x0  }
0x1f: {  	s9 =	smul.u32 $0xF7A, s1;
	s8 =	simm.s32 @!p0 $0x1BF5;
	p2 =	por !p2, p0  }
0x20: {  	[sflag:s8] =	ssyncset.s32 @!p0 $0xFFFFF086;
	s6 =	sadd.s32 @!p0 s3, s7;
	s7 =	simm.s32 @!p0 $0x108  }
0x21: {  	s3 =	sadd.s32 s3, s9;
	s6 =	sadd.s32 @!p0 $0x88, s6;
	s7 =	simm.s32 @p2 $0x1082  }
0x22: {  	[simem:s7], [sflag:s8] =	dma.local @!p0 [hbm:s6], $0xF7A  }
0x23: {  	s9 =	sor.u32 $0xD0000000, s2;
	s6 =	simm.s32 $0x108;
	_ =	swait.ge @!p0 [sflag:s8], $0x0  }
0x24: {  	s3 =	sadd.s32 $0x88, s3;
	s6 =	simm.s32 @!p1 $0x1082;
	[sflag:s4] =	ssyncset.s32 $0xFFFFF086  }
0x25: {  	[simem:s6], [sflag:s4] =	dma.local [hbm:s3], $0xF7A  }
0x26: {  	[smem:$0x3F9D] =	sst s1;
	(tag) =	ssettag s2;
	_ =	strace s9  }
0x27: {  	s1 =	sld [smem:$0x3FAD]  }
0x28: {  	s2 =	sld [smem:$0x3FAE]  }
0x29: {  	s4 =	sld [smem:$0x3FB0]  }
0x2a: {  	p0 =	seq.s32 s5, $0x0;
	s5 =	sld [smem:$0x3FB1]  }
0x2b: {  	s6 =	sld [smem:$0x3FB2]  }
0x2c: {  	s7 =	sld [smem:$0x3FB3]  }
0x2d: {  	s3 =	simm.s32 $0x108;
	s8 =	sld [smem:$0x3FB4]  }
0x2e: {  	s3 =	simm.s32 @!p0 $0x1082;
	s9 =	sld [smem:$0x3FB5]  }
0x2f: {  	lr =	sadd.s32 s0, s3;
	s0 =	sld [smem:$0x3FAC]  }
0x30: {  	s3 =	sld [smem:$0x3FAF]  }
0x31: {  	[smem:$0x3FB8] =	sst s10  }
0x32: {  	s10 =	sld [smem:$0x3FB6];
	_ =	sdelay $0x3  }
0x33: {  	p0 =	seq.s32 s10, $0x1;
	s10 =	sld [smem:$0x3FB8];
	_ =	sdelay $0x3  }
0x34: {  	[smem:$0x3FB8] =	sst s10  }
0x35: {  	s10 =	sld [smem:$0x3FB7];
	_ =	sdelay $0x3  }
0x36: {  	p1 =	seq.s32 s10, $0x1;
	s10 =	sld [smem:$0x3FB8];
	_ =	sdelay $0x3  }
0x37: {  	[smem:$0x3FB8] =	sst s10  }
0x38: {  	s10 =	sld [smem:$0x3FB9]  }
0x39: {  	_ = 	snop;
	(pc) =	sbr.ind lr, $3  }
0x3a: {  	_ = 	snop  }
0x3b: {  	_ = 	snop  }
0x3c: {  	p2 =	seq.s32 s10, $0x1;
	s10 =	sld [smem:$0x3FB8]  }
0x3d: {  	_ =	shalt  }
0x3e: {  	_ =	shalt  }
0x3f: {  	_ =	shalt  }
0x40: {  	_ =	shalt  }
0x41: {  	_ =	shalt  }
0x42: {  	_ =	shalt  }
0x43: {  	_ =	shalt  }
0x44: {  	_ =	shalt  }
0x45: {  	_ =	shalt  }
0x46: {  	_ =	shalt  }
0x47: {  	_ =	shalt  }
0x48: {  	_ =	shalt  }
0x49: {  	_ =	shalt  }
0x4a: {  	_ =	shalt  }
0x4b: {  	_ =	shalt  }
0x4c: {  	_ =	shalt  }
0x4d: {  	_ =	shalt  }
0x4e: {  	_ =	shalt  }
0x4f: {  	_ =	shalt  }
0x50: {  	_ =	shalt  }
0x51: {  	_ =	shalt  }
0x52: {  	_ =	shalt  }
0x53: {  	_ =	shalt  }
0x54: {  	_ =	shalt  }
0x55: {  	_ =	shalt  }
0x56: {  	_ =	shalt  }
0x57: {  	_ =	shalt  }
0x58: {  	_ =	shalt  }
0x59: {  	_ =	shalt  }
0x5a: {  	_ =	shalt  }
0x5b: {  	_ =	shalt  }
0x5c: {  	_ =	shalt  }
0x5d: {  	_ =	shalt  }
0x5e: {  	_ =	shalt  }
0x5f: {  	_ =	shalt  }
0x60: {  	_ =	shalt  }
0x61: {  	_ =	shalt  }
0x62: {  	_ =	shalt  }
0x63: {  	_ =	shalt  }
0x64: {  	_ =	shalt  }
0x65: {  	_ =	shalt  }
0x66: {  	_ =	shalt  }
0x67: {  	_ =	shalt  }
0x68: {  	_ =	shalt  }
0x69: {  	_ =	shalt  }
0x6a: {  	_ =	shalt  }
0x6b: {  	_ =	shalt  }
0x6c: {  	_ =	shalt  }
0x6d: {  	_ =	shalt  }
0x6e: {  	_ =	shalt  }
0x6f: {  	_ =	shalt  }
0x70: {  	_ =	shalt  }
0x71: {  	_ =	shalt  }
0x72: {  	_ =	shalt  }
0x73: {  	_ =	shalt  }
0x74: {  	_ =	shalt  }
0x75: {  	_ =	shalt  }
0x76: {  	_ =	shalt  }
0x77: {  	_ =	shalt  }
0x78: {  	_ =	shalt  }
0x79: {  	_ =	shalt  }
0x7a: {  	_ =	shalt  }
0x7b: {  	_ =	shalt  }
0x7c: {  	_ =	shalt  }
0x7d: {  	_ =	shalt  }
0x7e: {  	_ =	shalt  }
0x7f: {  	_ =	shalt  }
0x80: {  	_ =	shalt  }
0x81: {  	_ =	shalt  }
0x82: {  	_ =	shalt  }
0x83: {  	_ =	shalt  }
0x84: {  	_ =	shalt  }
0x85: {  	_ =	shalt  }
0x86: {  	_ =	shalt  }
0x87: {  	_ =	shalt  }
.Lfunc_end0:
.L_simem_size_0:
called_computation.1_lowered:
.L_overlay_start_0:
0x88: {  	s2 =	sld [smem:$0x3FD9]  }
0x89: {  	s3 =	sld [smem:$0x3FFE];
	_ =	sdelay $0x1  }
0x8a: {  	s1 =	srdreg.scid  }
0x8b: {  	s0 =	sand.u32 $0x1, s1  }
0x8c: {  	s17 =	sshll.u32 s0, $0xA;
	s2 =	sadd.s32 s3, s2  }
0x8d: {  	s2 =	sadd.s32 s2, s17  }
0x8e: {  	[smem:$0x3FC4] =	sst s2  }
0x8f: {  	_ = 	snop  }
0x90: {  	s2 =	sld [smem:$0x3FD0];
	(tm) =	ssettm $0x1  }
0x91: {  	s18 =	sld [smem:$0x3FFB];
	_ =	sdelay $0x3  }
0x92: {  	_ =	strace s18  }
0x93: {  	s3 =	sld [smem:$0x3FFC];
	_ =	sdelay $0x3  }
0x94: {  	_ =	strace s3  }
0x95: {  	s3 =	sld [smem:$0x3FFD];
	_ =	sdelay $0x3  }
0x96: {  	_ =	strace s3  }
0x97: {  	_ =	strace $0x8FFFFFFF  }
0x98: {  	s19 =	sld [smem:$0x3FDB];
	_ =	sdelay $0x1  }
0x99: {  	s4 =	simm.s32 $_scs_section_size  }
0x9a: {  	s5 =	simm.s32 $_size__tile_overlayer_lowered;
	s6 =	simm.s32 $_tile_overlayer_lowered  }
0x9b: {  	s22 =	simm.s32 $0x1BFF;
	s21 =	sshll.u32 s6, $0x1;
	s3 =	sadd.s32 s4, s19  }
0x9c: {  	s7 =	simm.s32 $0x0;
	s20 =	sshll.u32 s5, $0x1;
	s5 =	sadd.s32 s21, s3  }
0x9d: {  	[timem:s7], [sflag:s22] =	dma.local [hbm:s5], s20  }
0x9e: {  	_ =	swait.ge [sflag:s22], s20  }
0x9f: {  	s4 =	ssub.s32 $0x0, s20;
	[sflag:s22] =	ssyncset.done $0x0  }
0xa0: {  	[sflag:s22] =	ssyncadd.s32 s4;
	_ =	sdelay $0x1  }
0xa1: {  	s23 =	simm.s32 $0x1B8B  }
0xa2: {  	_ =	swait.ge [sflag:s23], $0x1  }
0xa3: {  	[sflag:s23] =	ssyncset.done $0x0  }
0xa4: {  	s25 =	simm.s32 $0x1B8E;
	s24 =	sld [smem:$0x3FFE];
	[sflag:s23] =	ssyncadd.s32 $0xFFFFFFFF  }
0xa5: {  	s26 =	simm.s32 $execute0_lowered;
	[smem:$0x3FD2] =	sst s25  }
0xa6: {  	s5 =	sshll.u32 s26, $0x1;
	_ =	strace $0x80000049;
	[dreg:$0x1] =	wrdreg $0xFFFFFFFF  }
0xa7: {  	s28 =	simm.s32 $_size_execute0_lowered;
	s3 =	sadd.s32 s3, s5;
	[dreg:$0x0] =	wrdreg $0x0  }
0xa8: {  	s5 =	sshll.u32 s28, $0x1;
	[dreg:$0x2] =	wrdreg s3  }
0xa9: {  	[dreg:$0x3] =	wrdreg s5  }
0xaa: {  	[dreg:$0x4] =	wrdreg $0xC0  }
0xab: {  	_ =	task [dreg:s7], $0x5FFFF  }
0xac: {  	[dreg:$0x1] =	wrdreg $0xFFFFFFFF  }
0xad: {  	[dreg:$0x0] =	wrdreg $0x60  }
0xae: {  	[dreg:$0x2] =	wrdreg s24  }
0xaf: {  	[dreg:$0x3] =	wrdreg s2  }
0xb0: {  	[dreg:$0x4] =	wrdreg $0x9  }
0xb1: {  	_ =	task.clear_ibuf [dreg:s7], $0x5FFFF;
	_ =	strace $0x90000049  }
0xb2: {  	s29 =	simm.s32 $0x9;
	_ =	strace $0x8000004B  }
0xb3: {  	_ =	swait.ge [sflag:s29], $0x1  }
0xb4: {  	[sflag:s29] =	ssyncadd.s32 $0xFFFFFFFF  }
0xb5: {  	_ =	strace $0x9000004B  }
0xb6: {  	_ =	sfence  }
0xb7: {  	s30 =	sld [smem:$0x0];
	_ =	sdelay $0x2  }
0xb8: {  	s31 =	sshll.u32 s1, $0xD;
	s1 =	sshrl.u32 s1, $0x2  }
0xb9: {  	s3 =	sand.u32 $0x4000, s31;
	s1 =	sadd.s32 s1, s30  }
0xba: {  	s0 =	sor.u32 s3, s0;
	s1 =	sshll.u32 s1, $0x11  }
0xbb: {  	s0 =	sor.u32 s1, s0  }
0xbc: {  	s0 =	sadd.s32 $0x8F2B, s0  }
0xbd: {  	[sflag:s0] =	ssyncadd.remote.s32 $0x1  }
0xbe: {  	_ =	sfence.sel $0xFFFF  }
0xbf: {  	[dreg:$0x0] =	wrdreg $0xFFFFFFFF;
	(pc) =	sbr.abs _section_cstart, $3  }
0xc0: {  	[dreg:$0x1] =	wrdreg $0xFFFFFFFF  }
0xc1: {  	_ =	task.clear_ibuf [dreg:s7], $0x2FFFF;
	_ =	strace $0x9FFFFFFF  }
0xc2: {  	(tm) =	ssettm $0x7FFFFFFF  }
0xc3: {  	_ =	shalt  }
tec
execute0_lowered:
.L_overlay_start_1:
0x0: {  	(tag) =	ssettag $0x1  }
0x1: {  	s11 =	rddreg [dreg:$0x0]  }
0x2: {  	s12 =	rddreg [dreg:$0x1]  }
0x3: {  	s1 =	srdreg.scid;
	s0 =	rddreg [dreg:$0x2]  }
0x4: {  	s2 =	simm.s32 $0x0;
	s15 =	simm.s32 $0x6200;
	s16 =	simm.s32 $0xC400  }
0x5: {  	s17 =	simm.s32 $0xCA20;
	s18 =	simm.s32 $0x0;
	s3 =	sand.u32 $0x1, s1  }
0x6: {  	s1 =	stileid.u32;
	[smem:$0x7FF] =	sst s2;
	s4 =	sshll.u32 s3, $0x4  }
0x7: {  	s29 =	sadd.s32 $0xC00, s11;
	s6 =	sadd.s32 $0x31A00, s11;
	s14 =	sor.u32 s1, s4  }
0x8: {  	s10 =	sadd.s32 $0x331BC, s11;
	s3 =	ssub.s32 $0x2, s3;
	s5 =	smul.u32 $0x620, s14  }
0x9: {  	_ =	strace $0x8000004A;
	s8 =	sshrl.u32 s3, $0x1;
	s7 =	smul.u32 $0xC40, s14  }
0xa: {  	s13 =	ssub.s32 s3, s8;
	s8 =	sadd.s32 $0x187C0, s11;
	p0 =	seq.s32 s14, $0x1F  }
.Ltmp0:
0xb: {  	s14 =	simm.s32 $0x1;
	s13 =	smax.u32 s13, $0x1;
	(pc) =	sbr.rel .LBB2_1-.Ltmp0, $4  }
0xc: {  	s9 =	sadd.s32 $0xC380, s5;
	s3 =	sadd.s32 s29, s7;
	s5 =	sshrl.u32 s5, $0x3  }
0xd: {  	s7 =	sadd.s32 s12, s7;
	s12 =	sadd.s32 $0x17BC0, s12;
	s30 =	sshll.u32 s9, $0x1  }
0xe: {  	s31 =	sshrl.u32 s9, $0x3;
	s5 =	sadd.s32 s6, s5;
	s9 =	sadd.s32 $0x30EC0, s11  }
0xf: {  	s11 =	sadd.s32 $0x34A2C, s11;
	s4 =	sadd.s32 s29, s30;
	s6 =	sadd.s32 s6, s31  }
.LBB2_11:
0x10: {  	v19 =	vld [tilespmem:s20+$0x0];
	_ =	sdelay $0x1  }
0x11: {  	v20 =	vld [tilespmem:s19+$0x20];
	_ =	sdelay $0x1  }
0x12: {  	v23 =	vld [tilespmem:s19+$0x40]  }
0x13: {  	v22 =	vld [tilespmem:s19+$0x50];
	v11 =	vadd.f32 v11, v18;
	v41 =	vbroadcast v19, $0x0  }
0x14: {  	v24 =	vld [tilespmem:s19+$0x60];
	v14 =	vadd.f32 v14, v17;
	v42 =	vbroadcast v19, $0x1  }
0x15: {  	v21 =	vld [tilespmem:s19+$0x70];
	v12 =	vadd.f32 v12, v20;
	v44 =	vbroadcast v19, $0x2;
	v11 =	vmul.f32 v11, v41  }
0x16: {  	v26 =	vld [tilespmem:s19+$0x80];
	v15 =	vadd.f32 v15, v16;
	v46 =	vbroadcast v19, $0x3;
	v14 =	vmul.f32 v14, v42  }
0x17: {  	v43 =	vld [tilespmem:s19+$0x90];
	v9 =	vadd.f32 v9, v23;
	v48 =	vbroadcast v19, $0x4;
	v12 =	vmul.f32 v12, v44;
	[tilespmem:s19+$0x0] =	vst v11  }
0x18: {  	v45 =	vld [tilespmem:s19+$0xA0];
	v10 =	vadd.f32 v10, v22;
	v50 =	vbroadcast v19, $0x5;
	v15 =	vmul.f32 v15, v46;
	[tilespmem:s19+$0x10] =	vst v14  }
0x19: {  	v25 =	vld [tilespmem:s19+$0xB0];
	v8 =	vadd.f32 v8, v24;
	v51 =	vbroadcast v19, $0x6;
	v9 =	vmul.f32 v9, v48;
	[tilespmem:s19+$0x20] =	vst v12  }
0x1a: {  	v52 =	vld [tilespmem:s19+$0xC0];
	v13 =	vadd.f32 v13, v21;
	v53 =	vbroadcast v19, $0x7;
	v10 =	vmul.f32 v10, v50;
	[tilespmem:s19+$0x30] =	vst v15  }
0x1b: {  	v49 =	vld [tilespmem:s19+$0xD0];
	v5 =	vadd.f32 v5, v26;
	v54 =	vbroadcast v19, $0x8;
	v8 =	vmul.f32 v8, v51;
	[tilespmem:s19+$0x40] =	vst v9  }
0x1c: {  	v55 =	vld [tilespmem:s19+$0xE0];
	v6 =	vadd.f32 v6, v43;
	v56 =	vbroadcast v19, $0x9;
	v13 =	vmul.f32 v13, v53;
	[tilespmem:s19+$0x50] =	vst v10  }
0x1d: {  	v47 =	vld [tilespmem:s19+$0xF0];
	v4 =	vadd.f32 v4, v45;
	v57 =	vbroadcast v19, $0xA;
	v5 =	vmul.f32 v5, v54;
	[tilespmem:s19+$0x60] =	vst v8  }
0x1e: {  	v7 =	vadd.f32 v7, v25;
	v58 =	vbroadcast v19, $0xB;
	v6 =	vmul.f32 v6, v56;
	[tilespmem:s19+$0x70] =	vst v13  }
0x1f: {  	v1 =	vadd.f32 v1, v52;
	v59 =	vbroadcast v19, $0xC;
	v4 =	vmul.f32 v4, v57;
	[tilespmem:s19+$0x80] =	vst v5  }
0x20: {  	v2 =	vadd.f32 v2, v49;
	v60 =	vbroadcast v19, $0xD;
	v7 =	vmul.f32 v7, v58;
	[tilespmem:s19+$0x90] =	vst v6  }
0x21: {  	v0 =	vadd.f32 v0, v55;
	v61 =	vbroadcast v19, $0xE;
	v1 =	vmul.f32 v1, v59;
	[tilespmem:s19+$0xA0] =	vst v4  }
0x22: {  	v3 =	vadd.f32 v3, v47;
	v62 =	vbroadcast v19, $0xF;
	v2 =	vmul.f32 v2, v60;
	[tilespmem:s19+$0xB0] =	vst v7  }
0x23: {  	v0 =	vmul.f32 v0, v61;
	[tilespmem:s19+$0xC0] =	vst v1  }
0x24: {  	v63 =	vmul.f32 v3, v62;
	[tilespmem:s19+$0xD0] =	vst v2  }
0x25: {  	[tilespmem:s19+$0xE0] =	vst v0  }
0x26: {  	[tilespmem:s19+$0xF0] =	vst v63  }
0x27: {  	[hbm4b:s12+s2] =	stream.linear.scatter [tilespmem:s2], [sflag:$0x1], $0x5700, $0x38;
	[tilespmem:$0xD040] =	vst v63  }
0x28: {  	_ =	swait.ge [sflag:s14], $0x5700  }
0x29: {  	[sflag:s14] =	ssyncset.done $0x0  }
0x2a: {  	[sflag:s14] =	ssyncadd.s32 $0xFFFFA900  }
.LBB2_12:
0x2b: {  	s18 =	sadd.s32 $0x1, s18  }
0x2c: {  	p1 =	sne.s32 s18, s13  }
.Ltmp1:
0x2d: {  	_ = 	snop;
	(pc) =	sbr.rel @!p1 .LBB2_13-.Ltmp1, $1  }
0x2e: {  	_ =	sdelay $0x3  }
.LBB2_1:
.Ltmp2:
0x2f: {  	(pc) =	sbr.rel @!p0 .LBB2_2-.Ltmp2, $2  }
0x30: {  	_ =	sdelay $0x2  }
0x31: {  	s19 =	simm.s32 $0x0  }
0x32: {  	[tilespmem:s19], [sflag:$0x1] =	stream.linear.gather [hbm4b:s8+s19], $0x5700, $0x38;
	[tilespmem:$0xD040] =	vst v63  }
0x33: {  	_ =	swait.ge [sflag:s14], $0x5700  }
0x34: {  	[sflag:s14] =	ssyncset.done $0x0  }
0x35: {  	[sflag:s14] =	ssyncadd.s32 $0xFFFFA900  }
0x36: {  	[tilespmem:s15], [sflag:$0x1] =	stream.linear.gather [hbm4b:s9+s19], $0x5700, $0x38;
	[tilespmem:$0xD040] =	vst v63  }
0x37: {  	_ =	swait.ge [sflag:s14], $0x5700  }
0x38: {  	[sflag:s14] =	ssyncset.done $0x0  }
0x39: {  	[sflag:s14] =	ssyncadd.s32 $0xFFFFA900  }
0x3a: {  	[tilespmem:s16], [sflag:$0x1] =	stream.linear.gather [hbm4b:s10+s19], $0x570, $0x38;
	[tilespmem:$0xD040] =	vst v63  }
0x3b: {  	_ =	swait.ge [sflag:s14], $0x570  }
0x3c: {  	[sflag:s14] =	ssyncset.done $0x0  }
0x3d: {  	[sflag:s14] =	ssyncadd.s32 $0xFFFFFA90  }
0x3e: {  	[tilespmem:s17], [sflag:$0x1] =	stream.linear.gather [hbm4b:s11+s19], $0x570, $0x38;
	[tilespmem:$0xD040] =	vst v63  }
0x3f: {  	_ =	swait.ge [sflag:s14], $0x570  }
0x40: {  	[sflag:s14] =	ssyncset.done $0x0  }
0x41: {  	s19 =	simm.s32 $0x0;
	[sflag:s14] =	ssyncadd.s32 $0xFFFFFA90  }
0x42: {  	s21 =	simm.s32 $0x40;
	s20 =	simm.s32 $0x0;
	v0 =	vld [tilespmem:s19+$0xCA20]  }
.LBB2_8:
0x43: {  	p1 =	sne.s32 s21, $0x1580;
	v1 =	vld [tilespmem:s20+$0xC400];
	_ =	sdelay $0x4  }
0x44: {  	v0 =	vadd.f32 v0, v1;
	_ =	sdelay $0x1  }
0x45: {  	v0 =	vmax.f32 v0, $1.000000000e+00  }
0x46: {  	(erf) = vrcp.f32 v0;
	_ =	sdelay $0x5  }
.Ltmp3:
0x47: {  	(pc) =	sbr.rel @p1 .LBB2_8-.Ltmp3, $3  }
0x48: {  	_ =	sdelay $0x1  }
0x49: {  	s22 =	sshra.s32 s21, $0x2;
	v1 =	vpop (erf)  }
0x4a: {  	s21 =	sadd.s32 $0x40, s21;
	v0 =	vld [tilespmem:s22+$0xCA20];
	[tilespmem:s20+$0xC400] =	vst v1;
	s20 =	smov.u32 s22  }
0x4b: {  	v1 =	vld [tilespmem:s20+$0xC400];
	_ =	sdelay $0x4  }
0x4c: {  	v0 =	vadd.f32 v0, v1;
	_ =	sdelay $0x1  }
0x4d: {  	v0 =	vmax.f32 v0, $1.000000000e+00  }
0x4e: {  	(erf) = vrcp.f32 v0;
	_ =	sdelay $0x8  }
0x4f: {  	v0 =	vpop (erf)  }
0x50: {  	[tilespmem:s20+$0xC400] =	vst v0  }
0x51: {  	v11 =	vld [tilespmem:s19+$0x6200]  }
0x52: {  	v14 =	vld [tilespmem:s19+$0x6210]  }
0x53: {  	v12 =	vld [tilespmem:s19+$0x6220]  }
0x54: {  	v15 =	vld [tilespmem:s19+$0x6230]  }
0x55: {  	v9 =	vld [tilespmem:s19+$0x6240]  }
0x56: {  	v10 =	vld [tilespmem:s19+$0x6250]  }
0x57: {  	v8 =	vld [tilespmem:s19+$0x6260]  }
0x58: {  	v13 =	vld [tilespmem:s19+$0x6270]  }
0x59: {  	v5 =	vld [tilespmem:s19+$0x6280]  }
0x5a: {  	v6 =	vld [tilespmem:s19+$0x6290]  }
0x5b: {  	v4 =	vld [tilespmem:s19+$0x62A0]  }
0x5c: {  	v7 =	vld [tilespmem:s19+$0x62B0]  }
0x5d: {  	v1 =	vld [tilespmem:s19+$0x62C0]  }
0x5e: {  	v2 =	vld [tilespmem:s19+$0x62D0]  }
0x5f: {  	v0 =	vld [tilespmem:s19+$0x62E0]  }
0x60: {  	v3 =	vld [tilespmem:s19+$0x62F0]  }
0x61: {  	v16 =	vld [tilespmem:s19+$0x30]  }
0x62: {  	v17 =	vld [tilespmem:s19+$0x10]  }
0x63: {  	s21 =	simm.s32 $0x400;
	s20 =	simm.s32 $0xC400;
	v18 =	vld [tilespmem:s19+$0x0]  }
.LBB2_10:
0x64: {  	p1 =	sne.s32 s21, $0x15800;
	v19 =	vld [tilespmem:s20+$0x0]  }
0x65: {  	v20 =	vld [tilespmem:s19+$0x20]  }
0x66: {  	v21 =	vld [tilespmem:s19+$0x70]  }
0x67: {  	v22 =	vld [tilespmem:s19+$0x50]  }
0x68: {  	v14 =	vadd.f32 v14, v17;
	v15 =	vadd.f32 v15, v16;
	v16 =	vld [tilespmem:s19+$0x40]  }
0x69: {  	v11 =	vadd.f32 v11, v18;
	v17 =	vbroadcast v19, $0x0;
	v18 =	vbroadcast v19, $0x1;
	v23 =	vld [tilespmem:s19+$0x60]  }
0x6a: {  	v24 =	vbroadcast v19, $0x3;
	v12 =	vadd.f32 v12, v20;
	v20 =	vbroadcast v19, $0x2;
	v25 =	vld [tilespmem:s19+$0xB0]  }
0x6b: {  	v11 =	vmul.f32 v11, v17;
	v14 =	vmul.f32 v14, v18;
	v13 =	vadd.f32 v13, v21;
	v17 =	vld [tilespmem:s19+$0x90]  }
0x6c: {  	v15 =	vmul.f32 v15, v24;
	v12 =	vmul.f32 v12, v20;
	v10 =	vadd.f32 v10, v22;
	v18 =	vld [tilespmem:s19+$0x80]  }
0x6d: {  	[tilespmem:s19+$0x0] =	vst v11;
	v9 =	vadd.f32 v9, v16;
	v11 =	vbroadcast v19, $0x4;
	v16 =	vbroadcast v19, $0x5;
	v20 =	vld [tilespmem:s19+$0xA0]  }
0x6e: {  	v21 =	vbroadcast v19, $0x7;
	[tilespmem:s19+$0x10] =	vst v14;
	v8 =	vadd.f32 v8, v23;
	v14 =	vbroadcast v19, $0x6;
	v22 =	vld [tilespmem:s19+$0xF0]  }
0x6f: {  	[tilespmem:s19+$0x20] =	vst v12;
	v9 =	vmul.f32 v9, v11;
	v10 =	vmul.f32 v10, v16;
	v7 =	vadd.f32 v7, v25;
	v16 =	vld [tilespmem:s19+$0xD0]  }
0x70: {  	v13 =	vmul.f32 v13, v21;
	[tilespmem:s19+$0x30] =	vst v15;
	v8 =	vmul.f32 v8, v14;
	v6 =	vadd.f32 v6, v17;
	v17 =	vld [tilespmem:s19+$0xC0]  }
0x71: {  	s22 =	sshra.s32 s21, $0x2;
	v12 =	vbroadcast v19, $0x9;
	[tilespmem:s19+$0x40] =	vst v9;
	v5 =	vadd.f32 v5, v18;
	v9 =	vbroadcast v19, $0x8;
	v18 =	vld [tilespmem:s19+$0xE0]  }
0x72: {  	v15 =	vbroadcast v19, $0xB;
	v11 =	vld [tilespmem:s22+$0x6200];
	[tilespmem:s19+$0x50] =	vst v10;
	v4 =	vadd.f32 v4, v20;
	v10 =	vbroadcast v19, $0xA  }
0x73: {  	v6 =	vmul.f32 v6, v12;
	v14 =	vld [tilespmem:s22+$0x6210];
	[tilespmem:s19+$0x60] =	vst v8;
	v5 =	vmul.f32 v5, v9;
	v3 =	vadd.f32 v3, v22  }
0x74: {  	v7 =	vmul.f32 v7, v15;
	v12 =	vld [tilespmem:s22+$0x6220];
	[tilespmem:s19+$0x70] =	vst v13;
	v4 =	vmul.f32 v4, v10;
	v2 =	vadd.f32 v2, v16  }
0x75: {  	v8 =	vbroadcast v19, $0xD;
	v15 =	vld [tilespmem:s22+$0x6230];
	[tilespmem:s19+$0x80] =	vst v5;
	v1 =	vadd.f32 v1, v17;
	v5 =	vbroadcast v19, $0xC  }
0x76: {  	v13 =	vbroadcast v19, $0xF;
	v9 =	vld [tilespmem:s22+$0x6240];
	[tilespmem:s19+$0x90] =	vst v6;
	v0 =	vadd.f32 v0, v18;
	v6 =	vbroadcast v19, $0xE  }
0x77: {  	v2 =	vmul.f32 v2, v8;
	v10 =	vld [tilespmem:s22+$0x6250];
	[tilespmem:s19+$0xA0] =	vst v4;
	v1 =	vmul.f32 v1, v5  }
0x78: {  	v3 =	vmul.f32 v3, v13;
	v8 =	vld [tilespmem:s22+$0x6260];
	[tilespmem:s19+$0xB0] =	vst v7;
	v0 =	vmul.f32 v0, v6  }
0x79: {  	v13 =	vld [tilespmem:s22+$0x6270];
	[tilespmem:s19+$0xC0] =	vst v1  }
0x7a: {  	v5 =	vld [tilespmem:s22+$0x6280];
	[tilespmem:s19+$0xD0] =	vst v2  }
0x7b: {  	v6 =	vld [tilespmem:s22+$0x6290];
	[tilespmem:s19+$0xE0] =	vst v0  }
0x7c: {  	v4 =	vld [tilespmem:s22+$0x62A0];
	[tilespmem:s19+$0xF0] =	vst v3;
	s19 =	smov.u32 s22  }
0x7d: {  	v7 =	vld [tilespmem:s19+$0x62B0]  }
0x7e: {  	v1 =	vld [tilespmem:s19+$0x62C0]  }
0x7f: {  	v2 =	vld [tilespmem:s19+$0x62D0]  }
.Ltmp4:
0x80: {  	v0 =	vld [tilespmem:s19+$0x62E0];
	(pc) =	sbr.rel @p1 .LBB2_10-.Ltmp4, $4  }
0x81: {  	v3 =	vld [tilespmem:s19+$0x62F0]  }
0x82: {  	v16 =	vld [tilespmem:s19+$0x30]  }
0x83: {  	v17 =	vld [tilespmem:s19+$0x10]  }
0x84: {  	s21 =	sadd.s32 $0x400, s21;
	s20 =	sadd.s32 $0x10, s20;
	v18 =	vld [tilespmem:s19+$0x0]  }
.Ltmp5:
0x85: {  	_ = 	snop;
	(pc) =	sbr.rel .LBB2_11-.Ltmp5, $1  }
0x86: {  	_ =	sdelay $0x3  }
.LBB2_2:
0x87: {  	[tilespmem:s19], [sflag:$0x1] =	stream.linear.gather [hbm4b:s3+s19], $0x6200, $0x38;
	[tilespmem:$0xD040] =	vst v63  }
0x88: {  	_ =	swait.ge [sflag:s14], $0x6200  }
0x89: {  	[sflag:s14] =	ssyncset.done $0x0  }
0x8a: {  	[sflag:s14] =	ssyncadd.s32 $0xFFFF9E00  }
0x8b: {  	[tilespmem:s15], [sflag:$0x1] =	stream.linear.gather [hbm4b:s4+s19], $0x6200, $0x38;
	[tilespmem:$0xD040] =	vst v63  }
0x8c: {  	_ =	swait.ge [sflag:s14], $0x6200  }
0x8d: {  	[sflag:s14] =	ssyncset.done $0x0  }
0x8e: {  	[sflag:s14] =	ssyncadd.s32 $0xFFFF9E00  }
0x8f: {  	[tilespmem:s16], [sflag:$0x1] =	stream.linear.gather [hbm4b:s5+s19], $0x620, $0x38;
	[tilespmem:$0xD040] =	vst v63  }
0x90: {  	_ =	swait.ge [sflag:s14], $0x620  }
0x91: {  	[sflag:s14] =	ssyncset.done $0x0  }
0x92: {  	[sflag:s14] =	ssyncadd.s32 $0xFFFFF9E0  }
0x93: {  	[tilespmem:s17], [sflag:$0x1] =	stream.linear.gather [hbm4b:s6+s19], $0x620, $0x38;
	[tilespmem:$0xD040] =	vst v63  }
0x94: {  	_ =	swait.ge [sflag:s14], $0x620  }
0x95: {  	[sflag:s14] =	ssyncset.done $0x0  }
0x96: {  	s19 =	simm.s32 $0x0;
	[sflag:s14] =	ssyncadd.s32 $0xFFFFF9E0  }
0x97: {  	s21 =	simm.s32 $0x40;
	s20 =	simm.s32 $0x0;
	v0 =	vld [tilespmem:s19+$0xCA20]  }
.LBB2_3:
0x98: {  	p1 =	sne.s32 s21, $0x1840;
	v1 =	vld [tilespmem:s20+$0xC400];
	_ =	sdelay $0x4  }
0x99: {  	v0 =	vadd.f32 v0, v1;
	_ =	sdelay $0x1  }
0x9a: {  	v0 =	vmax.f32 v0, $1.000000000e+00  }
0x9b: {  	(erf) = vrcp.f32 v0;
	_ =	sdelay $0x5  }
.Ltmp6:
0x9c: {  	(pc) =	sbr.rel @p1 .LBB2_3-.Ltmp6, $3  }
0x9d: {  	_ =	sdelay $0x1  }
0x9e: {  	s22 =	sshra.s32 s21, $0x2;
	v1 =	vpop (erf)  }
0x9f: {  	s21 =	sadd.s32 $0x40, s21;
	v0 =	vld [tilespmem:s22+$0xCA20];
	[tilespmem:s20+$0xC400] =	vst v1;
	s20 =	smov.u32 s22  }
0xa0: {  	v1 =	vld [tilespmem:s20+$0xC400];
	_ =	sdelay $0x4  }
0xa1: {  	v0 =	vadd.f32 v0, v1;
	_ =	sdelay $0x1  }
0xa2: {  	v0 =	vmax.f32 v0, $1.000000000e+00  }
0xa3: {  	(erf) = vrcp.f32 v0;
	_ =	sdelay $0x8  }
0xa4: {  	v0 =	vpop (erf)  }
0xa5: {  	[tilespmem:s20+$0xC400] =	vst v0  }
0xa6: {  	v11 =	vld [tilespmem:s19+$0x6200]  }
0xa7: {  	v14 =	vld [tilespmem:s19+$0x6210]  }
0xa8: {  	v12 =	vld [tilespmem:s19+$0x6220]  }
0xa9: {  	v15 =	vld [tilespmem:s19+$0x6230]  }
0xaa: {  	v9 =	vld [tilespmem:s19+$0x6240]  }
0xab: {  	v10 =	vld [tilespmem:s19+$0x6250]  }
0xac: {  	v8 =	vld [tilespmem:s19+$0x6260]  }
0xad: {  	v13 =	vld [tilespmem:s19+$0x6270]  }
0xae: {  	v5 =	vld [tilespmem:s19+$0x6280]  }
0xaf: {  	v6 =	vld [tilespmem:s19+$0x6290]  }
0xb0: {  	v4 =	vld [tilespmem:s19+$0x62A0]  }
0xb1: {  	v7 =	vld [tilespmem:s19+$0x62B0]  }
0xb2: {  	v1 =	vld [tilespmem:s19+$0x62C0]  }
0xb3: {  	v2 =	vld [tilespmem:s19+$0x62D0]  }
0xb4: {  	v0 =	vld [tilespmem:s19+$0x62E0]  }
0xb5: {  	v3 =	vld [tilespmem:s19+$0x62F0]  }
0xb6: {  	v16 =	vld [tilespmem:s19+$0x30]  }
0xb7: {  	v17 =	vld [tilespmem:s19+$0x10]  }
0xb8: {  	s21 =	simm.s32 $0x400;
	s20 =	simm.s32 $0xC400;
	v18 =	vld [tilespmem:s19+$0x0]  }
.LBB2_5:
0xb9: {  	p1 =	sne.s32 s21, $0x18400;
	v19 =	vld [tilespmem:s20+$0x0]  }
0xba: {  	v20 =	vld [tilespmem:s19+$0x20]  }
0xbb: {  	v21 =	vld [tilespmem:s19+$0x70]  }
0xbc: {  	v22 =	vld [tilespmem:s19+$0x50]  }
0xbd: {  	v15 =	vadd.f32 v15, v16;
	v14 =	vadd.f32 v14, v17;
	v16 =	vld [tilespmem:s19+$0x40]  }
0xbe: {  	v11 =	vadd.f32 v11, v18;
	v17 =	vbroadcast v19, $0x0;
	v18 =	vbroadcast v19, $0x1;
	v23 =	vld [tilespmem:s19+$0x60]  }
0xbf: {  	v24 =	vbroadcast v19, $0x3;
	v12 =	vadd.f32 v12, v20;
	v20 =	vbroadcast v19, $0x2;
	v25 =	vld [tilespmem:s19+$0xB0]  }
0xc0: {  	v11 =	vmul.f32 v11, v17;
	v14 =	vmul.f32 v14, v18;
	v13 =	vadd.f32 v13, v21;
	v17 =	vld [tilespmem:s19+$0x90]  }
0xc1: {  	v15 =	vmul.f32 v15, v24;
	v12 =	vmul.f32 v12, v20;
	v10 =	vadd.f32 v10, v22;
	v18 =	vld [tilespmem:s19+$0x80]  }
0xc2: {  	[tilespmem:s19+$0x0] =	vst v11;
	v9 =	vadd.f32 v9, v16;
	v11 =	vbroadcast v19, $0x4;
	v16 =	vbroadcast v19, $0x5;
	v20 =	vld [tilespmem:s19+$0xA0]  }
0xc3: {  	v21 =	vbroadcast v19, $0x7;
	[tilespmem:s19+$0x10] =	vst v14;
	v8 =	vadd.f32 v8, v23;
	v14 =	vbroadcast v19, $0x6;
	v22 =	vld [tilespmem:s19+$0xF0]  }
0xc4: {  	[tilespmem:s19+$0x20] =	vst v12;
	v9 =	vmul.f32 v9, v11;
	v10 =	vmul.f32 v10, v16;
	v7 =	vadd.f32 v7, v25;
	v16 =	vld [tilespmem:s19+$0xD0]  }
0xc5: {  	v13 =	vmul.f32 v13, v21;
	[tilespmem:s19+$0x30] =	vst v15;
	v8 =	vmul.f32 v8, v14;
	v6 =	vadd.f32 v6, v17;
	v17 =	vld [tilespmem:s19+$0xC0]  }
0xc6: {  	s22 =	sshra.s32 s21, $0x2;
	v12 =	vbroadcast v19, $0x9;
	[tilespmem:s19+$0x40] =	vst v9;
	v5 =	vadd.f32 v5, v18;
	v9 =	vbroadcast v19, $0x8;
	v18 =	vld [tilespmem:s19+$0xE0]  }
0xc7: {  	v15 =	vbroadcast v19, $0xB;
	v11 =	vld [tilespmem:s22+$0x6200];
	[tilespmem:s19+$0x50] =	vst v10;
	v4 =	vadd.f32 v4, v20;
	v10 =	vbroadcast v19, $0xA  }
0xc8: {  	v6 =	vmul.f32 v6, v12;
	v14 =	vld [tilespmem:s22+$0x6210];
	[tilespmem:s19+$0x60] =	vst v8;
	v5 =	vmul.f32 v5, v9;
	v3 =	vadd.f32 v3, v22  }
0xc9: {  	v7 =	vmul.f32 v7, v15;
	v12 =	vld [tilespmem:s22+$0x6220];
	[tilespmem:s19+$0x70] =	vst v13;
	v4 =	vmul.f32 v4, v10;
	v2 =	vadd.f32 v2, v16  }
0xca: {  	v8 =	vbroadcast v19, $0xD;
	v15 =	vld [tilespmem:s22+$0x6230];
	[tilespmem:s19+$0x80] =	vst v5;
	v1 =	vadd.f32 v1, v17;
	v5 =	vbroadcast v19, $0xC  }
0xcb: {  	v13 =	vbroadcast v19, $0xF;
	v9 =	vld [tilespmem:s22+$0x6240];
	[tilespmem:s19+$0x90] =	vst v6;
	v0 =	vadd.f32 v0, v18;
	v6 =	vbroadcast v19, $0xE  }
0xcc: {  	v2 =	vmul.f32 v2, v8;
	v10 =	vld [tilespmem:s22+$0x6250];
	[tilespmem:s19+$0xA0] =	vst v4;
	v1 =	vmul.f32 v1, v5  }
0xcd: {  	v3 =	vmul.f32 v3, v13;
	v8 =	vld [tilespmem:s22+$0x6260];
	[tilespmem:s19+$0xB0] =	vst v7;
	v0 =	vmul.f32 v0, v6  }
0xce: {  	v13 =	vld [tilespmem:s22+$0x6270];
	[tilespmem:s19+$0xC0] =	vst v1  }
0xcf: {  	v5 =	vld [tilespmem:s22+$0x6280];
	[tilespmem:s19+$0xD0] =	vst v2  }
0xd0: {  	v6 =	vld [tilespmem:s22+$0x6290];
	[tilespmem:s19+$0xE0] =	vst v0  }
0xd1: {  	v4 =	vld [tilespmem:s22+$0x62A0];
	[tilespmem:s19+$0xF0] =	vst v3;
	s19 =	smov.u32 s22  }
0xd2: {  	v7 =	vld [tilespmem:s19+$0x62B0]  }
0xd3: {  	v1 =	vld [tilespmem:s19+$0x62C0]  }
0xd4: {  	v2 =	vld [tilespmem:s19+$0x62D0]  }
.Ltmp7:
0xd5: {  	v0 =	vld [tilespmem:s19+$0x62E0];
	(pc) =	sbr.rel @p1 .LBB2_5-.Ltmp7, $4  }
0xd6: {  	v3 =	vld [tilespmem:s19+$0x62F0]  }
0xd7: {  	v16 =	vld [tilespmem:s19+$0x30]  }
0xd8: {  	v17 =	vld [tilespmem:s19+$0x10]  }
0xd9: {  	s21 =	sadd.s32 $0x400, s21;
	s20 =	sadd.s32 $0x10, s20;
	v18 =	vld [tilespmem:s19+$0x0]  }
0xda: {  	v19 =	vld [tilespmem:s20+$0x0];
	_ =	sdelay $0x1  }
0xdb: {  	v20 =	vld [tilespmem:s19+$0x20];
	_ =	sdelay $0x1  }
0xdc: {  	v23 =	vld [tilespmem:s19+$0x40]  }
0xdd: {  	v22 =	vld [tilespmem:s19+$0x50];
	v11 =	vadd.f32 v11, v18;
	v41 =	vbroadcast v19, $0x0  }
0xde: {  	v24 =	vld [tilespmem:s19+$0x60];
	v14 =	vadd.f32 v14, v17;
	v42 =	vbroadcast v19, $0x1  }
0xdf: {  	v21 =	vld [tilespmem:s19+$0x70];
	v12 =	vadd.f32 v12, v20;
	v44 =	vbroadcast v19, $0x2;
	v11 =	vmul.f32 v11, v41  }
0xe0: {  	v26 =	vld [tilespmem:s19+$0x80];
	v15 =	vadd.f32 v15, v16;
	v46 =	vbroadcast v19, $0x3;
	v14 =	vmul.f32 v14, v42  }
0xe1: {  	v43 =	vld [tilespmem:s19+$0x90];
	v9 =	vadd.f32 v9, v23;
	v48 =	vbroadcast v19, $0x4;
	v12 =	vmul.f32 v12, v44;
	[tilespmem:s19+$0x0] =	vst v11  }
0xe2: {  	v45 =	vld [tilespmem:s19+$0xA0];
	v10 =	vadd.f32 v10, v22;
	v50 =	vbroadcast v19, $0x5;
	v15 =	vmul.f32 v15, v46;
	[tilespmem:s19+$0x10] =	vst v14  }
0xe3: {  	v25 =	vld [tilespmem:s19+$0xB0];
	v8 =	vadd.f32 v8, v24;
	v51 =	vbroadcast v19, $0x6;
	v9 =	vmul.f32 v9, v48;
	[tilespmem:s19+$0x20] =	vst v12  }
0xe4: {  	v52 =	vld [tilespmem:s19+$0xC0];
	v13 =	vadd.f32 v13, v21;
	v53 =	vbroadcast v19, $0x7;
	v10 =	vmul.f32 v10, v50;
	[tilespmem:s19+$0x30] =	vst v15  }
0xe5: {  	v49 =	vld [tilespmem:s19+$0xD0];
	v5 =	vadd.f32 v5, v26;
	v54 =	vbroadcast v19, $0x8;
	v8 =	vmul.f32 v8, v51;
	[tilespmem:s19+$0x40] =	vst v9  }
0xe6: {  	v55 =	vld [tilespmem:s19+$0xE0];
	v6 =	vadd.f32 v6, v43;
	v56 =	vbroadcast v19, $0x9;
	v13 =	vmul.f32 v13, v53;
	[tilespmem:s19+$0x50] =	vst v10  }
0xe7: {  	v47 =	vld [tilespmem:s19+$0xF0];
	v4 =	vadd.f32 v4, v45;
	v57 =	vbroadcast v19, $0xA;
	v5 =	vmul.f32 v5, v54;
	[tilespmem:s19+$0x60] =	vst v8  }
0xe8: {  	v7 =	vadd.f32 v7, v25;
	v58 =	vbroadcast v19, $0xB;
	v6 =	vmul.f32 v6, v56;
	[tilespmem:s19+$0x70] =	vst v13  }
0xe9: {  	v1 =	vadd.f32 v1, v52;
	v59 =	vbroadcast v19, $0xC;
	v4 =	vmul.f32 v4, v57;
	[tilespmem:s19+$0x80] =	vst v5  }
0xea: {  	v2 =	vadd.f32 v2, v49;
	v60 =	vbroadcast v19, $0xD;
	v7 =	vmul.f32 v7, v58;
	[tilespmem:s19+$0x90] =	vst v6  }
0xeb: {  	v0 =	vadd.f32 v0, v55;
	v61 =	vbroadcast v19, $0xE;
	v1 =	vmul.f32 v1, v59;
	[tilespmem:s19+$0xA0] =	vst v4  }
0xec: {  	v3 =	vadd.f32 v3, v47;
	v62 =	vbroadcast v19, $0xF;
	v2 =	vmul.f32 v2, v60;
	[tilespmem:s19+$0xB0] =	vst v7  }
0xed: {  	v0 =	vmul.f32 v0, v61;
	[tilespmem:s19+$0xC0] =	vst v1  }
0xee: {  	v63 =	vmul.f32 v3, v62;
	[tilespmem:s19+$0xD0] =	vst v2  }
0xef: {  	[tilespmem:s19+$0xE0] =	vst v0  }
.Ltmp8:
0xf0: {  	[tilespmem:s19+$0xF0] =	vst v63;
	(pc) =	sbr.rel .LBB2_12-.Ltmp8, $4  }
0xf1: {  	[hbm4b:s7+s2] =	stream.linear.scatter [tilespmem:s2], [sflag:$0x1], $0x6200, $0x38;
	[tilespmem:$0xD040] =	vst v63  }
0xf2: {  	_ =	swait.ge [sflag:s14], $0x6200  }
0xf3: {  	[sflag:s14] =	ssyncset.done $0x0  }
0xf4: {  	[sflag:s14] =	ssyncadd.s32 $0xFFFF9E00  }
.LBB2_13:
0xf5: {  	_ =	sfence.sel $0x180000  }
0xf6: {  	[bflag:$0x0] =	sbarrier.arrive $0xFFFF  }
0xf7: {  	p0 =	sne.s32 s1, $0x0;
	_ =	strace $0x9000004A  }
0xf8: {  	s0 =	sadd.s32 @!p0 $0x100000, s0;
	[bflag:$0x2] =	sbarrier.arrive $0xFFFF  }
0xf9: {  	[sflag:s0] =	ssyncadd.tile.s32 @!p0 $0x1;
	_ =	shalt  }
.Lfunc_end2:
_tile_overlayer_lowered:
.L_overlay_start_2:
0xfa: {  	(tag) =	ssettag $0x2  }
0xfb: {  	s0 =	rddreg [dreg:$0x0];
	s2 =	stileid.u32  }
0xfc: {  	s1 =	rddreg [dreg:$0x1];
	p0 =	sne.s32 s2, $0x0  }
0xfd: {  	s3 =	rddreg [dreg:$0x2];
	[bflag:$0x3] =	sbarrier.arrive $0xFFFF;
	s2 =	simm.s32 @!p0 $0x1C01  }
0xfe: {  	[timem:s3], [sflag:s2] =	dma.local @!p0 [hbm:s0], s1  }
0xff: {  	s0 =	simm.s32 @!p0 $0x1  }
0x100: {  	_ =	swait.ge @!p0 [sflag:s0], s1  }
0x101: {  	s1 =	ssub.s32 @!p0 $0x0, s1;
	[sflag:s0] =	ssyncset.done @!p0 $0x0  }
0x102: {  	[sflag:s0] =	ssyncadd.s32 @!p0 s1  }
0x103: {  	[bflag:$0x3] =	sbarrier.arrive $0xFFFF  }
0x104: {  	_ =	shalt  }

</sc_bundles>
